<compile_context>
chip_gen: v7x
topology: tpu7x:2x2x1
jax: 0.10.2.dev20260603
libtpu: 0.0.44.dev20260713+nightly
codegen_flags: <defaults>
</compile_context>

<pallas_src>
import functools

import jax
import jax.numpy as jnp
from jax import lax
from jax.experimental import pallas as pl
from jax.experimental.pallas import tpu as pltpu
from jax.experimental.pallas import tpu_sc as plsc

_NC = 2
_NS = 16
_NW = _NC * _NS
_B = 128


def _k1_body(x_ref, w_ref, a_ref, p_ref):
    v = lax.dot_general(a_ref[...], w_ref[...], (((1,), (0,)), ((), ())),
                        preferred_element_type=jnp.float32)
    p_ref[...] = lax.dot_general(x_ref[...], v, (((1,), (1,)), ((), ())),
                                 preferred_element_type=jnp.float32)


def _k2_body(cpw, src_ref, dst_ref, p_ref, s_ref,
             sidx, didx, ps, pd, sbuf, sem):
    wid = lax.axis_index("s") * _NC + lax.axis_index("c")

    def chunk(i, carry):
        base = wid * (cpw * _B) + i * _B
        pltpu.sync_copy(src_ref.at[pl.ds(base, _B)], sidx)
        pltpu.sync_copy(dst_ref.at[pl.ds(base, _B)], didx)
        pltpu.async_copy(p_ref.at[sidx], ps, sem).wait()
        pltpu.async_copy(p_ref.at[didx], pd, sem).wait()

        def vec(j, c):
            t = ps[pl.ds(j * 16, 16)] + pd[pl.ds(j * 16, 16)]
            sbuf[pl.ds(j * 16, 16)] = jnp.maximum(t, 0.2 * t)
            return c

        lax.fori_loop(0, _B // 16, vec, 0)
        pltpu.sync_copy(sbuf, s_ref.at[pl.ds(base, _B)])
        return carry

    lax.fori_loop(0, cpw, chunk, 0)


def _k3_body(nrows, s_ref, w_ref):
    sv = s_ref[...]
    rows = lax.broadcasted_iota(jnp.int32, sv.shape, 0)
    mask = rows < nrows
    m = jnp.max(jnp.where(mask, sv, -jnp.inf))
    e = jnp.where(mask, jnp.exp(sv - m), 0.0)
    w_ref[...] = e / jnp.sum(e)


def _vsqrt(d2):
    ii = plsc.bitcast(d2, jnp.int32)
    g = plsc.bitcast((ii >> 1) + 0x1FBD1DF5, jnp.float32)
    for _ in range(3):
        g = 0.5 * (g + d2 / g)
    return jnp.where(d2 > 0.0, g, 0.0)


def _k4_body(n, d, cpw, src_ref, dst_ref, wgt_ref, x_ref, out_ref,
             sidx, didx, wbuf, xs, xd, msg, acc, sem, sem2):
    cid = lax.axis_index("c")
    sid = lax.axis_index("s")
    wid = sid * _NC + cid
    rows_per_sub = (n // _NS) // 8 * 8
    zrows = 104
    rbase = pl.multiple_of(sid * rows_per_sub, 8)
    tail = n - rows_per_sub * _NS

    def zrow(i, c):
        for k8 in range(d // 16):
            msg[i, pl.ds(k8 * 16, 16)] = jnp.zeros((16,), jnp.float32)
        return c

    lax.fori_loop(0, zrows, zrow, 0)
    for kblk in range(rows_per_sub // zrows):
        pltpu.sync_copy(msg.at[pl.ds(0, zrows)],
                        acc.at[pl.ds(rbase + kblk * zrows, zrows)])

    @pl.when(sid == _NS - 1)
    def _zero_tail():
        pltpu.sync_copy(msg.at[pl.ds(0, tail)],
                        acc.at[pl.ds(rows_per_sub * _NS, tail)])

    plsc.subcore_barrier()

    lane = lax.iota(jnp.int32, 16)

    def chunk(i, carry):
        base = wid * (cpw * _B) + i * _B
        pltpu.sync_copy(src_ref.at[pl.ds(base, _B)], sidx)
        pltpu.sync_copy(dst_ref.at[pl.ds(base, _B)], didx)
        pltpu.sync_copy(wgt_ref.at[pl.ds(base, _B)], wbuf)
        c1 = pltpu.async_copy(x_ref.at[sidx], xs, sem)
        c2 = pltpu.async_copy(x_ref.at[didx], xd, sem2)
        c1.wait()
        c2.wait()

        def group(g, c):
            g16 = g * 16
            d2v = jnp.zeros((16,), jnp.float32)
            for u in range(16):
                accv = None
                for k8 in range(d // 16):
                    sl = pl.ds(k8 * 16, 16)
                    dv = xs[g16 + u, sl] - xd[g16 + u, sl]
                    accv = dv * dv if accv is None else accv + dv * dv
                b16 = jnp.full((16,), 0.0, jnp.float32) + jnp.sum(accv)
                d2v = jnp.where(lane == u, b16, d2v)
            cf = wbuf[pl.ds(g16, 16)] * _vsqrt(d2v)
            for u in range(16):
                cu = jnp.sum(jnp.where(lane == u, cf, 0.0))
                cb = jnp.full((16,), 0.0, jnp.float32) + cu
                for k8 in range(d // 16):
                    sl = pl.ds(k8 * 16, 16)
                    msg[g16 + u, sl] = xd[g16 + u, sl] * cb
            return c

        lax.fori_loop(0, _B // 16, group, 0)
        pltpu.sync_copy(msg, acc.at[sidx], add=True)
        return carry

    lax.fori_loop(0, cpw, chunk, 0)
    plsc.subcore_barrier()

    pltpu.sync_copy(acc.at[pl.ds(rbase, rows_per_sub)],
                    out_ref.at[cid, pl.ds(rbase, rows_per_sub)])

    @pl.when(sid == _NS - 1)
    def _dump_tail():
        pltpu.sync_copy(acc.at[pl.ds(rows_per_sub * _NS, tail)],
                        out_ref.at[cid, pl.ds(rows_per_sub * _NS, tail)])


def _k5_body(a_ref, b_ref, o_ref):
    o_ref[...] = a_ref[...] + b_ref[...]


def kernel(x, edge_index, W, a):
    n, d = x.shape
    e = edge_index.shape[1]
    cpw = -(-e // (_NW * _B))
    epad = cpw * _NW * _B
    mesh = plsc.VectorSubcoreMesh(core_axis_name="c", subcore_axis_name="s")

    src = jnp.pad(edge_index[0], (0, epad - e))
    dst = jnp.pad(edge_index[1], (0, epad - e))

    p = pl.pallas_call(
        _k1_body,
        out_shape=jax.ShapeDtypeStruct((n, 1), jnp.float32),
    )(x, W, a.reshape(1, d)).reshape(n)

    k2 = pl.kernel(
        functools.partial(_k2_body, cpw),
        out_type=jax.ShapeDtypeStruct((epad,), jnp.float32),
        mesh=mesh,
        scratch_types=[
            pltpu.VMEM((_B,), jnp.int32),
            pltpu.VMEM((_B,), jnp.int32),
            pltpu.VMEM((_B,), jnp.float32),
            pltpu.VMEM((_B,), jnp.float32),
            pltpu.VMEM((_B,), jnp.float32),
            pltpu.SemaphoreType.DMA,
        ],
    )
    s = k2(src, dst, p)

    w = pl.pallas_call(
        functools.partial(_k3_body, e // 128),
        out_shape=jax.ShapeDtypeStruct((epad // 128, 128), jnp.float32),
    )(s.reshape(epad // 128, 128)).reshape(epad)

    k4 = pl.kernel(
        functools.partial(_k4_body, n, d, cpw),
        out_type=jax.ShapeDtypeStruct((_NC, n, d), jnp.float32),
        mesh=mesh,
        compiler_params=pltpu.CompilerParams(needs_layout_passes=False),
        scratch_types=[
            pltpu.VMEM((_B,), jnp.int32),
            pltpu.VMEM((_B,), jnp.int32),
            pltpu.VMEM((_B,), jnp.float32),
            pltpu.VMEM((_B, d), jnp.float32),
            pltpu.VMEM((_B, d), jnp.float32),
            pltpu.VMEM((_B, d), jnp.float32),
            pltpu.VMEM_SHARED((n, d), jnp.float32),
            pltpu.SemaphoreType.DMA,
            pltpu.SemaphoreType.DMA,
        ],
    )
    parts = k4(src, dst, w, x)

    return pl.pallas_call(
        _k5_body,
        out_shape=jax.ShapeDtypeStruct((n, d), jnp.float32),
    )(parts[0], parts[1])

# --- scband reference (transcript-rebuilt; emitter-appended) ---
"""Pipeline reference for scband-mesh-cnnlayer-46256797778342 (READ-ONLY COPY).

The authoritative reference and input builder live on the scoring server;
editing this copy changes nothing except your own understanding.
"""

import jax, jax.numpy as jnp
import numpy as np

N_NODES = 10000
N_EDGES = 320000
D_IN = 128
D_OUT = 128


def setup_inputs(seed: int = 0) -> dict:
    key = jax.random.key(seed)
    k1, k2, k3, k4 = jax.random.split(key, 4)
    x = jax.random.normal(k1, (N_NODES, D_IN), dtype=jnp.float32)
    edge_index = jax.random.randint(k2, (2, N_EDGES), 0, N_NODES, dtype=jnp.int32)
    # nn.Linear(in_features, out_features, bias=False) weight: [out, in]
    W = jax.random.normal(k3, (D_OUT, D_IN), dtype=jnp.float32) * (1.0 / np.sqrt(D_IN))
    # nn.Parameter(torch.randn(out_features))
    a = jax.random.normal(k4, (D_OUT,), dtype=jnp.float32)
    return {"x": x, "edge_index": edge_index, "W": W, "a": a}


def reference(x, edge_index, W, a):
    src = edge_index[0]
    dst = edge_index[1]
    x_src = x[src]  # gather [E, d]
    x_dst = x[dst]  # gather [E, d]
    edge_features = jnp.linalg.norm(x_src - x_dst, axis=1)  # [E]
    # Linear (no bias): x @ W.T
    h = (x_src @ W.T) + (x_dst @ W.T)  # [E, out]
    attention_scores = jax.nn.leaky_relu(h @ a, negative_slope=0.2)  # [E]
    attention_weights = jax.nn.softmax(attention_scores, axis=0)  # softmax over all edges
    msgs = attention_weights[:, None] * edge_features[:, None] * x_dst  # [E, d]
    out = jnp.zeros_like(x).at[src].add(msgs)  # scatter-add by src node
    return out

if __name__ == "__main__":
    import jax
    _d = setup_inputs()
    print(jax.jit(kernel)(*tuple(_d.values())))

</pallas_src>

<mosaic_0001>
#map = affine_map<(d0, d1) -> (0)>
module attributes {stable_mosaic.version = 14 : i64} {
  func.func @_k2_body(%arg0: i32, %arg1: i32, %arg2: memref<323584xi32, #tpu.memory_space<hbm>>, %arg3: memref<323584xi32, #tpu.memory_space<hbm>>, %arg4: memref<10000xf32, #tpu.memory_space<hbm>>, %arg5: memref<323584xf32, #tpu.memory_space<hbm>>, %arg6: memref<128xi32, #tpu.memory_space<vmem>>, %arg7: memref<128xi32, #tpu.memory_space<vmem>>, %arg8: memref<128xf32, #tpu.memory_space<vmem>>, %arg9: memref<128xf32, #tpu.memory_space<vmem>>, %arg10: memref<128xf32, #tpu.memory_space<vmem>>, %arg11: memref<!tpu.dma_semaphore, #tpu.memory_space<semaphore_mem>>) attributes {dimension_semantics = [#tpu.dimension_semantics<core_parallel>, #tpu.dimension_semantics<subcore_parallel>], iteration_bounds = array<i64: 2, 16>, scalar_prefetch = 0 : i64, scratch_operands = 6 : i64, tpu.core_type = #tpu.core_type<sc_vector_subcore>, window_params = [{transform_indices = #map}, {transform_indices = #map}, {transform_indices = #map}, {transform_indices = #map}]} {
    %mul3A = arith.constant 2 : i32
    %mul3A_0 = arith.muli %arg1, %mul3A : i32
    %add3A = arith.addi %mul3A_0, %arg0 : i32
    %scan3A = arith.constant 0 : i32
    %scan3A_1 = arith.constant 0 : i32
    %scan3A_2 = arith.constant 79 : i32
    %scan3A_3 = arith.addi %scan3A_1, %scan3A_2 : i32
    %scan3A_4 = arith.constant 1 : i32
    scf.for %scan3A_6 = %scan3A_1 to %scan3A_3 step %scan3A_4  : i32 {
      %mul3A_7 = arith.constant 10112 : i32
      %mul3A_8 = arith.muli %add3A, %mul3A_7 : i32
      %mul3A_9 = arith.constant 128 : i32
      %mul3A_10 = arith.muli %scan3A_6, %mul3A_9 : i32
      %add3A_11 = arith.addi %mul3A_8, %mul3A_10 : i32
      "tpu.region"() ({
        %run_scoped3A = tpu.sem_alloc : memref<!tpu.dma_semaphore, #tpu.memory_space<semaphore_mem>>
        %dma_start3A_24 = tpu.memref_slice %arg2[%add3A_11] : memref<323584xi32, #tpu.memory_space<hbm>> -> memref<128xi32, #tpu.memory_space<hbm>>
        %dma_start3A_25 = tpu.memref_slice %arg2[%add3A_11] : memref<323584xi32, #tpu.memory_space<hbm>> -> memref<128xi32, #tpu.memory_space<hbm>>
        tpu.enqueue_dma source(%dma_start3A_25 : memref<128xi32, #tpu.memory_space<hbm>>) target(%arg6 : memref<128xi32, #tpu.memory_space<vmem>>) target_semaphore(%run_scoped3A : memref<!tpu.dma_semaphore, #tpu.memory_space<semaphore_mem>>)
        %dma_wait3A_26 = tpu.memref_slice %arg2[%add3A_11] : memref<323584xi32, #tpu.memory_space<hbm>> -> memref<128xi32, #tpu.memory_space<hbm>>
        %dma_wait3A_27 = tpu.memref_slice %arg2[%add3A_11] : memref<323584xi32, #tpu.memory_space<hbm>> -> memref<128xi32, #tpu.memory_space<hbm>>
        tpu.wait_dma2 semaphore(%run_scoped3A : memref<!tpu.dma_semaphore, #tpu.memory_space<semaphore_mem>>) src(%dma_wait3A_27 : memref<128xi32, #tpu.memory_space<hbm>>) dst(%arg6 : memref<128xi32, #tpu.memory_space<vmem>>)
        tpu.yield
      }) : () -> ()
      "tpu.region"() ({
        %run_scoped3A = tpu.sem_alloc : memref<!tpu.dma_semaphore, #tpu.memory_space<semaphore_mem>>
        %dma_start3A_24 = tpu.memref_slice %arg3[%add3A_11] : memref<323584xi32, #tpu.memory_space<hbm>> -> memref<128xi32, #tpu.memory_space<hbm>>
        %dma_start3A_25 = tpu.memref_slice %arg3[%add3A_11] : memref<323584xi32, #tpu.memory_space<hbm>> -> memref<128xi32, #tpu.memory_space<hbm>>
        tpu.enqueue_dma source(%dma_start3A_25 : memref<128xi32, #tpu.memory_space<hbm>>) target(%arg7 : memref<128xi32, #tpu.memory_space<vmem>>) target_semaphore(%run_scoped3A : memref<!tpu.dma_semaphore, #tpu.memory_space<semaphore_mem>>)
        %dma_wait3A_26 = tpu.memref_slice %arg3[%add3A_11] : memref<323584xi32, #tpu.memory_space<hbm>> -> memref<128xi32, #tpu.memory_space<hbm>>
        %dma_wait3A_27 = tpu.memref_slice %arg3[%add3A_11] : memref<323584xi32, #tpu.memory_space<hbm>> -> memref<128xi32, #tpu.memory_space<hbm>>
        tpu.wait_dma2 semaphore(%run_scoped3A : memref<!tpu.dma_semaphore, #tpu.memory_space<semaphore_mem>>) src(%dma_wait3A_27 : memref<128xi32, #tpu.memory_space<hbm>>) dst(%arg7 : memref<128xi32, #tpu.memory_space<vmem>>)
        tpu.yield
      }) : () -> ()
      %dma_start3A = arith.constant 0 : i32
      %dma_start3A_12 = tpu.memref_slice %arg4[%dma_start3A] : memref<10000xf32, #tpu.memory_space<hbm>> -> memref<10000xf32, #tpu.memory_space<hbm>>
      tpu.enqueue_indirect_dma source(%dma_start3A_12 : memref<10000xf32, #tpu.memory_space<hbm>>) target(%arg8 : memref<128xf32, #tpu.memory_space<vmem>>) offsets(%arg6 : memref<128xi32, #tpu.memory_space<vmem>>) semaphore(%arg11 : memref<!tpu.dma_semaphore, #tpu.memory_space<semaphore_mem>>)
      %dma_wait3A = arith.constant 0 : i32
      %dma_wait3A_13 = tpu.memref_slice %arg4[%dma_wait3A] : memref<10000xf32, #tpu.memory_space<hbm>> -> memref<10000xf32, #tpu.memory_space<hbm>>
      tpu.wait_indirect_dma semaphore(%arg11 : memref<!tpu.dma_semaphore, #tpu.memory_space<semaphore_mem>>) src(%dma_wait3A_13 : memref<10000xf32, #tpu.memory_space<hbm>>) dst(%arg8 : memref<128xf32, #tpu.memory_space<vmem>>)
      %dma_start3A_14 = arith.constant 0 : i32
      %dma_start3A_15 = tpu.memref_slice %arg4[%dma_start3A_14] : memref<10000xf32, #tpu.memory_space<hbm>> -> memref<10000xf32, #tpu.memory_space<hbm>>
      tpu.enqueue_indirect_dma source(%dma_start3A_15 : memref<10000xf32, #tpu.memory_space<hbm>>) target(%arg9 : memref<128xf32, #tpu.memory_space<vmem>>) offsets(%arg7 : memref<128xi32, #tpu.memory_space<vmem>>) semaphore(%arg11 : memref<!tpu.dma_semaphore, #tpu.memory_space<semaphore_mem>>)
      %dma_wait3A_16 = arith.constant 0 : i32
      %dma_wait3A_17 = tpu.memref_slice %arg4[%dma_wait3A_16] : memref<10000xf32, #tpu.memory_space<hbm>> -> memref<10000xf32, #tpu.memory_space<hbm>>
      tpu.wait_indirect_dma semaphore(%arg11 : memref<!tpu.dma_semaphore, #tpu.memory_space<semaphore_mem>>) src(%dma_wait3A_17 : memref<10000xf32, #tpu.memory_space<hbm>>) dst(%arg9 : memref<128xf32, #tpu.memory_space<vmem>>)
      %scan3A_18 = arith.constant 0 : i32
      %scan3A_19 = arith.constant 0 : i32
      %scan3A_20 = arith.constant 8 : i32
      %scan3A_21 = arith.addi %scan3A_19, %scan3A_20 : i32
      %scan3A_22 = arith.constant 1 : i32
      scf.for %scan3A_24 = %scan3A_19 to %scan3A_21 step %scan3A_22  : i32 {
        %mul3A_25 = arith.constant 16 : i32
        %mul3A_26 = arith.muli %scan3A_24, %mul3A_25 : i32
        %get3A = arith.index_cast %mul3A_26 : i32 to index
        %get3A_27 = tpu.vector_load %arg8[%get3A] {strides = array<i32>} : memref<128xf32, #tpu.memory_space<vmem>>, vector<16xf32>,
        %get3A_28 = vector.shape_cast %get3A_27 : vector<16xf32> to vector<16xf32>
        %mul3A_29 = arith.constant 16 : i32
        %mul3A_30 = arith.muli %scan3A_24, %mul3A_29 : i32
        %get3A_31 = arith.index_cast %mul3A_30 : i32 to index
        %get3A_32 = tpu.vector_load %arg9[%get3A_31] {strides = array<i32>} : memref<128xf32, #tpu.memory_space<vmem>>, vector<16xf32>,
        %get3A_33 = vector.shape_cast %get3A_32 : vector<16xf32> to vector<16xf32>
        %add3A_34 = arith.addf %get3A_28, %get3A_33 : vector<16xf32>
        %mul3A_35 = arith.constant 2.000000e-01 : f32
        %mul3A_36 = vector.broadcast %mul3A_35 : f32 to vector<16xf32>
        %mul3A_37 = arith.mulf %mul3A_36, %add3A_34 : vector<16xf32>
        %max3A = arith.maximumf %add3A_34, %mul3A_37 : vector<16xf32>
        %mul3A_38 = arith.constant 16 : i32
        %mul3A_39 = arith.muli %scan3A_24, %mul3A_38 : i32
        %swap3A = arith.index_cast %mul3A_39 : i32 to index
        %swap3A_40 = tpu.vector_load %arg10[%swap3A] {strides = array<i32>} : memref<128xf32, #tpu.memory_space<vmem>>, vector<16xf32>,
        %swap3A_41 = vector.shape_cast %swap3A_40 : vector<16xf32> to vector<16xf32>
        %swap3A_42 = vector.shape_cast %max3A : vector<16xf32> to vector<16xf32>
        tpu.vector_store %arg10[%swap3A], %swap3A_42 {strides = array<i32>} : memref<128xf32, #tpu.memory_space<vmem>>, vector<16xf32>,
      }
      %scan3A_23 = arith.constant 8 : i32
      "tpu.region"() ({
        %run_scoped3A = tpu.sem_alloc : memref<!tpu.dma_semaphore, #tpu.memory_space<semaphore_mem>>
        %dma_start3A_24 = tpu.memref_slice %arg5[%add3A_11] : memref<323584xf32, #tpu.memory_space<hbm>> -> memref<128xf32, #tpu.memory_space<hbm>>
        %dma_start3A_25 = tpu.memref_slice %arg5[%add3A_11] : memref<323584xf32, #tpu.memory_space<hbm>> -> memref<128xf32, #tpu.memory_space<hbm>>
        tpu.enqueue_dma source(%arg10 : memref<128xf32, #tpu.memory_space<vmem>>) target(%dma_start3A_25 : memref<128xf32, #tpu.memory_space<hbm>>) target_semaphore(%run_scoped3A : memref<!tpu.dma_semaphore, #tpu.memory_space<semaphore_mem>>)
        %dma_wait3A_26 = tpu.memref_slice %arg5[%add3A_11] : memref<323584xf32, #tpu.memory_space<hbm>> -> memref<128xf32, #tpu.memory_space<hbm>>
        %dma_wait3A_27 = tpu.memref_slice %arg5[%add3A_11] : memref<323584xf32, #tpu.memory_space<hbm>> -> memref<128xf32, #tpu.memory_space<hbm>>
        tpu.wait_dma2 semaphore(%run_scoped3A : memref<!tpu.dma_semaphore, #tpu.memory_space<semaphore_mem>>) src(%arg10 : memref<128xf32, #tpu.memory_space<vmem>>) dst(%dma_wait3A_27 : memref<128xf32, #tpu.memory_space<hbm>>)
        tpu.yield
      }) : () -> ()
    }
    %scan3A_5 = arith.constant 79 : i32
    return
  }
}

#map = affine_map<(d0, d1) -> (0)>
#map1 = affine_map<(d0, d1) -> (0, 0)>
#map2 = affine_map<(d0, d1) -> (0, 0, 0)>
module attributes {stable_mosaic.version = 14 : i64} {
  func.func @_k4_body(%arg0: i32, %arg1: i32, %arg2: memref<323584xi32, #tpu.memory_space<hbm>>, %arg3: memref<323584xi32, #tpu.memory_space<hbm>>, %arg4: memref<323584xf32, #tpu.memory_space<hbm>>, %arg5: memref<10000x128xf32, #tpu.memory_space<hbm>>, %arg6: memref<2x10000x128xf32, #tpu.memory_space<hbm>>, %arg7: memref<128xi32, #tpu.memory_space<vmem>>, %arg8: memref<128xi32, #tpu.memory_space<vmem>>, %arg9: memref<128xf32, #tpu.memory_space<vmem>>, %arg10: memref<128x128xf32, #tpu.memory_space<vmem>>, %arg11: memref<128x128xf32, #tpu.memory_space<vmem>>, %arg12: memref<128x128xf32, #tpu.memory_space<vmem>>, %arg13: memref<10000x128xf32, #tpu.memory_space<vmem_shared>>, %arg14: memref<!tpu.dma_semaphore, #tpu.memory_space<semaphore_mem>>, %arg15: memref<!tpu.dma_semaphore, #tpu.memory_space<semaphore_mem>>) attributes {dimension_semantics = [#tpu.dimension_semantics<core_parallel>, #tpu.dimension_semantics<subcore_parallel>], iteration_bounds = array<i64: 2, 16>, scalar_prefetch = 0 : i64, scratch_operands = 9 : i64, tpu.core_type = #tpu.core_type<sc_vector_subcore>, window_params = [{transform_indices = #map}, {transform_indices = #map}, {transform_indices = #map}, {transform_indices = #map1}, {transform_indices = #map2}]} {
    %mul3A = arith.constant 2 : i32
    %mul3A_0 = arith.muli %arg1, %mul3A : i32
    %add3A = arith.addi %mul3A_0, %arg0 : i32
    %mul3A_1 = arith.constant 624 : i32
    %mul3A_2 = arith.muli %arg1, %mul3A_1 : i32
    %multiple_of3A = tpu.assume_multiple %mul3A_2, 8 : i32
    %scan3A = arith.constant 0 : i32
    %scan3A_3 = arith.constant 0 : i32
    %scan3A_4 = arith.constant 104 : i32
    %scan3A_5 = arith.addi %scan3A_3, %scan3A_4 : i32
    %scan3A_6 = arith.constant 1 : i32
    scf.for %scan3A_34 = %scan3A_3 to %scan3A_5 step %scan3A_6  : i32 {
      %broadcast_in_dim3A = arith.constant 0.000000e+00 : f32
      %broadcast_in_dim3A_35 = vector.broadcast %broadcast_in_dim3A : f32 to vector<16xf32>
      %swap3A = arith.index_cast %scan3A_34 : i32 to index
      %swap3A_36 = arith.constant 0 : index
      %swap3A_37 = tpu.vector_load %arg12[%swap3A, %swap3A_36] {strides = array<i32>} : memref<128x128xf32, #tpu.memory_space<vmem>>, vector<16xf32>,
      tpu.vector_store %arg12[%swap3A, %swap3A_36], %broadcast_in_dim3A_35 {strides = array<i32>} : memref<128x128xf32, #tpu.memory_space<vmem>>, vector<16xf32>,
      %broadcast_in_dim3A_38 = arith.constant 0.000000e+00 : f32
      %broadcast_in_dim3A_39 = vector.broadcast %broadcast_in_dim3A_38 : f32 to vector<16xf32>
      %swap3A_40 = arith.index_cast %scan3A_34 : i32 to index
      %swap3A_41 = arith.constant 16 : index
      %swap3A_42 = tpu.vector_load %arg12[%swap3A_40, %swap3A_41] {strides = array<i32>} : memref<128x128xf32, #tpu.memory_space<vmem>>, vector<16xf32>,
      tpu.vector_store %arg12[%swap3A_40, %swap3A_41], %broadcast_in_dim3A_39 {strides = array<i32>} : memref<128x128xf32, #tpu.memory_space<vmem>>, vector<16xf32>,
      %broadcast_in_dim3A_43 = arith.constant 0.000000e+00 : f32
      %broadcast_in_dim3A_44 = vector.broadcast %broadcast_in_dim3A_43 : f32 to vector<16xf32>
      %swap3A_45 = arith.index_cast %scan3A_34 : i32 to index
      %swap3A_46 = arith.constant 32 : index
      %swap3A_47 = tpu.vector_load %arg12[%swap3A_45, %swap3A_46] {strides = array<i32>} : memref<128x128xf32, #tpu.memory_space<vmem>>, vector<16xf32>,
      tpu.vector_store %arg12[%swap3A_45, %swap3A_46], %broadcast_in_dim3A_44 {strides = array<i32>} : memref<128x128xf32, #tpu.memory_space<vmem>>, vector<16xf32>,
      %broadcast_in_dim3A_48 = arith.constant 0.000000e+00 : f32
      %broadcast_in_dim3A_49 = vector.broadcast %broadcast_in_dim3A_48 : f32 to vector<16xf32>
      %swap3A_50 = arith.index_cast %scan3A_34 : i32 to index
      %swap3A_51 = arith.constant 48 : index
      %swap3A_52 = tpu.vector_load %arg12[%swap3A_50, %swap3A_51] {strides = array<i32>} : memref<128x128xf32, #tpu.memory_space<vmem>>, vector<16xf32>,
      tpu.vector_store %arg12[%swap3A_50, %swap3A_51], %broadcast_in_dim3A_49 {strides = array<i32>} : memref<128x128xf32, #tpu.memory_space<vmem>>, vector<16xf32>,
      %broadcast_in_dim3A_53 = arith.constant 0.000000e+00 : f32
      %broadcast_in_dim3A_54 = vector.broadcast %broadcast_in_dim3A_53 : f32 to vector<16xf32>
      %swap3A_55 = arith.index_cast %scan3A_34 : i32 to index
      %swap3A_56 = arith.constant 64 : index
      %swap3A_57 = tpu.vector_load %arg12[%swap3A_55, %swap3A_56] {strides = array<i32>} : memref<128x128xf32, #tpu.memory_space<vmem>>, vector<16xf32>,
      tpu.vector_store %arg12[%swap3A_55, %swap3A_56], %broadcast_in_dim3A_54 {strides = array<i32>} : memref<128x128xf32, #tpu.memory_space<vmem>>, vector<16xf32>,
      %broadcast_in_dim3A_58 = arith.constant 0.000000e+00 : f32
      %broadcast_in_dim3A_59 = vector.broadcast %broadcast_in_dim3A_58 : f32 to vector<16xf32>
      %swap3A_60 = arith.index_cast %scan3A_34 : i32 to index
      %swap3A_61 = arith.constant 80 : index
      %swap3A_62 = tpu.vector_load %arg12[%swap3A_60, %swap3A_61] {strides = array<i32>} : memref<128x128xf32, #tpu.memory_space<vmem>>, vector<16xf32>,
      tpu.vector_store %arg12[%swap3A_60, %swap3A_61], %broadcast_in_dim3A_59 {strides = array<i32>} : memref<128x128xf32, #tpu.memory_space<vmem>>, vector<16xf32>,
      %broadcast_in_dim3A_63 = arith.constant 0.000000e+00 : f32
      %broadcast_in_dim3A_64 = vector.broadcast %broadcast_in_dim3A_63 : f32 to vector<16xf32>
      %swap3A_65 = arith.index_cast %scan3A_34 : i32 to index
      %swap3A_66 = arith.constant 96 : index
      %swap3A_67 = tpu.vector_load %arg12[%swap3A_65, %swap3A_66] {strides = array<i32>} : memref<128x128xf32, #tpu.memory_space<vmem>>, vector<16xf32>,
      tpu.vector_store %arg12[%swap3A_65, %swap3A_66], %broadcast_in_dim3A_64 {strides = array<i32>} : memref<128x128xf32, #tpu.memory_space<vmem>>, vector<16xf32>,
      %broadcast_in_dim3A_68 = arith.constant 0.000000e+00 : f32
      %broadcast_in_dim3A_69 = vector.broadcast %broadcast_in_dim3A_68 : f32 to vector<16xf32>
      %swap3A_70 = arith.index_cast %scan3A_34 : i32 to index
      %swap3A_71 = arith.constant 112 : index
      %swap3A_72 = tpu.vector_load %arg12[%swap3A_70, %swap3A_71] {strides = array<i32>} : memref<128x128xf32, #tpu.memory_space<vmem>>, vector<16xf32>,
      tpu.vector_store %arg12[%swap3A_70, %swap3A_71], %broadcast_in_dim3A_69 {strides = array<i32>} : memref<128x128xf32, #tpu.memory_space<vmem>>, vector<16xf32>,
    }
    %scan3A_7 = arith.constant 104 : i32
    %add3A_8 = arith.constant 0 : i32
    %add3A_9 = arith.addi %multiple_of3A, %add3A_8 : i32
    "tpu.region"() ({
      %run_scoped3A = tpu.sem_alloc : memref<!tpu.dma_semaphore, #tpu.memory_space<semaphore_mem>>
      %dma_start3A = arith.constant 0 : i32
      %dma_start3A_34 = arith.constant 0 : i32
      %dma_start3A_35 = tpu.memref_slice %arg12[%dma_start3A, %dma_start3A_34] : memref<128x128xf32, #tpu.memory_space<vmem>> -> memref<104x128xf32, #tpu.memory_space<vmem>>
      %dma_start3A_36 = arith.constant 0 : i32
      %dma_start3A_37 = tpu.memref_slice %arg13[%add3A_9, %dma_start3A_36] : memref<10000x128xf32, #tpu.memory_space<vmem_shared>> -> memref<104x128xf32, #tpu.memory_space<vmem_shared>>
      %dma_start3A_38 = arith.constant 0 : i32
      %dma_start3A_39 = tpu.memref_slice %arg13[%add3A_9, %dma_start3A_38] : memref<10000x128xf32, #tpu.memory_space<vmem_shared>> -> memref<104x128xf32, #tpu.memory_space<vmem_shared>>
      %dma_start3A_40 = arith.constant 0 : i32
      %dma_start3A_41 = arith.constant 0 : i32
      %dma_start3A_42 = tpu.memref_slice %arg12[%dma_start3A_40, %dma_start3A_41] : memref<128x128xf32, #tpu.memory_space<vmem>> -> memref<104x128xf32, #tpu.memory_space<vmem>>
      tpu.enqueue_dma source(%dma_start3A_42 : memref<104x128xf32, #tpu.memory_space<vmem>>) target(%dma_start3A_39 : memref<104x128xf32, #tpu.memory_space<vmem_shared>>) target_semaphore(%run_scoped3A : memref<!tpu.dma_semaphore, #tpu.memory_space<semaphore_mem>>)
      %dma_wait3A = arith.constant 0 : i32
      %dma_wait3A_43 = arith.constant 0 : i32
      %dma_wait3A_44 = tpu.memref_slice %arg12[%dma_wait3A, %dma_wait3A_43] : memref<128x128xf32, #tpu.memory_space<vmem>> -> memref<104x128xf32, #tpu.memory_space<vmem>>
      %dma_wait3A_45 = arith.constant 0 : i32
      %dma_wait3A_46 = tpu.memref_slice %arg13[%add3A_9, %dma_wait3A_45] : memref<10000x128xf32, #tpu.memory_space<vmem_shared>> -> memref<104x128xf32, #tpu.memory_space<vmem_shared>>
      %dma_wait3A_47 = arith.constant 0 : i32
      %dma_wait3A_48 = tpu.memref_slice %arg13[%add3A_9, %dma_wait3A_47] : memref<10000x128xf32, #tpu.memory_space<vmem_shared>> -> memref<104x128xf32, #tpu.memory_space<vmem_shared>>
      %dma_wait3A_49 = arith.constant 0 : i32
      %dma_wait3A_50 = arith.constant 0 : i32
      %dma_wait3A_51 = tpu.memref_slice %arg12[%dma_wait3A_49, %dma_wait3A_50] : memref<128x128xf32, #tpu.memory_space<vmem>> -> memref<104x128xf32, #tpu.memory_space<vmem>>
      tpu.wait_dma2 semaphore(%run_scoped3A : memref<!tpu.dma_semaphore, #tpu.memory_space<semaphore_mem>>) src(%dma_wait3A_51 : memref<104x128xf32, #tpu.memory_space<vmem>>) dst(%dma_wait3A_48 : memref<104x128xf32, #tpu.memory_space<vmem_shared>>)
      tpu.yield
    }) : () -> ()
    %add3A_10 = arith.constant 104 : i32
    %add3A_11 = arith.addi %multiple_of3A, %add3A_10 : i32
    "tpu.region"() ({
      %run_scoped3A = tpu.sem_alloc : memref<!tpu.dma_semaphore, #tpu.memory_space<semaphore_mem>>
      %dma_start3A = arith.constant 0 : i32
      %dma_start3A_34 = arith.constant 0 : i32
      %dma_start3A_35 = tpu.memref_slice %arg12[%dma_start3A, %dma_start3A_34] : memref<128x128xf32, #tpu.memory_space<vmem>> -> memref<104x128xf32, #tpu.memory_space<vmem>>
      %dma_start3A_36 = arith.constant 0 : i32
      %dma_start3A_37 = tpu.memref_slice %arg13[%add3A_11, %dma_start3A_36] : memref<10000x128xf32, #tpu.memory_space<vmem_shared>> -> memref<104x128xf32, #tpu.memory_space<vmem_shared>>
      %dma_start3A_38 = arith.constant 0 : i32
      %dma_start3A_39 = tpu.memref_slice %arg13[%add3A_11, %dma_start3A_38] : memref<10000x128xf32, #tpu.memory_space<vmem_shared>> -> memref<104x128xf32, #tpu.memory_space<vmem_shared>>
      %dma_start3A_40 = arith.constant 0 : i32
      %dma_start3A_41 = arith.constant 0 : i32
      %dma_start3A_42 = tpu.memref_slice %arg12[%dma_start3A_40, %dma_start3A_41] : memref<128x128xf32, #tpu.memory_space<vmem>> -> memref<104x128xf32, #tpu.memory_space<vmem>>
      tpu.enqueue_dma source(%dma_start3A_42 : memref<104x128xf32, #tpu.memory_space<vmem>>) target(%dma_start3A_39 : memref<104x128xf32, #tpu.memory_space<vmem_shared>>) target_semaphore(%run_scoped3A : memref<!tpu.dma_semaphore, #tpu.memory_space<semaphore_mem>>)
      %dma_wait3A = arith.constant 0 : i32
      %dma_wait3A_43 = arith.constant 0 : i32
      %dma_wait3A_44 = tpu.memref_slice %arg12[%dma_wait3A, %dma_wait3A_43] : memref<128x128xf32, #tpu.memory_space<vmem>> -> memref<104x128xf32, #tpu.memory_space<vmem>>
      %dma_wait3A_45 = arith.constant 0 : i32
      %dma_wait3A_46 = tpu.memref_slice %arg13[%add3A_11, %dma_wait3A_45] : memref<10000x128xf32, #tpu.memory_space<vmem_shared>> -> memref<104x128xf32, #tpu.memory_space<vmem_shared>>
      %dma_wait3A_47 = arith.constant 0 : i32
      %dma_wait3A_48 = tpu.memref_slice %arg13[%add3A_11, %dma_wait3A_47] : memref<10000x128xf32, #tpu.memory_space<vmem_shared>> -> memref<104x128xf32, #tpu.memory_space<vmem_shared>>
      %dma_wait3A_49 = arith.constant 0 : i32
      %dma_wait3A_50 = arith.constant 0 : i32
      %dma_wait3A_51 = tpu.memref_slice %arg12[%dma_wait3A_49, %dma_wait3A_50] : memref<128x128xf32, #tpu.memory_space<vmem>> -> memref<104x128xf32, #tpu.memory_space<vmem>>
      tpu.wait_dma2 semaphore(%run_scoped3A : memref<!tpu.dma_semaphore, #tpu.memory_space<semaphore_mem>>) src(%dma_wait3A_51 : memref<104x128xf32, #tpu.memory_space<vmem>>) dst(%dma_wait3A_48 : memref<104x128xf32, #tpu.memory_space<vmem_shared>>)
      tpu.yield
    }) : () -> ()
    %add3A_12 = arith.constant 208 : i32
    %add3A_13 = arith.addi %multiple_of3A, %add3A_12 : i32
    "tpu.region"() ({
      %run_scoped3A = tpu.sem_alloc : memref<!tpu.dma_semaphore, #tpu.memory_space<semaphore_mem>>
      %dma_start3A = arith.constant 0 : i32
      %dma_start3A_34 = arith.constant 0 : i32
      %dma_start3A_35 = tpu.memref_slice %arg12[%dma_start3A, %dma_start3A_34] : memref<128x128xf32, #tpu.memory_space<vmem>> -> memref<104x128xf32, #tpu.memory_space<vmem>>
      %dma_start3A_36 = arith.constant 0 : i32
      %dma_start3A_37 = tpu.memref_slice %arg13[%add3A_13, %dma_start3A_36] : memref<10000x128xf32, #tpu.memory_space<vmem_shared>> -> memref<104x128xf32, #tpu.memory_space<vmem_shared>>
      %dma_start3A_38 = arith.constant 0 : i32
      %dma_start3A_39 = tpu.memref_slice %arg13[%add3A_13, %dma_start3A_38] : memref<10000x128xf32, #tpu.memory_space<vmem_shared>> -> memref<104x128xf32, #tpu.memory_space<vmem_shared>>
      %dma_start3A_40 = arith.constant 0 : i32
      %dma_start3A_41 = arith.constant 0 : i32
      %dma_start3A_42 = tpu.memref_slice %arg12[%dma_start3A_40, %dma_start3A_41] : memref<128x128xf32, #tpu.memory_space<vmem>> -> memref<104x128xf32, #tpu.memory_space<vmem>>
      tpu.enqueue_dma source(%dma_start3A_42 : memref<104x128xf32, #tpu.memory_space<vmem>>) target(%dma_start3A_39 : memref<104x128xf32, #tpu.memory_space<vmem_shared>>) target_semaphore(%run_scoped3A : memref<!tpu.dma_semaphore, #tpu.memory_space<semaphore_mem>>)
      %dma_wait3A = arith.constant 0 : i32
      %dma_wait3A_43 = arith.constant 0 : i32
      %dma_wait3A_44 = tpu.memref_slice %arg12[%dma_wait3A, %dma_wait3A_43] : memref<128x128xf32, #tpu.memory_space<vmem>> -> memref<104x128xf32, #tpu.memory_space<vmem>>
      %dma_wait3A_45 = arith.constant 0 : i32
      %dma_wait3A_46 = tpu.memref_slice %arg13[%add3A_13, %dma_wait3A_45] : memref<10000x128xf32, #tpu.memory_space<vmem_shared>> -> memref<104x128xf32, #tpu.memory_space<vmem_shared>>
      %dma_wait3A_47 = arith.constant 0 : i32
      %dma_wait3A_48 = tpu.memref_slice %arg13[%add3A_13, %dma_wait3A_47] : memref<10000x128xf32, #tpu.memory_space<vmem_shared>> -> memref<104x128xf32, #tpu.memory_space<vmem_shared>>
      %dma_wait3A_49 = arith.constant 0 : i32
      %dma_wait3A_50 = arith.constant 0 : i32
      %dma_wait3A_51 = tpu.memref_slice %arg12[%dma_wait3A_49, %dma_wait3A_50] : memref<128x128xf32, #tpu.memory_space<vmem>> -> memref<104x128xf32, #tpu.memory_space<vmem>>
      tpu.wait_dma2 semaphore(%run_scoped3A : memref<!tpu.dma_semaphore, #tpu.memory_space<semaphore_mem>>) src(%dma_wait3A_51 : memref<104x128xf32, #tpu.memory_space<vmem>>) dst(%dma_wait3A_48 : memref<104x128xf32, #tpu.memory_space<vmem_shared>>)
      tpu.yield
    }) : () -> ()
    %add3A_14 = arith.constant 312 : i32
    %add3A_15 = arith.addi %multiple_of3A, %add3A_14 : i32
    "tpu.region"() ({
      %run_scoped3A = tpu.sem_alloc : memref<!tpu.dma_semaphore, #tpu.memory_space<semaphore_mem>>
      %dma_start3A = arith.constant 0 : i32
      %dma_start3A_34 = arith.constant 0 : i32
      %dma_start3A_35 = tpu.memref_slice %arg12[%dma_start3A, %dma_start3A_34] : memref<128x128xf32, #tpu.memory_space<vmem>> -> memref<104x128xf32, #tpu.memory_space<vmem>>
      %dma_start3A_36 = arith.constant 0 : i32
      %dma_start3A_37 = tpu.memref_slice %arg13[%add3A_15, %dma_start3A_36] : memref<10000x128xf32, #tpu.memory_space<vmem_shared>> -> memref<104x128xf32, #tpu.memory_space<vmem_shared>>
      %dma_start3A_38 = arith.constant 0 : i32
      %dma_start3A_39 = tpu.memref_slice %arg13[%add3A_15, %dma_start3A_38] : memref<10000x128xf32, #tpu.memory_space<vmem_shared>> -> memref<104x128xf32, #tpu.memory_space<vmem_shared>>
      %dma_start3A_40 = arith.constant 0 : i32
      %dma_start3A_41 = arith.constant 0 : i32
      %dma_start3A_42 = tpu.memref_slice %arg12[%dma_start3A_40, %dma_start3A_41] : memref<128x128xf32, #tpu.memory_space<vmem>> -> memref<104x128xf32, #tpu.memory_space<vmem>>
      tpu.enqueue_dma source(%dma_start3A_42 : memref<104x128xf32, #tpu.memory_space<vmem>>) target(%dma_start3A_39 : memref<104x128xf32, #tpu.memory_space<vmem_shared>>) target_semaphore(%run_scoped3A : memref<!tpu.dma_semaphore, #tpu.memory_space<semaphore_mem>>)
      %dma_wait3A = arith.constant 0 : i32
      %dma_wait3A_43 = arith.constant 0 : i32
      %dma_wait3A_44 = tpu.memref_slice %arg12[%dma_wait3A, %dma_wait3A_43] : memref<128x128xf32, #tpu.memory_space<vmem>> -> memref<104x128xf32, #tpu.memory_space<vmem>>
      %dma_wait3A_45 = arith.constant 0 : i32
      %dma_wait3A_46 = tpu.memref_slice %arg13[%add3A_15, %dma_wait3A_45] : memref<10000x128xf32, #tpu.memory_space<vmem_shared>> -> memref<104x128xf32, #tpu.memory_space<vmem_shared>>
      %dma_wait3A_47 = arith.constant 0 : i32
      %dma_wait3A_48 = tpu.memref_slice %arg13[%add3A_15, %dma_wait3A_47] : memref<10000x128xf32, #tpu.memory_space<vmem_shared>> -> memref<104x128xf32, #tpu.memory_space<vmem_shared>>
      %dma_wait3A_49 = arith.constant 0 : i32
      %dma_wait3A_50 = arith.constant 0 : i32
      %dma_wait3A_51 = tpu.memref_slice %arg12[%dma_wait3A_49, %dma_wait3A_50] : memref<128x128xf32, #tpu.memory_space<vmem>> -> memref<104x128xf32, #tpu.memory_space<vmem>>
      tpu.wait_dma2 semaphore(%run_scoped3A : memref<!tpu.dma_semaphore, #tpu.memory_space<semaphore_mem>>) src(%dma_wait3A_51 : memref<104x128xf32, #tpu.memory_space<vmem>>) dst(%dma_wait3A_48 : memref<104x128xf32, #tpu.memory_space<vmem_shared>>)
      tpu.yield
    }) : () -> ()
    %add3A_16 = arith.constant 416 : i32
    %add3A_17 = arith.addi %multiple_of3A, %add3A_16 : i32
    "tpu.region"() ({
      %run_scoped3A = tpu.sem_alloc : memref<!tpu.dma_semaphore, #tpu.memory_space<semaphore_mem>>
      %dma_start3A = arith.constant 0 : i32
      %dma_start3A_34 = arith.constant 0 : i32
      %dma_start3A_35 = tpu.memref_slice %arg12[%dma_start3A, %dma_start3A_34] : memref<128x128xf32, #tpu.memory_space<vmem>> -> memref<104x128xf32, #tpu.memory_space<vmem>>
      %dma_start3A_36 = arith.constant 0 : i32
      %dma_start3A_37 = tpu.memref_slice %arg13[%add3A_17, %dma_start3A_36] : memref<10000x128xf32, #tpu.memory_space<vmem_shared>> -> memref<104x128xf32, #tpu.memory_space<vmem_shared>>
      %dma_start3A_38 = arith.constant 0 : i32
      %dma_start3A_39 = tpu.memref_slice %arg13[%add3A_17, %dma_start3A_38] : memref<10000x128xf32, #tpu.memory_space<vmem_shared>> -> memref<104x128xf32, #tpu.memory_space<vmem_shared>>
      %dma_start3A_40 = arith.constant 0 : i32
      %dma_start3A_41 = arith.constant 0 : i32
      %dma_start3A_42 = tpu.memref_slice %arg12[%dma_start3A_40, %dma_start3A_41] : memref<128x128xf32, #tpu.memory_space<vmem>> -> memref<104x128xf32, #tpu.memory_space<vmem>>
      tpu.enqueue_dma source(%dma_start3A_42 : memref<104x128xf32, #tpu.memory_space<vmem>>) target(%dma_start3A_39 : memref<104x128xf32, #tpu.memory_space<vmem_shared>>) target_semaphore(%run_scoped3A : memref<!tpu.dma_semaphore, #tpu.memory_space<semaphore_mem>>)
      %dma_wait3A = arith.constant 0 : i32
      %dma_wait3A_43 = arith.constant 0 : i32
      %dma_wait3A_44 = tpu.memref_slice %arg12[%dma_wait3A, %dma_wait3A_43] : memref<128x128xf32, #tpu.memory_space<vmem>> -> memref<104x128xf32, #tpu.memory_space<vmem>>
      %dma_wait3A_45 = arith.constant 0 : i32
      %dma_wait3A_46 = tpu.memref_slice %arg13[%add3A_17, %dma_wait3A_45] : memref<10000x128xf32, #tpu.memory_space<vmem_shared>> -> memref<104x128xf32, #tpu.memory_space<vmem_shared>>
      %dma_wait3A_47 = arith.constant 0 : i32
      %dma_wait3A_48 = tpu.memref_slice %arg13[%add3A_17, %dma_wait3A_47] : memref<10000x128xf32, #tpu.memory_space<vmem_shared>> -> memref<104x128xf32, #tpu.memory_space<vmem_shared>>
      %dma_wait3A_49 = arith.constant 0 : i32
      %dma_wait3A_50 = arith.constant 0 : i32
      %dma_wait3A_51 = tpu.memref_slice %arg12[%dma_wait3A_49, %dma_wait3A_50] : memref<128x128xf32, #tpu.memory_space<vmem>> -> memref<104x128xf32, #tpu.memory_space<vmem>>
      tpu.wait_dma2 semaphore(%run_scoped3A : memref<!tpu.dma_semaphore, #tpu.memory_space<semaphore_mem>>) src(%dma_wait3A_51 : memref<104x128xf32, #tpu.memory_space<vmem>>) dst(%dma_wait3A_48 : memref<104x128xf32, #tpu.memory_space<vmem_shared>>)
      tpu.yield
    }) : () -> ()
    %add3A_18 = arith.constant 520 : i32
    %add3A_19 = arith.addi %multiple_of3A, %add3A_18 : i32
    "tpu.region"() ({
      %run_scoped3A = tpu.sem_alloc : memref<!tpu.dma_semaphore, #tpu.memory_space<semaphore_mem>>
      %dma_start3A = arith.constant 0 : i32
      %dma_start3A_34 = arith.constant 0 : i32
      %dma_start3A_35 = tpu.memref_slice %arg12[%dma_start3A, %dma_start3A_34] : memref<128x128xf32, #tpu.memory_space<vmem>> -> memref<104x128xf32, #tpu.memory_space<vmem>>
      %dma_start3A_36 = arith.constant 0 : i32
      %dma_start3A_37 = tpu.memref_slice %arg13[%add3A_19, %dma_start3A_36] : memref<10000x128xf32, #tpu.memory_space<vmem_shared>> -> memref<104x128xf32, #tpu.memory_space<vmem_shared>>
      %dma_start3A_38 = arith.constant 0 : i32
      %dma_start3A_39 = tpu.memref_slice %arg13[%add3A_19, %dma_start3A_38] : memref<10000x128xf32, #tpu.memory_space<vmem_shared>> -> memref<104x128xf32, #tpu.memory_space<vmem_shared>>
      %dma_start3A_40 = arith.constant 0 : i32
      %dma_start3A_41 = arith.constant 0 : i32
      %dma_start3A_42 = tpu.memref_slice %arg12[%dma_start3A_40, %dma_start3A_41] : memref<128x128xf32, #tpu.memory_space<vmem>> -> memref<104x128xf32, #tpu.memory_space<vmem>>
      tpu.enqueue_dma source(%dma_start3A_42 : memref<104x128xf32, #tpu.memory_space<vmem>>) target(%dma_start3A_39 : memref<104x128xf32, #tpu.memory_space<vmem_shared>>) target_semaphore(%run_scoped3A : memref<!tpu.dma_semaphore, #tpu.memory_space<semaphore_mem>>)
      %dma_wait3A = arith.constant 0 : i32
      %dma_wait3A_43 = arith.constant 0 : i32
      %dma_wait3A_44 = tpu.memref_slice %arg12[%dma_wait3A, %dma_wait3A_43] : memref<128x128xf32, #tpu.memory_space<vmem>> -> memref<104x128xf32, #tpu.memory_space<vmem>>
      %dma_wait3A_45 = arith.constant 0 : i32
      %dma_wait3A_46 = tpu.memref_slice %arg13[%add3A_19, %dma_wait3A_45] : memref<10000x128xf32, #tpu.memory_space<vmem_shared>> -> memref<104x128xf32, #tpu.memory_space<vmem_shared>>
      %dma_wait3A_47 = arith.constant 0 : i32
      %dma_wait3A_48 = tpu.memref_slice %arg13[%add3A_19, %dma_wait3A_47] : memref<10000x128xf32, #tpu.memory_space<vmem_shared>> -> memref<104x128xf32, #tpu.memory_space<vmem_shared>>
      %dma_wait3A_49 = arith.constant 0 : i32
      %dma_wait3A_50 = arith.constant 0 : i32
      %dma_wait3A_51 = tpu.memref_slice %arg12[%dma_wait3A_49, %dma_wait3A_50] : memref<128x128xf32, #tpu.memory_space<vmem>> -> memref<104x128xf32, #tpu.memory_space<vmem>>
      tpu.wait_dma2 semaphore(%run_scoped3A : memref<!tpu.dma_semaphore, #tpu.memory_space<semaphore_mem>>) src(%dma_wait3A_51 : memref<104x128xf32, #tpu.memory_space<vmem>>) dst(%dma_wait3A_48 : memref<104x128xf32, #tpu.memory_space<vmem_shared>>)
      tpu.yield
    }) : () -> ()
    %eq3A = arith.constant 15 : i32
    %eq3A_20 = arith.cmpi eq, %arg1, %eq3A : i32
    %convert_element_type3A = arith.extui %eq3A_20 : i1 to i32
    %cond3A = arith.constant 0 : i32
    %cond3A_21 = arith.cmpi ne, %convert_element_type3A, %cond3A : i32
    scf.if %cond3A_21 {
      "tpu.region"() ({
        %run_scoped3A = tpu.sem_alloc : memref<!tpu.dma_semaphore, #tpu.memory_space<semaphore_mem>>
        %dma_start3A = arith.constant 0 : i32
        %dma_start3A_34 = arith.constant 0 : i32
        %dma_start3A_35 = tpu.memref_slice %arg12[%dma_start3A, %dma_start3A_34] : memref<128x128xf32, #tpu.memory_space<vmem>> -> memref<16x128xf32, #tpu.memory_space<vmem>>
        %dma_start3A_36 = arith.constant 9984 : i32
        %dma_start3A_37 = arith.constant 0 : i32
        %dma_start3A_38 = tpu.memref_slice %arg13[%dma_start3A_36, %dma_start3A_37] : memref<10000x128xf32, #tpu.memory_space<vmem_shared>> -> memref<16x128xf32, #tpu.memory_space<vmem_shared>>
        %dma_start3A_39 = arith.constant 9984 : i32
        %dma_start3A_40 = arith.constant 0 : i32
        %dma_start3A_41 = tpu.memref_slice %arg13[%dma_start3A_39, %dma_start3A_40] : memref<10000x128xf32, #tpu.memory_space<vmem_shared>> -> memref<16x128xf32, #tpu.memory_space<vmem_shared>>
        %dma_start3A_42 = arith.constant 0 : i32
        %dma_start3A_43 = arith.constant 0 : i32
        %dma_start3A_44 = tpu.memref_slice %arg12[%dma_start3A_42, %dma_start3A_43] : memref<128x128xf32, #tpu.memory_space<vmem>> -> memref<16x128xf32, #tpu.memory_space<vmem>>
        tpu.enqueue_dma source(%dma_start3A_44 : memref<16x128xf32, #tpu.memory_space<vmem>>) target(%dma_start3A_41 : memref<16x128xf32, #tpu.memory_space<vmem_shared>>) target_semaphore(%run_scoped3A : memref<!tpu.dma_semaphore, #tpu.memory_space<semaphore_mem>>)
        %dma_wait3A = arith.constant 0 : i32
        %dma_wait3A_45 = arith.constant 0 : i32
        %dma_wait3A_46 = tpu.memref_slice %arg12[%dma_wait3A, %dma_wait3A_45] : memref<128x128xf32, #tpu.memory_space<vmem>> -> memref<16x128xf32, #tpu.memory_space<vmem>>
        %dma_wait3A_47 = arith.constant 9984 : i32
        %dma_wait3A_48 = arith.constant 0 : i32
        %dma_wait3A_49 = tpu.memref_slice %arg13[%dma_wait3A_47, %dma_wait3A_48] : memref<10000x128xf32, #tpu.memory_space<vmem_shared>> -> memref<16x128xf32, #tpu.memory_space<vmem_shared>>
        %dma_wait3A_50 = arith.constant 9984 : i32
        %dma_wait3A_51 = arith.constant 0 : i32
        %dma_wait3A_52 = tpu.memref_slice %arg13[%dma_wait3A_50, %dma_wait3A_51] : memref<10000x128xf32, #tpu.memory_space<vmem_shared>> -> memref<16x128xf32, #tpu.memory_space<vmem_shared>>
        %dma_wait3A_53 = arith.constant 0 : i32
        %dma_wait3A_54 = arith.constant 0 : i32
        %dma_wait3A_55 = tpu.memref_slice %arg12[%dma_wait3A_53, %dma_wait3A_54] : memref<128x128xf32, #tpu.memory_space<vmem>> -> memref<16x128xf32, #tpu.memory_space<vmem>>
        tpu.wait_dma2 semaphore(%run_scoped3A : memref<!tpu.dma_semaphore, #tpu.memory_space<semaphore_mem>>) src(%dma_wait3A_55 : memref<16x128xf32, #tpu.memory_space<vmem>>) dst(%dma_wait3A_52 : memref<16x128xf32, #tpu.memory_space<vmem_shared>>)
        tpu.yield
      }) : () -> ()
    } else {
    }
    %barrier3A = arith.constant 0 : index
    tpu.barrier barrier_id(%barrier3A)
    %iota3A = tpu.iota {dimensions = array<i32: 0>} : vector<16xi32>
    %scan3A_22 = arith.constant 0 : i32
    %scan3A_23 = arith.constant 0 : i32
    %scan3A_24 = arith.constant 79 : i32
    %scan3A_25 = arith.addi %scan3A_23, %scan3A_24 : i32
    %scan3A_26 = arith.constant 1 : i32
    scf.for %scan3A_34 = %scan3A_23 to %scan3A_25 step %scan3A_26  : i32 {
      %mul3A_35 = arith.constant 10112 : i32
      %mul3A_36 = arith.muli %add3A, %mul3A_35 : i32
      %mul3A_37 = arith.constant 128 : i32
      %mul3A_38 = arith.muli %scan3A_34, %mul3A_37 : i32
      %add3A_39 = arith.addi %mul3A_36, %mul3A_38 : i32
      "tpu.region"() ({
        %run_scoped3A = tpu.sem_alloc : memref<!tpu.dma_semaphore, #tpu.memory_space<semaphore_mem>>
        %dma_start3A_56 = tpu.memref_slice %arg2[%add3A_39] : memref<323584xi32, #tpu.memory_space<hbm>> -> memref<128xi32, #tpu.memory_space<hbm>>
        %dma_start3A_57 = tpu.memref_slice %arg2[%add3A_39] : memref<323584xi32, #tpu.memory_space<hbm>> -> memref<128xi32, #tpu.memory_space<hbm>>
        tpu.enqueue_dma source(%dma_start3A_57 : memref<128xi32, #tpu.memory_space<hbm>>) target(%arg7 : memref<128xi32, #tpu.memory_space<vmem>>) target_semaphore(%run_scoped3A : memref<!tpu.dma_semaphore, #tpu.memory_space<semaphore_mem>>)
        %dma_wait3A_58 = tpu.memref_slice %arg2[%add3A_39] : memref<323584xi32, #tpu.memory_space<hbm>> -> memref<128xi32, #tpu.memory_space<hbm>>
        %dma_wait3A_59 = tpu.memref_slice %arg2[%add3A_39] : memref<323584xi32, #tpu.memory_space<hbm>> -> memref<128xi32, #tpu.memory_space<hbm>>
        tpu.wait_dma2 semaphore(%run_scoped3A : memref<!tpu.dma_semaphore, #tpu.memory_space<semaphore_mem>>) src(%dma_wait3A_59 : memref<128xi32, #tpu.memory_space<hbm>>) dst(%arg7 : memref<128xi32, #tpu.memory_space<vmem>>)
        tpu.yield
      }) : () -> ()
      "tpu.region"() ({
        %run_scoped3A = tpu.sem_alloc : memref<!tpu.dma_semaphore, #tpu.memory_space<semaphore_mem>>
        %dma_start3A_56 = tpu.memref_slice %arg3[%add3A_39] : memref<323584xi32, #tpu.memory_space<hbm>> -> memref<128xi32, #tpu.memory_space<hbm>>
        %dma_start3A_57 = tpu.memref_slice %arg3[%add3A_39] : memref<323584xi32, #tpu.memory_space<hbm>> -> memref<128xi32, #tpu.memory_space<hbm>>
        tpu.enqueue_dma source(%dma_start3A_57 : memref<128xi32, #tpu.memory_space<hbm>>) target(%arg8 : memref<128xi32, #tpu.memory_space<vmem>>) target_semaphore(%run_scoped3A : memref<!tpu.dma_semaphore, #tpu.memory_space<semaphore_mem>>)
        %dma_wait3A_58 = tpu.memref_slice %arg3[%add3A_39] : memref<323584xi32, #tpu.memory_space<hbm>> -> memref<128xi32, #tpu.memory_space<hbm>>
        %dma_wait3A_59 = tpu.memref_slice %arg3[%add3A_39] : memref<323584xi32, #tpu.memory_space<hbm>> -> memref<128xi32, #tpu.memory_space<hbm>>
        tpu.wait_dma2 semaphore(%run_scoped3A : memref<!tpu.dma_semaphore, #tpu.memory_space<semaphore_mem>>) src(%dma_wait3A_59 : memref<128xi32, #tpu.memory_space<hbm>>) dst(%arg8 : memref<128xi32, #tpu.memory_space<vmem>>)
        tpu.yield
      }) : () -> ()
      "tpu.region"() ({
        %run_scoped3A = tpu.sem_alloc : memref<!tpu.dma_semaphore, #tpu.memory_space<semaphore_mem>>
        %dma_start3A_56 = tpu.memref_slice %arg4[%add3A_39] : memref<323584xf32, #tpu.memory_space<hbm>> -> memref<128xf32, #tpu.memory_space<hbm>>
        %dma_start3A_57 = tpu.memref_slice %arg4[%add3A_39] : memref<323584xf32, #tpu.memory_space<hbm>> -> memref<128xf32, #tpu.memory_space<hbm>>
        tpu.enqueue_dma source(%dma_start3A_57 : memref<128xf32, #tpu.memory_space<hbm>>) target(%arg9 : memref<128xf32, #tpu.memory_space<vmem>>) target_semaphore(%run_scoped3A : memref<!tpu.dma_semaphore, #tpu.memory_space<semaphore_mem>>)
        %dma_wait3A_58 = tpu.memref_slice %arg4[%add3A_39] : memref<323584xf32, #tpu.memory_space<hbm>> -> memref<128xf32, #tpu.memory_space<hbm>>
        %dma_wait3A_59 = tpu.memref_slice %arg4[%add3A_39] : memref<323584xf32, #tpu.memory_space<hbm>> -> memref<128xf32, #tpu.memory_space<hbm>>
        tpu.wait_dma2 semaphore(%run_scoped3A : memref<!tpu.dma_semaphore, #tpu.memory_space<semaphore_mem>>) src(%dma_wait3A_59 : memref<128xf32, #tpu.memory_space<hbm>>) dst(%arg9 : memref<128xf32, #tpu.memory_space<vmem>>)
        tpu.yield
      }) : () -> ()
      %dma_start3A = arith.constant 0 : i32
      %dma_start3A_40 = arith.constant 0 : i32
      %dma_start3A_41 = tpu.memref_slice %arg5[%dma_start3A, %dma_start3A_40] : memref<10000x128xf32, #tpu.memory_space<hbm>> -> memref<10000x128xf32, #tpu.memory_space<hbm>>
      tpu.enqueue_indirect_dma source(%dma_start3A_41 : memref<10000x128xf32, #tpu.memory_space<hbm>>) target(%arg10 : memref<128x128xf32, #tpu.memory_space<vmem>>) offsets(%arg7 : memref<128xi32, #tpu.memory_space<vmem>>) semaphore(%arg14 : memref<!tpu.dma_semaphore, #tpu.memory_space<semaphore_mem>>)
      %dma_start3A_42 = arith.constant 0 : i32
      %dma_start3A_43 = arith.constant 0 : i32
      %dma_start3A_44 = tpu.memref_slice %arg5[%dma_start3A_42, %dma_start3A_43] : memref<10000x128xf32, #tpu.memory_space<hbm>> -> memref<10000x128xf32, #tpu.memory_space<hbm>>
      tpu.enqueue_indirect_dma source(%dma_start3A_44 : memref<10000x128xf32, #tpu.memory_space<hbm>>) target(%arg11 : memref<128x128xf32, #tpu.memory_space<vmem>>) offsets(%arg8 : memref<128xi32, #tpu.memory_space<vmem>>) semaphore(%arg15 : memref<!tpu.dma_semaphore, #tpu.memory_space<semaphore_mem>>)
      %dma_wait3A = arith.constant 0 : i32
      %dma_wait3A_45 = arith.constant 0 : i32
      %dma_wait3A_46 = tpu.memref_slice %arg5[%dma_wait3A, %dma_wait3A_45] : memref<10000x128xf32, #tpu.memory_space<hbm>> -> memref<10000x128xf32, #tpu.memory_space<hbm>>
      tpu.wait_indirect_dma semaphore(%arg14 : memref<!tpu.dma_semaphore, #tpu.memory_space<semaphore_mem>>) src(%dma_wait3A_46 : memref<10000x128xf32, #tpu.memory_space<hbm>>) dst(%arg10 : memref<128x128xf32, #tpu.memory_space<vmem>>)
      %dma_wait3A_47 = arith.constant 0 : i32
      %dma_wait3A_48 = arith.constant 0 : i32
      %dma_wait3A_49 = tpu.memref_slice %arg5[%dma_wait3A_47, %dma_wait3A_48] : memref<10000x128xf32, #tpu.memory_space<hbm>> -> memref<10000x128xf32, #tpu.memory_space<hbm>>
      tpu.wait_indirect_dma semaphore(%arg15 : memref<!tpu.dma_semaphore, #tpu.memory_space<semaphore_mem>>) src(%dma_wait3A_49 : memref<10000x128xf32, #tpu.memory_space<hbm>>) dst(%arg11 : memref<128x128xf32, #tpu.memory_space<vmem>>)
      %scan3A_50 = arith.constant 0 : i32
      %scan3A_51 = arith.constant 0 : i32
      %scan3A_52 = arith.constant 8 : i32
      %scan3A_53 = arith.addi %scan3A_51, %scan3A_52 : i32
      %scan3A_54 = arith.constant 1 : i32
      scf.for %scan3A_56 = %scan3A_51 to %scan3A_53 step %scan3A_54  : i32 {
        %mul3A_57 = arith.constant 16 : i32
        %mul3A_58 = arith.muli %scan3A_56, %mul3A_57 : i32
        %broadcast_in_dim3A = arith.constant 0.000000e+00 : f32
        %broadcast_in_dim3A_59 = vector.broadcast %broadcast_in_dim3A : f32 to vector<16xf32>
        %add3A_60 = arith.constant 0 : i32
        %add3A_61 = arith.addi %mul3A_58, %add3A_60 : i32
        %get3A = arith.index_cast %add3A_61 : i32 to index
        %get3A_62 = arith.constant 0 : index
        %get3A_63 = tpu.vector_load %arg10[%get3A, %get3A_62] {strides = array<i32>} : memref<128x128xf32, #tpu.memory_space<vmem>>, vector<16xf32>,
        %add3A_64 = arith.constant 0 : i32
        %add3A_65 = arith.addi %mul3A_58, %add3A_64 : i32
        %get3A_66 = arith.index_cast %add3A_65 : i32 to index
        %get3A_67 = arith.constant 0 : index
        %get3A_68 = tpu.vector_load %arg11[%get3A_66, %get3A_67] {strides = array<i32>} : memref<128x128xf32, #tpu.memory_space<vmem>>, vector<16xf32>,
        %sub3A = arith.subf %get3A_63, %get3A_68 : vector<16xf32>
        %mul3A_69 = arith.mulf %sub3A, %sub3A : vector<16xf32>
        %add3A_70 = arith.constant 0 : i32
        %add3A_71 = arith.addi %mul3A_58, %add3A_70 : i32
        %get3A_72 = arith.index_cast %add3A_71 : i32 to index
        %get3A_73 = arith.constant 16 : index
        %get3A_74 = tpu.vector_load %arg10[%get3A_72, %get3A_73] {strides = array<i32>} : memref<128x128xf32, #tpu.memory_space<vmem>>, vector<16xf32>,
        %add3A_75 = arith.constant 0 : i32
        %add3A_76 = arith.addi %mul3A_58, %add3A_75 : i32
        %get3A_77 = arith.index_cast %add3A_76 : i32 to index
        %get3A_78 = arith.constant 16 : index
        %get3A_79 = tpu.vector_load %arg11[%get3A_77, %get3A_78] {strides = array<i32>} : memref<128x128xf32, #tpu.memory_space<vmem>>, vector<16xf32>,
        %sub3A_80 = arith.subf %get3A_74, %get3A_79 : vector<16xf32>
        %mul3A_81 = arith.mulf %sub3A_80, %sub3A_80 : vector<16xf32>
        %add3A_82 = arith.addf %mul3A_69, %mul3A_81 : vector<16xf32>
        %add3A_83 = arith.constant 0 : i32
        %add3A_84 = arith.addi %mul3A_58, %add3A_83 : i32
        %get3A_85 = arith.index_cast %add3A_84 : i32 to index
        %get3A_86 = arith.constant 32 : index
        %get3A_87 = tpu.vector_load %arg10[%get3A_85, %get3A_86] {strides = array<i32>} : memref<128x128xf32, #tpu.memory_space<vmem>>, vector<16xf32>,
        %add3A_88 = arith.constant 0 : i32
        %add3A_89 = arith.addi %mul3A_58, %add3A_88 : i32
        %get3A_90 = arith.index_cast %add3A_89 : i32 to index
        %get3A_91 = arith.constant 32 : index
        %get3A_92 = tpu.vector_load %arg11[%get3A_90, %get3A_91] {strides = array<i32>} : memref<128x128xf32, #tpu.memory_space<vmem>>, vector<16xf32>,
        %sub3A_93 = arith.subf %get3A_87, %get3A_92 : vector<16xf32>
        %mul3A_94 = arith.mulf %sub3A_93, %sub3A_93 : vector<16xf32>
        %add3A_95 = arith.addf %add3A_82, %mul3A_94 : vector<16xf32>
        %add3A_96 = arith.constant 0 : i32
        %add3A_97 = arith.addi %mul3A_58, %add3A_96 : i32
        %get3A_98 = arith.index_cast %add3A_97 : i32 to index
        %get3A_99 = arith.constant 48 : index
        %get3A_100 = tpu.vector_load %arg10[%get3A_98, %get3A_99] {strides = array<i32>} : memref<128x128xf32, #tpu.memory_space<vmem>>, vector<16xf32>,
        %add3A_101 = arith.constant 0 : i32
        %add3A_102 = arith.addi %mul3A_58, %add3A_101 : i32
        %get3A_103 = arith.index_cast %add3A_102 : i32 to index
        %get3A_104 = arith.constant 48 : index
        %get3A_105 = tpu.vector_load %arg11[%get3A_103, %get3A_104] {strides = array<i32>} : memref<128x128xf32, #tpu.memory_space<vmem>>, vector<16xf32>,
        %sub3A_106 = arith.subf %get3A_100, %get3A_105 : vector<16xf32>
        %mul3A_107 = arith.mulf %sub3A_106, %sub3A_106 : vector<16xf32>
        %add3A_108 = arith.addf %add3A_95, %mul3A_107 : vector<16xf32>
        %add3A_109 = arith.constant 0 : i32
        %add3A_110 = arith.addi %mul3A_58, %add3A_109 : i32
        %get3A_111 = arith.index_cast %add3A_110 : i32 to index
        %get3A_112 = arith.constant 64 : index
        %get3A_113 = tpu.vector_load %arg10[%get3A_111, %get3A_112] {strides = array<i32>} : memref<128x128xf32, #tpu.memory_space<vmem>>, vector<16xf32>,
        %add3A_114 = arith.constant 0 : i32
        %add3A_115 = arith.addi %mul3A_58, %add3A_114 : i32
        %get3A_116 = arith.index_cast %add3A_115 : i32 to index
        %get3A_117 = arith.constant 64 : index
        %get3A_118 = tpu.vector_load %arg11[%get3A_116, %get3A_117] {strides = array<i32>} : memref<128x128xf32, #tpu.memory_space<vmem>>, vector<16xf32>,
        %sub3A_119 = arith.subf %get3A_113, %get3A_118 : vector<16xf32>
        %mul3A_120 = arith.mulf %sub3A_119, %sub3A_119 : vector<16xf32>
        %add3A_121 = arith.addf %add3A_108, %mul3A_120 : vector<16xf32>
        %add3A_122 = arith.constant 0 : i32
        %add3A_123 = arith.addi %mul3A_58, %add3A_122 : i32
        %get3A_124 = arith.index_cast %add3A_123 : i32 to index
        %get3A_125 = arith.constant 80 : index
        %get3A_126 = tpu.vector_load %arg10[%get3A_124, %get3A_125] {strides = array<i32>} : memref<128x128xf32, #tpu.memory_space<vmem>>, vector<16xf32>,
        %add3A_127 = arith.constant 0 : i32
        %add3A_128 = arith.addi %mul3A_58, %add3A_127 : i32
        %get3A_129 = arith.index_cast %add3A_128 : i32 to index
        %get3A_130 = arith.constant 80 : index
        %get3A_131 = tpu.vector_load %arg11[%get3A_129, %get3A_130] {strides = array<i32>} : memref<128x128xf32, #tpu.memory_space<vmem>>, vector<16xf32>,
        %sub3A_132 = arith.subf %get3A_126, %get3A_131 : vector<16xf32>
        %mul3A_133 = arith.mulf %sub3A_132, %sub3A_132 : vector<16xf32>
        %add3A_134 = arith.addf %add3A_121, %mul3A_133 : vector<16xf32>
        %add3A_135 = arith.constant 0 : i32
        %add3A_136 = arith.addi %mul3A_58, %add3A_135 : i32
        %get3A_137 = arith.index_cast %add3A_136 : i32 to index
        %get3A_138 = arith.constant 96 : index
        %get3A_139 = tpu.vector_load %arg10[%get3A_137, %get3A_138] {strides = array<i32>} : memref<128x128xf32, #tpu.memory_space<vmem>>, vector<16xf32>,
        %add3A_140 = arith.constant 0 : i32
        %add3A_141 = arith.addi %mul3A_58, %add3A_140 : i32
        %get3A_142 = arith.index_cast %add3A_141 : i32 to index
        %get3A_143 = arith.constant 96 : index
        %get3A_144 = tpu.vector_load %arg11[%get3A_142, %get3A_143] {strides = array<i32>} : memref<128x128xf32, #tpu.memory_space<vmem>>, vector<16xf32>,
        %sub3A_145 = arith.subf %get3A_139, %get3A_144 : vector<16xf32>
        %mul3A_146 = arith.mulf %sub3A_145, %sub3A_145 : vector<16xf32>
        %add3A_147 = arith.addf %add3A_134, %mul3A_146 : vector<16xf32>
        %add3A_148 = arith.constant 0 : i32
        %add3A_149 = arith.addi %mul3A_58, %add3A_148 : i32
        %get3A_150 = arith.index_cast %add3A_149 : i32 to index
        %get3A_151 = arith.constant 112 : index
        %get3A_152 = tpu.vector_load %arg10[%get3A_150, %get3A_151] {strides = array<i32>} : memref<128x128xf32, #tpu.memory_space<vmem>>, vector<16xf32>,
        %add3A_153 = arith.constant 0 : i32
        %add3A_154 = arith.addi %mul3A_58, %add3A_153 : i32
        %get3A_155 = arith.index_cast %add3A_154 : i32 to index
        %get3A_156 = arith.constant 112 : index
        %get3A_157 = tpu.vector_load %arg11[%get3A_155, %get3A_156] {strides = array<i32>} : memref<128x128xf32, #tpu.memory_space<vmem>>, vector<16xf32>,
        %sub3A_158 = arith.subf %get3A_152, %get3A_157 : vector<16xf32>
        %mul3A_159 = arith.mulf %sub3A_158, %sub3A_158 : vector<16xf32>
        %add3A_160 = arith.addf %add3A_147, %mul3A_159 : vector<16xf32>
        %broadcast_in_dim3A_161 = arith.constant 0.000000e+00 : f32
        %broadcast_in_dim3A_162 = vector.broadcast %broadcast_in_dim3A_161 : f32 to vector<16xf32>
        %reduce_sum3A = arith.constant true
        %reduce_sum3A_163 = vector.broadcast %reduce_sum3A : i1 to vector<16xi1>
        %reduce_sum3A_164 = tpu.scan <sum>, %add3A_160 masked %reduce_sum3A_163 : vector<16xf32>, vector<16xi1> -> vector<16xf32>
        %reduce_sum3A_165 = vector.extract %reduce_sum3A_164[15] : f32 from vector<16xf32>
        %add3A_166 = vector.broadcast %reduce_sum3A_165 : f32 to vector<16xf32>
        %add3A_167 = arith.addf %broadcast_in_dim3A_162, %add3A_166 : vector<16xf32>
        %eq3A_168 = arith.constant 0 : i32
        %eq3A_169 = vector.broadcast %eq3A_168 : i32 to vector<16xi32>
        %eq3A_170 = arith.cmpi eq, %iota3A, %eq3A_169 : vector<16xi32>
        %select_n3A = arith.select %eq3A_170, %add3A_167, %broadcast_in_dim3A_59 : vector<16xi1>, vector<16xf32>
        %add3A_171 = arith.constant 1 : i32
        %add3A_172 = arith.addi %mul3A_58, %add3A_171 : i32
        %get3A_173 = arith.index_cast %add3A_172 : i32 to index
        %get3A_174 = arith.constant 0 : index
        %get3A_175 = tpu.vector_load %arg10[%get3A_173, %get3A_174] {strides = array<i32>} : memref<128x128xf32, #tpu.memory_space<vmem>>, vector<16xf32>,
        %add3A_176 = arith.constant 1 : i32
        %add3A_177 = arith.addi %mul3A_58, %add3A_176 : i32
        %get3A_178 = arith.index_cast %add3A_177 : i32 to index
        %get3A_179 = arith.constant 0 : index
        %get3A_180 = tpu.vector_load %arg11[%get3A_178, %get3A_179] {strides = array<i32>} : memref<128x128xf32, #tpu.memory_space<vmem>>, vector<16xf32>,
        %sub3A_181 = arith.subf %get3A_175, %get3A_180 : vector<16xf32>
        %mul3A_182 = arith.mulf %sub3A_181, %sub3A_181 : vector<16xf32>
        %add3A_183 = arith.constant 1 : i32
        %add3A_184 = arith.addi %mul3A_58, %add3A_183 : i32
        %get3A_185 = arith.index_cast %add3A_184 : i32 to index
        %get3A_186 = arith.constant 16 : index
        %get3A_187 = tpu.vector_load %arg10[%get3A_185, %get3A_186] {strides = array<i32>} : memref<128x128xf32, #tpu.memory_space<vmem>>, vector<16xf32>,
        %add3A_188 = arith.constant 1 : i32
        %add3A_189 = arith.addi %mul3A_58, %add3A_188 : i32
        %get3A_190 = arith.index_cast %add3A_189 : i32 to index
        %get3A_191 = arith.constant 16 : index
        %get3A_192 = tpu.vector_load %arg11[%get3A_190, %get3A_191] {strides = array<i32>} : memref<128x128xf32, #tpu.memory_space<vmem>>, vector<16xf32>,
        %sub3A_193 = arith.subf %get3A_187, %get3A_192 : vector<16xf32>
        %mul3A_194 = arith.mulf %sub3A_193, %sub3A_193 : vector<16xf32>
        %add3A_195 = arith.addf %mul3A_182, %mul3A_194 : vector<16xf32>
        %add3A_196 = arith.constant 1 : i32
        %add3A_197 = arith.addi %mul3A_58, %add3A_196 : i32
        %get3A_198 = arith.index_cast %add3A_197 : i32 to index
        %get3A_199 = arith.constant 32 : index
        %get3A_200 = tpu.vector_load %arg10[%get3A_198, %get3A_199] {strides = array<i32>} : memref<128x128xf32, #tpu.memory_space<vmem>>, vector<16xf32>,
        %add3A_201 = arith.constant 1 : i32
        %add3A_202 = arith.addi %mul3A_58, %add3A_201 : i32
        %get3A_203 = arith.index_cast %add3A_202 : i32 to index
        %get3A_204 = arith.constant 32 : index
        %get3A_205 = tpu.vector_load %arg11[%get3A_203, %get3A_204] {strides = array<i32>} : memref<128x128xf32, #tpu.memory_space<vmem>>, vector<16xf32>,
        %sub3A_206 = arith.subf %get3A_200, %get3A_205 : vector<16xf32>
        %mul3A_207 = arith.mulf %sub3A_206, %sub3A_206 : vector<16xf32>
        %add3A_208 = arith.addf %add3A_195, %mul3A_207 : vector<16xf32>
        %add3A_209 = arith.constant 1 : i32
        %add3A_210 = arith.addi %mul3A_58, %add3A_209 : i32
        %get3A_211 = arith.index_cast %add3A_210 : i32 to index
        %get3A_212 = arith.constant 48 : index
        %get3A_213 = tpu.vector_load %arg10[%get3A_211, %get3A_212] {strides = array<i32>} : memref<128x128xf32, #tpu.memory_space<vmem>>, vector<16xf32>,
        %add3A_214 = arith.constant 1 : i32
        %add3A_215 = arith.addi %mul3A_58, %add3A_214 : i32
        %get3A_216 = arith.index_cast %add3A_215 : i32 to index
        %get3A_217 = arith.constant 48 : index
        %get3A_218 = tpu.vector_load %arg11[%get3A_216, %get3A_217] {strides = array<i32>} : memref<128x128xf32, #tpu.memory_space<vmem>>, vector<16xf32>,
        %sub3A_219 = arith.subf %get3A_213, %get3A_218 : vector<16xf32>
        %mul3A_220 = arith.mulf %sub3A_219, %sub3A_219 : vector<16xf32>
        %add3A_221 = arith.addf %add3A_208, %mul3A_220 : vector<16xf32>
        %add3A_222 = arith.constant 1 : i32
        %add3A_223 = arith.addi %mul3A_58, %add3A_222 : i32
        %get3A_224 = arith.index_cast %add3A_223 : i32 to index
        %get3A_225 = arith.constant 64 : index
        %get3A_226 = tpu.vector_load %arg10[%get3A_224, %get3A_225] {strides = array<i32>} : memref<128x128xf32, #tpu.memory_space<vmem>>, vector<16xf32>,
        %add3A_227 = arith.constant 1 : i32
        %add3A_228 = arith.addi %mul3A_58, %add3A_227 : i32
        %get3A_229 = arith.index_cast %add3A_228 : i32 to index
        %get3A_230 = arith.constant 64 : index
        %get3A_231 = tpu.vector_load %arg11[%get3A_229, %get3A_230] {strides = array<i32>} : memref<128x128xf32, #tpu.memory_space<vmem>>, vector<16xf32>,
        %sub3A_232 = arith.subf %get3A_226, %get3A_231 : vector<16xf32>
        %mul3A_233 = arith.mulf %sub3A_232, %sub3A_232 : vector<16xf32>
        %add3A_234 = arith.addf %add3A_221, %mul3A_233 : vector<16xf32>
        %add3A_235 = arith.constant 1 : i32
        %add3A_236 = arith.addi %mul3A_58, %add3A_235 : i32
        %get3A_237 = arith.index_cast %add3A_236 : i32 to index
        %get3A_238 = arith.constant 80 : index
        %get3A_239 = tpu.vector_load %arg10[%get3A_237, %get3A_238] {strides = array<i32>} : memref<128x128xf32, #tpu.memory_space<vmem>>, vector<16xf32>,
        %add3A_240 = arith.constant 1 : i32
        %add3A_241 = arith.addi %mul3A_58, %add3A_240 : i32
        %get3A_242 = arith.index_cast %add3A_241 : i32 to index
        %get3A_243 = arith.constant 80 : index
        %get3A_244 = tpu.vector_load %arg11[%get3A_242, %get3A_243] {strides = array<i32>} : memref<128x128xf32, #tpu.memory_space<vmem>>, vector<16xf32>,
        %sub3A_245 = arith.subf %get3A_239, %get3A_244 : vector<16xf32>
        %mul3A_246 = arith.mulf %sub3A_245, %sub3A_245 : vector<16xf32>
        %add3A_247 = arith.addf %add3A_234, %mul3A_246 : vector<16xf32>
        %add3A_248 = arith.constant 1 : i32
        %add3A_249 = arith.addi %mul3A_58, %add3A_248 : i32
        %get3A_250 = arith.index_cast %add3A_249 : i32 to index
        %get3A_251 = arith.constant 96 : index
        %get3A_252 = tpu.vector_load %arg10[%get3A_250, %get3A_251] {strides = array<i32>} : memref<128x128xf32, #tpu.memory_space<vmem>>, vector<16xf32>,
        %add3A_253 = arith.constant 1 : i32
        %add3A_254 = arith.addi %mul3A_58, %add3A_253 : i32
        %get3A_255 = arith.index_cast %add3A_254 : i32 to index
        %get3A_256 = arith.constant 96 : index
        %get3A_257 = tpu.vector_load %arg11[%get3A_255, %get3A_256] {strides = array<i32>} : memref<128x128xf32, #tpu.memory_space<vmem>>, vector<16xf32>,
        %sub3A_258 = arith.subf %get3A_252, %get3A_257 : vector<16xf32>
        %mul3A_259 = arith.mulf %sub3A_258, %sub3A_258 : vector<16xf32>
        %add3A_260 = arith.addf %add3A_247, %mul3A_259 : vector<16xf32>
        %add3A_261 = arith.constant 1 : i32
        %add3A_262 = arith.addi %mul3A_58, %add3A_261 : i32
        %get3A_263 = arith.index_cast %add3A_262 : i32 to index
        %get3A_264 = arith.constant 112 : index
        %get3A_265 = tpu.vector_load %arg10[%get3A_263, %get3A_264] {strides = array<i32>} : memref<128x128xf32, #tpu.memory_space<vmem>>, vector<16xf32>,
        %add3A_266 = arith.constant 1 : i32
        %add3A_267 = arith.addi %mul3A_58, %add3A_266 : i32
        %get3A_268 = arith.index_cast %add3A_267 : i32 to index
        %get3A_269 = arith.constant 112 : index
        %get3A_270 = tpu.vector_load %arg11[%get3A_268, %get3A_269] {strides = array<i32>} : memref<128x128xf32, #tpu.memory_space<vmem>>, vector<16xf32>,
        %sub3A_271 = arith.subf %get3A_265, %get3A_270 : vector<16xf32>
        %mul3A_272 = arith.mulf %sub3A_271, %sub3A_271 : vector<16xf32>
        %add3A_273 = arith.addf %add3A_260, %mul3A_272 : vector<16xf32>
        %broadcast_in_dim3A_274 = arith.constant 0.000000e+00 : f32
        %broadcast_in_dim3A_275 = vector.broadcast %broadcast_in_dim3A_274 : f32 to vector<16xf32>
        %reduce_sum3A_276 = arith.constant true
        %reduce_sum3A_277 = vector.broadcast %reduce_sum3A_276 : i1 to vector<16xi1>
        %reduce_sum3A_278 = tpu.scan <sum>, %add3A_273 masked %reduce_sum3A_277 : vector<16xf32>, vector<16xi1> -> vector<16xf32>
        %reduce_sum3A_279 = vector.extract %reduce_sum3A_278[15] : f32 from vector<16xf32>
        %add3A_280 = vector.broadcast %reduce_sum3A_279 : f32 to vector<16xf32>
        %add3A_281 = arith.addf %broadcast_in_dim3A_275, %add3A_280 : vector<16xf32>
        %eq3A_282 = arith.constant 1 : i32
        %eq3A_283 = vector.broadcast %eq3A_282 : i32 to vector<16xi32>
        %eq3A_284 = arith.cmpi eq, %iota3A, %eq3A_283 : vector<16xi32>
        %select_n3A_285 = arith.select %eq3A_284, %add3A_281, %select_n3A : vector<16xi1>, vector<16xf32>
        %add3A_286 = arith.constant 2 : i32
        %add3A_287 = arith.addi %mul3A_58, %add3A_286 : i32
        %get3A_288 = arith.index_cast %add3A_287 : i32 to index
        %get3A_289 = arith.constant 0 : index
        %get3A_290 = tpu.vector_load %arg10[%get3A_288, %get3A_289] {strides = array<i32>} : memref<128x128xf32, #tpu.memory_space<vmem>>, vector<16xf32>,
        %add3A_291 = arith.constant 2 : i32
        %add3A_292 = arith.addi %mul3A_58, %add3A_291 : i32
        %get3A_293 = arith.index_cast %add3A_292 : i32 to index
        %get3A_294 = arith.constant 0 : index
        %get3A_295 = tpu.vector_load %arg11[%get3A_293, %get3A_294] {strides = array<i32>} : memref<128x128xf32, #tpu.memory_space<vmem>>, vector<16xf32>,
        %sub3A_296 = arith.subf %get3A_290, %get3A_295 : vector<16xf32>
        %mul3A_297 = arith.mulf %sub3A_296, %sub3A_296 : vector<16xf32>
        %add3A_298 = arith.constant 2 : i32
        %add3A_299 = arith.addi %mul3A_58, %add3A_298 : i32
        %get3A_300 = arith.index_cast %add3A_299 : i32 to index
        %get3A_301 = arith.constant 16 : index
        %get3A_302 = tpu.vector_load %arg10[%get3A_300, %get3A_301] {strides = array<i32>} : memref<128x128xf32, #tpu.memory_space<vmem>>, vector<16xf32>,
        %add3A_303 = arith.constant 2 : i32
        %add3A_304 = arith.addi %mul3A_58, %add3A_303 : i32
        %get3A_305 = arith.index_cast %add3A_304 : i32 to index
        %get3A_306 = arith.constant 16 : index
        %get3A_307 = tpu.vector_load %arg11[%get3A_305, %get3A_306] {strides = array<i32>} : memref<128x128xf32, #tpu.memory_space<vmem>>, vector<16xf32>,
        %sub3A_308 = arith.subf %get3A_302, %get3A_307 : vector<16xf32>
        %mul3A_309 = arith.mulf %sub3A_308, %sub3A_308 : vector<16xf32>
        %add3A_310 = arith.addf %mul3A_297, %mul3A_309 : vector<16xf32>
        %add3A_311 = arith.constant 2 : i32
        %add3A_312 = arith.addi %mul3A_58, %add3A_311 : i32
        %get3A_313 = arith.index_cast %add3A_312 : i32 to index
        %get3A_314 = arith.constant 32 : index
        %get3A_315 = tpu.vector_load %arg10[%get3A_313, %get3A_314] {strides = array<i32>} : memref<128x128xf32, #tpu.memory_space<vmem>>, vector<16xf32>,
        %add3A_316 = arith.constant 2 : i32
        %add3A_317 = arith.addi %mul3A_58, %add3A_316 : i32
        %get3A_318 = arith.index_cast %add3A_317 : i32 to index
        %get3A_319 = arith.constant 32 : index
        %get3A_320 = tpu.vector_load %arg11[%get3A_318, %get3A_319] {strides = array<i32>} : memref<128x128xf32, #tpu.memory_space<vmem>>, vector<16xf32>,
        %sub3A_321 = arith.subf %get3A_315, %get3A_320 : vector<16xf32>
        %mul3A_322 = arith.mulf %sub3A_321, %sub3A_321 : vector<16xf32>
        %add3A_323 = arith.addf %add3A_310, %mul3A_322 : vector<16xf32>
        %add3A_324 = arith.constant 2 : i32
        %add3A_325 = arith.addi %mul3A_58, %add3A_324 : i32
        %get3A_326 = arith.index_cast %add3A_325 : i32 to index
        %get3A_327 = arith.constant 48 : index
        %get3A_328 = tpu.vector_load %arg10[%get3A_326, %get3A_327] {strides = array<i32>} : memref<128x128xf32, #tpu.memory_space<vmem>>, vector<16xf32>,
        %add3A_329 = arith.constant 2 : i32
        %add3A_330 = arith.addi %mul3A_58, %add3A_329 : i32
        %get3A_331 = arith.index_cast %add3A_330 : i32 to index
        %get3A_332 = arith.constant 48 : index
        %get3A_333 = tpu.vector_load %arg11[%get3A_331, %get3A_332] {strides = array<i32>} : memref<128x128xf32, #tpu.memory_space<vmem>>, vector<16xf32>,
        %sub3A_334 = arith.subf %get3A_328, %get3A_333 : vector<16xf32>
        %mul3A_335 = arith.mulf %sub3A_334, %sub3A_334 : vector<16xf32>
        %add3A_336 = arith.addf %add3A_323, %mul3A_335 : vector<16xf32>
        %add3A_337 = arith.constant 2 : i32
        %add3A_338 = arith.addi %mul3A_58, %add3A_337 : i32
        %get3A_339 = arith.index_cast %add3A_338 : i32 to index
        %get3A_340 = arith.constant 64 : index
        %get3A_341 = tpu.vector_load %arg10[%get3A_339, %get3A_340] {strides = array<i32>} : memref<128x128xf32, #tpu.memory_space<vmem>>, vector<16xf32>,
        %add3A_342 = arith.constant 2 : i32
        %add3A_343 = arith.addi %mul3A_58, %add3A_342 : i32
        %get3A_344 = arith.index_cast %add3A_343 : i32 to index
        %get3A_345 = arith.constant 64 : index
        %get3A_346 = tpu.vector_load %arg11[%get3A_344, %get3A_345] {strides = array<i32>} : memref<128x128xf32, #tpu.memory_space<vmem>>, vector<16xf32>,
        %sub3A_347 = arith.subf %get3A_341, %get3A_346 : vector<16xf32>
        %mul3A_348 = arith.mulf %sub3A_347, %sub3A_347 : vector<16xf32>
        %add3A_349 = arith.addf %add3A_336, %mul3A_348 : vector<16xf32>
        %add3A_350 = arith.constant 2 : i32
        %add3A_351 = arith.addi %mul3A_58, %add3A_350 : i32
        %get3A_352 = arith.index_cast %add3A_351 : i32 to index
        %get3A_353 = arith.constant 80 : index
        %get3A_354 = tpu.vector_load %arg10[%get3A_352, %get3A_353] {strides = array<i32>} : memref<128x128xf32, #tpu.memory_space<vmem>>, vector<16xf32>,
        %add3A_355 = arith.constant 2 : i32
        %add3A_356 = arith.addi %mul3A_58, %add3A_355 : i32
        %get3A_357 = arith.index_cast %add3A_356 : i32 to index
        %get3A_358 = arith.constant 80 : index
        %get3A_359 = tpu.vector_load %arg11[%get3A_357, %get3A_358] {strides = array<i32>} : memref<128x128xf32, #tpu.memory_space<vmem>>, vector<16xf32>,
        %sub3A_360 = arith.subf %get3A_354, %get3A_359 : vector<16xf32>
        %mul3A_361 = arith.mulf %sub3A_360, %sub3A_360 : vector<16xf32>
        %add3A_362 = arith.addf %add3A_349, %mul3A_361 : vector<16xf32>
        %add3A_363 = arith.constant 2 : i32
        %add3A_364 = arith.addi %mul3A_58, %add3A_363 : i32
        %get3A_365 = arith.index_cast %add3A_364 : i32 to index
        %get3A_366 = arith.constant 96 : index
        %get3A_367 = tpu.vector_load %arg10[%get3A_365, %get3A_366] {strides = array<i32>} : memref<128x128xf32, #tpu.memory_space<vmem>>, vector<16xf32>,
        %add3A_368 = arith.constant 2 : i32
        %add3A_369 = arith.addi %mul3A_58, %add3A_368 : i32
        %get3A_370 = arith.index_cast %add3A_369 : i32 to index
        %get3A_371 = arith.constant 96 : index
        %get3A_372 = tpu.vector_load %arg11[%get3A_370, %get3A_371] {strides = array<i32>} : memref<128x128xf32, #tpu.memory_space<vmem>>, vector<16xf32>,
        %sub3A_373 = arith.subf %get3A_367, %get3A_372 : vector<16xf32>
        %mul3A_374 = arith.mulf %sub3A_373, %sub3A_373 : vector<16xf32>
        %add3A_375 = arith.addf %add3A_362, %mul3A_374 : vector<16xf32>
        %add3A_376 = arith.constant 2 : i32
        %add3A_377 = arith.addi %mul3A_58, %add3A_376 : i32
        %get3A_378 = arith.index_cast %add3A_377 : i32 to index
        %get3A_379 = arith.constant 112 : index
        %get3A_380 = tpu.vector_load %arg10[%get3A_378, %get3A_379] {strides = array<i32>} : memref<128x128xf32, #tpu.memory_space<vmem>>, vector<16xf32>,
        %add3A_381 = arith.constant 2 : i32
        %add3A_382 = arith.addi %mul3A_58, %add3A_381 : i32
        %get3A_383 = arith.index_cast %add3A_382 : i32 to index
        %get3A_384 = arith.constant 112 : index
        %get3A_385 = tpu.vector_load %arg11[%get3A_383, %get3A_384] {strides = array<i32>} : memref<128x128xf32, #tpu.memory_space<vmem>>, vector<16xf32>,
        %sub3A_386 = arith.subf %get3A_380, %get3A_385 : vector<16xf32>
        %mul3A_387 = arith.mulf %sub3A_386, %sub3A_386 : vector<16xf32>
        %add3A_388 = arith.addf %add3A_375, %mul3A_387 : vector<16xf32>
        %broadcast_in_dim3A_389 = arith.constant 0.000000e+00 : f32
        %broadcast_in_dim3A_390 = vector.broadcast %broadcast_in_dim3A_389 : f32 to vector<16xf32>
        %reduce_sum3A_391 = arith.constant true
        %reduce_sum3A_392 = vector.broadcast %reduce_sum3A_391 : i1 to vector<16xi1>
        %reduce_sum3A_393 = tpu.scan <sum>, %add3A_388 masked %reduce_sum3A_392 : vector<16xf32>, vector<16xi1> -> vector<16xf32>
        %reduce_sum3A_394 = vector.extract %reduce_sum3A_393[15] : f32 from vector<16xf32>
        %add3A_395 = vector.broadcast %reduce_sum3A_394 : f32 to vector<16xf32>
        %add3A_396 = arith.addf %broadcast_in_dim3A_390, %add3A_395 : vector<16xf32>
        %eq3A_397 = arith.constant 2 : i32
        %eq3A_398 = vector.broadcast %eq3A_397 : i32 to vector<16xi32>
        %eq3A_399 = arith.cmpi eq, %iota3A, %eq3A_398 : vector<16xi32>
        %select_n3A_400 = arith.select %eq3A_399, %add3A_396, %select_n3A_285 : vector<16xi1>, vector<16xf32>
        %add3A_401 = arith.constant 3 : i32
        %add3A_402 = arith.addi %mul3A_58, %add3A_401 : i32
        %get3A_403 = arith.index_cast %add3A_402 : i32 to index
        %get3A_404 = arith.constant 0 : index
        %get3A_405 = tpu.vector_load %arg10[%get3A_403, %get3A_404] {strides = array<i32>} : memref<128x128xf32, #tpu.memory_space<vmem>>, vector<16xf32>,
        %add3A_406 = arith.constant 3 : i32
        %add3A_407 = arith.addi %mul3A_58, %add3A_406 : i32
        %get3A_408 = arith.index_cast %add3A_407 : i32 to index
        %get3A_409 = arith.constant 0 : index
        %get3A_410 = tpu.vector_load %arg11[%get3A_408, %get3A_409] {strides = array<i32>} : memref<128x128xf32, #tpu.memory_space<vmem>>, vector<16xf32>,
        %sub3A_411 = arith.subf %get3A_405, %get3A_410 : vector<16xf32>
        %mul3A_412 = arith.mulf %sub3A_411, %sub3A_411 : vector<16xf32>
        %add3A_413 = arith.constant 3 : i32
        %add3A_414 = arith.addi %mul3A_58, %add3A_413 : i32
        %get3A_415 = arith.index_cast %add3A_414 : i32 to index
        %get3A_416 = arith.constant 16 : index
        %get3A_417 = tpu.vector_load %arg10[%get3A_415, %get3A_416] {strides = array<i32>} : memref<128x128xf32, #tpu.memory_space<vmem>>, vector<16xf32>,
        %add3A_418 = arith.constant 3 : i32
        %add3A_419 = arith.addi %mul3A_58, %add3A_418 : i32
        %get3A_420 = arith.index_cast %add3A_419 : i32 to index
        %get3A_421 = arith.constant 16 : index
        %get3A_422 = tpu.vector_load %arg11[%get3A_420, %get3A_421] {strides = array<i32>} : memref<128x128xf32, #tpu.memory_space<vmem>>, vector<16xf32>,
        %sub3A_423 = arith.subf %get3A_417, %get3A_422 : vector<16xf32>
        %mul3A_424 = arith.mulf %sub3A_423, %sub3A_423 : vector<16xf32>
        %add3A_425 = arith.addf %mul3A_412, %mul3A_424 : vector<16xf32>
        %add3A_426 = arith.constant 3 : i32
        %add3A_427 = arith.addi %mul3A_58, %add3A_426 : i32
        %get3A_428 = arith.index_cast %add3A_427 : i32 to index
        %get3A_429 = arith.constant 32 : index
        %get3A_430 = tpu.vector_load %arg10[%get3A_428, %get3A_429] {strides = array<i32>} : memref<128x128xf32, #tpu.memory_space<vmem>>, vector<16xf32>,
        %add3A_431 = arith.constant 3 : i32
        %add3A_432 = arith.addi %mul3A_58, %add3A_431 : i32
        %get3A_433 = arith.index_cast %add3A_432 : i32 to index
        %get3A_434 = arith.constant 32 : index
        %get3A_435 = tpu.vector_load %arg11[%get3A_433, %get3A_434] {strides = array<i32>} : memref<128x128xf32, #tpu.memory_space<vmem>>, vector<16xf32>,
        %sub3A_436 = arith.subf %get3A_430, %get3A_435 : vector<16xf32>
        %mul3A_437 = arith.mulf %sub3A_436, %sub3A_436 : vector<16xf32>
        %add3A_438 = arith.addf %add3A_425, %mul3A_437 : vector<16xf32>
        %add3A_439 = arith.constant 3 : i32
        %add3A_440 = arith.addi %mul3A_58, %add3A_439 : i32
        %get3A_441 = arith.index_cast %add3A_440 : i32 to index
        %get3A_442 = arith.constant 48 : index
        %get3A_443 = tpu.vector_load %arg10[%get3A_441, %get3A_442] {strides = array<i32>} : memref<128x128xf32, #tpu.memory_space<vmem>>, vector<16xf32>,
        %add3A_444 = arith.constant 3 : i32
        %add3A_445 = arith.addi %mul3A_58, %add3A_444 : i32
        %get3A_446 = arith.index_cast %add3A_445 : i32 to index
        %get3A_447 = arith.constant 48 : index
        %get3A_448 = tpu.vector_load %arg11[%get3A_446, %get3A_447] {strides = array<i32>} : memref<128x128xf32, #tpu.memory_space<vmem>>, vector<16xf32>,
        %sub3A_449 = arith.subf %get3A_443, %get3A_448 : vector<16xf32>
        %mul3A_450 = arith.mulf %sub3A_449, %sub3A_449 : vector<16xf32>
        %add3A_451 = arith.addf %add3A_438, %mul3A_450 : vector<16xf32>
        %add3A_452 = arith.constant 3 : i32
        %add3A_453 = arith.addi %mul3A_58, %add3A_452 : i32
        %get3A_454 = arith.index_cast %add3A_453 : i32 to index
        %get3A_455 = arith.constant 64 : index
        %get3A_456 = tpu.vector_load %arg10[%get3A_454, %get3A_455] {strides = array<i32>} : memref<128x128xf32, #tpu.memory_space<vmem>>, vector<16xf32>,
        %add3A_457 = arith.constant 3 : i32
        %add3A_458 = arith.addi %mul3A_58, %add3A_457 : i32
        %get3A_459 = arith.index_cast %add3A_458 : i32 to index
        %get3A_460 = arith.constant 64 : index
        %get3A_461 = tpu.vector_load %arg11[%get3A_459, %get3A_460] {strides = array<i32>} : memref<128x128xf32, #tpu.memory_space<vmem>>, vector<16xf32>,
        %sub3A_462 = arith.subf %get3A_456, %get3A_461 : vector<16xf32>
        %mul3A_463 = arith.mulf %sub3A_462, %sub3A_462 : vector<16xf32>
        %add3A_464 = arith.addf %add3A_451, %mul3A_463 : vector<16xf32>
        %add3A_465 = arith.constant 3 : i32
        %add3A_466 = arith.addi %mul3A_58, %add3A_465 : i32
        %get3A_467 = arith.index_cast %add3A_466 : i32 to index
        %get3A_468 = arith.constant 80 : index
        %get3A_469 = tpu.vector_load %arg10[%get3A_467, %get3A_468] {strides = array<i32>} : memref<128x128xf32, #tpu.memory_space<vmem>>, vector<16xf32>,
        %add3A_470 = arith.constant 3 : i32
        %add3A_471 = arith.addi %mul3A_58, %add3A_470 : i32
        %get3A_472 = arith.index_cast %add3A_471 : i32 to index
        %get3A_473 = arith.constant 80 : index
        %get3A_474 = tpu.vector_load %arg11[%get3A_472, %get3A_473] {strides = array<i32>} : memref<128x128xf32, #tpu.memory_space<vmem>>, vector<16xf32>,
        %sub3A_475 = arith.subf %get3A_469, %get3A_474 : vector<16xf32>
        %mul3A_476 = arith.mulf %sub3A_475, %sub3A_475 : vector<16xf32>
        %add3A_477 = arith.addf %add3A_464, %mul3A_476 : vector<16xf32>
        %add3A_478 = arith.constant 3 : i32
        %add3A_479 = arith.addi %mul3A_58, %add3A_478 : i32
        %get3A_480 = arith.index_cast %add3A_479 : i32 to index
        %get3A_481 = arith.constant 96 : index
        %get3A_482 = tpu.vector_load %arg10[%get3A_480, %get3A_481] {strides = array<i32>} : memref<128x128xf32, #tpu.memory_space<vmem>>, vector<16xf32>,
        %add3A_483 = arith.constant 3 : i32
        %add3A_484 = arith.addi %mul3A_58, %add3A_483 : i32
        %get3A_485 = arith.index_cast %add3A_484 : i32 to index
        %get3A_486 = arith.constant 96 : index
        %get3A_487 = tpu.vector_load %arg11[%get3A_485, %get3A_486] {strides = array<i32>} : memref<128x128xf32, #tpu.memory_space<vmem>>, vector<16xf32>,
        %sub3A_488 = arith.subf %get3A_482, %get3A_487 : vector<16xf32>
        %mul3A_489 = arith.mulf %sub3A_488, %sub3A_488 : vector<16xf32>
        %add3A_490 = arith.addf %add3A_477, %mul3A_489 : vector<16xf32>
        %add3A_491 = arith.constant 3 : i32
        %add3A_492 = arith.addi %mul3A_58, %add3A_491 : i32
        %get3A_493 = arith.index_cast %add3A_492 : i32 to index
        %get3A_494 = arith.constant 112 : index
        %get3A_495 = tpu.vector_load %arg10[%get3A_493, %get3A_494] {strides = array<i32>} : memref<128x128xf32, #tpu.memory_space<vmem>>, vector<16xf32>,
        %add3A_496 = arith.constant 3 : i32
        %add3A_497 = arith.addi %mul3A_58, %add3A_496 : i32
        %get3A_498 = arith.index_cast %add3A_497 : i32 to index
        %get3A_499 = arith.constant 112 : index
        %get3A_500 = tpu.vector_load %arg11[%get3A_498, %get3A_499] {strides = array<i32>} : memref<128x128xf32, #tpu.memory_space<vmem>>, vector<16xf32>,
        %sub3A_501 = arith.subf %get3A_495, %get3A_500 : vector<16xf32>
        %mul3A_502 = arith.mulf %sub3A_501, %sub3A_501 : vector<16xf32>
        %add3A_503 = arith.addf %add3A_490, %mul3A_502 : vector<16xf32>
        %broadcast_in_dim3A_504 = arith.constant 0.000000e+00 : f32
        %broadcast_in_dim3A_505 = vector.broadcast %broadcast_in_dim3A_504 : f32 to vector<16xf32>
        %reduce_sum3A_506 = arith.constant true
        %reduce_sum3A_507 = vector.broadcast %reduce_sum3A_506 : i1 to vector<16xi1>
        %reduce_sum3A_508 = tpu.scan <sum>, %add3A_503 masked %reduce_sum3A_507 : vector<16xf32>, vector<16xi1> -> vector<16xf32>
        %reduce_sum3A_509 = vector.extract %reduce_sum3A_508[15] : f32 from vector<16xf32>
        %add3A_510 = vector.broadcast %reduce_sum3A_509 : f32 to vector<16xf32>
        %add3A_511 = arith.addf %broadcast_in_dim3A_505, %add3A_510 : vector<16xf32>
        %eq3A_512 = arith.constant 3 : i32
        %eq3A_513 = vector.broadcast %eq3A_512 : i32 to vector<16xi32>
        %eq3A_514 = arith.cmpi eq, %iota3A, %eq3A_513 : vector<16xi32>
        %select_n3A_515 = arith.select %eq3A_514, %add3A_511, %select_n3A_400 : vector<16xi1>, vector<16xf32>
        %add3A_516 = arith.constant 4 : i32
        %add3A_517 = arith.addi %mul3A_58, %add3A_516 : i32
        %get3A_518 = arith.index_cast %add3A_517 : i32 to index
        %get3A_519 = arith.constant 0 : index
        %get3A_520 = tpu.vector_load %arg10[%get3A_518, %get3A_519] {strides = array<i32>} : memref<128x128xf32, #tpu.memory_space<vmem>>, vector<16xf32>,
        %add3A_521 = arith.constant 4 : i32
        %add3A_522 = arith.addi %mul3A_58, %add3A_521 : i32
        %get3A_523 = arith.index_cast %add3A_522 : i32 to index
        %get3A_524 = arith.constant 0 : index
        %get3A_525 = tpu.vector_load %arg11[%get3A_523, %get3A_524] {strides = array<i32>} : memref<128x128xf32, #tpu.memory_space<vmem>>, vector<16xf32>,
        %sub3A_526 = arith.subf %get3A_520, %get3A_525 : vector<16xf32>
        %mul3A_527 = arith.mulf %sub3A_526, %sub3A_526 : vector<16xf32>
        %add3A_528 = arith.constant 4 : i32
        %add3A_529 = arith.addi %mul3A_58, %add3A_528 : i32
        %get3A_530 = arith.index_cast %add3A_529 : i32 to index
        %get3A_531 = arith.constant 16 : index
        %get3A_532 = tpu.vector_load %arg10[%get3A_530, %get3A_531] {strides = array<i32>} : memref<128x128xf32, #tpu.memory_space<vmem>>, vector<16xf32>,
        %add3A_533 = arith.constant 4 : i32
        %add3A_534 = arith.addi %mul3A_58, %add3A_533 : i32
        %get3A_535 = arith.index_cast %add3A_534 : i32 to index
        %get3A_536 = arith.constant 16 : index
        %get3A_537 = tpu.vector_load %arg11[%get3A_535, %get3A_536] {strides = array<i32>} : memref<128x128xf32, #tpu.memory_space<vmem>>, vector<16xf32>,
        %sub3A_538 = arith.subf %get3A_532, %get3A_537 : vector<16xf32>
        %mul3A_539 = arith.mulf %sub3A_538, %sub3A_538 : vector<16xf32>
        %add3A_540 = arith.addf %mul3A_527, %mul3A_539 : vector<16xf32>
        %add3A_541 = arith.constant 4 : i32
        %add3A_542 = arith.addi %mul3A_58, %add3A_541 : i32
        %get3A_543 = arith.index_cast %add3A_542 : i32 to index
        %get3A_544 = arith.constant 32 : index
        %get3A_545 = tpu.vector_load %arg10[%get3A_543, %get3A_544] {strides = array<i32>} : memref<128x128xf32, #tpu.memory_space<vmem>>, vector<16xf32>,
        %add3A_546 = arith.constant 4 : i32
        %add3A_547 = arith.addi %mul3A_58, %add3A_546 : i32
        %get3A_548 = arith.index_cast %add3A_547 : i32 to index
        %get3A_549 = arith.constant 32 : index
        %get3A_550 = tpu.vector_load %arg11[%get3A_548, %get3A_549] {strides = array<i32>} : memref<128x128xf32, #tpu.memory_space<vmem>>, vector<16xf32>,
        %sub3A_551 = arith.subf %get3A_545, %get3A_550 : vector<16xf32>
        %mul3A_552 = arith.mulf %sub3A_551, %sub3A_551 : vector<16xf32>
        %add3A_553 = arith.addf %add3A_540, %mul3A_552 : vector<16xf32>
        %add3A_554 = arith.constant 4 : i32
        %add3A_555 = arith.addi %mul3A_58, %add3A_554 : i32
        %get3A_556 = arith.index_cast %add3A_555 : i32 to index
        %get3A_557 = arith.constant 48 : index
        %get3A_558 = tpu.vector_load %arg10[%get3A_556, %get3A_557] {strides = array<i32>} : memref<128x128xf32, #tpu.memory_space<vmem>>, vector<16xf32>,
        %add3A_559 = arith.constant 4 : i32
        %add3A_560 = arith.addi %mul3A_58, %add3A_559 : i32
        %get3A_561 = arith.index_cast %add3A_560 : i32 to index
        %get3A_562 = arith.constant 48 : index
        %get3A_563 = tpu.vector_load %arg11[%get3A_561, %get3A_562] {strides = array<i32>} : memref<128x128xf32, #tpu.memory_space<vmem>>, vector<16xf32>,
        %sub3A_564 = arith.subf %get3A_558, %get3A_563 : vector<16xf32>
        %mul3A_565 = arith.mulf %sub3A_564, %sub3A_564 : vector<16xf32>
        %add3A_566 = arith.addf %add3A_553, %mul3A_565 : vector<16xf32>
        %add3A_567 = arith.constant 4 : i32
        %add3A_568 = arith.addi %mul3A_58, %add3A_567 : i32
        %get3A_569 = arith.index_cast %add3A_568 : i32 to index
        %get3A_570 = arith.constant 64 : index
        %get3A_571 = tpu.vector_load %arg10[%get3A_569, %get3A_570] {strides = array<i32>} : memref<128x128xf32, #tpu.memory_space<vmem>>, vector<16xf32>,
        %add3A_572 = arith.constant 4 : i32
        %add3A_573 = arith.addi %mul3A_58, %add3A_572 : i32
        %get3A_574 = arith.index_cast %add3A_573 : i32 to index
        %get3A_575 = arith.constant 64 : index
        %get3A_576 = tpu.vector_load %arg11[%get3A_574, %get3A_575] {strides = array<i32>} : memref<128x128xf32, #tpu.memory_space<vmem>>, vector<16xf32>,
        %sub3A_577 = arith.subf %get3A_571, %get3A_576 : vector<16xf32>
        %mul3A_578 = arith.mulf %sub3A_577, %sub3A_577 : vector<16xf32>
        %add3A_579 = arith.addf %add3A_566, %mul3A_578 : vector<16xf32>
        %add3A_580 = arith.constant 4 : i32
        %add3A_581 = arith.addi %mul3A_58, %add3A_580 : i32
        %get3A_582 = arith.index_cast %add3A_581 : i32 to index
        %get3A_583 = arith.constant 80 : index
        %get3A_584 = tpu.vector_load %arg10[%get3A_582, %get3A_583] {strides = array<i32>} : memref<128x128xf32, #tpu.memory_space<vmem>>, vector<16xf32>,
        %add3A_585 = arith.constant 4 : i32
        %add3A_586 = arith.addi %mul3A_58, %add3A_585 : i32
        %get3A_587 = arith.index_cast %add3A_586 : i32 to index
        %get3A_588 = arith.constant 80 : index
        %get3A_589 = tpu.vector_load %arg11[%get3A_587, %get3A_588] {strides = array<i32>} : memref<128x128xf32, #tpu.memory_space<vmem>>, vector<16xf32>,
        %sub3A_590 = arith.subf %get3A_584, %get3A_589 : vector<16xf32>
        %mul3A_591 = arith.mulf %sub3A_590, %sub3A_590 : vector<16xf32>
        %add3A_592 = arith.addf %add3A_579, %mul3A_591 : vector<16xf32>
        %add3A_593 = arith.constant 4 : i32
        %add3A_594 = arith.addi %mul3A_58, %add3A_593 : i32
        %get3A_595 = arith.index_cast %add3A_594 : i32 to index
        %get3A_596 = arith.constant 96 : index
        %get3A_597 = tpu.vector_load %arg10[%get3A_595, %get3A_596] {strides = array<i32>} : memref<128x128xf32, #tpu.memory_space<vmem>>, vector<16xf32>,
        %add3A_598 = arith.constant 4 : i32
        %add3A_599 = arith.addi %mul3A_58, %add3A_598 : i32
        %get3A_600 = arith.index_cast %add3A_599 : i32 to index
        %get3A_601 = arith.constant 96 : index
        %get3A_602 = tpu.vector_load %arg11[%get3A_600, %get3A_601] {strides = array<i32>} : memref<128x128xf32, #tpu.memory_space<vmem>>, vector<16xf32>,
        %sub3A_603 = arith.subf %get3A_597, %get3A_602 : vector<16xf32>
        %mul3A_604 = arith.mulf %sub3A_603, %sub3A_603 : vector<16xf32>
        %add3A_605 = arith.addf %add3A_592, %mul3A_604 : vector<16xf32>
        %add3A_606 = arith.constant 4 : i32
        %add3A_607 = arith.addi %mul3A_58, %add3A_606 : i32
        %get3A_608 = arith.index_cast %add3A_607 : i32 to index
        %get3A_609 = arith.constant 112 : index
        %get3A_610 = tpu.vector_load %arg10[%get3A_608, %get3A_609] {strides = array<i32>} : memref<128x128xf32, #tpu.memory_space<vmem>>, vector<16xf32>,
        %add3A_611 = arith.constant 4 : i32
        %add3A_612 = arith.addi %mul3A_58, %add3A_611 : i32
        %get3A_613 = arith.index_cast %add3A_612 : i32 to index
        %get3A_614 = arith.constant 112 : index
        %get3A_615 = tpu.vector_load %arg11[%get3A_613, %get3A_614] {strides = array<i32>} : memref<128x128xf32, #tpu.memory_space<vmem>>, vector<16xf32>,
        %sub3A_616 = arith.subf %get3A_610, %get3A_615 : vector<16xf32>
        %mul3A_617 = arith.mulf %sub3A_616, %sub3A_616 : vector<16xf32>
        %add3A_618 = arith.addf %add3A_605, %mul3A_617 : vector<16xf32>
        %broadcast_in_dim3A_619 = arith.constant 0.000000e+00 : f32
        %broadcast_in_dim3A_620 = vector.broadcast %broadcast_in_dim3A_619 : f32 to vector<16xf32>
        %reduce_sum3A_621 = arith.constant true
        %reduce_sum3A_622 = vector.broadcast %reduce_sum3A_621 : i1 to vector<16xi1>
        %reduce_sum3A_623 = tpu.scan <sum>, %add3A_618 masked %reduce_sum3A_622 : vector<16xf32>, vector<16xi1> -> vector<16xf32>
        %reduce_sum3A_624 = vector.extract %reduce_sum3A_623[15] : f32 from vector<16xf32>
        %add3A_625 = vector.broadcast %reduce_sum3A_624 : f32 to vector<16xf32>
        %add3A_626 = arith.addf %broadcast_in_dim3A_620, %add3A_625 : vector<16xf32>
        %eq3A_627 = arith.constant 4 : i32
        %eq3A_628 = vector.broadcast %eq3A_627 : i32 to vector<16xi32>
        %eq3A_629 = arith.cmpi eq, %iota3A, %eq3A_628 : vector<16xi32>
        %select_n3A_630 = arith.select %eq3A_629, %add3A_626, %select_n3A_515 : vector<16xi1>, vector<16xf32>
        %add3A_631 = arith.constant 5 : i32
        %add3A_632 = arith.addi %mul3A_58, %add3A_631 : i32
        %get3A_633 = arith.index_cast %add3A_632 : i32 to index
        %get3A_634 = arith.constant 0 : index
        %get3A_635 = tpu.vector_load %arg10[%get3A_633, %get3A_634] {strides = array<i32>} : memref<128x128xf32, #tpu.memory_space<vmem>>, vector<16xf32>,
        %add3A_636 = arith.constant 5 : i32
        %add3A_637 = arith.addi %mul3A_58, %add3A_636 : i32
        %get3A_638 = arith.index_cast %add3A_637 : i32 to index
        %get3A_639 = arith.constant 0 : index
        %get3A_640 = tpu.vector_load %arg11[%get3A_638, %get3A_639] {strides = array<i32>} : memref<128x128xf32, #tpu.memory_space<vmem>>, vector<16xf32>,
        %sub3A_641 = arith.subf %get3A_635, %get3A_640 : vector<16xf32>
        %mul3A_642 = arith.mulf %sub3A_641, %sub3A_641 : vector<16xf32>
        %add3A_643 = arith.constant 5 : i32
        %add3A_644 = arith.addi %mul3A_58, %add3A_643 : i32
        %get3A_645 = arith.index_cast %add3A_644 : i32 to index
        %get3A_646 = arith.constant 16 : index
        %get3A_647 = tpu.vector_load %arg10[%get3A_645, %get3A_646] {strides = array<i32>} : memref<128x128xf32, #tpu.memory_space<vmem>>, vector<16xf32>,
        %add3A_648 = arith.constant 5 : i32
        %add3A_649 = arith.addi %mul3A_58, %add3A_648 : i32
        %get3A_650 = arith.index_cast %add3A_649 : i32 to index
        %get3A_651 = arith.constant 16 : index
        %get3A_652 = tpu.vector_load %arg11[%get3A_650, %get3A_651] {strides = array<i32>} : memref<128x128xf32, #tpu.memory_space<vmem>>, vector<16xf32>,
        %sub3A_653 = arith.subf %get3A_647, %get3A_652 : vector<16xf32>
        %mul3A_654 = arith.mulf %sub3A_653, %sub3A_653 : vector<16xf32>
        %add3A_655 = arith.addf %mul3A_642, %mul3A_654 : vector<16xf32>
        %add3A_656 = arith.constant 5 : i32
        %add3A_657 = arith.addi %mul3A_58, %add3A_656 : i32
        %get3A_658 = arith.index_cast %add3A_657 : i32 to index
        %get3A_659 = arith.constant 32 : index
        %get3A_660 = tpu.vector_load %arg10[%get3A_658, %get3A_659] {strides = array<i32>} : memref<128x128xf32, #tpu.memory_space<vmem>>, vector<16xf32>,
        %add3A_661 = arith.constant 5 : i32
        %add3A_662 = arith.addi %mul3A_58, %add3A_661 : i32
        %get3A_663 = arith.index_cast %add3A_662 : i32 to index
        %get3A_664 = arith.constant 32 : index
        %get3A_665 = tpu.vector_load %arg11[%get3A_663, %get3A_664] {strides = array<i32>} : memref<128x128xf32, #tpu.memory_space<vmem>>, vector<16xf32>,
        %sub3A_666 = arith.subf %get3A_660, %get3A_665 : vector<16xf32>
        %mul3A_667 = arith.mulf %sub3A_666, %sub3A_666 : vector<16xf32>
        %add3A_668 = arith.addf %add3A_655, %mul3A_667 : vector<16xf32>
        %add3A_669 = arith.constant 5 : i32
        %add3A_670 = arith.addi %mul3A_58, %add3A_669 : i32
        %get3A_671 = arith.index_cast %add3A_670 : i32 to index
        %get3A_672 = arith.constant 48 : index
        %get3A_673 = tpu.vector_load %arg10[%get3A_671, %get3A_672] {strides = array<i32>} : memref<128x128xf32, #tpu.memory_space<vmem>>, vector<16xf32>,
        %add3A_674 = arith.constant 5 : i32
        %add3A_675 = arith.addi %mul3A_58, %add3A_674 : i32
        %get3A_676 = arith.index_cast %add3A_675 : i32 to index
        %get3A_677 = arith.constant 48 : index
        %get3A_678 = tpu.vector_load %arg11[%get3A_676, %get3A_677] {strides = array<i32>} : memref<128x128xf32, #tpu.memory_space<vmem>>, vector<16xf32>,
        %sub3A_679 = arith.subf %get3A_673, %get3A_678 : vector<16xf32>
        %mul3A_680 = arith.mulf %sub3A_679, %sub3A_679 : vector<16xf32>
        %add3A_681 = arith.addf %add3A_668, %mul3A_680 : vector<16xf32>
        %add3A_682 = arith.constant 5 : i32
        %add3A_683 = arith.addi %mul3A_58, %add3A_682 : i32
        %get3A_684 = arith.index_cast %add3A_683 : i32 to index
        %get3A_685 = arith.constant 64 : index
        %get3A_686 = tpu.vector_load %arg10[%get3A_684, %get3A_685] {strides = array<i32>} : memref<128x128xf32, #tpu.memory_space<vmem>>, vector<16xf32>,
        %add3A_687 = arith.constant 5 : i32
        %add3A_688 = arith.addi %mul3A_58, %add3A_687 : i32
        %get3A_689 = arith.index_cast %add3A_688 : i32 to index
        %get3A_690 = arith.constant 64 : index
        %get3A_691 = tpu.vector_load %arg11[%get3A_689, %get3A_690] {strides = array<i32>} : memref<128x128xf32, #tpu.memory_space<vmem>>, vector<16xf32>,
        %sub3A_692 = arith.subf %get3A_686, %get3A_691 : vector<16xf32>
        %mul3A_693 = arith.mulf %sub3A_692, %sub3A_692 : vector<16xf32>
        %add3A_694 = arith.addf %add3A_681, %mul3A_693 : vector<16xf32>
        %add3A_695 = arith.constant 5 : i32
        %add3A_696 = arith.addi %mul3A_58, %add3A_695 : i32
        %get3A_697 = arith.index_cast %add3A_696 : i32 to index
        %get3A_698 = arith.constant 80 : index
        %get3A_699 = tpu.vector_load %arg10[%get3A_697, %get3A_698] {strides = array<i32>} : memref<128x128xf32, #tpu.memory_space<vmem>>, vector<16xf32>,
        %add3A_700 = arith.constant 5 : i32
        %add3A_701 = arith.addi %mul3A_58, %add3A_700 : i32
        %get3A_702 = arith.index_cast %add3A_701 : i32 to index
        %get3A_703 = arith.constant 80 : index
        %get3A_704 = tpu.vector_load %arg11[%get3A_702, %get3A_703] {strides = array<i32>} : memref<128x128xf32, #tpu.memory_space<vmem>>, vector<16xf32>,
        %sub3A_705 = arith.subf %get3A_699, %get3A_704 : vector<16xf32>
        %mul3A_706 = arith.mulf %sub3A_705, %sub3A_705 : vector<16xf32>
        %add3A_707 = arith.addf %add3A_694, %mul3A_706 : vector<16xf32>
        %add3A_708 = arith.constant 5 : i32
        %add3A_709 = arith.addi %mul3A_58, %add3A_708 : i32
        %get3A_710 = arith.index_cast %add3A_709 : i32 to index
        %get3A_711 = arith.constant 96 : index
        %get3A_712 = tpu.vector_load %arg10[%get3A_710, %get3A_711] {strides = array<i32>} : memref<128x128xf32, #tpu.memory_space<vmem>>, vector<16xf32>,
        %add3A_713 = arith.constant 5 : i32
        %add3A_714 = arith.addi %mul3A_58, %add3A_713 : i32
        %get3A_715 = arith.index_cast %add3A_714 : i32 to index
        %get3A_716 = arith.constant 96 : index
        %get3A_717 = tpu.vector_load %arg11[%get3A_715, %get3A_716] {strides = array<i32>} : memref<128x128xf32, #tpu.memory_space<vmem>>, vector<16xf32>,
        %sub3A_718 = arith.subf %get3A_712, %get3A_717 : vector<16xf32>
        %mul3A_719 = arith.mulf %sub3A_718, %sub3A_718 : vector<16xf32>
        %add3A_720 = arith.addf %add3A_707, %mul3A_719 : vector<16xf32>
        %add3A_721 = arith.constant 5 : i32
        %add3A_722 = arith.addi %mul3A_58, %add3A_721 : i32
        %get3A_723 = arith.index_cast %add3A_722 : i32 to index
        %get3A_724 = arith.constant 112 : index
        %get3A_725 = tpu.vector_load %arg10[%get3A_723, %get3A_724] {strides = array<i32>} : memref<128x128xf32, #tpu.memory_space<vmem>>, vector<16xf32>,
        %add3A_726 = arith.constant 5 : i32
        %add3A_727 = arith.addi %mul3A_58, %add3A_726 : i32
        %get3A_728 = arith.index_cast %add3A_727 : i32 to index
        %get3A_729 = arith.constant 112 : index
        %get3A_730 = tpu.vector_load %arg11[%get3A_728, %get3A_729] {strides = array<i32>} : memref<128x128xf32, #tpu.memory_space<vmem>>, vector<16xf32>,
        %sub3A_731 = arith.subf %get3A_725, %get3A_730 : vector<16xf32>
        %mul3A_732 = arith.mulf %sub3A_731, %sub3A_731 : vector<16xf32>
        %add3A_733 = arith.addf %add3A_720, %mul3A_732 : vector<16xf32>
        %broadcast_in_dim3A_734 = arith.constant 0.000000e+00 : f32
        %broadcast_in_dim3A_735 = vector.broadcast %broadcast_in_dim3A_734 : f32 to vector<16xf32>
        %reduce_sum3A_736 = arith.constant true
        %reduce_sum3A_737 = vector.broadcast %reduce_sum3A_736 : i1 to vector<16xi1>
        %reduce_sum3A_738 = tpu.scan <sum>, %add3A_733 masked %reduce_sum3A_737 : vector<16xf32>, vector<16xi1> -> vector<16xf32>
        %reduce_sum3A_739 = vector.extract %reduce_sum3A_738[15] : f32 from vector<16xf32>
        %add3A_740 = vector.broadcast %reduce_sum3A_739 : f32 to vector<16xf32>
        %add3A_741 = arith.addf %broadcast_in_dim3A_735, %add3A_740 : vector<16xf32>
        %eq3A_742 = arith.constant 5 : i32
        %eq3A_743 = vector.broadcast %eq3A_742 : i32 to vector<16xi32>
        %eq3A_744 = arith.cmpi eq, %iota3A, %eq3A_743 : vector<16xi32>
        %select_n3A_745 = arith.select %eq3A_744, %add3A_741, %select_n3A_630 : vector<16xi1>, vector<16xf32>
        %add3A_746 = arith.constant 6 : i32
        %add3A_747 = arith.addi %mul3A_58, %add3A_746 : i32
        %get3A_748 = arith.index_cast %add3A_747 : i32 to index
        %get3A_749 = arith.constant 0 : index
        %get3A_750 = tpu.vector_load %arg10[%get3A_748, %get3A_749] {strides = array<i32>} : memref<128x128xf32, #tpu.memory_space<vmem>>, vector<16xf32>,
        %add3A_751 = arith.constant 6 : i32
        %add3A_752 = arith.addi %mul3A_58, %add3A_751 : i32
        %get3A_753 = arith.index_cast %add3A_752 : i32 to index
        %get3A_754 = arith.constant 0 : index
        %get3A_755 = tpu.vector_load %arg11[%get3A_753, %get3A_754] {strides = array<i32>} : memref<128x128xf32, #tpu.memory_space<vmem>>, vector<16xf32>,
        %sub3A_756 = arith.subf %get3A_750, %get3A_755 : vector<16xf32>
        %mul3A_757 = arith.mulf %sub3A_756, %sub3A_756 : vector<16xf32>
        %add3A_758 = arith.constant 6 : i32
        %add3A_759 = arith.addi %mul3A_58, %add3A_758 : i32
        %get3A_760 = arith.index_cast %add3A_759 : i32 to index
        %get3A_761 = arith.constant 16 : index
        %get3A_762 = tpu.vector_load %arg10[%get3A_760, %get3A_761] {strides = array<i32>} : memref<128x128xf32, #tpu.memory_space<vmem>>, vector<16xf32>,
        %add3A_763 = arith.constant 6 : i32
        %add3A_764 = arith.addi %mul3A_58, %add3A_763 : i32
        %get3A_765 = arith.index_cast %add3A_764 : i32 to index
        %get3A_766 = arith.constant 16 : index
        %get3A_767 = tpu.vector_load %arg11[%get3A_765, %get3A_766] {strides = array<i32>} : memref<128x128xf32, #tpu.memory_space<vmem>>, vector<16xf32>,
        %sub3A_768 = arith.subf %get3A_762, %get3A_767 : vector<16xf32>
        %mul3A_769 = arith.mulf %sub3A_768, %sub3A_768 : vector<16xf32>
        %add3A_770 = arith.addf %mul3A_757, %mul3A_769 : vector<16xf32>
        %add3A_771 = arith.constant 6 : i32
        %add3A_772 = arith.addi %mul3A_58, %add3A_771 : i32
        %get3A_773 = arith.index_cast %add3A_772 : i32 to index
        %get3A_774 = arith.constant 32 : index
        %get3A_775 = tpu.vector_load %arg10[%get3A_773, %get3A_774] {strides = array<i32>} : memref<128x128xf32, #tpu.memory_space<vmem>>, vector<16xf32>,
        %add3A_776 = arith.constant 6 : i32
        %add3A_777 = arith.addi %mul3A_58, %add3A_776 : i32
        %get3A_778 = arith.index_cast %add3A_777 : i32 to index
        %get3A_779 = arith.constant 32 : index
        %get3A_780 = tpu.vector_load %arg11[%get3A_778, %get3A_779] {strides = array<i32>} : memref<128x128xf32, #tpu.memory_space<vmem>>, vector<16xf32>,
        %sub3A_781 = arith.subf %get3A_775, %get3A_780 : vector<16xf32>
        %mul3A_782 = arith.mulf %sub3A_781, %sub3A_781 : vector<16xf32>
        %add3A_783 = arith.addf %add3A_770, %mul3A_782 : vector<16xf32>
        %add3A_784 = arith.constant 6 : i32
        %add3A_785 = arith.addi %mul3A_58, %add3A_784 : i32
        %get3A_786 = arith.index_cast %add3A_785 : i32 to index
        %get3A_787 = arith.constant 48 : index
        %get3A_788 = tpu.vector_load %arg10[%get3A_786, %get3A_787] {strides = array<i32>} : memref<128x128xf32, #tpu.memory_space<vmem>>, vector<16xf32>,
        %add3A_789 = arith.constant 6 : i32
        %add3A_790 = arith.addi %mul3A_58, %add3A_789 : i32
        %get3A_791 = arith.index_cast %add3A_790 : i32 to index
        %get3A_792 = arith.constant 48 : index
        %get3A_793 = tpu.vector_load %arg11[%get3A_791, %get3A_792] {strides = array<i32>} : memref<128x128xf32, #tpu.memory_space<vmem>>, vector<16xf32>,
        %sub3A_794 = arith.subf %get3A_788, %get3A_793 : vector<16xf32>
        %mul3A_795 = arith.mulf %sub3A_794, %sub3A_794 : vector<16xf32>
        %add3A_796 = arith.addf %add3A_783, %mul3A_795 : vector<16xf32>
        %add3A_797 = arith.constant 6 : i32
        %add3A_798 = arith.addi %mul3A_58, %add3A_797 : i32
        %get3A_799 = arith.index_cast %add3A_798 : i32 to index
        %get3A_800 = arith.constant 64 : index
        %get3A_801 = tpu.vector_load %arg10[%get3A_799, %get3A_800] {strides = array<i32>} : memref<128x128xf32, #tpu.memory_space<vmem>>, vector<16xf32>,
        %add3A_802 = arith.constant 6 : i32
        %add3A_803 = arith.addi %mul3A_58, %add3A_802 : i32
        %get3A_804 = arith.index_cast %add3A_803 : i32 to index
        %get3A_805 = arith.constant 64 : index
        %get3A_806 = tpu.vector_load %arg11[%get3A_804, %get3A_805] {strides = array<i32>} : memref<128x128xf32, #tpu.memory_space<vmem>>, vector<16xf32>,
        %sub3A_807 = arith.subf %get3A_801, %get3A_806 : vector<16xf32>
        %mul3A_808 = arith.mulf %sub3A_807, %sub3A_807 : vector<16xf32>
        %add3A_809 = arith.addf %add3A_796, %mul3A_808 : vector<16xf32>
        %add3A_810 = arith.constant 6 : i32
        %add3A_811 = arith.addi %mul3A_58, %add3A_810 : i32
        %get3A_812 = arith.index_cast %add3A_811 : i32 to index
        %get3A_813 = arith.constant 80 : index
        %get3A_814 = tpu.vector_load %arg10[%get3A_812, %get3A_813] {strides = array<i32>} : memref<128x128xf32, #tpu.memory_space<vmem>>, vector<16xf32>,
        %add3A_815 = arith.constant 6 : i32
        %add3A_816 = arith.addi %mul3A_58, %add3A_815 : i32
        %get3A_817 = arith.index_cast %add3A_816 : i32 to index
        %get3A_818 = arith.constant 80 : index
        %get3A_819 = tpu.vector_load %arg11[%get3A_817, %get3A_818] {strides = array<i32>} : memref<128x128xf32, #tpu.memory_space<vmem>>, vector<16xf32>,
        %sub3A_820 = arith.subf %get3A_814, %get3A_819 : vector<16xf32>
        %mul3A_821 = arith.mulf %sub3A_820, %sub3A_820 : vector<16xf32>
        %add3A_822 = arith.addf %add3A_809, %mul3A_821 : vector<16xf32>
        %add3A_823 = arith.constant 6 : i32
        %add3A_824 = arith.addi %mul3A_58, %add3A_823 : i32
        %get3A_825 = arith.index_cast %add3A_824 : i32 to index
        %get3A_826 = arith.constant 96 : index
        %get3A_827 = tpu.vector_load %arg10[%get3A_825, %get3A_826] {strides = array<i32>} : memref<128x128xf32, #tpu.memory_space<vmem>>, vector<16xf32>,
        %add3A_828 = arith.constant 6 : i32
        %add3A_829 = arith.addi %mul3A_58, %add3A_828 : i32
        %get3A_830 = arith.index_cast %add3A_829 : i32 to index
        %get3A_831 = arith.constant 96 : index
        %get3A_832 = tpu.vector_load %arg11[%get3A_830, %get3A_831] {strides = array<i32>} : memref<128x128xf32, #tpu.memory_space<vmem>>, vector<16xf32>,
        %sub3A_833 = arith.subf %get3A_827, %get3A_832 : vector<16xf32>
        %mul3A_834 = arith.mulf %sub3A_833, %sub3A_833 : vector<16xf32>
        %add3A_835 = arith.addf %add3A_822, %mul3A_834 : vector<16xf32>
        %add3A_836 = arith.constant 6 : i32
        %add3A_837 = arith.addi %mul3A_58, %add3A_836 : i32
        %get3A_838 = arith.index_cast %add3A_837 : i32 to index
        %get3A_839 = arith.constant 112 : index
        %get3A_840 = tpu.vector_load %arg10[%get3A_838, %get3A_839] {strides = array<i32>} : memref<128x128xf32, #tpu.memory_space<vmem>>, vector<16xf32>,
        %add3A_841 = arith.constant 6 : i32
        %add3A_842 = arith.addi %mul3A_58, %add3A_841 : i32
        %get3A_843 = arith.index_cast %add3A_842 : i32 to index
        %get3A_844 = arith.constant 112 : index
        %get3A_845 = tpu.vector_load %arg11[%get3A_843, %get3A_844] {strides = array<i32>} : memref<128x128xf32, #tpu.memory_space<vmem>>, vector<16xf32>,
        %sub3A_846 = arith.subf %get3A_840, %get3A_845 : vector<16xf32>
        %mul3A_847 = arith.mulf %sub3A_846, %sub3A_846 : vector<16xf32>
        %add3A_848 = arith.addf %add3A_835, %mul3A_847 : vector<16xf32>
        %broadcast_in_dim3A_849 = arith.constant 0.000000e+00 : f32
        %broadcast_in_dim3A_850 = vector.broadcast %broadcast_in_dim3A_849 : f32 to vector<16xf32>
        %reduce_sum3A_851 = arith.constant true
        %reduce_sum3A_852 = vector.broadcast %reduce_sum3A_851 : i1 to vector<16xi1>
        %reduce_sum3A_853 = tpu.scan <sum>, %add3A_848 masked %reduce_sum3A_852 : vector<16xf32>, vector<16xi1> -> vector<16xf32>
        %reduce_sum3A_854 = vector.extract %reduce_sum3A_853[15] : f32 from vector<16xf32>
        %add3A_855 = vector.broadcast %reduce_sum3A_854 : f32 to vector<16xf32>
        %add3A_856 = arith.addf %broadcast_in_dim3A_850, %add3A_855 : vector<16xf32>
        %eq3A_857 = arith.constant 6 : i32
        %eq3A_858 = vector.broadcast %eq3A_857 : i32 to vector<16xi32>
        %eq3A_859 = arith.cmpi eq, %iota3A, %eq3A_858 : vector<16xi32>
        %select_n3A_860 = arith.select %eq3A_859, %add3A_856, %select_n3A_745 : vector<16xi1>, vector<16xf32>
        %add3A_861 = arith.constant 7 : i32
        %add3A_862 = arith.addi %mul3A_58, %add3A_861 : i32
        %get3A_863 = arith.index_cast %add3A_862 : i32 to index
        %get3A_864 = arith.constant 0 : index
        %get3A_865 = tpu.vector_load %arg10[%get3A_863, %get3A_864] {strides = array<i32>} : memref<128x128xf32, #tpu.memory_space<vmem>>, vector<16xf32>,
        %add3A_866 = arith.constant 7 : i32
        %add3A_867 = arith.addi %mul3A_58, %add3A_866 : i32
        %get3A_868 = arith.index_cast %add3A_867 : i32 to index
        %get3A_869 = arith.constant 0 : index
        %get3A_870 = tpu.vector_load %arg11[%get3A_868, %get3A_869] {strides = array<i32>} : memref<128x128xf32, #tpu.memory_space<vmem>>, vector<16xf32>,
        %sub3A_871 = arith.subf %get3A_865, %get3A_870 : vector<16xf32>
        %mul3A_872 = arith.mulf %sub3A_871, %sub3A_871 : vector<16xf32>
        %add3A_873 = arith.constant 7 : i32
        %add3A_874 = arith.addi %mul3A_58, %add3A_873 : i32
        %get3A_875 = arith.index_cast %add3A_874 : i32 to index
        %get3A_876 = arith.constant 16 : index
        %get3A_877 = tpu.vector_load %arg10[%get3A_875, %get3A_876] {strides = array<i32>} : memref<128x128xf32, #tpu.memory_space<vmem>>, vector<16xf32>,
        %add3A_878 = arith.constant 7 : i32
        %add3A_879 = arith.addi %mul3A_58, %add3A_878 : i32
        %get3A_880 = arith.index_cast %add3A_879 : i32 to index
        %get3A_881 = arith.constant 16 : index
        %get3A_882 = tpu.vector_load %arg11[%get3A_880, %get3A_881] {strides = array<i32>} : memref<128x128xf32, #tpu.memory_space<vmem>>, vector<16xf32>,
        %sub3A_883 = arith.subf %get3A_877, %get3A_882 : vector<16xf32>
        %mul3A_884 = arith.mulf %sub3A_883, %sub3A_883 : vector<16xf32>
        %add3A_885 = arith.addf %mul3A_872, %mul3A_884 : vector<16xf32>
        %add3A_886 = arith.constant 7 : i32
        %add3A_887 = arith.addi %mul3A_58, %add3A_886 : i32
        %get3A_888 = arith.index_cast %add3A_887 : i32 to index
        %get3A_889 = arith.constant 32 : index
        %get3A_890 = tpu.vector_load %arg10[%get3A_888, %get3A_889] {strides = array<i32>} : memref<128x128xf32, #tpu.memory_space<vmem>>, vector<16xf32>,
        %add3A_891 = arith.constant 7 : i32
        %add3A_892 = arith.addi %mul3A_58, %add3A_891 : i32
        %get3A_893 = arith.index_cast %add3A_892 : i32 to index
        %get3A_894 = arith.constant 32 : index
        %get3A_895 = tpu.vector_load %arg11[%get3A_893, %get3A_894] {strides = array<i32>} : memref<128x128xf32, #tpu.memory_space<vmem>>, vector<16xf32>,
        %sub3A_896 = arith.subf %get3A_890, %get3A_895 : vector<16xf32>
        %mul3A_897 = arith.mulf %sub3A_896, %sub3A_896 : vector<16xf32>
        %add3A_898 = arith.addf %add3A_885, %mul3A_897 : vector<16xf32>
        %add3A_899 = arith.constant 7 : i32
        %add3A_900 = arith.addi %mul3A_58, %add3A_899 : i32
        %get3A_901 = arith.index_cast %add3A_900 : i32 to index
        %get3A_902 = arith.constant 48 : index
        %get3A_903 = tpu.vector_load %arg10[%get3A_901, %get3A_902] {strides = array<i32>} : memref<128x128xf32, #tpu.memory_space<vmem>>, vector<16xf32>,
        %add3A_904 = arith.constant 7 : i32
        %add3A_905 = arith.addi %mul3A_58, %add3A_904 : i32
        %get3A_906 = arith.index_cast %add3A_905 : i32 to index
        %get3A_907 = arith.constant 48 : index
        %get3A_908 = tpu.vector_load %arg11[%get3A_906, %get3A_907] {strides = array<i32>} : memref<128x128xf32, #tpu.memory_space<vmem>>, vector<16xf32>,
        %sub3A_909 = arith.subf %get3A_903, %get3A_908 : vector<16xf32>
        %mul3A_910 = arith.mulf %sub3A_909, %sub3A_909 : vector<16xf32>
        %add3A_911 = arith.addf %add3A_898, %mul3A_910 : vector<16xf32>
        %add3A_912 = arith.constant 7 : i32
        %add3A_913 = arith.addi %mul3A_58, %add3A_912 : i32
        %get3A_914 = arith.index_cast %add3A_913 : i32 to index
        %get3A_915 = arith.constant 64 : index
        %get3A_916 = tpu.vector_load %arg10[%get3A_914, %get3A_915] {strides = array<i32>} : memref<128x128xf32, #tpu.memory_space<vmem>>, vector<16xf32>,
        %add3A_917 = arith.constant 7 : i32
        %add3A_918 = arith.addi %mul3A_58, %add3A_917 : i32
        %get3A_919 = arith.index_cast %add3A_918 : i32 to index
        %get3A_920 = arith.constant 64 : index
        %get3A_921 = tpu.vector_load %arg11[%get3A_919, %get3A_920] {strides = array<i32>} : memref<128x128xf32, #tpu.memory_space<vmem>>, vector<16xf32>,
        %sub3A_922 = arith.subf %get3A_916, %get3A_921 : vector<16xf32>
        %mul3A_923 = arith.mulf %sub3A_922, %sub3A_922 : vector<16xf32>
        %add3A_924 = arith.addf %add3A_911, %mul3A_923 : vector<16xf32>
        %add3A_925 = arith.constant 7 : i32
        %add3A_926 = arith.addi %mul3A_58, %add3A_925 : i32
        %get3A_927 = arith.index_cast %add3A_926 : i32 to index
        %get3A_928 = arith.constant 80 : index
        %get3A_929 = tpu.vector_load %arg10[%get3A_927, %get3A_928] {strides = array<i32>} : memref<128x128xf32, #tpu.memory_space<vmem>>, vector<16xf32>,
        %add3A_930 = arith.constant 7 : i32
        %add3A_931 = arith.addi %mul3A_58, %add3A_930 : i32
        %get3A_932 = arith.index_cast %add3A_931 : i32 to index
        %get3A_933 = arith.constant 80 : index
        %get3A_934 = tpu.vector_load %arg11[%get3A_932, %get3A_933] {strides = array<i32>} : memref<128x128xf32, #tpu.memory_space<vmem>>, vector<16xf32>,
        %sub3A_935 = arith.subf %get3A_929, %get3A_934 : vector<16xf32>
        %mul3A_936 = arith.mulf %sub3A_935, %sub3A_935 : vector<16xf32>
        %add3A_937 = arith.addf %add3A_924, %mul3A_936 : vector<16xf32>
        %add3A_938 = arith.constant 7 : i32
        %add3A_939 = arith.addi %mul3A_58, %add3A_938 : i32
        %get3A_940 = arith.index_cast %add3A_939 : i32 to index
        %get3A_941 = arith.constant 96 : index
        %get3A_942 = tpu.vector_load %arg10[%get3A_940, %get3A_941] {strides = array<i32>} : memref<128x128xf32, #tpu.memory_space<vmem>>, vector<16xf32>,
        %add3A_943 = arith.constant 7 : i32
        %add3A_944 = arith.addi %mul3A_58, %add3A_943 : i32
        %get3A_945 = arith.index_cast %add3A_944 : i32 to index
        %get3A_946 = arith.constant 96 : index
        %get3A_947 = tpu.vector_load %arg11[%get3A_945, %get3A_946] {strides = array<i32>} : memref<128x128xf32, #tpu.memory_space<vmem>>, vector<16xf32>,
        %sub3A_948 = arith.subf %get3A_942, %get3A_947 : vector<16xf32>
        %mul3A_949 = arith.mulf %sub3A_948, %sub3A_948 : vector<16xf32>
        %add3A_950 = arith.addf %add3A_937, %mul3A_949 : vector<16xf32>
        %add3A_951 = arith.constant 7 : i32
        %add3A_952 = arith.addi %mul3A_58, %add3A_951 : i32
        %get3A_953 = arith.index_cast %add3A_952 : i32 to index
        %get3A_954 = arith.constant 112 : index
        %get3A_955 = tpu.vector_load %arg10[%get3A_953, %get3A_954] {strides = array<i32>} : memref<128x128xf32, #tpu.memory_space<vmem>>, vector<16xf32>,
        %add3A_956 = arith.constant 7 : i32
        %add3A_957 = arith.addi %mul3A_58, %add3A_956 : i32
        %get3A_958 = arith.index_cast %add3A_957 : i32 to index
        %get3A_959 = arith.constant 112 : index
        %get3A_960 = tpu.vector_load %arg11[%get3A_958, %get3A_959] {strides = array<i32>} : memref<128x128xf32, #tpu.memory_space<vmem>>, vector<16xf32>,
        %sub3A_961 = arith.subf %get3A_955, %get3A_960 : vector<16xf32>
        %mul3A_962 = arith.mulf %sub3A_961, %sub3A_961 : vector<16xf32>
        %add3A_963 = arith.addf %add3A_950, %mul3A_962 : vector<16xf32>
        %broadcast_in_dim3A_964 = arith.constant 0.000000e+00 : f32
        %broadcast_in_dim3A_965 = vector.broadcast %broadcast_in_dim3A_964 : f32 to vector<16xf32>
        %reduce_sum3A_966 = arith.constant true
        %reduce_sum3A_967 = vector.broadcast %reduce_sum3A_966 : i1 to vector<16xi1>
        %reduce_sum3A_968 = tpu.scan <sum>, %add3A_963 masked %reduce_sum3A_967 : vector<16xf32>, vector<16xi1> -> vector<16xf32>
        %reduce_sum3A_969 = vector.extract %reduce_sum3A_968[15] : f32 from vector<16xf32>
        %add3A_970 = vector.broadcast %reduce_sum3A_969 : f32 to vector<16xf32>
        %add3A_971 = arith.addf %broadcast_in_dim3A_965, %add3A_970 : vector<16xf32>
        %eq3A_972 = arith.constant 7 : i32
        %eq3A_973 = vector.broadcast %eq3A_972 : i32 to vector<16xi32>
        %eq3A_974 = arith.cmpi eq, %iota3A, %eq3A_973 : vector<16xi32>
        %select_n3A_975 = arith.select %eq3A_974, %add3A_971, %select_n3A_860 : vector<16xi1>, vector<16xf32>
        %add3A_976 = arith.constant 8 : i32
        %add3A_977 = arith.addi %mul3A_58, %add3A_976 : i32
        %get3A_978 = arith.index_cast %add3A_977 : i32 to index
        %get3A_979 = arith.constant 0 : index
        %get3A_980 = tpu.vector_load %arg10[%get3A_978, %get3A_979] {strides = array<i32>} : memref<128x128xf32, #tpu.memory_space<vmem>>, vector<16xf32>,
        %add3A_981 = arith.constant 8 : i32
        %add3A_982 = arith.addi %mul3A_58, %add3A_981 : i32
        %get3A_983 = arith.index_cast %add3A_982 : i32 to index
        %get3A_984 = arith.constant 0 : index
        %get3A_985 = tpu.vector_load %arg11[%get3A_983, %get3A_984] {strides = array<i32>} : memref<128x128xf32, #tpu.memory_space<vmem>>, vector<16xf32>,
        %sub3A_986 = arith.subf %get3A_980, %get3A_985 : vector<16xf32>
        %mul3A_987 = arith.mulf %sub3A_986, %sub3A_986 : vector<16xf32>
        %add3A_988 = arith.constant 8 : i32
        %add3A_989 = arith.addi %mul3A_58, %add3A_988 : i32
        %get3A_990 = arith.index_cast %add3A_989 : i32 to index
        %get3A_991 = arith.constant 16 : index
        %get3A_992 = tpu.vector_load %arg10[%get3A_990, %get3A_991] {strides = array<i32>} : memref<128x128xf32, #tpu.memory_space<vmem>>, vector<16xf32>,
        %add3A_993 = arith.constant 8 : i32
        %add3A_994 = arith.addi %mul3A_58, %add3A_993 : i32
        %get3A_995 = arith.index_cast %add3A_994 : i32 to index
        %get3A_996 = arith.constant 16 : index
        %get3A_997 = tpu.vector_load %arg11[%get3A_995, %get3A_996] {strides = array<i32>} : memref<128x128xf32, #tpu.memory_space<vmem>>, vector<16xf32>,
        %sub3A_998 = arith.subf %get3A_992, %get3A_997 : vector<16xf32>
        %mul3A_999 = arith.mulf %sub3A_998, %sub3A_998 : vector<16xf32>
        %add3A_1000 = arith.addf %mul3A_987, %mul3A_999 : vector<16xf32>
        %add3A_1001 = arith.constant 8 : i32
        %add3A_1002 = arith.addi %mul3A_58, %add3A_1001 : i32
        %get3A_1003 = arith.index_cast %add3A_1002 : i32 to index
        %get3A_1004 = arith.constant 32 : index
        %get3A_1005 = tpu.vector_load %arg10[%get3A_1003, %get3A_1004] {strides = array<i32>} : memref<128x128xf32, #tpu.memory_space<vmem>>, vector<16xf32>,
        %add3A_1006 = arith.constant 8 : i32
        %add3A_1007 = arith.addi %mul3A_58, %add3A_1006 : i32
        %get3A_1008 = arith.index_cast %add3A_1007 : i32 to index
        %get3A_1009 = arith.constant 32 : index
        %get3A_1010 = tpu.vector_load %arg11[%get3A_1008, %get3A_1009] {strides = array<i32>} : memref<128x128xf32, #tpu.memory_space<vmem>>, vector<16xf32>,
        %sub3A_1011 = arith.subf %get3A_1005, %get3A_1010 : vector<16xf32>
        %mul3A_1012 = arith.mulf %sub3A_1011, %sub3A_1011 : vector<16xf32>
        %add3A_1013 = arith.addf %add3A_1000, %mul3A_1012 : vector<16xf32>
        %add3A_1014 = arith.constant 8 : i32
        %add3A_1015 = arith.addi %mul3A_58, %add3A_1014 : i32
        %get3A_1016 = arith.index_cast %add3A_1015 : i32 to index
        %get3A_1017 = arith.constant 48 : index
        %get3A_1018 = tpu.vector_load %arg10[%get3A_1016, %get3A_1017] {strides = array<i32>} : memref<128x128xf32, #tpu.memory_space<vmem>>, vector<16xf32>,
        %add3A_1019 = arith.constant 8 : i32
        %add3A_1020 = arith.addi %mul3A_58, %add3A_1019 : i32
        %get3A_1021 = arith.index_cast %add3A_1020 : i32 to index
        %get3A_1022 = arith.constant 48 : index
        %get3A_1023 = tpu.vector_load %arg11[%get3A_1021, %get3A_1022] {strides = array<i32>} : memref<128x128xf32, #tpu.memory_space<vmem>>, vector<16xf32>,
        %sub3A_1024 = arith.subf %get3A_1018, %get3A_1023 : vector<16xf32>
        %mul3A_1025 = arith.mulf %sub3A_1024, %sub3A_1024 : vector<16xf32>
        %add3A_1026 = arith.addf %add3A_1013, %mul3A_1025 : vector<16xf32>
        %add3A_1027 = arith.constant 8 : i32
        %add3A_1028 = arith.addi %mul3A_58, %add3A_1027 : i32
        %get3A_1029 = arith.index_cast %add3A_1028 : i32 to index
        %get3A_1030 = arith.constant 64 : index
        %get3A_1031 = tpu.vector_load %arg10[%get3A_1029, %get3A_1030] {strides = array<i32>} : memref<128x128xf32, #tpu.memory_space<vmem>>, vector<16xf32>,
        %add3A_1032 = arith.constant 8 : i32
        %add3A_1033 = arith.addi %mul3A_58, %add3A_1032 : i32
        %get3A_1034 = arith.index_cast %add3A_1033 : i32 to index
        %get3A_1035 = arith.constant 64 : index
        %get3A_1036 = tpu.vector_load %arg11[%get3A_1034, %get3A_1035] {strides = array<i32>} : memref<128x128xf32, #tpu.memory_space<vmem>>, vector<16xf32>,
        %sub3A_1037 = arith.subf %get3A_1031, %get3A_1036 : vector<16xf32>
        %mul3A_1038 = arith.mulf %sub3A_1037, %sub3A_1037 : vector<16xf32>
        %add3A_1039 = arith.addf %add3A_1026, %mul3A_1038 : vector<16xf32>
        %add3A_1040 = arith.constant 8 : i32
        %add3A_1041 = arith.addi %mul3A_58, %add3A_1040 : i32
        %get3A_1042 = arith.index_cast %add3A_1041 : i32 to index
        %get3A_1043 = arith.constant 80 : index
        %get3A_1044 = tpu.vector_load %arg10[%get3A_1042, %get3A_1043] {strides = array<i32>} : memref<128x128xf32, #tpu.memory_space<vmem>>, vector<16xf32>,
        %add3A_1045 = arith.constant 8 : i32
        %add3A_1046 = arith.addi %mul3A_58, %add3A_1045 : i32
        %get3A_1047 = arith.index_cast %add3A_1046 : i32 to index
        %get3A_1048 = arith.constant 80 : index
        %get3A_1049 = tpu.vector_load %arg11[%get3A_1047, %get3A_1048] {strides = array<i32>} : memref<128x128xf32, #tpu.memory_space<vmem>>, vector<16xf32>,
        %sub3A_1050 = arith.subf %get3A_1044, %get3A_1049 : vector<16xf32>
        %mul3A_1051 = arith.mulf %sub3A_1050, %sub3A_1050 : vector<16xf32>
        %add3A_1052 = arith.addf %add3A_1039, %mul3A_1051 : vector<16xf32>
        %add3A_1053 = arith.constant 8 : i32
        %add3A_1054 = arith.addi %mul3A_58, %add3A_1053 : i32
        %get3A_1055 = arith.index_cast %add3A_1054 : i32 to index
        %get3A_1056 = arith.constant 96 : index
        %get3A_1057 = tpu.vector_load %arg10[%get3A_1055, %get3A_1056] {strides = array<i32>} : memref<128x128xf32, #tpu.memory_space<vmem>>, vector<16xf32>,
        %add3A_1058 = arith.constant 8 : i32
        %add3A_1059 = arith.addi %mul3A_58, %add3A_1058 : i32
        %get3A_1060 = arith.index_cast %add3A_1059 : i32 to index
        %get3A_1061 = arith.constant 96 : index
        %get3A_1062 = tpu.vector_load %arg11[%get3A_1060, %get3A_1061] {strides = array<i32>} : memref<128x128xf32, #tpu.memory_space<vmem>>, vector<16xf32>,
        %sub3A_1063 = arith.subf %get3A_1057, %get3A_1062 : vector<16xf32>
        %mul3A_1064 = arith.mulf %sub3A_1063, %sub3A_1063 : vector<16xf32>
        %add3A_1065 = arith.addf %add3A_1052, %mul3A_1064 : vector<16xf32>
        %add3A_1066 = arith.constant 8 : i32
        %add3A_1067 = arith.addi %mul3A_58, %add3A_1066 : i32
        %get3A_1068 = arith.index_cast %add3A_1067 : i32 to index
        %get3A_1069 = arith.constant 112 : index
        %get3A_1070 = tpu.vector_load %arg10[%get3A_1068, %get3A_1069] {strides = array<i32>} : memref<128x128xf32, #tpu.memory_space<vmem>>, vector<16xf32>,
        %add3A_1071 = arith.constant 8 : i32
        %add3A_1072 = arith.addi %mul3A_58, %add3A_1071 : i32
        %get3A_1073 = arith.index_cast %add3A_1072 : i32 to index
        %get3A_1074 = arith.constant 112 : index
        %get3A_1075 = tpu.vector_load %arg11[%get3A_1073, %get3A_1074] {strides = array<i32>} : memref<128x128xf32, #tpu.memory_space<vmem>>, vector<16xf32>,
        %sub3A_1076 = arith.subf %get3A_1070, %get3A_1075 : vector<16xf32>
        %mul3A_1077 = arith.mulf %sub3A_1076, %sub3A_1076 : vector<16xf32>
        %add3A_1078 = arith.addf %add3A_1065, %mul3A_1077 : vector<16xf32>
        %broadcast_in_dim3A_1079 = arith.constant 0.000000e+00 : f32
        %broadcast_in_dim3A_1080 = vector.broadcast %broadcast_in_dim3A_1079 : f32 to vector<16xf32>
        %reduce_sum3A_1081 = arith.constant true
        %reduce_sum3A_1082 = vector.broadcast %reduce_sum3A_1081 : i1 to vector<16xi1>
        %reduce_sum3A_1083 = tpu.scan <sum>, %add3A_1078 masked %reduce_sum3A_1082 : vector<16xf32>, vector<16xi1> -> vector<16xf32>
        %reduce_sum3A_1084 = vector.extract %reduce_sum3A_1083[15] : f32 from vector<16xf32>
        %add3A_1085 = vector.broadcast %reduce_sum3A_1084 : f32 to vector<16xf32>
        %add3A_1086 = arith.addf %broadcast_in_dim3A_1080, %add3A_1085 : vector<16xf32>
        %eq3A_1087 = arith.constant 8 : i32
        %eq3A_1088 = vector.broadcast %eq3A_1087 : i32 to vector<16xi32>
        %eq3A_1089 = arith.cmpi eq, %iota3A, %eq3A_1088 : vector<16xi32>
        %select_n3A_1090 = arith.select %eq3A_1089, %add3A_1086, %select_n3A_975 : vector<16xi1>, vector<16xf32>
        %add3A_1091 = arith.constant 9 : i32
        %add3A_1092 = arith.addi %mul3A_58, %add3A_1091 : i32
        %get3A_1093 = arith.index_cast %add3A_1092 : i32 to index
        %get3A_1094 = arith.constant 0 : index
        %get3A_1095 = tpu.vector_load %arg10[%get3A_1093, %get3A_1094] {strides = array<i32>} : memref<128x128xf32, #tpu.memory_space<vmem>>, vector<16xf32>,
        %add3A_1096 = arith.constant 9 : i32
        %add3A_1097 = arith.addi %mul3A_58, %add3A_1096 : i32
        %get3A_1098 = arith.index_cast %add3A_1097 : i32 to index
        %get3A_1099 = arith.constant 0 : index
        %get3A_1100 = tpu.vector_load %arg11[%get3A_1098, %get3A_1099] {strides = array<i32>} : memref<128x128xf32, #tpu.memory_space<vmem>>, vector<16xf32>,
        %sub3A_1101 = arith.subf %get3A_1095, %get3A_1100 : vector<16xf32>
        %mul3A_1102 = arith.mulf %sub3A_1101, %sub3A_1101 : vector<16xf32>
        %add3A_1103 = arith.constant 9 : i32
        %add3A_1104 = arith.addi %mul3A_58, %add3A_1103 : i32
        %get3A_1105 = arith.index_cast %add3A_1104 : i32 to index
        %get3A_1106 = arith.constant 16 : index
        %get3A_1107 = tpu.vector_load %arg10[%get3A_1105, %get3A_1106] {strides = array<i32>} : memref<128x128xf32, #tpu.memory_space<vmem>>, vector<16xf32>,
        %add3A_1108 = arith.constant 9 : i32
        %add3A_1109 = arith.addi %mul3A_58, %add3A_1108 : i32
        %get3A_1110 = arith.index_cast %add3A_1109 : i32 to index
        %get3A_1111 = arith.constant 16 : index
        %get3A_1112 = tpu.vector_load %arg11[%get3A_1110, %get3A_1111] {strides = array<i32>} : memref<128x128xf32, #tpu.memory_space<vmem>>, vector<16xf32>,
        %sub3A_1113 = arith.subf %get3A_1107, %get3A_1112 : vector<16xf32>
        %mul3A_1114 = arith.mulf %sub3A_1113, %sub3A_1113 : vector<16xf32>
        %add3A_1115 = arith.addf %mul3A_1102, %mul3A_1114 : vector<16xf32>
        %add3A_1116 = arith.constant 9 : i32
        %add3A_1117 = arith.addi %mul3A_58, %add3A_1116 : i32
        %get3A_1118 = arith.index_cast %add3A_1117 : i32 to index
        %get3A_1119 = arith.constant 32 : index
        %get3A_1120 = tpu.vector_load %arg10[%get3A_1118, %get3A_1119] {strides = array<i32>} : memref<128x128xf32, #tpu.memory_space<vmem>>, vector<16xf32>,
        %add3A_1121 = arith.constant 9 : i32
        %add3A_1122 = arith.addi %mul3A_58, %add3A_1121 : i32
        %get3A_1123 = arith.index_cast %add3A_1122 : i32 to index
        %get3A_1124 = arith.constant 32 : index
        %get3A_1125 = tpu.vector_load %arg11[%get3A_1123, %get3A_1124] {strides = array<i32>} : memref<128x128xf32, #tpu.memory_space<vmem>>, vector<16xf32>,
        %sub3A_1126 = arith.subf %get3A_1120, %get3A_1125 : vector<16xf32>
        %mul3A_1127 = arith.mulf %sub3A_1126, %sub3A_1126 : vector<16xf32>
        %add3A_1128 = arith.addf %add3A_1115, %mul3A_1127 : vector<16xf32>
        %add3A_1129 = arith.constant 9 : i32
        %add3A_1130 = arith.addi %mul3A_58, %add3A_1129 : i32
        %get3A_1131 = arith.index_cast %add3A_1130 : i32 to index
        %get3A_1132 = arith.constant 48 : index
        %get3A_1133 = tpu.vector_load %arg10[%get3A_1131, %get3A_1132] {strides = array<i32>} : memref<128x128xf32, #tpu.memory_space<vmem>>, vector<16xf32>,
        %add3A_1134 = arith.constant 9 : i32
        %add3A_1135 = arith.addi %mul3A_58, %add3A_1134 : i32
        %get3A_1136 = arith.index_cast %add3A_1135 : i32 to index
        %get3A_1137 = arith.constant 48 : index
        %get3A_1138 = tpu.vector_load %arg11[%get3A_1136, %get3A_1137] {strides = array<i32>} : memref<128x128xf32, #tpu.memory_space<vmem>>, vector<16xf32>,
        %sub3A_1139 = arith.subf %get3A_1133, %get3A_1138 : vector<16xf32>
        %mul3A_1140 = arith.mulf %sub3A_1139, %sub3A_1139 : vector<16xf32>
        %add3A_1141 = arith.addf %add3A_1128, %mul3A_1140 : vector<16xf32>
        %add3A_1142 = arith.constant 9 : i32
        %add3A_1143 = arith.addi %mul3A_58, %add3A_1142 : i32
        %get3A_1144 = arith.index_cast %add3A_1143 : i32 to index
        %get3A_1145 = arith.constant 64 : index
        %get3A_1146 = tpu.vector_load %arg10[%get3A_1144, %get3A_1145] {strides = array<i32>} : memref<128x128xf32, #tpu.memory_space<vmem>>, vector<16xf32>,
        %add3A_1147 = arith.constant 9 : i32
        %add3A_1148 = arith.addi %mul3A_58, %add3A_1147 : i32
        %get3A_1149 = arith.index_cast %add3A_1148 : i32 to index
        %get3A_1150 = arith.constant 64 : index
        %get3A_1151 = tpu.vector_load %arg11[%get3A_1149, %get3A_1150] {strides = array<i32>} : memref<128x128xf32, #tpu.memory_space<vmem>>, vector<16xf32>,
        %sub3A_1152 = arith.subf %get3A_1146, %get3A_1151 : vector<16xf32>
        %mul3A_1153 = arith.mulf %sub3A_1152, %sub3A_1152 : vector<16xf32>
        %add3A_1154 = arith.addf %add3A_1141, %mul3A_1153 : vector<16xf32>
        %add3A_1155 = arith.constant 9 : i32
        %add3A_1156 = arith.addi %mul3A_58, %add3A_1155 : i32
        %get3A_1157 = arith.index_cast %add3A_1156 : i32 to index
        %get3A_1158 = arith.constant 80 : index
        %get3A_1159 = tpu.vector_load %arg10[%get3A_1157, %get3A_1158] {strides = array<i32>} : memref<128x128xf32, #tpu.memory_space<vmem>>, vector<16xf32>,
        %add3A_1160 = arith.constant 9 : i32
        %add3A_1161 = arith.addi %mul3A_58, %add3A_1160 : i32
        %get3A_1162 = arith.index_cast %add3A_1161 : i32 to index
        %get3A_1163 = arith.constant 80 : index
        %get3A_1164 = tpu.vector_load %arg11[%get3A_1162, %get3A_1163] {strides = array<i32>} : memref<128x128xf32, #tpu.memory_space<vmem>>, vector<16xf32>,
        %sub3A_1165 = arith.subf %get3A_1159, %get3A_1164 : vector<16xf32>
        %mul3A_1166 = arith.mulf %sub3A_1165, %sub3A_1165 : vector<16xf32>
        %add3A_1167 = arith.addf %add3A_1154, %mul3A_1166 : vector<16xf32>
        %add3A_1168 = arith.constant 9 : i32
        %add3A_1169 = arith.addi %mul3A_58, %add3A_1168 : i32
        %get3A_1170 = arith.index_cast %add3A_1169 : i32 to index
        %get3A_1171 = arith.constant 96 : index
        %get3A_1172 = tpu.vector_load %arg10[%get3A_1170, %get3A_1171] {strides = array<i32>} : memref<128x128xf32, #tpu.memory_space<vmem>>, vector<16xf32>,
        %add3A_1173 = arith.constant 9 : i32
        %add3A_1174 = arith.addi %mul3A_58, %add3A_1173 : i32
        %get3A_1175 = arith.index_cast %add3A_1174 : i32 to index
        %get3A_1176 = arith.constant 96 : index
        %get3A_1177 = tpu.vector_load %arg11[%get3A_1175, %get3A_1176] {strides = array<i32>} : memref<128x128xf32, #tpu.memory_space<vmem>>, vector<16xf32>,
        %sub3A_1178 = arith.subf %get3A_1172, %get3A_1177 : vector<16xf32>
        %mul3A_1179 = arith.mulf %sub3A_1178, %sub3A_1178 : vector<16xf32>
        %add3A_1180 = arith.addf %add3A_1167, %mul3A_1179 : vector<16xf32>
        %add3A_1181 = arith.constant 9 : i32
        %add3A_1182 = arith.addi %mul3A_58, %add3A_1181 : i32
        %get3A_1183 = arith.index_cast %add3A_1182 : i32 to index
        %get3A_1184 = arith.constant 112 : index
        %get3A_1185 = tpu.vector_load %arg10[%get3A_1183, %get3A_1184] {strides = array<i32>} : memref<128x128xf32, #tpu.memory_space<vmem>>, vector<16xf32>,
        %add3A_1186 = arith.constant 9 : i32
        %add3A_1187 = arith.addi %mul3A_58, %add3A_1186 : i32
        %get3A_1188 = arith.index_cast %add3A_1187 : i32 to index
        %get3A_1189 = arith.constant 112 : index
        %get3A_1190 = tpu.vector_load %arg11[%get3A_1188, %get3A_1189] {strides = array<i32>} : memref<128x128xf32, #tpu.memory_space<vmem>>, vector<16xf32>,
        %sub3A_1191 = arith.subf %get3A_1185, %get3A_1190 : vector<16xf32>
        %mul3A_1192 = arith.mulf %sub3A_1191, %sub3A_1191 : vector<16xf32>
        %add3A_1193 = arith.addf %add3A_1180, %mul3A_1192 : vector<16xf32>
        %broadcast_in_dim3A_1194 = arith.constant 0.000000e+00 : f32
        %broadcast_in_dim3A_1195 = vector.broadcast %broadcast_in_dim3A_1194 : f32 to vector<16xf32>
        %reduce_sum3A_1196 = arith.constant true
        %reduce_sum3A_1197 = vector.broadcast %reduce_sum3A_1196 : i1 to vector<16xi1>
        %reduce_sum3A_1198 = tpu.scan <sum>, %add3A_1193 masked %reduce_sum3A_1197 : vector<16xf32>, vector<16xi1> -> vector<16xf32>
        %reduce_sum3A_1199 = vector.extract %reduce_sum3A_1198[15] : f32 from vector<16xf32>
        %add3A_1200 = vector.broadcast %reduce_sum3A_1199 : f32 to vector<16xf32>
        %add3A_1201 = arith.addf %broadcast_in_dim3A_1195, %add3A_1200 : vector<16xf32>
        %eq3A_1202 = arith.constant 9 : i32
        %eq3A_1203 = vector.broadcast %eq3A_1202 : i32 to vector<16xi32>
        %eq3A_1204 = arith.cmpi eq, %iota3A, %eq3A_1203 : vector<16xi32>
        %select_n3A_1205 = arith.select %eq3A_1204, %add3A_1201, %select_n3A_1090 : vector<16xi1>, vector<16xf32>
        %add3A_1206 = arith.constant 10 : i32
        %add3A_1207 = arith.addi %mul3A_58, %add3A_1206 : i32
        %get3A_1208 = arith.index_cast %add3A_1207 : i32 to index
        %get3A_1209 = arith.constant 0 : index
        %get3A_1210 = tpu.vector_load %arg10[%get3A_1208, %get3A_1209] {strides = array<i32>} : memref<128x128xf32, #tpu.memory_space<vmem>>, vector<16xf32>,
        %add3A_1211 = arith.constant 10 : i32
        %add3A_1212 = arith.addi %mul3A_58, %add3A_1211 : i32
        %get3A_1213 = arith.index_cast %add3A_1212 : i32 to index
        %get3A_1214 = arith.constant 0 : index
        %get3A_1215 = tpu.vector_load %arg11[%get3A_1213, %get3A_1214] {strides = array<i32>} : memref<128x128xf32, #tpu.memory_space<vmem>>, vector<16xf32>,
        %sub3A_1216 = arith.subf %get3A_1210, %get3A_1215 : vector<16xf32>
        %mul3A_1217 = arith.mulf %sub3A_1216, %sub3A_1216 : vector<16xf32>
        %add3A_1218 = arith.constant 10 : i32
        %add3A_1219 = arith.addi %mul3A_58, %add3A_1218 : i32
        %get3A_1220 = arith.index_cast %add3A_1219 : i32 to index
        %get3A_1221 = arith.constant 16 : index
        %get3A_1222 = tpu.vector_load %arg10[%get3A_1220, %get3A_1221] {strides = array<i32>} : memref<128x128xf32, #tpu.memory_space<vmem>>, vector<16xf32>,
        %add3A_1223 = arith.constant 10 : i32
        %add3A_1224 = arith.addi %mul3A_58, %add3A_1223 : i32
        %get3A_1225 = arith.index_cast %add3A_1224 : i32 to index
        %get3A_1226 = arith.constant 16 : index
        %get3A_1227 = tpu.vector_load %arg11[%get3A_1225, %get3A_1226] {strides = array<i32>} : memref<128x128xf32, #tpu.memory_space<vmem>>, vector<16xf32>,
        %sub3A_1228 = arith.subf %get3A_1222, %get3A_1227 : vector<16xf32>
        %mul3A_1229 = arith.mulf %sub3A_1228, %sub3A_1228 : vector<16xf32>
        %add3A_1230 = arith.addf %mul3A_1217, %mul3A_1229 : vector<16xf32>
        %add3A_1231 = arith.constant 10 : i32
        %add3A_1232 = arith.addi %mul3A_58, %add3A_1231 : i32
        %get3A_1233 = arith.index_cast %add3A_1232 : i32 to index
        %get3A_1234 = arith.constant 32 : index
        %get3A_1235 = tpu.vector_load %arg10[%get3A_1233, %get3A_1234] {strides = array<i32>} : memref<128x128xf32, #tpu.memory_space<vmem>>, vector<16xf32>,
        %add3A_1236 = arith.constant 10 : i32
        %add3A_1237 = arith.addi %mul3A_58, %add3A_1236 : i32
        %get3A_1238 = arith.index_cast %add3A_1237 : i32 to index
        %get3A_1239 = arith.constant 32 : index
        %get3A_1240 = tpu.vector_load %arg11[%get3A_1238, %get3A_1239] {strides = array<i32>} : memref<128x128xf32, #tpu.memory_space<vmem>>, vector<16xf32>,
        %sub3A_1241 = arith.subf %get3A_1235, %get3A_1240 : vector<16xf32>
        %mul3A_1242 = arith.mulf %sub3A_1241, %sub3A_1241 : vector<16xf32>
        %add3A_1243 = arith.addf %add3A_1230, %mul3A_1242 : vector<16xf32>
        %add3A_1244 = arith.constant 10 : i32
        %add3A_1245 = arith.addi %mul3A_58, %add3A_1244 : i32
        %get3A_1246 = arith.index_cast %add3A_1245 : i32 to index
        %get3A_1247 = arith.constant 48 : index
        %get3A_1248 = tpu.vector_load %arg10[%get3A_1246, %get3A_1247] {strides = array<i32>} : memref<128x128xf32, #tpu.memory_space<vmem>>, vector<16xf32>,
        %add3A_1249 = arith.constant 10 : i32
        %add3A_1250 = arith.addi %mul3A_58, %add3A_1249 : i32
        %get3A_1251 = arith.index_cast %add3A_1250 : i32 to index
        %get3A_1252 = arith.constant 48 : index
        %get3A_1253 = tpu.vector_load %arg11[%get3A_1251, %get3A_1252] {strides = array<i32>} : memref<128x128xf32, #tpu.memory_space<vmem>>, vector<16xf32>,
        %sub3A_1254 = arith.subf %get3A_1248, %get3A_1253 : vector<16xf32>
        %mul3A_1255 = arith.mulf %sub3A_1254, %sub3A_1254 : vector<16xf32>
        %add3A_1256 = arith.addf %add3A_1243, %mul3A_1255 : vector<16xf32>
        %add3A_1257 = arith.constant 10 : i32
        %add3A_1258 = arith.addi %mul3A_58, %add3A_1257 : i32
        %get3A_1259 = arith.index_cast %add3A_1258 : i32 to index
        %get3A_1260 = arith.constant 64 : index
        %get3A_1261 = tpu.vector_load %arg10[%get3A_1259, %get3A_1260] {strides = array<i32>} : memref<128x128xf32, #tpu.memory_space<vmem>>, vector<16xf32>,
        %add3A_1262 = arith.constant 10 : i32
        %add3A_1263 = arith.addi %mul3A_58, %add3A_1262 : i32
        %get3A_1264 = arith.index_cast %add3A_1263 : i32 to index
        %get3A_1265 = arith.constant 64 : index
        %get3A_1266 = tpu.vector_load %arg11[%get3A_1264, %get3A_1265] {strides = array<i32>} : memref<128x128xf32, #tpu.memory_space<vmem>>, vector<16xf32>,
        %sub3A_1267 = arith.subf %get3A_1261, %get3A_1266 : vector<16xf32>
        %mul3A_1268 = arith.mulf %sub3A_1267, %sub3A_1267 : vector<16xf32>
        %add3A_1269 = arith.addf %add3A_1256, %mul3A_1268 : vector<16xf32>
        %add3A_1270 = arith.constant 10 : i32
        %add3A_1271 = arith.addi %mul3A_58, %add3A_1270 : i32
        %get3A_1272 = arith.index_cast %add3A_1271 : i32 to index
        %get3A_1273 = arith.constant 80 : index
        %get3A_1274 = tpu.vector_load %arg10[%get3A_1272, %get3A_1273] {strides = array<i32>} : memref<128x128xf32, #tpu.memory_space<vmem>>, vector<16xf32>,
        %add3A_1275 = arith.constant 10 : i32
        %add3A_1276 = arith.addi %mul3A_58, %add3A_1275 : i32
        %get3A_1277 = arith.index_cast %add3A_1276 : i32 to index
        %get3A_1278 = arith.constant 80 : index
        %get3A_1279 = tpu.vector_load %arg11[%get3A_1277, %get3A_1278] {strides = array<i32>} : memref<128x128xf32, #tpu.memory_space<vmem>>, vector<16xf32>,
        %sub3A_1280 = arith.subf %get3A_1274, %get3A_1279 : vector<16xf32>
        %mul3A_1281 = arith.mulf %sub3A_1280, %sub3A_1280 : vector<16xf32>
        %add3A_1282 = arith.addf %add3A_1269, %mul3A_1281 : vector<16xf32>
        %add3A_1283 = arith.constant 10 : i32
        %add3A_1284 = arith.addi %mul3A_58, %add3A_1283 : i32
        %get3A_1285 = arith.index_cast %add3A_1284 : i32 to index
        %get3A_1286 = arith.constant 96 : index
        %get3A_1287 = tpu.vector_load %arg10[%get3A_1285, %get3A_1286] {strides = array<i32>} : memref<128x128xf32, #tpu.memory_space<vmem>>, vector<16xf32>,
        %add3A_1288 = arith.constant 10 : i32
        %add3A_1289 = arith.addi %mul3A_58, %add3A_1288 : i32
        %get3A_1290 = arith.index_cast %add3A_1289 : i32 to index
        %get3A_1291 = arith.constant 96 : index
        %get3A_1292 = tpu.vector_load %arg11[%get3A_1290, %get3A_1291] {strides = array<i32>} : memref<128x128xf32, #tpu.memory_space<vmem>>, vector<16xf32>,
        %sub3A_1293 = arith.subf %get3A_1287, %get3A_1292 : vector<16xf32>
        %mul3A_1294 = arith.mulf %sub3A_1293, %sub3A_1293 : vector<16xf32>
        %add3A_1295 = arith.addf %add3A_1282, %mul3A_1294 : vector<16xf32>
        %add3A_1296 = arith.constant 10 : i32
        %add3A_1297 = arith.addi %mul3A_58, %add3A_1296 : i32
        %get3A_1298 = arith.index_cast %add3A_1297 : i32 to index
        %get3A_1299 = arith.constant 112 : index
        %get3A_1300 = tpu.vector_load %arg10[%get3A_1298, %get3A_1299] {strides = array<i32>} : memref<128x128xf32, #tpu.memory_space<vmem>>, vector<16xf32>,
        %add3A_1301 = arith.constant 10 : i32
        %add3A_1302 = arith.addi %mul3A_58, %add3A_1301 : i32
        %get3A_1303 = arith.index_cast %add3A_1302 : i32 to index
        %get3A_1304 = arith.constant 112 : index
        %get3A_1305 = tpu.vector_load %arg11[%get3A_1303, %get3A_1304] {strides = array<i32>} : memref<128x128xf32, #tpu.memory_space<vmem>>, vector<16xf32>,
        %sub3A_1306 = arith.subf %get3A_1300, %get3A_1305 : vector<16xf32>
        %mul3A_1307 = arith.mulf %sub3A_1306, %sub3A_1306 : vector<16xf32>
        %add3A_1308 = arith.addf %add3A_1295, %mul3A_1307 : vector<16xf32>
        %broadcast_in_dim3A_1309 = arith.constant 0.000000e+00 : f32
        %broadcast_in_dim3A_1310 = vector.broadcast %broadcast_in_dim3A_1309 : f32 to vector<16xf32>
        %reduce_sum3A_1311 = arith.constant true
        %reduce_sum3A_1312 = vector.broadcast %reduce_sum3A_1311 : i1 to vector<16xi1>
        %reduce_sum3A_1313 = tpu.scan <sum>, %add3A_1308 masked %reduce_sum3A_1312 : vector<16xf32>, vector<16xi1> -> vector<16xf32>
        %reduce_sum3A_1314 = vector.extract %reduce_sum3A_1313[15] : f32 from vector<16xf32>
        %add3A_1315 = vector.broadcast %reduce_sum3A_1314 : f32 to vector<16xf32>
        %add3A_1316 = arith.addf %broadcast_in_dim3A_1310, %add3A_1315 : vector<16xf32>
        %eq3A_1317 = arith.constant 10 : i32
        %eq3A_1318 = vector.broadcast %eq3A_1317 : i32 to vector<16xi32>
        %eq3A_1319 = arith.cmpi eq, %iota3A, %eq3A_1318 : vector<16xi32>
        %select_n3A_1320 = arith.select %eq3A_1319, %add3A_1316, %select_n3A_1205 : vector<16xi1>, vector<16xf32>
        %add3A_1321 = arith.constant 11 : i32
        %add3A_1322 = arith.addi %mul3A_58, %add3A_1321 : i32
        %get3A_1323 = arith.index_cast %add3A_1322 : i32 to index
        %get3A_1324 = arith.constant 0 : index
        %get3A_1325 = tpu.vector_load %arg10[%get3A_1323, %get3A_1324] {strides = array<i32>} : memref<128x128xf32, #tpu.memory_space<vmem>>, vector<16xf32>,
        %add3A_1326 = arith.constant 11 : i32
        %add3A_1327 = arith.addi %mul3A_58, %add3A_1326 : i32
        %get3A_1328 = arith.index_cast %add3A_1327 : i32 to index
        %get3A_1329 = arith.constant 0 : index
        %get3A_1330 = tpu.vector_load %arg11[%get3A_1328, %get3A_1329] {strides = array<i32>} : memref<128x128xf32, #tpu.memory_space<vmem>>, vector<16xf32>,
        %sub3A_1331 = arith.subf %get3A_1325, %get3A_1330 : vector<16xf32>
        %mul3A_1332 = arith.mulf %sub3A_1331, %sub3A_1331 : vector<16xf32>
        %add3A_1333 = arith.constant 11 : i32
        %add3A_1334 = arith.addi %mul3A_58, %add3A_1333 : i32
        %get3A_1335 = arith.index_cast %add3A_1334 : i32 to index
        %get3A_1336 = arith.constant 16 : index
        %get3A_1337 = tpu.vector_load %arg10[%get3A_1335, %get3A_1336] {strides = array<i32>} : memref<128x128xf32, #tpu.memory_space<vmem>>, vector<16xf32>,
        %add3A_1338 = arith.constant 11 : i32
        %add3A_1339 = arith.addi %mul3A_58, %add3A_1338 : i32
        %get3A_1340 = arith.index_cast %add3A_1339 : i32 to index
        %get3A_1341 = arith.constant 16 : index
        %get3A_1342 = tpu.vector_load %arg11[%get3A_1340, %get3A_1341] {strides = array<i32>} : memref<128x128xf32, #tpu.memory_space<vmem>>, vector<16xf32>,
        %sub3A_1343 = arith.subf %get3A_1337, %get3A_1342 : vector<16xf32>
        %mul3A_1344 = arith.mulf %sub3A_1343, %sub3A_1343 : vector<16xf32>
        %add3A_1345 = arith.addf %mul3A_1332, %mul3A_1344 : vector<16xf32>
        %add3A_1346 = arith.constant 11 : i32
        %add3A_1347 = arith.addi %mul3A_58, %add3A_1346 : i32
        %get3A_1348 = arith.index_cast %add3A_1347 : i32 to index
        %get3A_1349 = arith.constant 32 : index
        %get3A_1350 = tpu.vector_load %arg10[%get3A_1348, %get3A_1349] {strides = array<i32>} : memref<128x128xf32, #tpu.memory_space<vmem>>, vector<16xf32>,
        %add3A_1351 = arith.constant 11 : i32
        %add3A_1352 = arith.addi %mul3A_58, %add3A_1351 : i32
        %get3A_1353 = arith.index_cast %add3A_1352 : i32 to index
        %get3A_1354 = arith.constant 32 : index
        %get3A_1355 = tpu.vector_load %arg11[%get3A_1353, %get3A_1354] {strides = array<i32>} : memref<128x128xf32, #tpu.memory_space<vmem>>, vector<16xf32>,
        %sub3A_1356 = arith.subf %get3A_1350, %get3A_1355 : vector<16xf32>
        %mul3A_1357 = arith.mulf %sub3A_1356, %sub3A_1356 : vector<16xf32>
        %add3A_1358 = arith.addf %add3A_1345, %mul3A_1357 : vector<16xf32>
        %add3A_1359 = arith.constant 11 : i32
        %add3A_1360 = arith.addi %mul3A_58, %add3A_1359 : i32
        %get3A_1361 = arith.index_cast %add3A_1360 : i32 to index
        %get3A_1362 = arith.constant 48 : index
        %get3A_1363 = tpu.vector_load %arg10[%get3A_1361, %get3A_1362] {strides = array<i32>} : memref<128x128xf32, #tpu.memory_space<vmem>>, vector<16xf32>,
        %add3A_1364 = arith.constant 11 : i32
        %add3A_1365 = arith.addi %mul3A_58, %add3A_1364 : i32
        %get3A_1366 = arith.index_cast %add3A_1365 : i32 to index
        %get3A_1367 = arith.constant 48 : index
        %get3A_1368 = tpu.vector_load %arg11[%get3A_1366, %get3A_1367] {strides = array<i32>} : memref<128x128xf32, #tpu.memory_space<vmem>>, vector<16xf32>,
        %sub3A_1369 = arith.subf %get3A_1363, %get3A_1368 : vector<16xf32>
        %mul3A_1370 = arith.mulf %sub3A_1369, %sub3A_1369 : vector<16xf32>
        %add3A_1371 = arith.addf %add3A_1358, %mul3A_1370 : vector<16xf32>
        %add3A_1372 = arith.constant 11 : i32
        %add3A_1373 = arith.addi %mul3A_58, %add3A_1372 : i32
        %get3A_1374 = arith.index_cast %add3A_1373 : i32 to index
        %get3A_1375 = arith.constant 64 : index
        %get3A_1376 = tpu.vector_load %arg10[%get3A_1374, %get3A_1375] {strides = array<i32>} : memref<128x128xf32, #tpu.memory_space<vmem>>, vector<16xf32>,
        %add3A_1377 = arith.constant 11 : i32
        %add3A_1378 = arith.addi %mul3A_58, %add3A_1377 : i32
        %get3A_1379 = arith.index_cast %add3A_1378 : i32 to index
        %get3A_1380 = arith.constant 64 : index
        %get3A_1381 = tpu.vector_load %arg11[%get3A_1379, %get3A_1380] {strides = array<i32>} : memref<128x128xf32, #tpu.memory_space<vmem>>, vector<16xf32>,
        %sub3A_1382 = arith.subf %get3A_1376, %get3A_1381 : vector<16xf32>
        %mul3A_1383 = arith.mulf %sub3A_1382, %sub3A_1382 : vector<16xf32>
        %add3A_1384 = arith.addf %add3A_1371, %mul3A_1383 : vector<16xf32>
        %add3A_1385 = arith.constant 11 : i32
        %add3A_1386 = arith.addi %mul3A_58, %add3A_1385 : i32
        %get3A_1387 = arith.index_cast %add3A_1386 : i32 to index
        %get3A_1388 = arith.constant 80 : index
        %get3A_1389 = tpu.vector_load %arg10[%get3A_1387, %get3A_1388] {strides = array<i32>} : memref<128x128xf32, #tpu.memory_space<vmem>>, vector<16xf32>,
        %add3A_1390 = arith.constant 11 : i32
        %add3A_1391 = arith.addi %mul3A_58, %add3A_1390 : i32
        %get3A_1392 = arith.index_cast %add3A_1391 : i32 to index
        %get3A_1393 = arith.constant 80 : index
        %get3A_1394 = tpu.vector_load %arg11[%get3A_1392, %get3A_1393] {strides = array<i32>} : memref<128x128xf32, #tpu.memory_space<vmem>>, vector<16xf32>,
        %sub3A_1395 = arith.subf %get3A_1389, %get3A_1394 : vector<16xf32>
        %mul3A_1396 = arith.mulf %sub3A_1395, %sub3A_1395 : vector<16xf32>
        %add3A_1397 = arith.addf %add3A_1384, %mul3A_1396 : vector<16xf32>
        %add3A_1398 = arith.constant 11 : i32
        %add3A_1399 = arith.addi %mul3A_58, %add3A_1398 : i32
        %get3A_1400 = arith.index_cast %add3A_1399 : i32 to index
        %get3A_1401 = arith.constant 96 : index
        %get3A_1402 = tpu.vector_load %arg10[%get3A_1400, %get3A_1401] {strides = array<i32>} : memref<128x128xf32, #tpu.memory_space<vmem>>, vector<16xf32>,
        %add3A_1403 = arith.constant 11 : i32
        %add3A_1404 = arith.addi %mul3A_58, %add3A_1403 : i32
        %get3A_1405 = arith.index_cast %add3A_1404 : i32 to index
        %get3A_1406 = arith.constant 96 : index
        %get3A_1407 = tpu.vector_load %arg11[%get3A_1405, %get3A_1406] {strides = array<i32>} : memref<128x128xf32, #tpu.memory_space<vmem>>, vector<16xf32>,
        %sub3A_1408 = arith.subf %get3A_1402, %get3A_1407 : vector<16xf32>
        %mul3A_1409 = arith.mulf %sub3A_1408, %sub3A_1408 : vector<16xf32>
        %add3A_1410 = arith.addf %add3A_1397, %mul3A_1409 : vector<16xf32>
        %add3A_1411 = arith.constant 11 : i32
        %add3A_1412 = arith.addi %mul3A_58, %add3A_1411 : i32
        %get3A_1413 = arith.index_cast %add3A_1412 : i32 to index
        %get3A_1414 = arith.constant 112 : index
        %get3A_1415 = tpu.vector_load %arg10[%get3A_1413, %get3A_1414] {strides = array<i32>} : memref<128x128xf32, #tpu.memory_space<vmem>>, vector<16xf32>,
        %add3A_1416 = arith.constant 11 : i32
        %add3A_1417 = arith.addi %mul3A_58, %add3A_1416 : i32
        %get3A_1418 = arith.index_cast %add3A_1417 : i32 to index
        %get3A_1419 = arith.constant 112 : index
        %get3A_1420 = tpu.vector_load %arg11[%get3A_1418, %get3A_1419] {strides = array<i32>} : memref<128x128xf32, #tpu.memory_space<vmem>>, vector<16xf32>,
        %sub3A_1421 = arith.subf %get3A_1415, %get3A_1420 : vector<16xf32>
        %mul3A_1422 = arith.mulf %sub3A_1421, %sub3A_1421 : vector<16xf32>
        %add3A_1423 = arith.addf %add3A_1410, %mul3A_1422 : vector<16xf32>
        %broadcast_in_dim3A_1424 = arith.constant 0.000000e+00 : f32
        %broadcast_in_dim3A_1425 = vector.broadcast %broadcast_in_dim3A_1424 : f32 to vector<16xf32>
        %reduce_sum3A_1426 = arith.constant true
        %reduce_sum3A_1427 = vector.broadcast %reduce_sum3A_1426 : i1 to vector<16xi1>
        %reduce_sum3A_1428 = tpu.scan <sum>, %add3A_1423 masked %reduce_sum3A_1427 : vector<16xf32>, vector<16xi1> -> vector<16xf32>
        %reduce_sum3A_1429 = vector.extract %reduce_sum3A_1428[15] : f32 from vector<16xf32>
        %add3A_1430 = vector.broadcast %reduce_sum3A_1429 : f32 to vector<16xf32>
        %add3A_1431 = arith.addf %broadcast_in_dim3A_1425, %add3A_1430 : vector<16xf32>
        %eq3A_1432 = arith.constant 11 : i32
        %eq3A_1433 = vector.broadcast %eq3A_1432 : i32 to vector<16xi32>
        %eq3A_1434 = arith.cmpi eq, %iota3A, %eq3A_1433 : vector<16xi32>
        %select_n3A_1435 = arith.select %eq3A_1434, %add3A_1431, %select_n3A_1320 : vector<16xi1>, vector<16xf32>
        %add3A_1436 = arith.constant 12 : i32
        %add3A_1437 = arith.addi %mul3A_58, %add3A_1436 : i32
        %get3A_1438 = arith.index_cast %add3A_1437 : i32 to index
        %get3A_1439 = arith.constant 0 : index
        %get3A_1440 = tpu.vector_load %arg10[%get3A_1438, %get3A_1439] {strides = array<i32>} : memref<128x128xf32, #tpu.memory_space<vmem>>, vector<16xf32>,
        %add3A_1441 = arith.constant 12 : i32
        %add3A_1442 = arith.addi %mul3A_58, %add3A_1441 : i32
        %get3A_1443 = arith.index_cast %add3A_1442 : i32 to index
        %get3A_1444 = arith.constant 0 : index
        %get3A_1445 = tpu.vector_load %arg11[%get3A_1443, %get3A_1444] {strides = array<i32>} : memref<128x128xf32, #tpu.memory_space<vmem>>, vector<16xf32>,
        %sub3A_1446 = arith.subf %get3A_1440, %get3A_1445 : vector<16xf32>
        %mul3A_1447 = arith.mulf %sub3A_1446, %sub3A_1446 : vector<16xf32>
        %add3A_1448 = arith.constant 12 : i32
        %add3A_1449 = arith.addi %mul3A_58, %add3A_1448 : i32
        %get3A_1450 = arith.index_cast %add3A_1449 : i32 to index
        %get3A_1451 = arith.constant 16 : index
        %get3A_1452 = tpu.vector_load %arg10[%get3A_1450, %get3A_1451] {strides = array<i32>} : memref<128x128xf32, #tpu.memory_space<vmem>>, vector<16xf32>,
        %add3A_1453 = arith.constant 12 : i32
        %add3A_1454 = arith.addi %mul3A_58, %add3A_1453 : i32
        %get3A_1455 = arith.index_cast %add3A_1454 : i32 to index
        %get3A_1456 = arith.constant 16 : index
        %get3A_1457 = tpu.vector_load %arg11[%get3A_1455, %get3A_1456] {strides = array<i32>} : memref<128x128xf32, #tpu.memory_space<vmem>>, vector<16xf32>,
        %sub3A_1458 = arith.subf %get3A_1452, %get3A_1457 : vector<16xf32>
        %mul3A_1459 = arith.mulf %sub3A_1458, %sub3A_1458 : vector<16xf32>
        %add3A_1460 = arith.addf %mul3A_1447, %mul3A_1459 : vector<16xf32>
        %add3A_1461 = arith.constant 12 : i32
        %add3A_1462 = arith.addi %mul3A_58, %add3A_1461 : i32
        %get3A_1463 = arith.index_cast %add3A_1462 : i32 to index
        %get3A_1464 = arith.constant 32 : index
        %get3A_1465 = tpu.vector_load %arg10[%get3A_1463, %get3A_1464] {strides = array<i32>} : memref<128x128xf32, #tpu.memory_space<vmem>>, vector<16xf32>,
        %add3A_1466 = arith.constant 12 : i32
        %add3A_1467 = arith.addi %mul3A_58, %add3A_1466 : i32
        %get3A_1468 = arith.index_cast %add3A_1467 : i32 to index
        %get3A_1469 = arith.constant 32 : index
        %get3A_1470 = tpu.vector_load %arg11[%get3A_1468, %get3A_1469] {strides = array<i32>} : memref<128x128xf32, #tpu.memory_space<vmem>>, vector<16xf32>,
        %sub3A_1471 = arith.subf %get3A_1465, %get3A_1470 : vector<16xf32>
        %mul3A_1472 = arith.mulf %sub3A_1471, %sub3A_1471 : vector<16xf32>
        %add3A_1473 = arith.addf %add3A_1460, %mul3A_1472 : vector<16xf32>
        %add3A_1474 = arith.constant 12 : i32
        %add3A_1475 = arith.addi %mul3A_58, %add3A_1474 : i32
        %get3A_1476 = arith.index_cast %add3A_1475 : i32 to index
        %get3A_1477 = arith.constant 48 : index
        %get3A_1478 = tpu.vector_load %arg10[%get3A_1476, %get3A_1477] {strides = array<i32>} : memref<128x128xf32, #tpu.memory_space<vmem>>, vector<16xf32>,
        %add3A_1479 = arith.constant 12 : i32
        %add3A_1480 = arith.addi %mul3A_58, %add3A_1479 : i32
        %get3A_1481 = arith.index_cast %add3A_1480 : i32 to index
        %get3A_1482 = arith.constant 48 : index
        %get3A_1483 = tpu.vector_load %arg11[%get3A_1481, %get3A_1482] {strides = array<i32>} : memref<128x128xf32, #tpu.memory_space<vmem>>, vector<16xf32>,
        %sub3A_1484 = arith.subf %get3A_1478, %get3A_1483 : vector<16xf32>
        %mul3A_1485 = arith.mulf %sub3A_1484, %sub3A_1484 : vector<16xf32>
        %add3A_1486 = arith.addf %add3A_1473, %mul3A_1485 : vector<16xf32>
        %add3A_1487 = arith.constant 12 : i32
        %add3A_1488 = arith.addi %mul3A_58, %add3A_1487 : i32
        %get3A_1489 = arith.index_cast %add3A_1488 : i32 to index
        %get3A_1490 = arith.constant 64 : index
        %get3A_1491 = tpu.vector_load %arg10[%get3A_1489, %get3A_1490] {strides = array<i32>} : memref<128x128xf32, #tpu.memory_space<vmem>>, vector<16xf32>,
        %add3A_1492 = arith.constant 12 : i32
        %add3A_1493 = arith.addi %mul3A_58, %add3A_1492 : i32
        %get3A_1494 = arith.index_cast %add3A_1493 : i32 to index
        %get3A_1495 = arith.constant 64 : index
        %get3A_1496 = tpu.vector_load %arg11[%get3A_1494, %get3A_1495] {strides = array<i32>} : memref<128x128xf32, #tpu.memory_space<vmem>>, vector<16xf32>,
        %sub3A_1497 = arith.subf %get3A_1491, %get3A_1496 : vector<16xf32>
        %mul3A_1498 = arith.mulf %sub3A_1497, %sub3A_1497 : vector<16xf32>
        %add3A_1499 = arith.addf %add3A_1486, %mul3A_1498 : vector<16xf32>
        %add3A_1500 = arith.constant 12 : i32
        %add3A_1501 = arith.addi %mul3A_58, %add3A_1500 : i32
        %get3A_1502 = arith.index_cast %add3A_1501 : i32 to index
        %get3A_1503 = arith.constant 80 : index
        %get3A_1504 = tpu.vector_load %arg10[%get3A_1502, %get3A_1503] {strides = array<i32>} : memref<128x128xf32, #tpu.memory_space<vmem>>, vector<16xf32>,
        %add3A_1505 = arith.constant 12 : i32
        %add3A_1506 = arith.addi %mul3A_58, %add3A_1505 : i32
        %get3A_1507 = arith.index_cast %add3A_1506 : i32 to index
        %get3A_1508 = arith.constant 80 : index
        %get3A_1509 = tpu.vector_load %arg11[%get3A_1507, %get3A_1508] {strides = array<i32>} : memref<128x128xf32, #tpu.memory_space<vmem>>, vector<16xf32>,
        %sub3A_1510 = arith.subf %get3A_1504, %get3A_1509 : vector<16xf32>
        %mul3A_1511 = arith.mulf %sub3A_1510, %sub3A_1510 : vector<16xf32>
        %add3A_1512 = arith.addf %add3A_1499, %mul3A_1511 : vector<16xf32>
        %add3A_1513 = arith.constant 12 : i32
        %add3A_1514 = arith.addi %mul3A_58, %add3A_1513 : i32
        %get3A_1515 = arith.index_cast %add3A_1514 : i32 to index
        %get3A_1516 = arith.constant 96 : index
        %get3A_1517 = tpu.vector_load %arg10[%get3A_1515, %get3A_1516] {strides = array<i32>} : memref<128x128xf32, #tpu.memory_space<vmem>>, vector<16xf32>,
        %add3A_1518 = arith.constant 12 : i32
        %add3A_1519 = arith.addi %mul3A_58, %add3A_1518 : i32
        %get3A_1520 = arith.index_cast %add3A_1519 : i32 to index
        %get3A_1521 = arith.constant 96 : index
        %get3A_1522 = tpu.vector_load %arg11[%get3A_1520, %get3A_1521] {strides = array<i32>} : memref<128x128xf32, #tpu.memory_space<vmem>>, vector<16xf32>,
        %sub3A_1523 = arith.subf %get3A_1517, %get3A_1522 : vector<16xf32>
        %mul3A_1524 = arith.mulf %sub3A_1523, %sub3A_1523 : vector<16xf32>
        %add3A_1525 = arith.addf %add3A_1512, %mul3A_1524 : vector<16xf32>
        %add3A_1526 = arith.constant 12 : i32
        %add3A_1527 = arith.addi %mul3A_58, %add3A_1526 : i32
        %get3A_1528 = arith.index_cast %add3A_1527 : i32 to index
        %get3A_1529 = arith.constant 112 : index
        %get3A_1530 = tpu.vector_load %arg10[%get3A_1528, %get3A_1529] {strides = array<i32>} : memref<128x128xf32, #tpu.memory_space<vmem>>, vector<16xf32>,
        %add3A_1531 = arith.constant 12 : i32
        %add3A_1532 = arith.addi %mul3A_58, %add3A_1531 : i32
        %get3A_1533 = arith.index_cast %add3A_1532 : i32 to index
        %get3A_1534 = arith.constant 112 : index
        %get3A_1535 = tpu.vector_load %arg11[%get3A_1533, %get3A_1534] {strides = array<i32>} : memref<128x128xf32, #tpu.memory_space<vmem>>, vector<16xf32>,
        %sub3A_1536 = arith.subf %get3A_1530, %get3A_1535 : vector<16xf32>
        %mul3A_1537 = arith.mulf %sub3A_1536, %sub3A_1536 : vector<16xf32>
        %add3A_1538 = arith.addf %add3A_1525, %mul3A_1537 : vector<16xf32>
        %broadcast_in_dim3A_1539 = arith.constant 0.000000e+00 : f32
        %broadcast_in_dim3A_1540 = vector.broadcast %broadcast_in_dim3A_1539 : f32 to vector<16xf32>
        %reduce_sum3A_1541 = arith.constant true
        %reduce_sum3A_1542 = vector.broadcast %reduce_sum3A_1541 : i1 to vector<16xi1>
        %reduce_sum3A_1543 = tpu.scan <sum>, %add3A_1538 masked %reduce_sum3A_1542 : vector<16xf32>, vector<16xi1> -> vector<16xf32>
        %reduce_sum3A_1544 = vector.extract %reduce_sum3A_1543[15] : f32 from vector<16xf32>
        %add3A_1545 = vector.broadcast %reduce_sum3A_1544 : f32 to vector<16xf32>
        %add3A_1546 = arith.addf %broadcast_in_dim3A_1540, %add3A_1545 : vector<16xf32>
        %eq3A_1547 = arith.constant 12 : i32
        %eq3A_1548 = vector.broadcast %eq3A_1547 : i32 to vector<16xi32>
        %eq3A_1549 = arith.cmpi eq, %iota3A, %eq3A_1548 : vector<16xi32>
        %select_n3A_1550 = arith.select %eq3A_1549, %add3A_1546, %select_n3A_1435 : vector<16xi1>, vector<16xf32>
        %add3A_1551 = arith.constant 13 : i32
        %add3A_1552 = arith.addi %mul3A_58, %add3A_1551 : i32
        %get3A_1553 = arith.index_cast %add3A_1552 : i32 to index
        %get3A_1554 = arith.constant 0 : index
        %get3A_1555 = tpu.vector_load %arg10[%get3A_1553, %get3A_1554] {strides = array<i32>} : memref<128x128xf32, #tpu.memory_space<vmem>>, vector<16xf32>,
        %add3A_1556 = arith.constant 13 : i32
        %add3A_1557 = arith.addi %mul3A_58, %add3A_1556 : i32
        %get3A_1558 = arith.index_cast %add3A_1557 : i32 to index
        %get3A_1559 = arith.constant 0 : index
        %get3A_1560 = tpu.vector_load %arg11[%get3A_1558, %get3A_1559] {strides = array<i32>} : memref<128x128xf32, #tpu.memory_space<vmem>>, vector<16xf32>,
        %sub3A_1561 = arith.subf %get3A_1555, %get3A_1560 : vector<16xf32>
        %mul3A_1562 = arith.mulf %sub3A_1561, %sub3A_1561 : vector<16xf32>
        %add3A_1563 = arith.constant 13 : i32
        %add3A_1564 = arith.addi %mul3A_58, %add3A_1563 : i32
        %get3A_1565 = arith.index_cast %add3A_1564 : i32 to index
        %get3A_1566 = arith.constant 16 : index
        %get3A_1567 = tpu.vector_load %arg10[%get3A_1565, %get3A_1566] {strides = array<i32>} : memref<128x128xf32, #tpu.memory_space<vmem>>, vector<16xf32>,
        %add3A_1568 = arith.constant 13 : i32
        %add3A_1569 = arith.addi %mul3A_58, %add3A_1568 : i32
        %get3A_1570 = arith.index_cast %add3A_1569 : i32 to index
        %get3A_1571 = arith.constant 16 : index
        %get3A_1572 = tpu.vector_load %arg11[%get3A_1570, %get3A_1571] {strides = array<i32>} : memref<128x128xf32, #tpu.memory_space<vmem>>, vector<16xf32>,
        %sub3A_1573 = arith.subf %get3A_1567, %get3A_1572 : vector<16xf32>
        %mul3A_1574 = arith.mulf %sub3A_1573, %sub3A_1573 : vector<16xf32>
        %add3A_1575 = arith.addf %mul3A_1562, %mul3A_1574 : vector<16xf32>
        %add3A_1576 = arith.constant 13 : i32
        %add3A_1577 = arith.addi %mul3A_58, %add3A_1576 : i32
        %get3A_1578 = arith.index_cast %add3A_1577 : i32 to index
        %get3A_1579 = arith.constant 32 : index
        %get3A_1580 = tpu.vector_load %arg10[%get3A_1578, %get3A_1579] {strides = array<i32>} : memref<128x128xf32, #tpu.memory_space<vmem>>, vector<16xf32>,
        %add3A_1581 = arith.constant 13 : i32
        %add3A_1582 = arith.addi %mul3A_58, %add3A_1581 : i32
        %get3A_1583 = arith.index_cast %add3A_1582 : i32 to index
        %get3A_1584 = arith.constant 32 : index
        %get3A_1585 = tpu.vector_load %arg11[%get3A_1583, %get3A_1584] {strides = array<i32>} : memref<128x128xf32, #tpu.memory_space<vmem>>, vector<16xf32>,
        %sub3A_1586 = arith.subf %get3A_1580, %get3A_1585 : vector<16xf32>
        %mul3A_1587 = arith.mulf %sub3A_1586, %sub3A_1586 : vector<16xf32>
        %add3A_1588 = arith.addf %add3A_1575, %mul3A_1587 : vector<16xf32>
        %add3A_1589 = arith.constant 13 : i32
        %add3A_1590 = arith.addi %mul3A_58, %add3A_1589 : i32
        %get3A_1591 = arith.index_cast %add3A_1590 : i32 to index
        %get3A_1592 = arith.constant 48 : index
        %get3A_1593 = tpu.vector_load %arg10[%get3A_1591, %get3A_1592] {strides = array<i32>} : memref<128x128xf32, #tpu.memory_space<vmem>>, vector<16xf32>,
        %add3A_1594 = arith.constant 13 : i32
        %add3A_1595 = arith.addi %mul3A_58, %add3A_1594 : i32
        %get3A_1596 = arith.index_cast %add3A_1595 : i32 to index
        %get3A_1597 = arith.constant 48 : index
        %get3A_1598 = tpu.vector_load %arg11[%get3A_1596, %get3A_1597] {strides = array<i32>} : memref<128x128xf32, #tpu.memory_space<vmem>>, vector<16xf32>,
        %sub3A_1599 = arith.subf %get3A_1593, %get3A_1598 : vector<16xf32>
        %mul3A_1600 = arith.mulf %sub3A_1599, %sub3A_1599 : vector<16xf32>
        %add3A_1601 = arith.addf %add3A_1588, %mul3A_1600 : vector<16xf32>
        %add3A_1602 = arith.constant 13 : i32
        %add3A_1603 = arith.addi %mul3A_58, %add3A_1602 : i32
        %get3A_1604 = arith.index_cast %add3A_1603 : i32 to index
        %get3A_1605 = arith.constant 64 : index
        %get3A_1606 = tpu.vector_load %arg10[%get3A_1604, %get3A_1605] {strides = array<i32>} : memref<128x128xf32, #tpu.memory_space<vmem>>, vector<16xf32>,
        %add3A_1607 = arith.constant 13 : i32
        %add3A_1608 = arith.addi %mul3A_58, %add3A_1607 : i32
        %get3A_1609 = arith.index_cast %add3A_1608 : i32 to index
        %get3A_1610 = arith.constant 64 : index
        %get3A_1611 = tpu.vector_load %arg11[%get3A_1609, %get3A_1610] {strides = array<i32>} : memref<128x128xf32, #tpu.memory_space<vmem>>, vector<16xf32>,
        %sub3A_1612 = arith.subf %get3A_1606, %get3A_1611 : vector<16xf32>
        %mul3A_1613 = arith.mulf %sub3A_1612, %sub3A_1612 : vector<16xf32>
        %add3A_1614 = arith.addf %add3A_1601, %mul3A_1613 : vector<16xf32>
        %add3A_1615 = arith.constant 13 : i32
        %add3A_1616 = arith.addi %mul3A_58, %add3A_1615 : i32
        %get3A_1617 = arith.index_cast %add3A_1616 : i32 to index
        %get3A_1618 = arith.constant 80 : index
        %get3A_1619 = tpu.vector_load %arg10[%get3A_1617, %get3A_1618] {strides = array<i32>} : memref<128x128xf32, #tpu.memory_space<vmem>>, vector<16xf32>,
        %add3A_1620 = arith.constant 13 : i32
        %add3A_1621 = arith.addi %mul3A_58, %add3A_1620 : i32
        %get3A_1622 = arith.index_cast %add3A_1621 : i32 to index
        %get3A_1623 = arith.constant 80 : index
        %get3A_1624 = tpu.vector_load %arg11[%get3A_1622, %get3A_1623] {strides = array<i32>} : memref<128x128xf32, #tpu.memory_space<vmem>>, vector<16xf32>,
        %sub3A_1625 = arith.subf %get3A_1619, %get3A_1624 : vector<16xf32>
        %mul3A_1626 = arith.mulf %sub3A_1625, %sub3A_1625 : vector<16xf32>
        %add3A_1627 = arith.addf %add3A_1614, %mul3A_1626 : vector<16xf32>
        %add3A_1628 = arith.constant 13 : i32
        %add3A_1629 = arith.addi %mul3A_58, %add3A_1628 : i32
        %get3A_1630 = arith.index_cast %add3A_1629 : i32 to index
        %get3A_1631 = arith.constant 96 : index
        %get3A_1632 = tpu.vector_load %arg10[%get3A_1630, %get3A_1631] {strides = array<i32>} : memref<128x128xf32, #tpu.memory_space<vmem>>, vector<16xf32>,
        %add3A_1633 = arith.constant 13 : i32
        %add3A_1634 = arith.addi %mul3A_58, %add3A_1633 : i32
        %get3A_1635 = arith.index_cast %add3A_1634 : i32 to index
        %get3A_1636 = arith.constant 96 : index
        %get3A_1637 = tpu.vector_load %arg11[%get3A_1635, %get3A_1636] {strides = array<i32>} : memref<128x128xf32, #tpu.memory_space<vmem>>, vector<16xf32>,
        %sub3A_1638 = arith.subf %get3A_1632, %get3A_1637 : vector<16xf32>
        %mul3A_1639 = arith.mulf %sub3A_1638, %sub3A_1638 : vector<16xf32>
        %add3A_1640 = arith.addf %add3A_1627, %mul3A_1639 : vector<16xf32>
        %add3A_1641 = arith.constant 13 : i32
        %add3A_1642 = arith.addi %mul3A_58, %add3A_1641 : i32
        %get3A_1643 = arith.index_cast %add3A_1642 : i32 to index
        %get3A_1644 = arith.constant 112 : index
        %get3A_1645 = tpu.vector_load %arg10[%get3A_1643, %get3A_1644] {strides = array<i32>} : memref<128x128xf32, #tpu.memory_space<vmem>>, vector<16xf32>,
        %add3A_1646 = arith.constant 13 : i32
        %add3A_1647 = arith.addi %mul3A_58, %add3A_1646 : i32
        %get3A_1648 = arith.index_cast %add3A_1647 : i32 to index
        %get3A_1649 = arith.constant 112 : index
        %get3A_1650 = tpu.vector_load %arg11[%get3A_1648, %get3A_1649] {strides = array<i32>} : memref<128x128xf32, #tpu.memory_space<vmem>>, vector<16xf32>,
        %sub3A_1651 = arith.subf %get3A_1645, %get3A_1650 : vector<16xf32>
        %mul3A_1652 = arith.mulf %sub3A_1651, %sub3A_1651 : vector<16xf32>
        %add3A_1653 = arith.addf %add3A_1640, %mul3A_1652 : vector<16xf32>
        %broadcast_in_dim3A_1654 = arith.constant 0.000000e+00 : f32
        %broadcast_in_dim3A_1655 = vector.broadcast %broadcast_in_dim3A_1654 : f32 to vector<16xf32>
        %reduce_sum3A_1656 = arith.constant true
        %reduce_sum3A_1657 = vector.broadcast %reduce_sum3A_1656 : i1 to vector<16xi1>
        %reduce_sum3A_1658 = tpu.scan <sum>, %add3A_1653 masked %reduce_sum3A_1657 : vector<16xf32>, vector<16xi1> -> vector<16xf32>
        %reduce_sum3A_1659 = vector.extract %reduce_sum3A_1658[15] : f32 from vector<16xf32>
        %add3A_1660 = vector.broadcast %reduce_sum3A_1659 : f32 to vector<16xf32>
        %add3A_1661 = arith.addf %broadcast_in_dim3A_1655, %add3A_1660 : vector<16xf32>
        %eq3A_1662 = arith.constant 13 : i32
        %eq3A_1663 = vector.broadcast %eq3A_1662 : i32 to vector<16xi32>
        %eq3A_1664 = arith.cmpi eq, %iota3A, %eq3A_1663 : vector<16xi32>
        %select_n3A_1665 = arith.select %eq3A_1664, %add3A_1661, %select_n3A_1550 : vector<16xi1>, vector<16xf32>
        %add3A_1666 = arith.constant 14 : i32
        %add3A_1667 = arith.addi %mul3A_58, %add3A_1666 : i32
        %get3A_1668 = arith.index_cast %add3A_1667 : i32 to index
        %get3A_1669 = arith.constant 0 : index
        %get3A_1670 = tpu.vector_load %arg10[%get3A_1668, %get3A_1669] {strides = array<i32>} : memref<128x128xf32, #tpu.memory_space<vmem>>, vector<16xf32>,
        %add3A_1671 = arith.constant 14 : i32
        %add3A_1672 = arith.addi %mul3A_58, %add3A_1671 : i32
        %get3A_1673 = arith.index_cast %add3A_1672 : i32 to index
        %get3A_1674 = arith.constant 0 : index
        %get3A_1675 = tpu.vector_load %arg11[%get3A_1673, %get3A_1674] {strides = array<i32>} : memref<128x128xf32, #tpu.memory_space<vmem>>, vector<16xf32>,
        %sub3A_1676 = arith.subf %get3A_1670, %get3A_1675 : vector<16xf32>
        %mul3A_1677 = arith.mulf %sub3A_1676, %sub3A_1676 : vector<16xf32>
        %add3A_1678 = arith.constant 14 : i32
        %add3A_1679 = arith.addi %mul3A_58, %add3A_1678 : i32
        %get3A_1680 = arith.index_cast %add3A_1679 : i32 to index
        %get3A_1681 = arith.constant 16 : index
        %get3A_1682 = tpu.vector_load %arg10[%get3A_1680, %get3A_1681] {strides = array<i32>} : memref<128x128xf32, #tpu.memory_space<vmem>>, vector<16xf32>,
        %add3A_1683 = arith.constant 14 : i32
        %add3A_1684 = arith.addi %mul3A_58, %add3A_1683 : i32
        %get3A_1685 = arith.index_cast %add3A_1684 : i32 to index
        %get3A_1686 = arith.constant 16 : index
        %get3A_1687 = tpu.vector_load %arg11[%get3A_1685, %get3A_1686] {strides = array<i32>} : memref<128x128xf32, #tpu.memory_space<vmem>>, vector<16xf32>,
        %sub3A_1688 = arith.subf %get3A_1682, %get3A_1687 : vector<16xf32>
        %mul3A_1689 = arith.mulf %sub3A_1688, %sub3A_1688 : vector<16xf32>
        %add3A_1690 = arith.addf %mul3A_1677, %mul3A_1689 : vector<16xf32>
        %add3A_1691 = arith.constant 14 : i32
        %add3A_1692 = arith.addi %mul3A_58, %add3A_1691 : i32
        %get3A_1693 = arith.index_cast %add3A_1692 : i32 to index
        %get3A_1694 = arith.constant 32 : index
        %get3A_1695 = tpu.vector_load %arg10[%get3A_1693, %get3A_1694] {strides = array<i32>} : memref<128x128xf32, #tpu.memory_space<vmem>>, vector<16xf32>,
        %add3A_1696 = arith.constant 14 : i32
        %add3A_1697 = arith.addi %mul3A_58, %add3A_1696 : i32
        %get3A_1698 = arith.index_cast %add3A_1697 : i32 to index
        %get3A_1699 = arith.constant 32 : index
        %get3A_1700 = tpu.vector_load %arg11[%get3A_1698, %get3A_1699] {strides = array<i32>} : memref<128x128xf32, #tpu.memory_space<vmem>>, vector<16xf32>,
        %sub3A_1701 = arith.subf %get3A_1695, %get3A_1700 : vector<16xf32>
        %mul3A_1702 = arith.mulf %sub3A_1701, %sub3A_1701 : vector<16xf32>
        %add3A_1703 = arith.addf %add3A_1690, %mul3A_1702 : vector<16xf32>
        %add3A_1704 = arith.constant 14 : i32
        %add3A_1705 = arith.addi %mul3A_58, %add3A_1704 : i32
        %get3A_1706 = arith.index_cast %add3A_1705 : i32 to index
        %get3A_1707 = arith.constant 48 : index
        %get3A_1708 = tpu.vector_load %arg10[%get3A_1706, %get3A_1707] {strides = array<i32>} : memref<128x128xf32, #tpu.memory_space<vmem>>, vector<16xf32>,
        %add3A_1709 = arith.constant 14 : i32
        %add3A_1710 = arith.addi %mul3A_58, %add3A_1709 : i32
        %get3A_1711 = arith.index_cast %add3A_1710 : i32 to index
        %get3A_1712 = arith.constant 48 : index
        %get3A_1713 = tpu.vector_load %arg11[%get3A_1711, %get3A_1712] {strides = array<i32>} : memref<128x128xf32, #tpu.memory_space<vmem>>, vector<16xf32>,
        %sub3A_1714 = arith.subf %get3A_1708, %get3A_1713 : vector<16xf32>
        %mul3A_1715 = arith.mulf %sub3A_1714, %sub3A_1714 : vector<16xf32>
        %add3A_1716 = arith.addf %add3A_1703, %mul3A_1715 : vector<16xf32>
        %add3A_1717 = arith.constant 14 : i32
        %add3A_1718 = arith.addi %mul3A_58, %add3A_1717 : i32
        %get3A_1719 = arith.index_cast %add3A_1718 : i32 to index
        %get3A_1720 = arith.constant 64 : index
        %get3A_1721 = tpu.vector_load %arg10[%get3A_1719, %get3A_1720] {strides = array<i32>} : memref<128x128xf32, #tpu.memory_space<vmem>>, vector<16xf32>,
        %add3A_1722 = arith.constant 14 : i32
        %add3A_1723 = arith.addi %mul3A_58, %add3A_1722 : i32
        %get3A_1724 = arith.index_cast %add3A_1723 : i32 to index
        %get3A_1725 = arith.constant 64 : index
        %get3A_1726 = tpu.vector_load %arg11[%get3A_1724, %get3A_1725] {strides = array<i32>} : memref<128x128xf32, #tpu.memory_space<vmem>>, vector<16xf32>,
        %sub3A_1727 = arith.subf %get3A_1721, %get3A_1726 : vector<16xf32>
        %mul3A_1728 = arith.mulf %sub3A_1727, %sub3A_1727 : vector<16xf32>
        %add3A_1729 = arith.addf %add3A_1716, %mul3A_1728 : vector<16xf32>
        %add3A_1730 = arith.constant 14 : i32
        %add3A_1731 = arith.addi %mul3A_58, %add3A_1730 : i32
        %get3A_1732 = arith.index_cast %add3A_1731 : i32 to index
        %get3A_1733 = arith.constant 80 : index
        %get3A_1734 = tpu.vector_load %arg10[%get3A_1732, %get3A_1733] {strides = array<i32>} : memref<128x128xf32, #tpu.memory_space<vmem>>, vector<16xf32>,
        %add3A_1735 = arith.constant 14 : i32
        %add3A_1736 = arith.addi %mul3A_58, %add3A_1735 : i32
        %get3A_1737 = arith.index_cast %add3A_1736 : i32 to index
        %get3A_1738 = arith.constant 80 : index
        %get3A_1739 = tpu.vector_load %arg11[%get3A_1737, %get3A_1738] {strides = array<i32>} : memref<128x128xf32, #tpu.memory_space<vmem>>, vector<16xf32>,
        %sub3A_1740 = arith.subf %get3A_1734, %get3A_1739 : vector<16xf32>
        %mul3A_1741 = arith.mulf %sub3A_1740, %sub3A_1740 : vector<16xf32>
        %add3A_1742 = arith.addf %add3A_1729, %mul3A_1741 : vector<16xf32>
        %add3A_1743 = arith.constant 14 : i32
        %add3A_1744 = arith.addi %mul3A_58, %add3A_1743 : i32
        %get3A_1745 = arith.index_cast %add3A_1744 : i32 to index
        %get3A_1746 = arith.constant 96 : index
        %get3A_1747 = tpu.vector_load %arg10[%get3A_1745, %get3A_1746] {strides = array<i32>} : memref<128x128xf32, #tpu.memory_space<vmem>>, vector<16xf32>,
        %add3A_1748 = arith.constant 14 : i32
        %add3A_1749 = arith.addi %mul3A_58, %add3A_1748 : i32
        %get3A_1750 = arith.index_cast %add3A_1749 : i32 to index
        %get3A_1751 = arith.constant 96 : index
        %get3A_1752 = tpu.vector_load %arg11[%get3A_1750, %get3A_1751] {strides = array<i32>} : memref<128x128xf32, #tpu.memory_space<vmem>>, vector<16xf32>,
        %sub3A_1753 = arith.subf %get3A_1747, %get3A_1752 : vector<16xf32>
        %mul3A_1754 = arith.mulf %sub3A_1753, %sub3A_1753 : vector<16xf32>
        %add3A_1755 = arith.addf %add3A_1742, %mul3A_1754 : vector<16xf32>
        %add3A_1756 = arith.constant 14 : i32
        %add3A_1757 = arith.addi %mul3A_58, %add3A_1756 : i32
        %get3A_1758 = arith.index_cast %add3A_1757 : i32 to index
        %get3A_1759 = arith.constant 112 : index
        %get3A_1760 = tpu.vector_load %arg10[%get3A_1758, %get3A_1759] {strides = array<i32>} : memref<128x128xf32, #tpu.memory_space<vmem>>, vector<16xf32>,
        %add3A_1761 = arith.constant 14 : i32
        %add3A_1762 = arith.addi %mul3A_58, %add3A_1761 : i32
        %get3A_1763 = arith.index_cast %add3A_1762 : i32 to index
        %get3A_1764 = arith.constant 112 : index
        %get3A_1765 = tpu.vector_load %arg11[%get3A_1763, %get3A_1764] {strides = array<i32>} : memref<128x128xf32, #tpu.memory_space<vmem>>, vector<16xf32>,
        %sub3A_1766 = arith.subf %get3A_1760, %get3A_1765 : vector<16xf32>
        %mul3A_1767 = arith.mulf %sub3A_1766, %sub3A_1766 : vector<16xf32>
        %add3A_1768 = arith.addf %add3A_1755, %mul3A_1767 : vector<16xf32>
        %broadcast_in_dim3A_1769 = arith.constant 0.000000e+00 : f32
        %broadcast_in_dim3A_1770 = vector.broadcast %broadcast_in_dim3A_1769 : f32 to vector<16xf32>
        %reduce_sum3A_1771 = arith.constant true
        %reduce_sum3A_1772 = vector.broadcast %reduce_sum3A_1771 : i1 to vector<16xi1>
        %reduce_sum3A_1773 = tpu.scan <sum>, %add3A_1768 masked %reduce_sum3A_1772 : vector<16xf32>, vector<16xi1> -> vector<16xf32>
        %reduce_sum3A_1774 = vector.extract %reduce_sum3A_1773[15] : f32 from vector<16xf32>
        %add3A_1775 = vector.broadcast %reduce_sum3A_1774 : f32 to vector<16xf32>
        %add3A_1776 = arith.addf %broadcast_in_dim3A_1770, %add3A_1775 : vector<16xf32>
        %eq3A_1777 = arith.constant 14 : i32
        %eq3A_1778 = vector.broadcast %eq3A_1777 : i32 to vector<16xi32>
        %eq3A_1779 = arith.cmpi eq, %iota3A, %eq3A_1778 : vector<16xi32>
        %select_n3A_1780 = arith.select %eq3A_1779, %add3A_1776, %select_n3A_1665 : vector<16xi1>, vector<16xf32>
        %add3A_1781 = arith.constant 15 : i32
        %add3A_1782 = arith.addi %mul3A_58, %add3A_1781 : i32
        %get3A_1783 = arith.index_cast %add3A_1782 : i32 to index
        %get3A_1784 = arith.constant 0 : index
        %get3A_1785 = tpu.vector_load %arg10[%get3A_1783, %get3A_1784] {strides = array<i32>} : memref<128x128xf32, #tpu.memory_space<vmem>>, vector<16xf32>,
        %add3A_1786 = arith.constant 15 : i32
        %add3A_1787 = arith.addi %mul3A_58, %add3A_1786 : i32
        %get3A_1788 = arith.index_cast %add3A_1787 : i32 to index
        %get3A_1789 = arith.constant 0 : index
        %get3A_1790 = tpu.vector_load %arg11[%get3A_1788, %get3A_1789] {strides = array<i32>} : memref<128x128xf32, #tpu.memory_space<vmem>>, vector<16xf32>,
        %sub3A_1791 = arith.subf %get3A_1785, %get3A_1790 : vector<16xf32>
        %mul3A_1792 = arith.mulf %sub3A_1791, %sub3A_1791 : vector<16xf32>
        %add3A_1793 = arith.constant 15 : i32
        %add3A_1794 = arith.addi %mul3A_58, %add3A_1793 : i32
        %get3A_1795 = arith.index_cast %add3A_1794 : i32 to index
        %get3A_1796 = arith.constant 16 : index
        %get3A_1797 = tpu.vector_load %arg10[%get3A_1795, %get3A_1796] {strides = array<i32>} : memref<128x128xf32, #tpu.memory_space<vmem>>, vector<16xf32>,
        %add3A_1798 = arith.constant 15 : i32
        %add3A_1799 = arith.addi %mul3A_58, %add3A_1798 : i32
        %get3A_1800 = arith.index_cast %add3A_1799 : i32 to index
        %get3A_1801 = arith.constant 16 : index
        %get3A_1802 = tpu.vector_load %arg11[%get3A_1800, %get3A_1801] {strides = array<i32>} : memref<128x128xf32, #tpu.memory_space<vmem>>, vector<16xf32>,
        %sub3A_1803 = arith.subf %get3A_1797, %get3A_1802 : vector<16xf32>
        %mul3A_1804 = arith.mulf %sub3A_1803, %sub3A_1803 : vector<16xf32>
        %add3A_1805 = arith.addf %mul3A_1792, %mul3A_1804 : vector<16xf32>
        %add3A_1806 = arith.constant 15 : i32
        %add3A_1807 = arith.addi %mul3A_58, %add3A_1806 : i32
        %get3A_1808 = arith.index_cast %add3A_1807 : i32 to index
        %get3A_1809 = arith.constant 32 : index
        %get3A_1810 = tpu.vector_load %arg10[%get3A_1808, %get3A_1809] {strides = array<i32>} : memref<128x128xf32, #tpu.memory_space<vmem>>, vector<16xf32>,
        %add3A_1811 = arith.constant 15 : i32
        %add3A_1812 = arith.addi %mul3A_58, %add3A_1811 : i32
        %get3A_1813 = arith.index_cast %add3A_1812 : i32 to index
        %get3A_1814 = arith.constant 32 : index
        %get3A_1815 = tpu.vector_load %arg11[%get3A_1813, %get3A_1814] {strides = array<i32>} : memref<128x128xf32, #tpu.memory_space<vmem>>, vector<16xf32>,
        %sub3A_1816 = arith.subf %get3A_1810, %get3A_1815 : vector<16xf32>
        %mul3A_1817 = arith.mulf %sub3A_1816, %sub3A_1816 : vector<16xf32>
        %add3A_1818 = arith.addf %add3A_1805, %mul3A_1817 : vector<16xf32>
        %add3A_1819 = arith.constant 15 : i32
        %add3A_1820 = arith.addi %mul3A_58, %add3A_1819 : i32
        %get3A_1821 = arith.index_cast %add3A_1820 : i32 to index
        %get3A_1822 = arith.constant 48 : index
        %get3A_1823 = tpu.vector_load %arg10[%get3A_1821, %get3A_1822] {strides = array<i32>} : memref<128x128xf32, #tpu.memory_space<vmem>>, vector<16xf32>,
        %add3A_1824 = arith.constant 15 : i32
        %add3A_1825 = arith.addi %mul3A_58, %add3A_1824 : i32
        %get3A_1826 = arith.index_cast %add3A_1825 : i32 to index
        %get3A_1827 = arith.constant 48 : index
        %get3A_1828 = tpu.vector_load %arg11[%get3A_1826, %get3A_1827] {strides = array<i32>} : memref<128x128xf32, #tpu.memory_space<vmem>>, vector<16xf32>,
        %sub3A_1829 = arith.subf %get3A_1823, %get3A_1828 : vector<16xf32>
        %mul3A_1830 = arith.mulf %sub3A_1829, %sub3A_1829 : vector<16xf32>
        %add3A_1831 = arith.addf %add3A_1818, %mul3A_1830 : vector<16xf32>
        %add3A_1832 = arith.constant 15 : i32
        %add3A_1833 = arith.addi %mul3A_58, %add3A_1832 : i32
        %get3A_1834 = arith.index_cast %add3A_1833 : i32 to index
        %get3A_1835 = arith.constant 64 : index
        %get3A_1836 = tpu.vector_load %arg10[%get3A_1834, %get3A_1835] {strides = array<i32>} : memref<128x128xf32, #tpu.memory_space<vmem>>, vector<16xf32>,
        %add3A_1837 = arith.constant 15 : i32
        %add3A_1838 = arith.addi %mul3A_58, %add3A_1837 : i32
        %get3A_1839 = arith.index_cast %add3A_1838 : i32 to index
        %get3A_1840 = arith.constant 64 : index
        %get3A_1841 = tpu.vector_load %arg11[%get3A_1839, %get3A_1840] {strides = array<i32>} : memref<128x128xf32, #tpu.memory_space<vmem>>, vector<16xf32>,
        %sub3A_1842 = arith.subf %get3A_1836, %get3A_1841 : vector<16xf32>
        %mul3A_1843 = arith.mulf %sub3A_1842, %sub3A_1842 : vector<16xf32>
        %add3A_1844 = arith.addf %add3A_1831, %mul3A_1843 : vector<16xf32>
        %add3A_1845 = arith.constant 15 : i32
        %add3A_1846 = arith.addi %mul3A_58, %add3A_1845 : i32
        %get3A_1847 = arith.index_cast %add3A_1846 : i32 to index
        %get3A_1848 = arith.constant 80 : index
        %get3A_1849 = tpu.vector_load %arg10[%get3A_1847, %get3A_1848] {strides = array<i32>} : memref<128x128xf32, #tpu.memory_space<vmem>>, vector<16xf32>,
        %add3A_1850 = arith.constant 15 : i32
        %add3A_1851 = arith.addi %mul3A_58, %add3A_1850 : i32
        %get3A_1852 = arith.index_cast %add3A_1851 : i32 to index
        %get3A_1853 = arith.constant 80 : index
        %get3A_1854 = tpu.vector_load %arg11[%get3A_1852, %get3A_1853] {strides = array<i32>} : memref<128x128xf32, #tpu.memory_space<vmem>>, vector<16xf32>,
        %sub3A_1855 = arith.subf %get3A_1849, %get3A_1854 : vector<16xf32>
        %mul3A_1856 = arith.mulf %sub3A_1855, %sub3A_1855 : vector<16xf32>
        %add3A_1857 = arith.addf %add3A_1844, %mul3A_1856 : vector<16xf32>
        %add3A_1858 = arith.constant 15 : i32
        %add3A_1859 = arith.addi %mul3A_58, %add3A_1858 : i32
        %get3A_1860 = arith.index_cast %add3A_1859 : i32 to index
        %get3A_1861 = arith.constant 96 : index
        %get3A_1862 = tpu.vector_load %arg10[%get3A_1860, %get3A_1861] {strides = array<i32>} : memref<128x128xf32, #tpu.memory_space<vmem>>, vector<16xf32>,
        %add3A_1863 = arith.constant 15 : i32
        %add3A_1864 = arith.addi %mul3A_58, %add3A_1863 : i32
        %get3A_1865 = arith.index_cast %add3A_1864 : i32 to index
        %get3A_1866 = arith.constant 96 : index
        %get3A_1867 = tpu.vector_load %arg11[%get3A_1865, %get3A_1866] {strides = array<i32>} : memref<128x128xf32, #tpu.memory_space<vmem>>, vector<16xf32>,
        %sub3A_1868 = arith.subf %get3A_1862, %get3A_1867 : vector<16xf32>
        %mul3A_1869 = arith.mulf %sub3A_1868, %sub3A_1868 : vector<16xf32>
        %add3A_1870 = arith.addf %add3A_1857, %mul3A_1869 : vector<16xf32>
        %add3A_1871 = arith.constant 15 : i32
        %add3A_1872 = arith.addi %mul3A_58, %add3A_1871 : i32
        %get3A_1873 = arith.index_cast %add3A_1872 : i32 to index
        %get3A_1874 = arith.constant 112 : index
        %get3A_1875 = tpu.vector_load %arg10[%get3A_1873, %get3A_1874] {strides = array<i32>} : memref<128x128xf32, #tpu.memory_space<vmem>>, vector<16xf32>,
        %add3A_1876 = arith.constant 15 : i32
        %add3A_1877 = arith.addi %mul3A_58, %add3A_1876 : i32
        %get3A_1878 = arith.index_cast %add3A_1877 : i32 to index
        %get3A_1879 = arith.constant 112 : index
        %get3A_1880 = tpu.vector_load %arg11[%get3A_1878, %get3A_1879] {strides = array<i32>} : memref<128x128xf32, #tpu.memory_space<vmem>>, vector<16xf32>,
        %sub3A_1881 = arith.subf %get3A_1875, %get3A_1880 : vector<16xf32>
        %mul3A_1882 = arith.mulf %sub3A_1881, %sub3A_1881 : vector<16xf32>
        %add3A_1883 = arith.addf %add3A_1870, %mul3A_1882 : vector<16xf32>
        %broadcast_in_dim3A_1884 = arith.constant 0.000000e+00 : f32
        %broadcast_in_dim3A_1885 = vector.broadcast %broadcast_in_dim3A_1884 : f32 to vector<16xf32>
        %reduce_sum3A_1886 = arith.constant true
        %reduce_sum3A_1887 = vector.broadcast %reduce_sum3A_1886 : i1 to vector<16xi1>
        %reduce_sum3A_1888 = tpu.scan <sum>, %add3A_1883 masked %reduce_sum3A_1887 : vector<16xf32>, vector<16xi1> -> vector<16xf32>
        %reduce_sum3A_1889 = vector.extract %reduce_sum3A_1888[15] : f32 from vector<16xf32>
        %add3A_1890 = vector.broadcast %reduce_sum3A_1889 : f32 to vector<16xf32>
        %add3A_1891 = arith.addf %broadcast_in_dim3A_1885, %add3A_1890 : vector<16xf32>
        %eq3A_1892 = arith.constant 15 : i32
        %eq3A_1893 = vector.broadcast %eq3A_1892 : i32 to vector<16xi32>
        %eq3A_1894 = arith.cmpi eq, %iota3A, %eq3A_1893 : vector<16xi32>
        %select_n3A_1895 = arith.select %eq3A_1894, %add3A_1891, %select_n3A_1780 : vector<16xi1>, vector<16xf32>
        %get3A_1896 = arith.index_cast %mul3A_58 : i32 to index
        %get3A_1897 = tpu.vector_load %arg9[%get3A_1896] {strides = array<i32>} : memref<128xf32, #tpu.memory_space<vmem>>, vector<16xf32>,
        %get3A_1898 = vector.shape_cast %get3A_1897 : vector<16xf32> to vector<16xf32>
        %bitcast3A = vector.bitcast %select_n3A_1895 : vector<16xf32> to vector<16xi32>
        %shift_right_arithmetic3A = arith.constant 1 : i32
        %shift_right_arithmetic3A_1899 = vector.broadcast %shift_right_arithmetic3A : i32 to vector<16xi32>
        %shift_right_arithmetic3A_1900 = arith.shrsi %bitcast3A, %shift_right_arithmetic3A_1899 : vector<16xi32>
        %add3A_1901 = arith.constant 532487669 : i32
        %add3A_1902 = vector.broadcast %add3A_1901 : i32 to vector<16xi32>
        %add3A_1903 = arith.addi %shift_right_arithmetic3A_1900, %add3A_1902 : vector<16xi32>
        %bitcast3A_1904 = vector.bitcast %add3A_1903 : vector<16xi32> to vector<16xf32>
        %div3A = arith.divf %select_n3A_1895, %bitcast3A_1904 : vector<16xf32>
        %add3A_1905 = arith.addf %bitcast3A_1904, %div3A : vector<16xf32>
        %mul3A_1906 = arith.constant 5.000000e-01 : f32
        %mul3A_1907 = vector.broadcast %mul3A_1906 : f32 to vector<16xf32>
        %mul3A_1908 = arith.mulf %mul3A_1907, %add3A_1905 : vector<16xf32>
        %div3A_1909 = arith.divf %select_n3A_1895, %mul3A_1908 : vector<16xf32>
        %add3A_1910 = arith.addf %mul3A_1908, %div3A_1909 : vector<16xf32>
        %mul3A_1911 = arith.constant 5.000000e-01 : f32
        %mul3A_1912 = vector.broadcast %mul3A_1911 : f32 to vector<16xf32>
        %mul3A_1913 = arith.mulf %mul3A_1912, %add3A_1910 : vector<16xf32>
        %div3A_1914 = arith.divf %select_n3A_1895, %mul3A_1913 : vector<16xf32>
        %add3A_1915 = arith.addf %mul3A_1913, %div3A_1914 : vector<16xf32>
        %mul3A_1916 = arith.constant 5.000000e-01 : f32
        %mul3A_1917 = vector.broadcast %mul3A_1916 : f32 to vector<16xf32>
        %mul3A_1918 = arith.mulf %mul3A_1917, %add3A_1915 : vector<16xf32>
        %gt3A = arith.constant 0.000000e+00 : f32
        %gt3A_1919 = vector.broadcast %gt3A : f32 to vector<16xf32>
        %gt3A_1920 = arith.cmpf ogt, %select_n3A_1895, %gt3A_1919 : vector<16xf32>
        %jit3A = arith.constant 0.000000e+00 : f32
        %broadcast_in_dim3A_1921 = vector.broadcast %jit3A : f32 to vector<16xf32>
        %select_n3A_1922 = arith.select %gt3A_1920, %mul3A_1918, %broadcast_in_dim3A_1921 : vector<16xi1>, vector<16xf32>
        %mul3A_1923 = arith.mulf %get3A_1898, %select_n3A_1922 : vector<16xf32>
        %eq3A_1924 = arith.constant 0 : i32
        %eq3A_1925 = vector.broadcast %eq3A_1924 : i32 to vector<16xi32>
        %eq3A_1926 = arith.cmpi eq, %iota3A, %eq3A_1925 : vector<16xi32>
        %jit3A_1927 = arith.constant 0.000000e+00 : f32
        %broadcast_in_dim3A_1928 = vector.broadcast %jit3A_1927 : f32 to vector<16xf32>
        %select_n3A_1929 = arith.select %eq3A_1926, %mul3A_1923, %broadcast_in_dim3A_1928 : vector<16xi1>, vector<16xf32>
        %reduce_sum3A_1930 = arith.constant true
        %reduce_sum3A_1931 = vector.broadcast %reduce_sum3A_1930 : i1 to vector<16xi1>
        %reduce_sum3A_1932 = tpu.scan <sum>, %select_n3A_1929 masked %reduce_sum3A_1931 : vector<16xf32>, vector<16xi1> -> vector<16xf32>
        %reduce_sum3A_1933 = vector.extract %reduce_sum3A_1932[15] : f32 from vector<16xf32>
        %broadcast_in_dim3A_1934 = arith.constant 0.000000e+00 : f32
        %broadcast_in_dim3A_1935 = vector.broadcast %broadcast_in_dim3A_1934 : f32 to vector<16xf32>
        %add3A_1936 = vector.broadcast %reduce_sum3A_1933 : f32 to vector<16xf32>
        %add3A_1937 = arith.addf %broadcast_in_dim3A_1935, %add3A_1936 : vector<16xf32>
        %add3A_1938 = arith.constant 0 : i32
        %add3A_1939 = arith.addi %mul3A_58, %add3A_1938 : i32
        %get3A_1940 = arith.index_cast %add3A_1939 : i32 to index
        %get3A_1941 = arith.constant 0 : index
        %get3A_1942 = tpu.vector_load %arg11[%get3A_1940, %get3A_1941] {strides = array<i32>} : memref<128x128xf32, #tpu.memory_space<vmem>>, vector<16xf32>,
        %mul3A_1943 = arith.mulf %get3A_1942, %add3A_1937 : vector<16xf32>
        %add3A_1944 = arith.constant 0 : i32
        %add3A_1945 = arith.addi %mul3A_58, %add3A_1944 : i32
        %swap3A = arith.index_cast %add3A_1945 : i32 to index
        %swap3A_1946 = arith.constant 0 : index
        %swap3A_1947 = tpu.vector_load %arg12[%swap3A, %swap3A_1946] {strides = array<i32>} : memref<128x128xf32, #tpu.memory_space<vmem>>, vector<16xf32>,
        tpu.vector_store %arg12[%swap3A, %swap3A_1946], %mul3A_1943 {strides = array<i32>} : memref<128x128xf32, #tpu.memory_space<vmem>>, vector<16xf32>,
        %add3A_1948 = arith.constant 0 : i32
        %add3A_1949 = arith.addi %mul3A_58, %add3A_1948 : i32
        %get3A_1950 = arith.index_cast %add3A_1949 : i32 to index
        %get3A_1951 = arith.constant 16 : index
        %get3A_1952 = tpu.vector_load %arg11[%get3A_1950, %get3A_1951] {strides = array<i32>} : memref<128x128xf32, #tpu.memory_space<vmem>>, vector<16xf32>,
        %mul3A_1953 = arith.mulf %get3A_1952, %add3A_1937 : vector<16xf32>
        %add3A_1954 = arith.constant 0 : i32
        %add3A_1955 = arith.addi %mul3A_58, %add3A_1954 : i32
        %swap3A_1956 = arith.index_cast %add3A_1955 : i32 to index
        %swap3A_1957 = arith.constant 16 : index
        %swap3A_1958 = tpu.vector_load %arg12[%swap3A_1956, %swap3A_1957] {strides = array<i32>} : memref<128x128xf32, #tpu.memory_space<vmem>>, vector<16xf32>,
        tpu.vector_store %arg12[%swap3A_1956, %swap3A_1957], %mul3A_1953 {strides = array<i32>} : memref<128x128xf32, #tpu.memory_space<vmem>>, vector<16xf32>,
        %add3A_1959 = arith.constant 0 : i32
        %add3A_1960 = arith.addi %mul3A_58, %add3A_1959 : i32
        %get3A_1961 = arith.index_cast %add3A_1960 : i32 to index
        %get3A_1962 = arith.constant 32 : index
        %get3A_1963 = tpu.vector_load %arg11[%get3A_1961, %get3A_1962] {strides = array<i32>} : memref<128x128xf32, #tpu.memory_space<vmem>>, vector<16xf32>,
        %mul3A_1964 = arith.mulf %get3A_1963, %add3A_1937 : vector<16xf32>
        %add3A_1965 = arith.constant 0 : i32
        %add3A_1966 = arith.addi %mul3A_58, %add3A_1965 : i32
        %swap3A_1967 = arith.index_cast %add3A_1966 : i32 to index
        %swap3A_1968 = arith.constant 32 : index
        %swap3A_1969 = tpu.vector_load %arg12[%swap3A_1967, %swap3A_1968] {strides = array<i32>} : memref<128x128xf32, #tpu.memory_space<vmem>>, vector<16xf32>,
        tpu.vector_store %arg12[%swap3A_1967, %swap3A_1968], %mul3A_1964 {strides = array<i32>} : memref<128x128xf32, #tpu.memory_space<vmem>>, vector<16xf32>,
        %add3A_1970 = arith.constant 0 : i32
        %add3A_1971 = arith.addi %mul3A_58, %add3A_1970 : i32
        %get3A_1972 = arith.index_cast %add3A_1971 : i32 to index
        %get3A_1973 = arith.constant 48 : index
        %get3A_1974 = tpu.vector_load %arg11[%get3A_1972, %get3A_1973] {strides = array<i32>} : memref<128x128xf32, #tpu.memory_space<vmem>>, vector<16xf32>,
        %mul3A_1975 = arith.mulf %get3A_1974, %add3A_1937 : vector<16xf32>
        %add3A_1976 = arith.constant 0 : i32
        %add3A_1977 = arith.addi %mul3A_58, %add3A_1976 : i32
        %swap3A_1978 = arith.index_cast %add3A_1977 : i32 to index
        %swap3A_1979 = arith.constant 48 : index
        %swap3A_1980 = tpu.vector_load %arg12[%swap3A_1978, %swap3A_1979] {strides = array<i32>} : memref<128x128xf32, #tpu.memory_space<vmem>>, vector<16xf32>,
        tpu.vector_store %arg12[%swap3A_1978, %swap3A_1979], %mul3A_1975 {strides = array<i32>} : memref<128x128xf32, #tpu.memory_space<vmem>>, vector<16xf32>,
        %add3A_1981 = arith.constant 0 : i32
        %add3A_1982 = arith.addi %mul3A_58, %add3A_1981 : i32
        %get3A_1983 = arith.index_cast %add3A_1982 : i32 to index
        %get3A_1984 = arith.constant 64 : index
        %get3A_1985 = tpu.vector_load %arg11[%get3A_1983, %get3A_1984] {strides = array<i32>} : memref<128x128xf32, #tpu.memory_space<vmem>>, vector<16xf32>,
        %mul3A_1986 = arith.mulf %get3A_1985, %add3A_1937 : vector<16xf32>
        %add3A_1987 = arith.constant 0 : i32
        %add3A_1988 = arith.addi %mul3A_58, %add3A_1987 : i32
        %swap3A_1989 = arith.index_cast %add3A_1988 : i32 to index
        %swap3A_1990 = arith.constant 64 : index
        %swap3A_1991 = tpu.vector_load %arg12[%swap3A_1989, %swap3A_1990] {strides = array<i32>} : memref<128x128xf32, #tpu.memory_space<vmem>>, vector<16xf32>,
        tpu.vector_store %arg12[%swap3A_1989, %swap3A_1990], %mul3A_1986 {strides = array<i32>} : memref<128x128xf32, #tpu.memory_space<vmem>>, vector<16xf32>,
        %add3A_1992 = arith.constant 0 : i32
        %add3A_1993 = arith.addi %mul3A_58, %add3A_1992 : i32
        %get3A_1994 = arith.index_cast %add3A_1993 : i32 to index
        %get3A_1995 = arith.constant 80 : index
        %get3A_1996 = tpu.vector_load %arg11[%get3A_1994, %get3A_1995] {strides = array<i32>} : memref<128x128xf32, #tpu.memory_space<vmem>>, vector<16xf32>,
        %mul3A_1997 = arith.mulf %get3A_1996, %add3A_1937 : vector<16xf32>
        %add3A_1998 = arith.constant 0 : i32
        %add3A_1999 = arith.addi %mul3A_58, %add3A_1998 : i32
        %swap3A_2000 = arith.index_cast %add3A_1999 : i32 to index
        %swap3A_2001 = arith.constant 80 : index
        %swap3A_2002 = tpu.vector_load %arg12[%swap3A_2000, %swap3A_2001] {strides = array<i32>} : memref<128x128xf32, #tpu.memory_space<vmem>>, vector<16xf32>,
        tpu.vector_store %arg12[%swap3A_2000, %swap3A_2001], %mul3A_1997 {strides = array<i32>} : memref<128x128xf32, #tpu.memory_space<vmem>>, vector<16xf32>,
        %add3A_2003 = arith.constant 0 : i32
        %add3A_2004 = arith.addi %mul3A_58, %add3A_2003 : i32
        %get3A_2005 = arith.index_cast %add3A_2004 : i32 to index
        %get3A_2006 = arith.constant 96 : index
        %get3A_2007 = tpu.vector_load %arg11[%get3A_2005, %get3A_2006] {strides = array<i32>} : memref<128x128xf32, #tpu.memory_space<vmem>>, vector<16xf32>,
        %mul3A_2008 = arith.mulf %get3A_2007, %add3A_1937 : vector<16xf32>
        %add3A_2009 = arith.constant 0 : i32
        %add3A_2010 = arith.addi %mul3A_58, %add3A_2009 : i32
        %swap3A_2011 = arith.index_cast %add3A_2010 : i32 to index
        %swap3A_2012 = arith.constant 96 : index
        %swap3A_2013 = tpu.vector_load %arg12[%swap3A_2011, %swap3A_2012] {strides = array<i32>} : memref<128x128xf32, #tpu.memory_space<vmem>>, vector<16xf32>,
        tpu.vector_store %arg12[%swap3A_2011, %swap3A_2012], %mul3A_2008 {strides = array<i32>} : memref<128x128xf32, #tpu.memory_space<vmem>>, vector<16xf32>,
        %add3A_2014 = arith.constant 0 : i32
        %add3A_2015 = arith.addi %mul3A_58, %add3A_2014 : i32
        %get3A_2016 = arith.index_cast %add3A_2015 : i32 to index
        %get3A_2017 = arith.constant 112 : index
        %get3A_2018 = tpu.vector_load %arg11[%get3A_2016, %get3A_2017] {strides = array<i32>} : memref<128x128xf32, #tpu.memory_space<vmem>>, vector<16xf32>,
        %mul3A_2019 = arith.mulf %get3A_2018, %add3A_1937 : vector<16xf32>
        %add3A_2020 = arith.constant 0 : i32
        %add3A_2021 = arith.addi %mul3A_58, %add3A_2020 : i32
        %swap3A_2022 = arith.index_cast %add3A_2021 : i32 to index
        %swap3A_2023 = arith.constant 112 : index
        %swap3A_2024 = tpu.vector_load %arg12[%swap3A_2022, %swap3A_2023] {strides = array<i32>} : memref<128x128xf32, #tpu.memory_space<vmem>>, vector<16xf32>,
        tpu.vector_store %arg12[%swap3A_2022, %swap3A_2023], %mul3A_2019 {strides = array<i32>} : memref<128x128xf32, #tpu.memory_space<vmem>>, vector<16xf32>,
        %eq3A_2025 = arith.constant 1 : i32
        %eq3A_2026 = vector.broadcast %eq3A_2025 : i32 to vector<16xi32>
        %eq3A_2027 = arith.cmpi eq, %iota3A, %eq3A_2026 : vector<16xi32>
        %jit3A_2028 = arith.constant 0.000000e+00 : f32
        %broadcast_in_dim3A_2029 = vector.broadcast %jit3A_2028 : f32 to vector<16xf32>
        %select_n3A_2030 = arith.select %eq3A_2027, %mul3A_1923, %broadcast_in_dim3A_2029 : vector<16xi1>, vector<16xf32>
        %reduce_sum3A_2031 = arith.constant true
        %reduce_sum3A_2032 = vector.broadcast %reduce_sum3A_2031 : i1 to vector<16xi1>
        %reduce_sum3A_2033 = tpu.scan <sum>, %select_n3A_2030 masked %reduce_sum3A_2032 : vector<16xf32>, vector<16xi1> -> vector<16xf32>
        %reduce_sum3A_2034 = vector.extract %reduce_sum3A_2033[15] : f32 from vector<16xf32>
        %broadcast_in_dim3A_2035 = arith.constant 0.000000e+00 : f32
        %broadcast_in_dim3A_2036 = vector.broadcast %broadcast_in_dim3A_2035 : f32 to vector<16xf32>
        %add3A_2037 = vector.broadcast %reduce_sum3A_2034 : f32 to vector<16xf32>
        %add3A_2038 = arith.addf %broadcast_in_dim3A_2036, %add3A_2037 : vector<16xf32>
        %add3A_2039 = arith.constant 1 : i32
        %add3A_2040 = arith.addi %mul3A_58, %add3A_2039 : i32
        %get3A_2041 = arith.index_cast %add3A_2040 : i32 to index
        %get3A_2042 = arith.constant 0 : index
        %get3A_2043 = tpu.vector_load %arg11[%get3A_2041, %get3A_2042] {strides = array<i32>} : memref<128x128xf32, #tpu.memory_space<vmem>>, vector<16xf32>,
        %mul3A_2044 = arith.mulf %get3A_2043, %add3A_2038 : vector<16xf32>
        %add3A_2045 = arith.constant 1 : i32
        %add3A_2046 = arith.addi %mul3A_58, %add3A_2045 : i32
        %swap3A_2047 = arith.index_cast %add3A_2046 : i32 to index
        %swap3A_2048 = arith.constant 0 : index
        %swap3A_2049 = tpu.vector_load %arg12[%swap3A_2047, %swap3A_2048] {strides = array<i32>} : memref<128x128xf32, #tpu.memory_space<vmem>>, vector<16xf32>,
        tpu.vector_store %arg12[%swap3A_2047, %swap3A_2048], %mul3A_2044 {strides = array<i32>} : memref<128x128xf32, #tpu.memory_space<vmem>>, vector<16xf32>,
        %add3A_2050 = arith.constant 1 : i32
        %add3A_2051 = arith.addi %mul3A_58, %add3A_2050 : i32
        %get3A_2052 = arith.index_cast %add3A_2051 : i32 to index
        %get3A_2053 = arith.constant 16 : index
        %get3A_2054 = tpu.vector_load %arg11[%get3A_2052, %get3A_2053] {strides = array<i32>} : memref<128x128xf32, #tpu.memory_space<vmem>>, vector<16xf32>,
        %mul3A_2055 = arith.mulf %get3A_2054, %add3A_2038 : vector<16xf32>
        %add3A_2056 = arith.constant 1 : i32
        %add3A_2057 = arith.addi %mul3A_58, %add3A_2056 : i32
        %swap3A_2058 = arith.index_cast %add3A_2057 : i32 to index
        %swap3A_2059 = arith.constant 16 : index
        %swap3A_2060 = tpu.vector_load %arg12[%swap3A_2058, %swap3A_2059] {strides = array<i32>} : memref<128x128xf32, #tpu.memory_space<vmem>>, vector<16xf32>,
        tpu.vector_store %arg12[%swap3A_2058, %swap3A_2059], %mul3A_2055 {strides = array<i32>} : memref<128x128xf32, #tpu.memory_space<vmem>>, vector<16xf32>,
        %add3A_2061 = arith.constant 1 : i32
        %add3A_2062 = arith.addi %mul3A_58, %add3A_2061 : i32
        %get3A_2063 = arith.index_cast %add3A_2062 : i32 to index
        %get3A_2064 = arith.constant 32 : index
        %get3A_2065 = tpu.vector_load %arg11[%get3A_2063, %get3A_2064] {strides = array<i32>} : memref<128x128xf32, #tpu.memory_space<vmem>>, vector<16xf32>,
        %mul3A_2066 = arith.mulf %get3A_2065, %add3A_2038 : vector<16xf32>
        %add3A_2067 = arith.constant 1 : i32
        %add3A_2068 = arith.addi %mul3A_58, %add3A_2067 : i32
        %swap3A_2069 = arith.index_cast %add3A_2068 : i32 to index
        %swap3A_2070 = arith.constant 32 : index
        %swap3A_2071 = tpu.vector_load %arg12[%swap3A_2069, %swap3A_2070] {strides = array<i32>} : memref<128x128xf32, #tpu.memory_space<vmem>>, vector<16xf32>,
        tpu.vector_store %arg12[%swap3A_2069, %swap3A_2070], %mul3A_2066 {strides = array<i32>} : memref<128x128xf32, #tpu.memory_space<vmem>>, vector<16xf32>,
        %add3A_2072 = arith.constant 1 : i32
        %add3A_2073 = arith.addi %mul3A_58, %add3A_2072 : i32
        %get3A_2074 = arith.index_cast %add3A_2073 : i32 to index
        %get3A_2075 = arith.constant 48 : index
        %get3A_2076 = tpu.vector_load %arg11[%get3A_2074, %get3A_2075] {strides = array<i32>} : memref<128x128xf32, #tpu.memory_space<vmem>>, vector<16xf32>,
        %mul3A_2077 = arith.mulf %get3A_2076, %add3A_2038 : vector<16xf32>
        %add3A_2078 = arith.constant 1 : i32
        %add3A_2079 = arith.addi %mul3A_58, %add3A_2078 : i32
        %swap3A_2080 = arith.index_cast %add3A_2079 : i32 to index
        %swap3A_2081 = arith.constant 48 : index
        %swap3A_2082 = tpu.vector_load %arg12[%swap3A_2080, %swap3A_2081] {strides = array<i32>} : memref<128x128xf32, #tpu.memory_space<vmem>>, vector<16xf32>,
        tpu.vector_store %arg12[%swap3A_2080, %swap3A_2081], %mul3A_2077 {strides = array<i32>} : memref<128x128xf32, #tpu.memory_space<vmem>>, vector<16xf32>,
        %add3A_2083 = arith.constant 1 : i32
        %add3A_2084 = arith.addi %mul3A_58, %add3A_2083 : i32
        %get3A_2085 = arith.index_cast %add3A_2084 : i32 to index
        %get3A_2086 = arith.constant 64 : index
        %get3A_2087 = tpu.vector_load %arg11[%get3A_2085, %get3A_2086] {strides = array<i32>} : memref<128x128xf32, #tpu.memory_space<vmem>>, vector<16xf32>,
        %mul3A_2088 = arith.mulf %get3A_2087, %add3A_2038 : vector<16xf32>
        %add3A_2089 = arith.constant 1 : i32
        %add3A_2090 = arith.addi %mul3A_58, %add3A_2089 : i32
        %swap3A_2091 = arith.index_cast %add3A_2090 : i32 to index
        %swap3A_2092 = arith.constant 64 : index
        %swap3A_2093 = tpu.vector_load %arg12[%swap3A_2091, %swap3A_2092] {strides = array<i32>} : memref<128x128xf32, #tpu.memory_space<vmem>>, vector<16xf32>,
        tpu.vector_store %arg12[%swap3A_2091, %swap3A_2092], %mul3A_2088 {strides = array<i32>} : memref<128x128xf32, #tpu.memory_space<vmem>>, vector<16xf32>,
        %add3A_2094 = arith.constant 1 : i32
        %add3A_2095 = arith.addi %mul3A_58, %add3A_2094 : i32
        %get3A_2096 = arith.index_cast %add3A_2095 : i32 to index
        %get3A_2097 = arith.constant 80 : index
        %get3A_2098 = tpu.vector_load %arg11[%get3A_2096, %get3A_2097] {strides = array<i32>} : memref<128x128xf32, #tpu.memory_space<vmem>>, vector<16xf32>,
        %mul3A_2099 = arith.mulf %get3A_2098, %add3A_2038 : vector<16xf32>
        %add3A_2100 = arith.constant 1 : i32
        %add3A_2101 = arith.addi %mul3A_58, %add3A_2100 : i32
        %swap3A_2102 = arith.index_cast %add3A_2101 : i32 to index
        %swap3A_2103 = arith.constant 80 : index
        %swap3A_2104 = tpu.vector_load %arg12[%swap3A_2102, %swap3A_2103] {strides = array<i32>} : memref<128x128xf32, #tpu.memory_space<vmem>>, vector<16xf32>,
        tpu.vector_store %arg12[%swap3A_2102, %swap3A_2103], %mul3A_2099 {strides = array<i32>} : memref<128x128xf32, #tpu.memory_space<vmem>>, vector<16xf32>,
        %add3A_2105 = arith.constant 1 : i32
        %add3A_2106 = arith.addi %mul3A_58, %add3A_2105 : i32
        %get3A_2107 = arith.index_cast %add3A_2106 : i32 to index
        %get3A_2108 = arith.constant 96 : index
        %get3A_2109 = tpu.vector_load %arg11[%get3A_2107, %get3A_2108] {strides = array<i32>} : memref<128x128xf32, #tpu.memory_space<vmem>>, vector<16xf32>,
        %mul3A_2110 = arith.mulf %get3A_2109, %add3A_2038 : vector<16xf32>
        %add3A_2111 = arith.constant 1 : i32
        %add3A_2112 = arith.addi %mul3A_58, %add3A_2111 : i32
        %swap3A_2113 = arith.index_cast %add3A_2112 : i32 to index
        %swap3A_2114 = arith.constant 96 : index
        %swap3A_2115 = tpu.vector_load %arg12[%swap3A_2113, %swap3A_2114] {strides = array<i32>} : memref<128x128xf32, #tpu.memory_space<vmem>>, vector<16xf32>,
        tpu.vector_store %arg12[%swap3A_2113, %swap3A_2114], %mul3A_2110 {strides = array<i32>} : memref<128x128xf32, #tpu.memory_space<vmem>>, vector<16xf32>,
        %add3A_2116 = arith.constant 1 : i32
        %add3A_2117 = arith.addi %mul3A_58, %add3A_2116 : i32
        %get3A_2118 = arith.index_cast %add3A_2117 : i32 to index
        %get3A_2119 = arith.constant 112 : index
        %get3A_2120 = tpu.vector_load %arg11[%get3A_2118, %get3A_2119] {strides = array<i32>} : memref<128x128xf32, #tpu.memory_space<vmem>>, vector<16xf32>,
        %mul3A_2121 = arith.mulf %get3A_2120, %add3A_2038 : vector<16xf32>
        %add3A_2122 = arith.constant 1 : i32
        %add3A_2123 = arith.addi %mul3A_58, %add3A_2122 : i32
        %swap3A_2124 = arith.index_cast %add3A_2123 : i32 to index
        %swap3A_2125 = arith.constant 112 : index
        %swap3A_2126 = tpu.vector_load %arg12[%swap3A_2124, %swap3A_2125] {strides = array<i32>} : memref<128x128xf32, #tpu.memory_space<vmem>>, vector<16xf32>,
        tpu.vector_store %arg12[%swap3A_2124, %swap3A_2125], %mul3A_2121 {strides = array<i32>} : memref<128x128xf32, #tpu.memory_space<vmem>>, vector<16xf32>,
        %eq3A_2127 = arith.constant 2 : i32
        %eq3A_2128 = vector.broadcast %eq3A_2127 : i32 to vector<16xi32>
        %eq3A_2129 = arith.cmpi eq, %iota3A, %eq3A_2128 : vector<16xi32>
        %jit3A_2130 = arith.constant 0.000000e+00 : f32
        %broadcast_in_dim3A_2131 = vector.broadcast %jit3A_2130 : f32 to vector<16xf32>
        %select_n3A_2132 = arith.select %eq3A_2129, %mul3A_1923, %broadcast_in_dim3A_2131 : vector<16xi1>, vector<16xf32>
        %reduce_sum3A_2133 = arith.constant true
        %reduce_sum3A_2134 = vector.broadcast %reduce_sum3A_2133 : i1 to vector<16xi1>
        %reduce_sum3A_2135 = tpu.scan <sum>, %select_n3A_2132 masked %reduce_sum3A_2134 : vector<16xf32>, vector<16xi1> -> vector<16xf32>
        %reduce_sum3A_2136 = vector.extract %reduce_sum3A_2135[15] : f32 from vector<16xf32>
        %broadcast_in_dim3A_2137 = arith.constant 0.000000e+00 : f32
        %broadcast_in_dim3A_2138 = vector.broadcast %broadcast_in_dim3A_2137 : f32 to vector<16xf32>
        %add3A_2139 = vector.broadcast %reduce_sum3A_2136 : f32 to vector<16xf32>
        %add3A_2140 = arith.addf %broadcast_in_dim3A_2138, %add3A_2139 : vector<16xf32>
        %add3A_2141 = arith.constant 2 : i32
        %add3A_2142 = arith.addi %mul3A_58, %add3A_2141 : i32
        %get3A_2143 = arith.index_cast %add3A_2142 : i32 to index
        %get3A_2144 = arith.constant 0 : index
        %get3A_2145 = tpu.vector_load %arg11[%get3A_2143, %get3A_2144] {strides = array<i32>} : memref<128x128xf32, #tpu.memory_space<vmem>>, vector<16xf32>,
        %mul3A_2146 = arith.mulf %get3A_2145, %add3A_2140 : vector<16xf32>
        %add3A_2147 = arith.constant 2 : i32
        %add3A_2148 = arith.addi %mul3A_58, %add3A_2147 : i32
        %swap3A_2149 = arith.index_cast %add3A_2148 : i32 to index
        %swap3A_2150 = arith.constant 0 : index
        %swap3A_2151 = tpu.vector_load %arg12[%swap3A_2149, %swap3A_2150] {strides = array<i32>} : memref<128x128xf32, #tpu.memory_space<vmem>>, vector<16xf32>,
        tpu.vector_store %arg12[%swap3A_2149, %swap3A_2150], %mul3A_2146 {strides = array<i32>} : memref<128x128xf32, #tpu.memory_space<vmem>>, vector<16xf32>,
        %add3A_2152 = arith.constant 2 : i32
        %add3A_2153 = arith.addi %mul3A_58, %add3A_2152 : i32
        %get3A_2154 = arith.index_cast %add3A_2153 : i32 to index
        %get3A_2155 = arith.constant 16 : index
        %get3A_2156 = tpu.vector_load %arg11[%get3A_2154, %get3A_2155] {strides = array<i32>} : memref<128x128xf32, #tpu.memory_space<vmem>>, vector<16xf32>,
        %mul3A_2157 = arith.mulf %get3A_2156, %add3A_2140 : vector<16xf32>
        %add3A_2158 = arith.constant 2 : i32
        %add3A_2159 = arith.addi %mul3A_58, %add3A_2158 : i32
        %swap3A_2160 = arith.index_cast %add3A_2159 : i32 to index
        %swap3A_2161 = arith.constant 16 : index
        %swap3A_2162 = tpu.vector_load %arg12[%swap3A_2160, %swap3A_2161] {strides = array<i32>} : memref<128x128xf32, #tpu.memory_space<vmem>>, vector<16xf32>,
        tpu.vector_store %arg12[%swap3A_2160, %swap3A_2161], %mul3A_2157 {strides = array<i32>} : memref<128x128xf32, #tpu.memory_space<vmem>>, vector<16xf32>,
        %add3A_2163 = arith.constant 2 : i32
        %add3A_2164 = arith.addi %mul3A_58, %add3A_2163 : i32
        %get3A_2165 = arith.index_cast %add3A_2164 : i32 to index
        %get3A_2166 = arith.constant 32 : index
        %get3A_2167 = tpu.vector_load %arg11[%get3A_2165, %get3A_2166] {strides = array<i32>} : memref<128x128xf32, #tpu.memory_space<vmem>>, vector<16xf32>,
        %mul3A_2168 = arith.mulf %get3A_2167, %add3A_2140 : vector<16xf32>
        %add3A_2169 = arith.constant 2 : i32
        %add3A_2170 = arith.addi %mul3A_58, %add3A_2169 : i32
        %swap3A_2171 = arith.index_cast %add3A_2170 : i32 to index
        %swap3A_2172 = arith.constant 32 : index
        %swap3A_2173 = tpu.vector_load %arg12[%swap3A_2171, %swap3A_2172] {strides = array<i32>} : memref<128x128xf32, #tpu.memory_space<vmem>>, vector<16xf32>,
        tpu.vector_store %arg12[%swap3A_2171, %swap3A_2172], %mul3A_2168 {strides = array<i32>} : memref<128x128xf32, #tpu.memory_space<vmem>>, vector<16xf32>,
        %add3A_2174 = arith.constant 2 : i32
        %add3A_2175 = arith.addi %mul3A_58, %add3A_2174 : i32
        %get3A_2176 = arith.index_cast %add3A_2175 : i32 to index
        %get3A_2177 = arith.constant 48 : index
        %get3A_2178 = tpu.vector_load %arg11[%get3A_2176, %get3A_2177] {strides = array<i32>} : memref<128x128xf32, #tpu.memory_space<vmem>>, vector<16xf32>,
        %mul3A_2179 = arith.mulf %get3A_2178, %add3A_2140 : vector<16xf32>
        %add3A_2180 = arith.constant 2 : i32
        %add3A_2181 = arith.addi %mul3A_58, %add3A_2180 : i32
        %swap3A_2182 = arith.index_cast %add3A_2181 : i32 to index
        %swap3A_2183 = arith.constant 48 : index
        %swap3A_2184 = tpu.vector_load %arg12[%swap3A_2182, %swap3A_2183] {strides = array<i32>} : memref<128x128xf32, #tpu.memory_space<vmem>>, vector<16xf32>,
        tpu.vector_store %arg12[%swap3A_2182, %swap3A_2183], %mul3A_2179 {strides = array<i32>} : memref<128x128xf32, #tpu.memory_space<vmem>>, vector<16xf32>,
        %add3A_2185 = arith.constant 2 : i32
        %add3A_2186 = arith.addi %mul3A_58, %add3A_2185 : i32
        %get3A_2187 = arith.index_cast %add3A_2186 : i32 to index
        %get3A_2188 = arith.constant 64 : index
        %get3A_2189 = tpu.vector_load %arg11[%get3A_2187, %get3A_2188] {strides = array<i32>} : memref<128x128xf32, #tpu.memory_space<vmem>>, vector<16xf32>,
        %mul3A_2190 = arith.mulf %get3A_2189, %add3A_2140 : vector<16xf32>
        %add3A_2191 = arith.constant 2 : i32
        %add3A_2192 = arith.addi %mul3A_58, %add3A_2191 : i32
        %swap3A_2193 = arith.index_cast %add3A_2192 : i32 to index
        %swap3A_2194 = arith.constant 64 : index
        %swap3A_2195 = tpu.vector_load %arg12[%swap3A_2193, %swap3A_2194] {strides = array<i32>} : memref<128x128xf32, #tpu.memory_space<vmem>>, vector<16xf32>,
        tpu.vector_store %arg12[%swap3A_2193, %swap3A_2194], %mul3A_2190 {strides = array<i32>} : memref<128x128xf32, #tpu.memory_space<vmem>>, vector<16xf32>,
        %add3A_2196 = arith.constant 2 : i32
        %add3A_2197 = arith.addi %mul3A_58, %add3A_2196 : i32
        %get3A_2198 = arith.index_cast %add3A_2197 : i32 to index
        %get3A_2199 = arith.constant 80 : index
        %get3A_2200 = tpu.vector_load %arg11[%get3A_2198, %get3A_2199] {strides = array<i32>} : memref<128x128xf32, #tpu.memory_space<vmem>>, vector<16xf32>,
        %mul3A_2201 = arith.mulf %get3A_2200, %add3A_2140 : vector<16xf32>
        %add3A_2202 = arith.constant 2 : i32
        %add3A_2203 = arith.addi %mul3A_58, %add3A_2202 : i32
        %swap3A_2204 = arith.index_cast %add3A_2203 : i32 to index
        %swap3A_2205 = arith.constant 80 : index
        %swap3A_2206 = tpu.vector_load %arg12[%swap3A_2204, %swap3A_2205] {strides = array<i32>} : memref<128x128xf32, #tpu.memory_space<vmem>>, vector<16xf32>,
        tpu.vector_store %arg12[%swap3A_2204, %swap3A_2205], %mul3A_2201 {strides = array<i32>} : memref<128x128xf32, #tpu.memory_space<vmem>>, vector<16xf32>,
        %add3A_2207 = arith.constant 2 : i32
        %add3A_2208 = arith.addi %mul3A_58, %add3A_2207 : i32
        %get3A_2209 = arith.index_cast %add3A_2208 : i32 to index
        %get3A_2210 = arith.constant 96 : index
        %get3A_2211 = tpu.vector_load %arg11[%get3A_2209, %get3A_2210] {strides = array<i32>} : memref<128x128xf32, #tpu.memory_space<vmem>>, vector<16xf32>,
        %mul3A_2212 = arith.mulf %get3A_2211, %add3A_2140 : vector<16xf32>
        %add3A_2213 = arith.constant 2 : i32
        %add3A_2214 = arith.addi %mul3A_58, %add3A_2213 : i32
        %swap3A_2215 = arith.index_cast %add3A_2214 : i32 to index
        %swap3A_2216 = arith.constant 96 : index
        %swap3A_2217 = tpu.vector_load %arg12[%swap3A_2215, %swap3A_2216] {strides = array<i32>} : memref<128x128xf32, #tpu.memory_space<vmem>>, vector<16xf32>,
        tpu.vector_store %arg12[%swap3A_2215, %swap3A_2216], %mul3A_2212 {strides = array<i32>} : memref<128x128xf32, #tpu.memory_space<vmem>>, vector<16xf32>,
        %add3A_2218 = arith.constant 2 : i32
        %add3A_2219 = arith.addi %mul3A_58, %add3A_2218 : i32
        %get3A_2220 = arith.index_cast %add3A_2219 : i32 to index
        %get3A_2221 = arith.constant 112 : index
        %get3A_2222 = tpu.vector_load %arg11[%get3A_2220, %get3A_2221] {strides = array<i32>} : memref<128x128xf32, #tpu.memory_space<vmem>>, vector<16xf32>,
        %mul3A_2223 = arith.mulf %get3A_2222, %add3A_2140 : vector<16xf32>
        %add3A_2224 = arith.constant 2 : i32
        %add3A_2225 = arith.addi %mul3A_58, %add3A_2224 : i32
        %swap3A_2226 = arith.index_cast %add3A_2225 : i32 to index
        %swap3A_2227 = arith.constant 112 : index
        %swap3A_2228 = tpu.vector_load %arg12[%swap3A_2226, %swap3A_2227] {strides = array<i32>} : memref<128x128xf32, #tpu.memory_space<vmem>>, vector<16xf32>,
        tpu.vector_store %arg12[%swap3A_2226, %swap3A_2227], %mul3A_2223 {strides = array<i32>} : memref<128x128xf32, #tpu.memory_space<vmem>>, vector<16xf32>,
        %eq3A_2229 = arith.constant 3 : i32
        %eq3A_2230 = vector.broadcast %eq3A_2229 : i32 to vector<16xi32>
        %eq3A_2231 = arith.cmpi eq, %iota3A, %eq3A_2230 : vector<16xi32>
        %jit3A_2232 = arith.constant 0.000000e+00 : f32
        %broadcast_in_dim3A_2233 = vector.broadcast %jit3A_2232 : f32 to vector<16xf32>
        %select_n3A_2234 = arith.select %eq3A_2231, %mul3A_1923, %broadcast_in_dim3A_2233 : vector<16xi1>, vector<16xf32>
        %reduce_sum3A_2235 = arith.constant true
        %reduce_sum3A_2236 = vector.broadcast %reduce_sum3A_2235 : i1 to vector<16xi1>
        %reduce_sum3A_2237 = tpu.scan <sum>, %select_n3A_2234 masked %reduce_sum3A_2236 : vector<16xf32>, vector<16xi1> -> vector<16xf32>
        %reduce_sum3A_2238 = vector.extract %reduce_sum3A_2237[15] : f32 from vector<16xf32>
        %broadcast_in_dim3A_2239 = arith.constant 0.000000e+00 : f32
        %broadcast_in_dim3A_2240 = vector.broadcast %broadcast_in_dim3A_2239 : f32 to vector<16xf32>
        %add3A_2241 = vector.broadcast %reduce_sum3A_2238 : f32 to vector<16xf32>
        %add3A_2242 = arith.addf %broadcast_in_dim3A_2240, %add3A_2241 : vector<16xf32>
        %add3A_2243 = arith.constant 3 : i32
        %add3A_2244 = arith.addi %mul3A_58, %add3A_2243 : i32
        %get3A_2245 = arith.index_cast %add3A_2244 : i32 to index
        %get3A_2246 = arith.constant 0 : index
        %get3A_2247 = tpu.vector_load %arg11[%get3A_2245, %get3A_2246] {strides = array<i32>} : memref<128x128xf32, #tpu.memory_space<vmem>>, vector<16xf32>,
        %mul3A_2248 = arith.mulf %get3A_2247, %add3A_2242 : vector<16xf32>
        %add3A_2249 = arith.constant 3 : i32
        %add3A_2250 = arith.addi %mul3A_58, %add3A_2249 : i32
        %swap3A_2251 = arith.index_cast %add3A_2250 : i32 to index
        %swap3A_2252 = arith.constant 0 : index
        %swap3A_2253 = tpu.vector_load %arg12[%swap3A_2251, %swap3A_2252] {strides = array<i32>} : memref<128x128xf32, #tpu.memory_space<vmem>>, vector<16xf32>,
        tpu.vector_store %arg12[%swap3A_2251, %swap3A_2252], %mul3A_2248 {strides = array<i32>} : memref<128x128xf32, #tpu.memory_space<vmem>>, vector<16xf32>,
        %add3A_2254 = arith.constant 3 : i32
        %add3A_2255 = arith.addi %mul3A_58, %add3A_2254 : i32
        %get3A_2256 = arith.index_cast %add3A_2255 : i32 to index
        %get3A_2257 = arith.constant 16 : index
        %get3A_2258 = tpu.vector_load %arg11[%get3A_2256, %get3A_2257] {strides = array<i32>} : memref<128x128xf32, #tpu.memory_space<vmem>>, vector<16xf32>,
        %mul3A_2259 = arith.mulf %get3A_2258, %add3A_2242 : vector<16xf32>
        %add3A_2260 = arith.constant 3 : i32
        %add3A_2261 = arith.addi %mul3A_58, %add3A_2260 : i32
        %swap3A_2262 = arith.index_cast %add3A_2261 : i32 to index
        %swap3A_2263 = arith.constant 16 : index
        %swap3A_2264 = tpu.vector_load %arg12[%swap3A_2262, %swap3A_2263] {strides = array<i32>} : memref<128x128xf32, #tpu.memory_space<vmem>>, vector<16xf32>,
        tpu.vector_store %arg12[%swap3A_2262, %swap3A_2263], %mul3A_2259 {strides = array<i32>} : memref<128x128xf32, #tpu.memory_space<vmem>>, vector<16xf32>,
        %add3A_2265 = arith.constant 3 : i32
        %add3A_2266 = arith.addi %mul3A_58, %add3A_2265 : i32
        %get3A_2267 = arith.index_cast %add3A_2266 : i32 to index
        %get3A_2268 = arith.constant 32 : index
        %get3A_2269 = tpu.vector_load %arg11[%get3A_2267, %get3A_2268] {strides = array<i32>} : memref<128x128xf32, #tpu.memory_space<vmem>>, vector<16xf32>,
        %mul3A_2270 = arith.mulf %get3A_2269, %add3A_2242 : vector<16xf32>
        %add3A_2271 = arith.constant 3 : i32
        %add3A_2272 = arith.addi %mul3A_58, %add3A_2271 : i32
        %swap3A_2273 = arith.index_cast %add3A_2272 : i32 to index
        %swap3A_2274 = arith.constant 32 : index
        %swap3A_2275 = tpu.vector_load %arg12[%swap3A_2273, %swap3A_2274] {strides = array<i32>} : memref<128x128xf32, #tpu.memory_space<vmem>>, vector<16xf32>,
        tpu.vector_store %arg12[%swap3A_2273, %swap3A_2274], %mul3A_2270 {strides = array<i32>} : memref<128x128xf32, #tpu.memory_space<vmem>>, vector<16xf32>,
        %add3A_2276 = arith.constant 3 : i32
        %add3A_2277 = arith.addi %mul3A_58, %add3A_2276 : i32
        %get3A_2278 = arith.index_cast %add3A_2277 : i32 to index
        %get3A_2279 = arith.constant 48 : index
        %get3A_2280 = tpu.vector_load %arg11[%get3A_2278, %get3A_2279] {strides = array<i32>} : memref<128x128xf32, #tpu.memory_space<vmem>>, vector<16xf32>,
        %mul3A_2281 = arith.mulf %get3A_2280, %add3A_2242 : vector<16xf32>
        %add3A_2282 = arith.constant 3 : i32
        %add3A_2283 = arith.addi %mul3A_58, %add3A_2282 : i32
        %swap3A_2284 = arith.index_cast %add3A_2283 : i32 to index
        %swap3A_2285 = arith.constant 48 : index
        %swap3A_2286 = tpu.vector_load %arg12[%swap3A_2284, %swap3A_2285] {strides = array<i32>} : memref<128x128xf32, #tpu.memory_space<vmem>>, vector<16xf32>,
        tpu.vector_store %arg12[%swap3A_2284, %swap3A_2285], %mul3A_2281 {strides = array<i32>} : memref<128x128xf32, #tpu.memory_space<vmem>>, vector<16xf32>,
        %add3A_2287 = arith.constant 3 : i32
        %add3A_2288 = arith.addi %mul3A_58, %add3A_2287 : i32
        %get3A_2289 = arith.index_cast %add3A_2288 : i32 to index
        %get3A_2290 = arith.constant 64 : index
        %get3A_2291 = tpu.vector_load %arg11[%get3A_2289, %get3A_2290] {strides = array<i32>} : memref<128x128xf32, #tpu.memory_space<vmem>>, vector<16xf32>,
        %mul3A_2292 = arith.mulf %get3A_2291, %add3A_2242 : vector<16xf32>
        %add3A_2293 = arith.constant 3 : i32
        %add3A_2294 = arith.addi %mul3A_58, %add3A_2293 : i32
        %swap3A_2295 = arith.index_cast %add3A_2294 : i32 to index
        %swap3A_2296 = arith.constant 64 : index
        %swap3A_2297 = tpu.vector_load %arg12[%swap3A_2295, %swap3A_2296] {strides = array<i32>} : memref<128x128xf32, #tpu.memory_space<vmem>>, vector<16xf32>,
        tpu.vector_store %arg12[%swap3A_2295, %swap3A_2296], %mul3A_2292 {strides = array<i32>} : memref<128x128xf32, #tpu.memory_space<vmem>>, vector<16xf32>,
        %add3A_2298 = arith.constant 3 : i32
        %add3A_2299 = arith.addi %mul3A_58, %add3A_2298 : i32
        %get3A_2300 = arith.index_cast %add3A_2299 : i32 to index
        %get3A_2301 = arith.constant 80 : index
        %get3A_2302 = tpu.vector_load %arg11[%get3A_2300, %get3A_2301] {strides = array<i32>} : memref<128x128xf32, #tpu.memory_space<vmem>>, vector<16xf32>,
        %mul3A_2303 = arith.mulf %get3A_2302, %add3A_2242 : vector<16xf32>
        %add3A_2304 = arith.constant 3 : i32
        %add3A_2305 = arith.addi %mul3A_58, %add3A_2304 : i32
        %swap3A_2306 = arith.index_cast %add3A_2305 : i32 to index
        %swap3A_2307 = arith.constant 80 : index
        %swap3A_2308 = tpu.vector_load %arg12[%swap3A_2306, %swap3A_2307] {strides = array<i32>} : memref<128x128xf32, #tpu.memory_space<vmem>>, vector<16xf32>,
        tpu.vector_store %arg12[%swap3A_2306, %swap3A_2307], %mul3A_2303 {strides = array<i32>} : memref<128x128xf32, #tpu.memory_space<vmem>>, vector<16xf32>,
        %add3A_2309 = arith.constant 3 : i32
        %add3A_2310 = arith.addi %mul3A_58, %add3A_2309 : i32
        %get3A_2311 = arith.index_cast %add3A_2310 : i32 to index
        %get3A_2312 = arith.constant 96 : index
        %get3A_2313 = tpu.vector_load %arg11[%get3A_2311, %get3A_2312] {strides = array<i32>} : memref<128x128xf32, #tpu.memory_space<vmem>>, vector<16xf32>,
        %mul3A_2314 = arith.mulf %get3A_2313, %add3A_2242 : vector<16xf32>
        %add3A_2315 = arith.constant 3 : i32
        %add3A_2316 = arith.addi %mul3A_58, %add3A_2315 : i32
        %swap3A_2317 = arith.index_cast %add3A_2316 : i32 to index
        %swap3A_2318 = arith.constant 96 : index
        %swap3A_2319 = tpu.vector_load %arg12[%swap3A_2317, %swap3A_2318] {strides = array<i32>} : memref<128x128xf32, #tpu.memory_space<vmem>>, vector<16xf32>,
        tpu.vector_store %arg12[%swap3A_2317, %swap3A_2318], %mul3A_2314 {strides = array<i32>} : memref<128x128xf32, #tpu.memory_space<vmem>>, vector<16xf32>,
        %add3A_2320 = arith.constant 3 : i32
        %add3A_2321 = arith.addi %mul3A_58, %add3A_2320 : i32
        %get3A_2322 = arith.index_cast %add3A_2321 : i32 to index
        %get3A_2323 = arith.constant 112 : index
        %get3A_2324 = tpu.vector_load %arg11[%get3A_2322, %get3A_2323] {strides = array<i32>} : memref<128x128xf32, #tpu.memory_space<vmem>>, vector<16xf32>,
        %mul3A_2325 = arith.mulf %get3A_2324, %add3A_2242 : vector<16xf32>
        %add3A_2326 = arith.constant 3 : i32
        %add3A_2327 = arith.addi %mul3A_58, %add3A_2326 : i32
        %swap3A_2328 = arith.index_cast %add3A_2327 : i32 to index
        %swap3A_2329 = arith.constant 112 : index
        %swap3A_2330 = tpu.vector_load %arg12[%swap3A_2328, %swap3A_2329] {strides = array<i32>} : memref<128x128xf32, #tpu.memory_space<vmem>>, vector<16xf32>,
        tpu.vector_store %arg12[%swap3A_2328, %swap3A_2329], %mul3A_2325 {strides = array<i32>} : memref<128x128xf32, #tpu.memory_space<vmem>>, vector<16xf32>,
        %eq3A_2331 = arith.constant 4 : i32
        %eq3A_2332 = vector.broadcast %eq3A_2331 : i32 to vector<16xi32>
        %eq3A_2333 = arith.cmpi eq, %iota3A, %eq3A_2332 : vector<16xi32>
        %jit3A_2334 = arith.constant 0.000000e+00 : f32
        %broadcast_in_dim3A_2335 = vector.broadcast %jit3A_2334 : f32 to vector<16xf32>
        %select_n3A_2336 = arith.select %eq3A_2333, %mul3A_1923, %broadcast_in_dim3A_2335 : vector<16xi1>, vector<16xf32>
        %reduce_sum3A_2337 = arith.constant true
        %reduce_sum3A_2338 = vector.broadcast %reduce_sum3A_2337 : i1 to vector<16xi1>
        %reduce_sum3A_2339 = tpu.scan <sum>, %select_n3A_2336 masked %reduce_sum3A_2338 : vector<16xf32>, vector<16xi1> -> vector<16xf32>
        %reduce_sum3A_2340 = vector.extract %reduce_sum3A_2339[15] : f32 from vector<16xf32>
        %broadcast_in_dim3A_2341 = arith.constant 0.000000e+00 : f32
        %broadcast_in_dim3A_2342 = vector.broadcast %broadcast_in_dim3A_2341 : f32 to vector<16xf32>
        %add3A_2343 = vector.broadcast %reduce_sum3A_2340 : f32 to vector<16xf32>
        %add3A_2344 = arith.addf %broadcast_in_dim3A_2342, %add3A_2343 : vector<16xf32>
        %add3A_2345 = arith.constant 4 : i32
        %add3A_2346 = arith.addi %mul3A_58, %add3A_2345 : i32
        %get3A_2347 = arith.index_cast %add3A_2346 : i32 to index
        %get3A_2348 = arith.constant 0 : index
        %get3A_2349 = tpu.vector_load %arg11[%get3A_2347, %get3A_2348] {strides = array<i32>} : memref<128x128xf32, #tpu.memory_space<vmem>>, vector<16xf32>,
        %mul3A_2350 = arith.mulf %get3A_2349, %add3A_2344 : vector<16xf32>
        %add3A_2351 = arith.constant 4 : i32
        %add3A_2352 = arith.addi %mul3A_58, %add3A_2351 : i32
        %swap3A_2353 = arith.index_cast %add3A_2352 : i32 to index
        %swap3A_2354 = arith.constant 0 : index
        %swap3A_2355 = tpu.vector_load %arg12[%swap3A_2353, %swap3A_2354] {strides = array<i32>} : memref<128x128xf32, #tpu.memory_space<vmem>>, vector<16xf32>,
        tpu.vector_store %arg12[%swap3A_2353, %swap3A_2354], %mul3A_2350 {strides = array<i32>} : memref<128x128xf32, #tpu.memory_space<vmem>>, vector<16xf32>,
        %add3A_2356 = arith.constant 4 : i32
        %add3A_2357 = arith.addi %mul3A_58, %add3A_2356 : i32
        %get3A_2358 = arith.index_cast %add3A_2357 : i32 to index
        %get3A_2359 = arith.constant 16 : index
        %get3A_2360 = tpu.vector_load %arg11[%get3A_2358, %get3A_2359] {strides = array<i32>} : memref<128x128xf32, #tpu.memory_space<vmem>>, vector<16xf32>,
        %mul3A_2361 = arith.mulf %get3A_2360, %add3A_2344 : vector<16xf32>
        %add3A_2362 = arith.constant 4 : i32
        %add3A_2363 = arith.addi %mul3A_58, %add3A_2362 : i32
        %swap3A_2364 = arith.index_cast %add3A_2363 : i32 to index
        %swap3A_2365 = arith.constant 16 : index
        %swap3A_2366 = tpu.vector_load %arg12[%swap3A_2364, %swap3A_2365] {strides = array<i32>} : memref<128x128xf32, #tpu.memory_space<vmem>>, vector<16xf32>,
        tpu.vector_store %arg12[%swap3A_2364, %swap3A_2365], %mul3A_2361 {strides = array<i32>} : memref<128x128xf32, #tpu.memory_space<vmem>>, vector<16xf32>,
        %add3A_2367 = arith.constant 4 : i32
        %add3A_2368 = arith.addi %mul3A_58, %add3A_2367 : i32
        %get3A_2369 = arith.index_cast %add3A_2368 : i32 to index
        %get3A_2370 = arith.constant 32 : index
        %get3A_2371 = tpu.vector_load %arg11[%get3A_2369, %get3A_2370] {strides = array<i32>} : memref<128x128xf32, #tpu.memory_space<vmem>>, vector<16xf32>,
        %mul3A_2372 = arith.mulf %get3A_2371, %add3A_2344 : vector<16xf32>
        %add3A_2373 = arith.constant 4 : i32
        %add3A_2374 = arith.addi %mul3A_58, %add3A_2373 : i32
        %swap3A_2375 = arith.index_cast %add3A_2374 : i32 to index
        %swap3A_2376 = arith.constant 32 : index
        %swap3A_2377 = tpu.vector_load %arg12[%swap3A_2375, %swap3A_2376] {strides = array<i32>} : memref<128x128xf32, #tpu.memory_space<vmem>>, vector<16xf32>,
        tpu.vector_store %arg12[%swap3A_2375, %swap3A_2376], %mul3A_2372 {strides = array<i32>} : memref<128x128xf32, #tpu.memory_space<vmem>>, vector<16xf32>,
        %add3A_2378 = arith.constant 4 : i32
        %add3A_2379 = arith.addi %mul3A_58, %add3A_2378 : i32
        %get3A_2380 = arith.index_cast %add3A_2379 : i32 to index
        %get3A_2381 = arith.constant 48 : index
        %get3A_2382 = tpu.vector_load %arg11[%get3A_2380, %get3A_2381] {strides = array<i32>} : memref<128x128xf32, #tpu.memory_space<vmem>>, vector<16xf32>,
        %mul3A_2383 = arith.mulf %get3A_2382, %add3A_2344 : vector<16xf32>
        %add3A_2384 = arith.constant 4 : i32
        %add3A_2385 = arith.addi %mul3A_58, %add3A_2384 : i32
        %swap3A_2386 = arith.index_cast %add3A_2385 : i32 to index
        %swap3A_2387 = arith.constant 48 : index
        %swap3A_2388 = tpu.vector_load %arg12[%swap3A_2386, %swap3A_2387] {strides = array<i32>} : memref<128x128xf32, #tpu.memory_space<vmem>>, vector<16xf32>,
        tpu.vector_store %arg12[%swap3A_2386, %swap3A_2387], %mul3A_2383 {strides = array<i32>} : memref<128x128xf32, #tpu.memory_space<vmem>>, vector<16xf32>,
        %add3A_2389 = arith.constant 4 : i32
        %add3A_2390 = arith.addi %mul3A_58, %add3A_2389 : i32
        %get3A_2391 = arith.index_cast %add3A_2390 : i32 to index
        %get3A_2392 = arith.constant 64 : index
        %get3A_2393 = tpu.vector_load %arg11[%get3A_2391, %get3A_2392] {strides = array<i32>} : memref<128x128xf32, #tpu.memory_space<vmem>>, vector<16xf32>,
        %mul3A_2394 = arith.mulf %get3A_2393, %add3A_2344 : vector<16xf32>
        %add3A_2395 = arith.constant 4 : i32
        %add3A_2396 = arith.addi %mul3A_58, %add3A_2395 : i32
        %swap3A_2397 = arith.index_cast %add3A_2396 : i32 to index
        %swap3A_2398 = arith.constant 64 : index
        %swap3A_2399 = tpu.vector_load %arg12[%swap3A_2397, %swap3A_2398] {strides = array<i32>} : memref<128x128xf32, #tpu.memory_space<vmem>>, vector<16xf32>,
        tpu.vector_store %arg12[%swap3A_2397, %swap3A_2398], %mul3A_2394 {strides = array<i32>} : memref<128x128xf32, #tpu.memory_space<vmem>>, vector<16xf32>,
        %add3A_2400 = arith.constant 4 : i32
        %add3A_2401 = arith.addi %mul3A_58, %add3A_2400 : i32
        %get3A_2402 = arith.index_cast %add3A_2401 : i32 to index
        %get3A_2403 = arith.constant 80 : index
        %get3A_2404 = tpu.vector_load %arg11[%get3A_2402, %get3A_2403] {strides = array<i32>} : memref<128x128xf32, #tpu.memory_space<vmem>>, vector<16xf32>,
        %mul3A_2405 = arith.mulf %get3A_2404, %add3A_2344 : vector<16xf32>
        %add3A_2406 = arith.constant 4 : i32
        %add3A_2407 = arith.addi %mul3A_58, %add3A_2406 : i32
        %swap3A_2408 = arith.index_cast %add3A_2407 : i32 to index
        %swap3A_2409 = arith.constant 80 : index
        %swap3A_2410 = tpu.vector_load %arg12[%swap3A_2408, %swap3A_2409] {strides = array<i32>} : memref<128x128xf32, #tpu.memory_space<vmem>>, vector<16xf32>,
        tpu.vector_store %arg12[%swap3A_2408, %swap3A_2409], %mul3A_2405 {strides = array<i32>} : memref<128x128xf32, #tpu.memory_space<vmem>>, vector<16xf32>,
        %add3A_2411 = arith.constant 4 : i32
        %add3A_2412 = arith.addi %mul3A_58, %add3A_2411 : i32
        %get3A_2413 = arith.index_cast %add3A_2412 : i32 to index
        %get3A_2414 = arith.constant 96 : index
        %get3A_2415 = tpu.vector_load %arg11[%get3A_2413, %get3A_2414] {strides = array<i32>} : memref<128x128xf32, #tpu.memory_space<vmem>>, vector<16xf32>,
        %mul3A_2416 = arith.mulf %get3A_2415, %add3A_2344 : vector<16xf32>
        %add3A_2417 = arith.constant 4 : i32
        %add3A_2418 = arith.addi %mul3A_58, %add3A_2417 : i32
        %swap3A_2419 = arith.index_cast %add3A_2418 : i32 to index
        %swap3A_2420 = arith.constant 96 : index
        %swap3A_2421 = tpu.vector_load %arg12[%swap3A_2419, %swap3A_2420] {strides = array<i32>} : memref<128x128xf32, #tpu.memory_space<vmem>>, vector<16xf32>,
        tpu.vector_store %arg12[%swap3A_2419, %swap3A_2420], %mul3A_2416 {strides = array<i32>} : memref<128x128xf32, #tpu.memory_space<vmem>>, vector<16xf32>,
        %add3A_2422 = arith.constant 4 : i32
        %add3A_2423 = arith.addi %mul3A_58, %add3A_2422 : i32
        %get3A_2424 = arith.index_cast %add3A_2423 : i32 to index
        %get3A_2425 = arith.constant 112 : index
        %get3A_2426 = tpu.vector_load %arg11[%get3A_2424, %get3A_2425] {strides = array<i32>} : memref<128x128xf32, #tpu.memory_space<vmem>>, vector<16xf32>,
        %mul3A_2427 = arith.mulf %get3A_2426, %add3A_2344 : vector<16xf32>
        %add3A_2428 = arith.constant 4 : i32
        %add3A_2429 = arith.addi %mul3A_58, %add3A_2428 : i32
        %swap3A_2430 = arith.index_cast %add3A_2429 : i32 to index
        %swap3A_2431 = arith.constant 112 : index
        %swap3A_2432 = tpu.vector_load %arg12[%swap3A_2430, %swap3A_2431] {strides = array<i32>} : memref<128x128xf32, #tpu.memory_space<vmem>>, vector<16xf32>,
        tpu.vector_store %arg12[%swap3A_2430, %swap3A_2431], %mul3A_2427 {strides = array<i32>} : memref<128x128xf32, #tpu.memory_space<vmem>>, vector<16xf32>,
        %eq3A_2433 = arith.constant 5 : i32
        %eq3A_2434 = vector.broadcast %eq3A_2433 : i32 to vector<16xi32>
        %eq3A_2435 = arith.cmpi eq, %iota3A, %eq3A_2434 : vector<16xi32>
        %jit3A_2436 = arith.constant 0.000000e+00 : f32
        %broadcast_in_dim3A_2437 = vector.broadcast %jit3A_2436 : f32 to vector<16xf32>
        %select_n3A_2438 = arith.select %eq3A_2435, %mul3A_1923, %broadcast_in_dim3A_2437 : vector<16xi1>, vector<16xf32>
        %reduce_sum3A_2439 = arith.constant true
        %reduce_sum3A_2440 = vector.broadcast %reduce_sum3A_2439 : i1 to vector<16xi1>
        %reduce_sum3A_2441 = tpu.scan <sum>, %select_n3A_2438 masked %reduce_sum3A_2440 : vector<16xf32>, vector<16xi1> -> vector<16xf32>
        %reduce_sum3A_2442 = vector.extract %reduce_sum3A_2441[15] : f32 from vector<16xf32>
        %broadcast_in_dim3A_2443 = arith.constant 0.000000e+00 : f32
        %broadcast_in_dim3A_2444 = vector.broadcast %broadcast_in_dim3A_2443 : f32 to vector<16xf32>
        %add3A_2445 = vector.broadcast %reduce_sum3A_2442 : f32 to vector<16xf32>
        %add3A_2446 = arith.addf %broadcast_in_dim3A_2444, %add3A_2445 : vector<16xf32>
        %add3A_2447 = arith.constant 5 : i32
        %add3A_2448 = arith.addi %mul3A_58, %add3A_2447 : i32
        %get3A_2449 = arith.index_cast %add3A_2448 : i32 to index
        %get3A_2450 = arith.constant 0 : index
        %get3A_2451 = tpu.vector_load %arg11[%get3A_2449, %get3A_2450] {strides = array<i32>} : memref<128x128xf32, #tpu.memory_space<vmem>>, vector<16xf32>,
        %mul3A_2452 = arith.mulf %get3A_2451, %add3A_2446 : vector<16xf32>
        %add3A_2453 = arith.constant 5 : i32
        %add3A_2454 = arith.addi %mul3A_58, %add3A_2453 : i32
        %swap3A_2455 = arith.index_cast %add3A_2454 : i32 to index
        %swap3A_2456 = arith.constant 0 : index
        %swap3A_2457 = tpu.vector_load %arg12[%swap3A_2455, %swap3A_2456] {strides = array<i32>} : memref<128x128xf32, #tpu.memory_space<vmem>>, vector<16xf32>,
        tpu.vector_store %arg12[%swap3A_2455, %swap3A_2456], %mul3A_2452 {strides = array<i32>} : memref<128x128xf32, #tpu.memory_space<vmem>>, vector<16xf32>,
        %add3A_2458 = arith.constant 5 : i32
        %add3A_2459 = arith.addi %mul3A_58, %add3A_2458 : i32
        %get3A_2460 = arith.index_cast %add3A_2459 : i32 to index
        %get3A_2461 = arith.constant 16 : index
        %get3A_2462 = tpu.vector_load %arg11[%get3A_2460, %get3A_2461] {strides = array<i32>} : memref<128x128xf32, #tpu.memory_space<vmem>>, vector<16xf32>,
        %mul3A_2463 = arith.mulf %get3A_2462, %add3A_2446 : vector<16xf32>
        %add3A_2464 = arith.constant 5 : i32
        %add3A_2465 = arith.addi %mul3A_58, %add3A_2464 : i32
        %swap3A_2466 = arith.index_cast %add3A_2465 : i32 to index
        %swap3A_2467 = arith.constant 16 : index
        %swap3A_2468 = tpu.vector_load %arg12[%swap3A_2466, %swap3A_2467] {strides = array<i32>} : memref<128x128xf32, #tpu.memory_space<vmem>>, vector<16xf32>,
        tpu.vector_store %arg12[%swap3A_2466, %swap3A_2467], %mul3A_2463 {strides = array<i32>} : memref<128x128xf32, #tpu.memory_space<vmem>>, vector<16xf32>,
        %add3A_2469 = arith.constant 5 : i32
        %add3A_2470 = arith.addi %mul3A_58, %add3A_2469 : i32
        %get3A_2471 = arith.index_cast %add3A_2470 : i32 to index
        %get3A_2472 = arith.constant 32 : index
        %get3A_2473 = tpu.vector_load %arg11[%get3A_2471, %get3A_2472] {strides = array<i32>} : memref<128x128xf32, #tpu.memory_space<vmem>>, vector<16xf32>,
        %mul3A_2474 = arith.mulf %get3A_2473, %add3A_2446 : vector<16xf32>
        %add3A_2475 = arith.constant 5 : i32
        %add3A_2476 = arith.addi %mul3A_58, %add3A_2475 : i32
        %swap3A_2477 = arith.index_cast %add3A_2476 : i32 to index
        %swap3A_2478 = arith.constant 32 : index
        %swap3A_2479 = tpu.vector_load %arg12[%swap3A_2477, %swap3A_2478] {strides = array<i32>} : memref<128x128xf32, #tpu.memory_space<vmem>>, vector<16xf32>,
        tpu.vector_store %arg12[%swap3A_2477, %swap3A_2478], %mul3A_2474 {strides = array<i32>} : memref<128x128xf32, #tpu.memory_space<vmem>>, vector<16xf32>,
        %add3A_2480 = arith.constant 5 : i32
        %add3A_2481 = arith.addi %mul3A_58, %add3A_2480 : i32
        %get3A_2482 = arith.index_cast %add3A_2481 : i32 to index
        %get3A_2483 = arith.constant 48 : index
        %get3A_2484 = tpu.vector_load %arg11[%get3A_2482, %get3A_2483] {strides = array<i32>} : memref<128x128xf32, #tpu.memory_space<vmem>>, vector<16xf32>,
        %mul3A_2485 = arith.mulf %get3A_2484, %add3A_2446 : vector<16xf32>
        %add3A_2486 = arith.constant 5 : i32
        %add3A_2487 = arith.addi %mul3A_58, %add3A_2486 : i32
        %swap3A_2488 = arith.index_cast %add3A_2487 : i32 to index
        %swap3A_2489 = arith.constant 48 : index
        %swap3A_2490 = tpu.vector_load %arg12[%swap3A_2488, %swap3A_2489] {strides = array<i32>} : memref<128x128xf32, #tpu.memory_space<vmem>>, vector<16xf32>,
        tpu.vector_store %arg12[%swap3A_2488, %swap3A_2489], %mul3A_2485 {strides = array<i32>} : memref<128x128xf32, #tpu.memory_space<vmem>>, vector<16xf32>,
        %add3A_2491 = arith.constant 5 : i32
        %add3A_2492 = arith.addi %mul3A_58, %add3A_2491 : i32
        %get3A_2493 = arith.index_cast %add3A_2492 : i32 to index
        %get3A_2494 = arith.constant 64 : index
        %get3A_2495 = tpu.vector_load %arg11[%get3A_2493, %get3A_2494] {strides = array<i32>} : memref<128x128xf32, #tpu.memory_space<vmem>>, vector<16xf32>,
        %mul3A_2496 = arith.mulf %get3A_2495, %add3A_2446 : vector<16xf32>
        %add3A_2497 = arith.constant 5 : i32
        %add3A_2498 = arith.addi %mul3A_58, %add3A_2497 : i32
        %swap3A_2499 = arith.index_cast %add3A_2498 : i32 to index
        %swap3A_2500 = arith.constant 64 : index
        %swap3A_2501 = tpu.vector_load %arg12[%swap3A_2499, %swap3A_2500] {strides = array<i32>} : memref<128x128xf32, #tpu.memory_space<vmem>>, vector<16xf32>,
        tpu.vector_store %arg12[%swap3A_2499, %swap3A_2500], %mul3A_2496 {strides = array<i32>} : memref<128x128xf32, #tpu.memory_space<vmem>>, vector<16xf32>,
        %add3A_2502 = arith.constant 5 : i32
        %add3A_2503 = arith.addi %mul3A_58, %add3A_2502 : i32
        %get3A_2504 = arith.index_cast %add3A_2503 : i32 to index
        %get3A_2505 = arith.constant 80 : index
        %get3A_2506 = tpu.vector_load %arg11[%get3A_2504, %get3A_2505] {strides = array<i32>} : memref<128x128xf32, #tpu.memory_space<vmem>>, vector<16xf32>,
        %mul3A_2507 = arith.mulf %get3A_2506, %add3A_2446 : vector<16xf32>
        %add3A_2508 = arith.constant 5 : i32
        %add3A_2509 = arith.addi %mul3A_58, %add3A_2508 : i32
        %swap3A_2510 = arith.index_cast %add3A_2509 : i32 to index
        %swap3A_2511 = arith.constant 80 : index
        %swap3A_2512 = tpu.vector_load %arg12[%swap3A_2510, %swap3A_2511] {strides = array<i32>} : memref<128x128xf32, #tpu.memory_space<vmem>>, vector<16xf32>,
        tpu.vector_store %arg12[%swap3A_2510, %swap3A_2511], %mul3A_2507 {strides = array<i32>} : memref<128x128xf32, #tpu.memory_space<vmem>>, vector<16xf32>,
        %add3A_2513 = arith.constant 5 : i32
        %add3A_2514 = arith.addi %mul3A_58, %add3A_2513 : i32
        %get3A_2515 = arith.index_cast %add3A_2514 : i32 to index
        %get3A_2516 = arith.constant 96 : index
        %get3A_2517 = tpu.vector_load %arg11[%get3A_2515, %get3A_2516] {strides = array<i32>} : memref<128x128xf32, #tpu.memory_space<vmem>>, vector<16xf32>,
        %mul3A_2518 = arith.mulf %get3A_2517, %add3A_2446 : vector<16xf32>
        %add3A_2519 = arith.constant 5 : i32
        %add3A_2520 = arith.addi %mul3A_58, %add3A_2519 : i32
        %swap3A_2521 = arith.index_cast %add3A_2520 : i32 to index
        %swap3A_2522 = arith.constant 96 : index
        %swap3A_2523 = tpu.vector_load %arg12[%swap3A_2521, %swap3A_2522] {strides = array<i32>} : memref<128x128xf32, #tpu.memory_space<vmem>>, vector<16xf32>,
        tpu.vector_store %arg12[%swap3A_2521, %swap3A_2522], %mul3A_2518 {strides = array<i32>} : memref<128x128xf32, #tpu.memory_space<vmem>>, vector<16xf32>,
        %add3A_2524 = arith.constant 5 : i32
        %add3A_2525 = arith.addi %mul3A_58, %add3A_2524 : i32
        %get3A_2526 = arith.index_cast %add3A_2525 : i32 to index
        %get3A_2527 = arith.constant 112 : index
        %get3A_2528 = tpu.vector_load %arg11[%get3A_2526, %get3A_2527] {strides = array<i32>} : memref<128x128xf32, #tpu.memory_space<vmem>>, vector<16xf32>,
        %mul3A_2529 = arith.mulf %get3A_2528, %add3A_2446 : vector<16xf32>
        %add3A_2530 = arith.constant 5 : i32
        %add3A_2531 = arith.addi %mul3A_58, %add3A_2530 : i32
        %swap3A_2532 = arith.index_cast %add3A_2531 : i32 to index
        %swap3A_2533 = arith.constant 112 : index
        %swap3A_2534 = tpu.vector_load %arg12[%swap3A_2532, %swap3A_2533] {strides = array<i32>} : memref<128x128xf32, #tpu.memory_space<vmem>>, vector<16xf32>,
        tpu.vector_store %arg12[%swap3A_2532, %swap3A_2533], %mul3A_2529 {strides = array<i32>} : memref<128x128xf32, #tpu.memory_space<vmem>>, vector<16xf32>,
        %eq3A_2535 = arith.constant 6 : i32
        %eq3A_2536 = vector.broadcast %eq3A_2535 : i32 to vector<16xi32>
        %eq3A_2537 = arith.cmpi eq, %iota3A, %eq3A_2536 : vector<16xi32>
        %jit3A_2538 = arith.constant 0.000000e+00 : f32
        %broadcast_in_dim3A_2539 = vector.broadcast %jit3A_2538 : f32 to vector<16xf32>
        %select_n3A_2540 = arith.select %eq3A_2537, %mul3A_1923, %broadcast_in_dim3A_2539 : vector<16xi1>, vector<16xf32>
        %reduce_sum3A_2541 = arith.constant true
        %reduce_sum3A_2542 = vector.broadcast %reduce_sum3A_2541 : i1 to vector<16xi1>
        %reduce_sum3A_2543 = tpu.scan <sum>, %select_n3A_2540 masked %reduce_sum3A_2542 : vector<16xf32>, vector<16xi1> -> vector<16xf32>
        %reduce_sum3A_2544 = vector.extract %reduce_sum3A_2543[15] : f32 from vector<16xf32>
        %broadcast_in_dim3A_2545 = arith.constant 0.000000e+00 : f32
        %broadcast_in_dim3A_2546 = vector.broadcast %broadcast_in_dim3A_2545 : f32 to vector<16xf32>
        %add3A_2547 = vector.broadcast %reduce_sum3A_2544 : f32 to vector<16xf32>
        %add3A_2548 = arith.addf %broadcast_in_dim3A_2546, %add3A_2547 : vector<16xf32>
        %add3A_2549 = arith.constant 6 : i32
        %add3A_2550 = arith.addi %mul3A_58, %add3A_2549 : i32
        %get3A_2551 = arith.index_cast %add3A_2550 : i32 to index
        %get3A_2552 = arith.constant 0 : index
        %get3A_2553 = tpu.vector_load %arg11[%get3A_2551, %get3A_2552] {strides = array<i32>} : memref<128x128xf32, #tpu.memory_space<vmem>>, vector<16xf32>,
        %mul3A_2554 = arith.mulf %get3A_2553, %add3A_2548 : vector<16xf32>
        %add3A_2555 = arith.constant 6 : i32
        %add3A_2556 = arith.addi %mul3A_58, %add3A_2555 : i32
        %swap3A_2557 = arith.index_cast %add3A_2556 : i32 to index
        %swap3A_2558 = arith.constant 0 : index
        %swap3A_2559 = tpu.vector_load %arg12[%swap3A_2557, %swap3A_2558] {strides = array<i32>} : memref<128x128xf32, #tpu.memory_space<vmem>>, vector<16xf32>,
        tpu.vector_store %arg12[%swap3A_2557, %swap3A_2558], %mul3A_2554 {strides = array<i32>} : memref<128x128xf32, #tpu.memory_space<vmem>>, vector<16xf32>,
        %add3A_2560 = arith.constant 6 : i32
        %add3A_2561 = arith.addi %mul3A_58, %add3A_2560 : i32
        %get3A_2562 = arith.index_cast %add3A_2561 : i32 to index
        %get3A_2563 = arith.constant 16 : index
        %get3A_2564 = tpu.vector_load %arg11[%get3A_2562, %get3A_2563] {strides = array<i32>} : memref<128x128xf32, #tpu.memory_space<vmem>>, vector<16xf32>,
        %mul3A_2565 = arith.mulf %get3A_2564, %add3A_2548 : vector<16xf32>
        %add3A_2566 = arith.constant 6 : i32
        %add3A_2567 = arith.addi %mul3A_58, %add3A_2566 : i32
        %swap3A_2568 = arith.index_cast %add3A_2567 : i32 to index
        %swap3A_2569 = arith.constant 16 : index
        %swap3A_2570 = tpu.vector_load %arg12[%swap3A_2568, %swap3A_2569] {strides = array<i32>} : memref<128x128xf32, #tpu.memory_space<vmem>>, vector<16xf32>,
        tpu.vector_store %arg12[%swap3A_2568, %swap3A_2569], %mul3A_2565 {strides = array<i32>} : memref<128x128xf32, #tpu.memory_space<vmem>>, vector<16xf32>,
        %add3A_2571 = arith.constant 6 : i32
        %add3A_2572 = arith.addi %mul3A_58, %add3A_2571 : i32
        %get3A_2573 = arith.index_cast %add3A_2572 : i32 to index
        %get3A_2574 = arith.constant 32 : index
        %get3A_2575 = tpu.vector_load %arg11[%get3A_2573, %get3A_2574] {strides = array<i32>} : memref<128x128xf32, #tpu.memory_space<vmem>>, vector<16xf32>,
        %mul3A_2576 = arith.mulf %get3A_2575, %add3A_2548 : vector<16xf32>
        %add3A_2577 = arith.constant 6 : i32
        %add3A_2578 = arith.addi %mul3A_58, %add3A_2577 : i32
        %swap3A_2579 = arith.index_cast %add3A_2578 : i32 to index
        %swap3A_2580 = arith.constant 32 : index
        %swap3A_2581 = tpu.vector_load %arg12[%swap3A_2579, %swap3A_2580] {strides = array<i32>} : memref<128x128xf32, #tpu.memory_space<vmem>>, vector<16xf32>,
        tpu.vector_store %arg12[%swap3A_2579, %swap3A_2580], %mul3A_2576 {strides = array<i32>} : memref<128x128xf32, #tpu.memory_space<vmem>>, vector<16xf32>,
        %add3A_2582 = arith.constant 6 : i32
        %add3A_2583 = arith.addi %mul3A_58, %add3A_2582 : i32
        %get3A_2584 = arith.index_cast %add3A_2583 : i32 to index
        %get3A_2585 = arith.constant 48 : index
        %get3A_2586 = tpu.vector_load %arg11[%get3A_2584, %get3A_2585] {strides = array<i32>} : memref<128x128xf32, #tpu.memory_space<vmem>>, vector<16xf32>,
        %mul3A_2587 = arith.mulf %get3A_2586, %add3A_2548 : vector<16xf32>
        %add3A_2588 = arith.constant 6 : i32
        %add3A_2589 = arith.addi %mul3A_58, %add3A_2588 : i32
        %swap3A_2590 = arith.index_cast %add3A_2589 : i32 to index
        %swap3A_2591 = arith.constant 48 : index
        %swap3A_2592 = tpu.vector_load %arg12[%swap3A_2590, %swap3A_2591] {strides = array<i32>} : memref<128x128xf32, #tpu.memory_space<vmem>>, vector<16xf32>,
        tpu.vector_store %arg12[%swap3A_2590, %swap3A_2591], %mul3A_2587 {strides = array<i32>} : memref<128x128xf32, #tpu.memory_space<vmem>>, vector<16xf32>,
        %add3A_2593 = arith.constant 6 : i32
        %add3A_2594 = arith.addi %mul3A_58, %add3A_2593 : i32
        %get3A_2595 = arith.index_cast %add3A_2594 : i32 to index
        %get3A_2596 = arith.constant 64 : index
        %get3A_2597 = tpu.vector_load %arg11[%get3A_2595, %get3A_2596] {strides = array<i32>} : memref<128x128xf32, #tpu.memory_space<vmem>>, vector<16xf32>,
        %mul3A_2598 = arith.mulf %get3A_2597, %add3A_2548 : vector<16xf32>
        %add3A_2599 = arith.constant 6 : i32
        %add3A_2600 = arith.addi %mul3A_58, %add3A_2599 : i32
        %swap3A_2601 = arith.index_cast %add3A_2600 : i32 to index
        %swap3A_2602 = arith.constant 64 : index
        %swap3A_2603 = tpu.vector_load %arg12[%swap3A_2601, %swap3A_2602] {strides = array<i32>} : memref<128x128xf32, #tpu.memory_space<vmem>>, vector<16xf32>,
        tpu.vector_store %arg12[%swap3A_2601, %swap3A_2602], %mul3A_2598 {strides = array<i32>} : memref<128x128xf32, #tpu.memory_space<vmem>>, vector<16xf32>,
        %add3A_2604 = arith.constant 6 : i32
        %add3A_2605 = arith.addi %mul3A_58, %add3A_2604 : i32
        %get3A_2606 = arith.index_cast %add3A_2605 : i32 to index
        %get3A_2607 = arith.constant 80 : index
        %get3A_2608 = tpu.vector_load %arg11[%get3A_2606, %get3A_2607] {strides = array<i32>} : memref<128x128xf32, #tpu.memory_space<vmem>>, vector<16xf32>,
        %mul3A_2609 = arith.mulf %get3A_2608, %add3A_2548 : vector<16xf32>
        %add3A_2610 = arith.constant 6 : i32
        %add3A_2611 = arith.addi %mul3A_58, %add3A_2610 : i32
        %swap3A_2612 = arith.index_cast %add3A_2611 : i32 to index
        %swap3A_2613 = arith.constant 80 : index
        %swap3A_2614 = tpu.vector_load %arg12[%swap3A_2612, %swap3A_2613] {strides = array<i32>} : memref<128x128xf32, #tpu.memory_space<vmem>>, vector<16xf32>,
        tpu.vector_store %arg12[%swap3A_2612, %swap3A_2613], %mul3A_2609 {strides = array<i32>} : memref<128x128xf32, #tpu.memory_space<vmem>>, vector<16xf32>,
        %add3A_2615 = arith.constant 6 : i32
        %add3A_2616 = arith.addi %mul3A_58, %add3A_2615 : i32
        %get3A_2617 = arith.index_cast %add3A_2616 : i32 to index
        %get3A_2618 = arith.constant 96 : index
        %get3A_2619 = tpu.vector_load %arg11[%get3A_2617, %get3A_2618] {strides = array<i32>} : memref<128x128xf32, #tpu.memory_space<vmem>>, vector<16xf32>,
        %mul3A_2620 = arith.mulf %get3A_2619, %add3A_2548 : vector<16xf32>
        %add3A_2621 = arith.constant 6 : i32
        %add3A_2622 = arith.addi %mul3A_58, %add3A_2621 : i32
        %swap3A_2623 = arith.index_cast %add3A_2622 : i32 to index
        %swap3A_2624 = arith.constant 96 : index
        %swap3A_2625 = tpu.vector_load %arg12[%swap3A_2623, %swap3A_2624] {strides = array<i32>} : memref<128x128xf32, #tpu.memory_space<vmem>>, vector<16xf32>,
        tpu.vector_store %arg12[%swap3A_2623, %swap3A_2624], %mul3A_2620 {strides = array<i32>} : memref<128x128xf32, #tpu.memory_space<vmem>>, vector<16xf32>,
        %add3A_2626 = arith.constant 6 : i32
        %add3A_2627 = arith.addi %mul3A_58, %add3A_2626 : i32
        %get3A_2628 = arith.index_cast %add3A_2627 : i32 to index
        %get3A_2629 = arith.constant 112 : index
        %get3A_2630 = tpu.vector_load %arg11[%get3A_2628, %get3A_2629] {strides = array<i32>} : memref<128x128xf32, #tpu.memory_space<vmem>>, vector<16xf32>,
        %mul3A_2631 = arith.mulf %get3A_2630, %add3A_2548 : vector<16xf32>
        %add3A_2632 = arith.constant 6 : i32
        %add3A_2633 = arith.addi %mul3A_58, %add3A_2632 : i32
        %swap3A_2634 = arith.index_cast %add3A_2633 : i32 to index
        %swap3A_2635 = arith.constant 112 : index
        %swap3A_2636 = tpu.vector_load %arg12[%swap3A_2634, %swap3A_2635] {strides = array<i32>} : memref<128x128xf32, #tpu.memory_space<vmem>>, vector<16xf32>,
        tpu.vector_store %arg12[%swap3A_2634, %swap3A_2635], %mul3A_2631 {strides = array<i32>} : memref<128x128xf32, #tpu.memory_space<vmem>>, vector<16xf32>,
        %eq3A_2637 = arith.constant 7 : i32
        %eq3A_2638 = vector.broadcast %eq3A_2637 : i32 to vector<16xi32>
        %eq3A_2639 = arith.cmpi eq, %iota3A, %eq3A_2638 : vector<16xi32>
        %jit3A_2640 = arith.constant 0.000000e+00 : f32
        %broadcast_in_dim3A_2641 = vector.broadcast %jit3A_2640 : f32 to vector<16xf32>
        %select_n3A_2642 = arith.select %eq3A_2639, %mul3A_1923, %broadcast_in_dim3A_2641 : vector<16xi1>, vector<16xf32>
        %reduce_sum3A_2643 = arith.constant true
        %reduce_sum3A_2644 = vector.broadcast %reduce_sum3A_2643 : i1 to vector<16xi1>
        %reduce_sum3A_2645 = tpu.scan <sum>, %select_n3A_2642 masked %reduce_sum3A_2644 : vector<16xf32>, vector<16xi1> -> vector<16xf32>
        %reduce_sum3A_2646 = vector.extract %reduce_sum3A_2645[15] : f32 from vector<16xf32>
        %broadcast_in_dim3A_2647 = arith.constant 0.000000e+00 : f32
        %broadcast_in_dim3A_2648 = vector.broadcast %broadcast_in_dim3A_2647 : f32 to vector<16xf32>
        %add3A_2649 = vector.broadcast %reduce_sum3A_2646 : f32 to vector<16xf32>
        %add3A_2650 = arith.addf %broadcast_in_dim3A_2648, %add3A_2649 : vector<16xf32>
        %add3A_2651 = arith.constant 7 : i32
        %add3A_2652 = arith.addi %mul3A_58, %add3A_2651 : i32
        %get3A_2653 = arith.index_cast %add3A_2652 : i32 to index
        %get3A_2654 = arith.constant 0 : index
        %get3A_2655 = tpu.vector_load %arg11[%get3A_2653, %get3A_2654] {strides = array<i32>} : memref<128x128xf32, #tpu.memory_space<vmem>>, vector<16xf32>,
        %mul3A_2656 = arith.mulf %get3A_2655, %add3A_2650 : vector<16xf32>
        %add3A_2657 = arith.constant 7 : i32
        %add3A_2658 = arith.addi %mul3A_58, %add3A_2657 : i32
        %swap3A_2659 = arith.index_cast %add3A_2658 : i32 to index
        %swap3A_2660 = arith.constant 0 : index
        %swap3A_2661 = tpu.vector_load %arg12[%swap3A_2659, %swap3A_2660] {strides = array<i32>} : memref<128x128xf32, #tpu.memory_space<vmem>>, vector<16xf32>,
        tpu.vector_store %arg12[%swap3A_2659, %swap3A_2660], %mul3A_2656 {strides = array<i32>} : memref<128x128xf32, #tpu.memory_space<vmem>>, vector<16xf32>,
        %add3A_2662 = arith.constant 7 : i32
        %add3A_2663 = arith.addi %mul3A_58, %add3A_2662 : i32
        %get3A_2664 = arith.index_cast %add3A_2663 : i32 to index
        %get3A_2665 = arith.constant 16 : index
        %get3A_2666 = tpu.vector_load %arg11[%get3A_2664, %get3A_2665] {strides = array<i32>} : memref<128x128xf32, #tpu.memory_space<vmem>>, vector<16xf32>,
        %mul3A_2667 = arith.mulf %get3A_2666, %add3A_2650 : vector<16xf32>
        %add3A_2668 = arith.constant 7 : i32
        %add3A_2669 = arith.addi %mul3A_58, %add3A_2668 : i32
        %swap3A_2670 = arith.index_cast %add3A_2669 : i32 to index
        %swap3A_2671 = arith.constant 16 : index
        %swap3A_2672 = tpu.vector_load %arg12[%swap3A_2670, %swap3A_2671] {strides = array<i32>} : memref<128x128xf32, #tpu.memory_space<vmem>>, vector<16xf32>,
        tpu.vector_store %arg12[%swap3A_2670, %swap3A_2671], %mul3A_2667 {strides = array<i32>} : memref<128x128xf32, #tpu.memory_space<vmem>>, vector<16xf32>,
        %add3A_2673 = arith.constant 7 : i32
        %add3A_2674 = arith.addi %mul3A_58, %add3A_2673 : i32
        %get3A_2675 = arith.index_cast %add3A_2674 : i32 to index
        %get3A_2676 = arith.constant 32 : index
        %get3A_2677 = tpu.vector_load %arg11[%get3A_2675, %get3A_2676] {strides = array<i32>} : memref<128x128xf32, #tpu.memory_space<vmem>>, vector<16xf32>,
        %mul3A_2678 = arith.mulf %get3A_2677, %add3A_2650 : vector<16xf32>
        %add3A_2679 = arith.constant 7 : i32
        %add3A_2680 = arith.addi %mul3A_58, %add3A_2679 : i32
        %swap3A_2681 = arith.index_cast %add3A_2680 : i32 to index
        %swap3A_2682 = arith.constant 32 : index
        %swap3A_2683 = tpu.vector_load %arg12[%swap3A_2681, %swap3A_2682] {strides = array<i32>} : memref<128x128xf32, #tpu.memory_space<vmem>>, vector<16xf32>,
        tpu.vector_store %arg12[%swap3A_2681, %swap3A_2682], %mul3A_2678 {strides = array<i32>} : memref<128x128xf32, #tpu.memory_space<vmem>>, vector<16xf32>,
        %add3A_2684 = arith.constant 7 : i32
        %add3A_2685 = arith.addi %mul3A_58, %add3A_2684 : i32
        %get3A_2686 = arith.index_cast %add3A_2685 : i32 to index
        %get3A_2687 = arith.constant 48 : index
        %get3A_2688 = tpu.vector_load %arg11[%get3A_2686, %get3A_2687] {strides = array<i32>} : memref<128x128xf32, #tpu.memory_space<vmem>>, vector<16xf32>,
        %mul3A_2689 = arith.mulf %get3A_2688, %add3A_2650 : vector<16xf32>
        %add3A_2690 = arith.constant 7 : i32
        %add3A_2691 = arith.addi %mul3A_58, %add3A_2690 : i32
        %swap3A_2692 = arith.index_cast %add3A_2691 : i32 to index
        %swap3A_2693 = arith.constant 48 : index
        %swap3A_2694 = tpu.vector_load %arg12[%swap3A_2692, %swap3A_2693] {strides = array<i32>} : memref<128x128xf32, #tpu.memory_space<vmem>>, vector<16xf32>,
        tpu.vector_store %arg12[%swap3A_2692, %swap3A_2693], %mul3A_2689 {strides = array<i32>} : memref<128x128xf32, #tpu.memory_space<vmem>>, vector<16xf32>,
        %add3A_2695 = arith.constant 7 : i32
        %add3A_2696 = arith.addi %mul3A_58, %add3A_2695 : i32
        %get3A_2697 = arith.index_cast %add3A_2696 : i32 to index
        %get3A_2698 = arith.constant 64 : index
        %get3A_2699 = tpu.vector_load %arg11[%get3A_2697, %get3A_2698] {strides = array<i32>} : memref<128x128xf32, #tpu.memory_space<vmem>>, vector<16xf32>,
        %mul3A_2700 = arith.mulf %get3A_2699, %add3A_2650 : vector<16xf32>
        %add3A_2701 = arith.constant 7 : i32
        %add3A_2702 = arith.addi %mul3A_58, %add3A_2701 : i32
        %swap3A_2703 = arith.index_cast %add3A_2702 : i32 to index
        %swap3A_2704 = arith.constant 64 : index
        %swap3A_2705 = tpu.vector_load %arg12[%swap3A_2703, %swap3A_2704] {strides = array<i32>} : memref<128x128xf32, #tpu.memory_space<vmem>>, vector<16xf32>,
        tpu.vector_store %arg12[%swap3A_2703, %swap3A_2704], %mul3A_2700 {strides = array<i32>} : memref<128x128xf32, #tpu.memory_space<vmem>>, vector<16xf32>,
        %add3A_2706 = arith.constant 7 : i32
        %add3A_2707 = arith.addi %mul3A_58, %add3A_2706 : i32
        %get3A_2708 = arith.index_cast %add3A_2707 : i32 to index
        %get3A_2709 = arith.constant 80 : index
        %get3A_2710 = tpu.vector_load %arg11[%get3A_2708, %get3A_2709] {strides = array<i32>} : memref<128x128xf32, #tpu.memory_space<vmem>>, vector<16xf32>,
        %mul3A_2711 = arith.mulf %get3A_2710, %add3A_2650 : vector<16xf32>
        %add3A_2712 = arith.constant 7 : i32
        %add3A_2713 = arith.addi %mul3A_58, %add3A_2712 : i32
        %swap3A_2714 = arith.index_cast %add3A_2713 : i32 to index
        %swap3A_2715 = arith.constant 80 : index
        %swap3A_2716 = tpu.vector_load %arg12[%swap3A_2714, %swap3A_2715] {strides = array<i32>} : memref<128x128xf32, #tpu.memory_space<vmem>>, vector<16xf32>,
        tpu.vector_store %arg12[%swap3A_2714, %swap3A_2715], %mul3A_2711 {strides = array<i32>} : memref<128x128xf32, #tpu.memory_space<vmem>>, vector<16xf32>,
        %add3A_2717 = arith.constant 7 : i32
        %add3A_2718 = arith.addi %mul3A_58, %add3A_2717 : i32
        %get3A_2719 = arith.index_cast %add3A_2718 : i32 to index
        %get3A_2720 = arith.constant 96 : index
        %get3A_2721 = tpu.vector_load %arg11[%get3A_2719, %get3A_2720] {strides = array<i32>} : memref<128x128xf32, #tpu.memory_space<vmem>>, vector<16xf32>,
        %mul3A_2722 = arith.mulf %get3A_2721, %add3A_2650 : vector<16xf32>
        %add3A_2723 = arith.constant 7 : i32
        %add3A_2724 = arith.addi %mul3A_58, %add3A_2723 : i32
        %swap3A_2725 = arith.index_cast %add3A_2724 : i32 to index
        %swap3A_2726 = arith.constant 96 : index
        %swap3A_2727 = tpu.vector_load %arg12[%swap3A_2725, %swap3A_2726] {strides = array<i32>} : memref<128x128xf32, #tpu.memory_space<vmem>>, vector<16xf32>,
        tpu.vector_store %arg12[%swap3A_2725, %swap3A_2726], %mul3A_2722 {strides = array<i32>} : memref<128x128xf32, #tpu.memory_space<vmem>>, vector<16xf32>,
        %add3A_2728 = arith.constant 7 : i32
        %add3A_2729 = arith.addi %mul3A_58, %add3A_2728 : i32
        %get3A_2730 = arith.index_cast %add3A_2729 : i32 to index
        %get3A_2731 = arith.constant 112 : index
        %get3A_2732 = tpu.vector_load %arg11[%get3A_2730, %get3A_2731] {strides = array<i32>} : memref<128x128xf32, #tpu.memory_space<vmem>>, vector<16xf32>,
        %mul3A_2733 = arith.mulf %get3A_2732, %add3A_2650 : vector<16xf32>
        %add3A_2734 = arith.constant 7 : i32
        %add3A_2735 = arith.addi %mul3A_58, %add3A_2734 : i32
        %swap3A_2736 = arith.index_cast %add3A_2735 : i32 to index
        %swap3A_2737 = arith.constant 112 : index
        %swap3A_2738 = tpu.vector_load %arg12[%swap3A_2736, %swap3A_2737] {strides = array<i32>} : memref<128x128xf32, #tpu.memory_space<vmem>>, vector<16xf32>,
        tpu.vector_store %arg12[%swap3A_2736, %swap3A_2737], %mul3A_2733 {strides = array<i32>} : memref<128x128xf32, #tpu.memory_space<vmem>>, vector<16xf32>,
        %eq3A_2739 = arith.constant 8 : i32
        %eq3A_2740 = vector.broadcast %eq3A_2739 : i32 to vector<16xi32>
        %eq3A_2741 = arith.cmpi eq, %iota3A, %eq3A_2740 : vector<16xi32>
        %jit3A_2742 = arith.constant 0.000000e+00 : f32
        %broadcast_in_dim3A_2743 = vector.broadcast %jit3A_2742 : f32 to vector<16xf32>
        %select_n3A_2744 = arith.select %eq3A_2741, %mul3A_1923, %broadcast_in_dim3A_2743 : vector<16xi1>, vector<16xf32>
        %reduce_sum3A_2745 = arith.constant true
        %reduce_sum3A_2746 = vector.broadcast %reduce_sum3A_2745 : i1 to vector<16xi1>
        %reduce_sum3A_2747 = tpu.scan <sum>, %select_n3A_2744 masked %reduce_sum3A_2746 : vector<16xf32>, vector<16xi1> -> vector<16xf32>
        %reduce_sum3A_2748 = vector.extract %reduce_sum3A_2747[15] : f32 from vector<16xf32>
        %broadcast_in_dim3A_2749 = arith.constant 0.000000e+00 : f32
        %broadcast_in_dim3A_2750 = vector.broadcast %broadcast_in_dim3A_2749 : f32 to vector<16xf32>
        %add3A_2751 = vector.broadcast %reduce_sum3A_2748 : f32 to vector<16xf32>
        %add3A_2752 = arith.addf %broadcast_in_dim3A_2750, %add3A_2751 : vector<16xf32>
        %add3A_2753 = arith.constant 8 : i32
        %add3A_2754 = arith.addi %mul3A_58, %add3A_2753 : i32
        %get3A_2755 = arith.index_cast %add3A_2754 : i32 to index
        %get3A_2756 = arith.constant 0 : index
        %get3A_2757 = tpu.vector_load %arg11[%get3A_2755, %get3A_2756] {strides = array<i32>} : memref<128x128xf32, #tpu.memory_space<vmem>>, vector<16xf32>,
        %mul3A_2758 = arith.mulf %get3A_2757, %add3A_2752 : vector<16xf32>
        %add3A_2759 = arith.constant 8 : i32
        %add3A_2760 = arith.addi %mul3A_58, %add3A_2759 : i32
        %swap3A_2761 = arith.index_cast %add3A_2760 : i32 to index
        %swap3A_2762 = arith.constant 0 : index
        %swap3A_2763 = tpu.vector_load %arg12[%swap3A_2761, %swap3A_2762] {strides = array<i32>} : memref<128x128xf32, #tpu.memory_space<vmem>>, vector<16xf32>,
        tpu.vector_store %arg12[%swap3A_2761, %swap3A_2762], %mul3A_2758 {strides = array<i32>} : memref<128x128xf32, #tpu.memory_space<vmem>>, vector<16xf32>,
        %add3A_2764 = arith.constant 8 : i32
        %add3A_2765 = arith.addi %mul3A_58, %add3A_2764 : i32
        %get3A_2766 = arith.index_cast %add3A_2765 : i32 to index
        %get3A_2767 = arith.constant 16 : index
        %get3A_2768 = tpu.vector_load %arg11[%get3A_2766, %get3A_2767] {strides = array<i32>} : memref<128x128xf32, #tpu.memory_space<vmem>>, vector<16xf32>,
        %mul3A_2769 = arith.mulf %get3A_2768, %add3A_2752 : vector<16xf32>
        %add3A_2770 = arith.constant 8 : i32
        %add3A_2771 = arith.addi %mul3A_58, %add3A_2770 : i32
        %swap3A_2772 = arith.index_cast %add3A_2771 : i32 to index
        %swap3A_2773 = arith.constant 16 : index
        %swap3A_2774 = tpu.vector_load %arg12[%swap3A_2772, %swap3A_2773] {strides = array<i32>} : memref<128x128xf32, #tpu.memory_space<vmem>>, vector<16xf32>,
        tpu.vector_store %arg12[%swap3A_2772, %swap3A_2773], %mul3A_2769 {strides = array<i32>} : memref<128x128xf32, #tpu.memory_space<vmem>>, vector<16xf32>,
        %add3A_2775 = arith.constant 8 : i32
        %add3A_2776 = arith.addi %mul3A_58, %add3A_2775 : i32
        %get3A_2777 = arith.index_cast %add3A_2776 : i32 to index
        %get3A_2778 = arith.constant 32 : index
        %get3A_2779 = tpu.vector_load %arg11[%get3A_2777, %get3A_2778] {strides = array<i32>} : memref<128x128xf32, #tpu.memory_space<vmem>>, vector<16xf32>,
        %mul3A_2780 = arith.mulf %get3A_2779, %add3A_2752 : vector<16xf32>
        %add3A_2781 = arith.constant 8 : i32
        %add3A_2782 = arith.addi %mul3A_58, %add3A_2781 : i32
        %swap3A_2783 = arith.index_cast %add3A_2782 : i32 to index
        %swap3A_2784 = arith.constant 32 : index
        %swap3A_2785 = tpu.vector_load %arg12[%swap3A_2783, %swap3A_2784] {strides = array<i32>} : memref<128x128xf32, #tpu.memory_space<vmem>>, vector<16xf32>,
        tpu.vector_store %arg12[%swap3A_2783, %swap3A_2784], %mul3A_2780 {strides = array<i32>} : memref<128x128xf32, #tpu.memory_space<vmem>>, vector<16xf32>,
        %add3A_2786 = arith.constant 8 : i32
        %add3A_2787 = arith.addi %mul3A_58, %add3A_2786 : i32
        %get3A_2788 = arith.index_cast %add3A_2787 : i32 to index
        %get3A_2789 = arith.constant 48 : index
        %get3A_2790 = tpu.vector_load %arg11[%get3A_2788, %get3A_2789] {strides = array<i32>} : memref<128x128xf32, #tpu.memory_space<vmem>>, vector<16xf32>,
        %mul3A_2791 = arith.mulf %get3A_2790, %add3A_2752 : vector<16xf32>
        %add3A_2792 = arith.constant 8 : i32
        %add3A_2793 = arith.addi %mul3A_58, %add3A_2792 : i32
        %swap3A_2794 = arith.index_cast %add3A_2793 : i32 to index
        %swap3A_2795 = arith.constant 48 : index
        %swap3A_2796 = tpu.vector_load %arg12[%swap3A_2794, %swap3A_2795] {strides = array<i32>} : memref<128x128xf32, #tpu.memory_space<vmem>>, vector<16xf32>,
        tpu.vector_store %arg12[%swap3A_2794, %swap3A_2795], %mul3A_2791 {strides = array<i32>} : memref<128x128xf32, #tpu.memory_space<vmem>>, vector<16xf32>,
        %add3A_2797 = arith.constant 8 : i32
        %add3A_2798 = arith.addi %mul3A_58, %add3A_2797 : i32
        %get3A_2799 = arith.index_cast %add3A_2798 : i32 to index
        %get3A_2800 = arith.constant 64 : index
        %get3A_2801 = tpu.vector_load %arg11[%get3A_2799, %get3A_2800] {strides = array<i32>} : memref<128x128xf32, #tpu.memory_space<vmem>>, vector<16xf32>,
        %mul3A_2802 = arith.mulf %get3A_2801, %add3A_2752 : vector<16xf32>
        %add3A_2803 = arith.constant 8 : i32
        %add3A_2804 = arith.addi %mul3A_58, %add3A_2803 : i32
        %swap3A_2805 = arith.index_cast %add3A_2804 : i32 to index
        %swap3A_2806 = arith.constant 64 : index
        %swap3A_2807 = tpu.vector_load %arg12[%swap3A_2805, %swap3A_2806] {strides = array<i32>} : memref<128x128xf32, #tpu.memory_space<vmem>>, vector<16xf32>,
        tpu.vector_store %arg12[%swap3A_2805, %swap3A_2806], %mul3A_2802 {strides = array<i32>} : memref<128x128xf32, #tpu.memory_space<vmem>>, vector<16xf32>,
        %add3A_2808 = arith.constant 8 : i32
        %add3A_2809 = arith.addi %mul3A_58, %add3A_2808 : i32
        %get3A_2810 = arith.index_cast %add3A_2809 : i32 to index
        %get3A_2811 = arith.constant 80 : index
        %get3A_2812 = tpu.vector_load %arg11[%get3A_2810, %get3A_2811] {strides = array<i32>} : memref<128x128xf32, #tpu.memory_space<vmem>>, vector<16xf32>,
        %mul3A_2813 = arith.mulf %get3A_2812, %add3A_2752 : vector<16xf32>
        %add3A_2814 = arith.constant 8 : i32
        %add3A_2815 = arith.addi %mul3A_58, %add3A_2814 : i32
        %swap3A_2816 = arith.index_cast %add3A_2815 : i32 to index
        %swap3A_2817 = arith.constant 80 : index
        %swap3A_2818 = tpu.vector_load %arg12[%swap3A_2816, %swap3A_2817] {strides = array<i32>} : memref<128x128xf32, #tpu.memory_space<vmem>>, vector<16xf32>,
        tpu.vector_store %arg12[%swap3A_2816, %swap3A_2817], %mul3A_2813 {strides = array<i32>} : memref<128x128xf32, #tpu.memory_space<vmem>>, vector<16xf32>,
        %add3A_2819 = arith.constant 8 : i32
        %add3A_2820 = arith.addi %mul3A_58, %add3A_2819 : i32
        %get3A_2821 = arith.index_cast %add3A_2820 : i32 to index
        %get3A_2822 = arith.constant 96 : index
        %get3A_2823 = tpu.vector_load %arg11[%get3A_2821, %get3A_2822] {strides = array<i32>} : memref<128x128xf32, #tpu.memory_space<vmem>>, vector<16xf32>,
        %mul3A_2824 = arith.mulf %get3A_2823, %add3A_2752 : vector<16xf32>
        %add3A_2825 = arith.constant 8 : i32
        %add3A_2826 = arith.addi %mul3A_58, %add3A_2825 : i32
        %swap3A_2827 = arith.index_cast %add3A_2826 : i32 to index
        %swap3A_2828 = arith.constant 96 : index
        %swap3A_2829 = tpu.vector_load %arg12[%swap3A_2827, %swap3A_2828] {strides = array<i32>} : memref<128x128xf32, #tpu.memory_space<vmem>>, vector<16xf32>,
        tpu.vector_store %arg12[%swap3A_2827, %swap3A_2828], %mul3A_2824 {strides = array<i32>} : memref<128x128xf32, #tpu.memory_space<vmem>>, vector<16xf32>,
        %add3A_2830 = arith.constant 8 : i32
        %add3A_2831 = arith.addi %mul3A_58, %add3A_2830 : i32
        %get3A_2832 = arith.index_cast %add3A_2831 : i32 to index
        %get3A_2833 = arith.constant 112 : index
        %get3A_2834 = tpu.vector_load %arg11[%get3A_2832, %get3A_2833] {strides = array<i32>} : memref<128x128xf32, #tpu.memory_space<vmem>>, vector<16xf32>,
        %mul3A_2835 = arith.mulf %get3A_2834, %add3A_2752 : vector<16xf32>
        %add3A_2836 = arith.constant 8 : i32
        %add3A_2837 = arith.addi %mul3A_58, %add3A_2836 : i32
        %swap3A_2838 = arith.index_cast %add3A_2837 : i32 to index
        %swap3A_2839 = arith.constant 112 : index
        %swap3A_2840 = tpu.vector_load %arg12[%swap3A_2838, %swap3A_2839] {strides = array<i32>} : memref<128x128xf32, #tpu.memory_space<vmem>>, vector<16xf32>,
        tpu.vector_store %arg12[%swap3A_2838, %swap3A_2839], %mul3A_2835 {strides = array<i32>} : memref<128x128xf32, #tpu.memory_space<vmem>>, vector<16xf32>,
        %eq3A_2841 = arith.constant 9 : i32
        %eq3A_2842 = vector.broadcast %eq3A_2841 : i32 to vector<16xi32>
        %eq3A_2843 = arith.cmpi eq, %iota3A, %eq3A_2842 : vector<16xi32>
        %jit3A_2844 = arith.constant 0.000000e+00 : f32
        %broadcast_in_dim3A_2845 = vector.broadcast %jit3A_2844 : f32 to vector<16xf32>
        %select_n3A_2846 = arith.select %eq3A_2843, %mul3A_1923, %broadcast_in_dim3A_2845 : vector<16xi1>, vector<16xf32>
        %reduce_sum3A_2847 = arith.constant true
        %reduce_sum3A_2848 = vector.broadcast %reduce_sum3A_2847 : i1 to vector<16xi1>
        %reduce_sum3A_2849 = tpu.scan <sum>, %select_n3A_2846 masked %reduce_sum3A_2848 : vector<16xf32>, vector<16xi1> -> vector<16xf32>
        %reduce_sum3A_2850 = vector.extract %reduce_sum3A_2849[15] : f32 from vector<16xf32>
        %broadcast_in_dim3A_2851 = arith.constant 0.000000e+00 : f32
        %broadcast_in_dim3A_2852 = vector.broadcast %broadcast_in_dim3A_2851 : f32 to vector<16xf32>
        %add3A_2853 = vector.broadcast %reduce_sum3A_2850 : f32 to vector<16xf32>
        %add3A_2854 = arith.addf %broadcast_in_dim3A_2852, %add3A_2853 : vector<16xf32>
        %add3A_2855 = arith.constant 9 : i32
        %add3A_2856 = arith.addi %mul3A_58, %add3A_2855 : i32
        %get3A_2857 = arith.index_cast %add3A_2856 : i32 to index
        %get3A_2858 = arith.constant 0 : index
        %get3A_2859 = tpu.vector_load %arg11[%get3A_2857, %get3A_2858] {strides = array<i32>} : memref<128x128xf32, #tpu.memory_space<vmem>>, vector<16xf32>,
        %mul3A_2860 = arith.mulf %get3A_2859, %add3A_2854 : vector<16xf32>
        %add3A_2861 = arith.constant 9 : i32
        %add3A_2862 = arith.addi %mul3A_58, %add3A_2861 : i32
        %swap3A_2863 = arith.index_cast %add3A_2862 : i32 to index
        %swap3A_2864 = arith.constant 0 : index
        %swap3A_2865 = tpu.vector_load %arg12[%swap3A_2863, %swap3A_2864] {strides = array<i32>} : memref<128x128xf32, #tpu.memory_space<vmem>>, vector<16xf32>,
        tpu.vector_store %arg12[%swap3A_2863, %swap3A_2864], %mul3A_2860 {strides = array<i32>} : memref<128x128xf32, #tpu.memory_space<vmem>>, vector<16xf32>,
        %add3A_2866 = arith.constant 9 : i32
        %add3A_2867 = arith.addi %mul3A_58, %add3A_2866 : i32
        %get3A_2868 = arith.index_cast %add3A_2867 : i32 to index
        %get3A_2869 = arith.constant 16 : index
        %get3A_2870 = tpu.vector_load %arg11[%get3A_2868, %get3A_2869] {strides = array<i32>} : memref<128x128xf32, #tpu.memory_space<vmem>>, vector<16xf32>,
        %mul3A_2871 = arith.mulf %get3A_2870, %add3A_2854 : vector<16xf32>
        %add3A_2872 = arith.constant 9 : i32
        %add3A_2873 = arith.addi %mul3A_58, %add3A_2872 : i32
        %swap3A_2874 = arith.index_cast %add3A_2873 : i32 to index
        %swap3A_2875 = arith.constant 16 : index
        %swap3A_2876 = tpu.vector_load %arg12[%swap3A_2874, %swap3A_2875] {strides = array<i32>} : memref<128x128xf32, #tpu.memory_space<vmem>>, vector<16xf32>,
        tpu.vector_store %arg12[%swap3A_2874, %swap3A_2875], %mul3A_2871 {strides = array<i32>} : memref<128x128xf32, #tpu.memory_space<vmem>>, vector<16xf32>,
        %add3A_2877 = arith.constant 9 : i32
        %add3A_2878 = arith.addi %mul3A_58, %add3A_2877 : i32
        %get3A_2879 = arith.index_cast %add3A_2878 : i32 to index
        %get3A_2880 = arith.constant 32 : index
        %get3A_2881 = tpu.vector_load %arg11[%get3A_2879, %get3A_2880] {strides = array<i32>} : memref<128x128xf32, #tpu.memory_space<vmem>>, vector<16xf32>,
        %mul3A_2882 = arith.mulf %get3A_2881, %add3A_2854 : vector<16xf32>
        %add3A_2883 = arith.constant 9 : i32
        %add3A_2884 = arith.addi %mul3A_58, %add3A_2883 : i32
        %swap3A_2885 = arith.index_cast %add3A_2884 : i32 to index
        %swap3A_2886 = arith.constant 32 : index
        %swap3A_2887 = tpu.vector_load %arg12[%swap3A_2885, %swap3A_2886] {strides = array<i32>} : memref<128x128xf32, #tpu.memory_space<vmem>>, vector<16xf32>,
        tpu.vector_store %arg12[%swap3A_2885, %swap3A_2886], %mul3A_2882 {strides = array<i32>} : memref<128x128xf32, #tpu.memory_space<vmem>>, vector<16xf32>,
        %add3A_2888 = arith.constant 9 : i32
        %add3A_2889 = arith.addi %mul3A_58, %add3A_2888 : i32
        %get3A_2890 = arith.index_cast %add3A_2889 : i32 to index
        %get3A_2891 = arith.constant 48 : index
        %get3A_2892 = tpu.vector_load %arg11[%get3A_2890, %get3A_2891] {strides = array<i32>} : memref<128x128xf32, #tpu.memory_space<vmem>>, vector<16xf32>,
        %mul3A_2893 = arith.mulf %get3A_2892, %add3A_2854 : vector<16xf32>
        %add3A_2894 = arith.constant 9 : i32
        %add3A_2895 = arith.addi %mul3A_58, %add3A_2894 : i32
        %swap3A_2896 = arith.index_cast %add3A_2895 : i32 to index
        %swap3A_2897 = arith.constant 48 : index
        %swap3A_2898 = tpu.vector_load %arg12[%swap3A_2896, %swap3A_2897] {strides = array<i32>} : memref<128x128xf32, #tpu.memory_space<vmem>>, vector<16xf32>,
        tpu.vector_store %arg12[%swap3A_2896, %swap3A_2897], %mul3A_2893 {strides = array<i32>} : memref<128x128xf32, #tpu.memory_space<vmem>>, vector<16xf32>,
        %add3A_2899 = arith.constant 9 : i32
        %add3A_2900 = arith.addi %mul3A_58, %add3A_2899 : i32
        %get3A_2901 = arith.index_cast %add3A_2900 : i32 to index
        %get3A_2902 = arith.constant 64 : index
        %get3A_2903 = tpu.vector_load %arg11[%get3A_2901, %get3A_2902] {strides = array<i32>} : memref<128x128xf32, #tpu.memory_space<vmem>>, vector<16xf32>,
        %mul3A_2904 = arith.mulf %get3A_2903, %add3A_2854 : vector<16xf32>
        %add3A_2905 = arith.constant 9 : i32
        %add3A_2906 = arith.addi %mul3A_58, %add3A_2905 : i32
        %swap3A_2907 = arith.index_cast %add3A_2906 : i32 to index
        %swap3A_2908 = arith.constant 64 : index
        %swap3A_2909 = tpu.vector_load %arg12[%swap3A_2907, %swap3A_2908] {strides = array<i32>} : memref<128x128xf32, #tpu.memory_space<vmem>>, vector<16xf32>,
        tpu.vector_store %arg12[%swap3A_2907, %swap3A_2908], %mul3A_2904 {strides = array<i32>} : memref<128x128xf32, #tpu.memory_space<vmem>>, vector<16xf32>,
        %add3A_2910 = arith.constant 9 : i32
        %add3A_2911 = arith.addi %mul3A_58, %add3A_2910 : i32
        %get3A_2912 = arith.index_cast %add3A_2911 : i32 to index
        %get3A_2913 = arith.constant 80 : index
        %get3A_2914 = tpu.vector_load %arg11[%get3A_2912, %get3A_2913] {strides = array<i32>} : memref<128x128xf32, #tpu.memory_space<vmem>>, vector<16xf32>,
        %mul3A_2915 = arith.mulf %get3A_2914, %add3A_2854 : vector<16xf32>
        %add3A_2916 = arith.constant 9 : i32
        %add3A_2917 = arith.addi %mul3A_58, %add3A_2916 : i32
        %swap3A_2918 = arith.index_cast %add3A_2917 : i32 to index
        %swap3A_2919 = arith.constant 80 : index
        %swap3A_2920 = tpu.vector_load %arg12[%swap3A_2918, %swap3A_2919] {strides = array<i32>} : memref<128x128xf32, #tpu.memory_space<vmem>>, vector<16xf32>,
        tpu.vector_store %arg12[%swap3A_2918, %swap3A_2919], %mul3A_2915 {strides = array<i32>} : memref<128x128xf32, #tpu.memory_space<vmem>>, vector<16xf32>,
        %add3A_2921 = arith.constant 9 : i32
        %add3A_2922 = arith.addi %mul3A_58, %add3A_2921 : i32
        %get3A_2923 = arith.index_cast %add3A_2922 : i32 to index
        %get3A_2924 = arith.constant 96 : index
        %get3A_2925 = tpu.vector_load %arg11[%get3A_2923, %get3A_2924] {strides = array<i32>} : memref<128x128xf32, #tpu.memory_space<vmem>>, vector<16xf32>,
        %mul3A_2926 = arith.mulf %get3A_2925, %add3A_2854 : vector<16xf32>
        %add3A_2927 = arith.constant 9 : i32
        %add3A_2928 = arith.addi %mul3A_58, %add3A_2927 : i32
        %swap3A_2929 = arith.index_cast %add3A_2928 : i32 to index
        %swap3A_2930 = arith.constant 96 : index
        %swap3A_2931 = tpu.vector_load %arg12[%swap3A_2929, %swap3A_2930] {strides = array<i32>} : memref<128x128xf32, #tpu.memory_space<vmem>>, vector<16xf32>,
        tpu.vector_store %arg12[%swap3A_2929, %swap3A_2930], %mul3A_2926 {strides = array<i32>} : memref<128x128xf32, #tpu.memory_space<vmem>>, vector<16xf32>,
        %add3A_2932 = arith.constant 9 : i32
        %add3A_2933 = arith.addi %mul3A_58, %add3A_2932 : i32
        %get3A_2934 = arith.index_cast %add3A_2933 : i32 to index
        %get3A_2935 = arith.constant 112 : index
        %get3A_2936 = tpu.vector_load %arg11[%get3A_2934, %get3A_2935] {strides = array<i32>} : memref<128x128xf32, #tpu.memory_space<vmem>>, vector<16xf32>,
        %mul3A_2937 = arith.mulf %get3A_2936, %add3A_2854 : vector<16xf32>
        %add3A_2938 = arith.constant 9 : i32
        %add3A_2939 = arith.addi %mul3A_58, %add3A_2938 : i32
        %swap3A_2940 = arith.index_cast %add3A_2939 : i32 to index
        %swap3A_2941 = arith.constant 112 : index
        %swap3A_2942 = tpu.vector_load %arg12[%swap3A_2940, %swap3A_2941] {strides = array<i32>} : memref<128x128xf32, #tpu.memory_space<vmem>>, vector<16xf32>,
        tpu.vector_store %arg12[%swap3A_2940, %swap3A_2941], %mul3A_2937 {strides = array<i32>} : memref<128x128xf32, #tpu.memory_space<vmem>>, vector<16xf32>,
        %eq3A_2943 = arith.constant 10 : i32
        %eq3A_2944 = vector.broadcast %eq3A_2943 : i32 to vector<16xi32>
        %eq3A_2945 = arith.cmpi eq, %iota3A, %eq3A_2944 : vector<16xi32>
        %jit3A_2946 = arith.constant 0.000000e+00 : f32
        %broadcast_in_dim3A_2947 = vector.broadcast %jit3A_2946 : f32 to vector<16xf32>
        %select_n3A_2948 = arith.select %eq3A_2945, %mul3A_1923, %broadcast_in_dim3A_2947 : vector<16xi1>, vector<16xf32>
        %reduce_sum3A_2949 = arith.constant true
        %reduce_sum3A_2950 = vector.broadcast %reduce_sum3A_2949 : i1 to vector<16xi1>
        %reduce_sum3A_2951 = tpu.scan <sum>, %select_n3A_2948 masked %reduce_sum3A_2950 : vector<16xf32>, vector<16xi1> -> vector<16xf32>
        %reduce_sum3A_2952 = vector.extract %reduce_sum3A_2951[15] : f32 from vector<16xf32>
        %broadcast_in_dim3A_2953 = arith.constant 0.000000e+00 : f32
        %broadcast_in_dim3A_2954 = vector.broadcast %broadcast_in_dim3A_2953 : f32 to vector<16xf32>
        %add3A_2955 = vector.broadcast %reduce_sum3A_2952 : f32 to vector<16xf32>
        %add3A_2956 = arith.addf %broadcast_in_dim3A_2954, %add3A_2955 : vector<16xf32>
        %add3A_2957 = arith.constant 10 : i32
        %add3A_2958 = arith.addi %mul3A_58, %add3A_2957 : i32
        %get3A_2959 = arith.index_cast %add3A_2958 : i32 to index
        %get3A_2960 = arith.constant 0 : index
        %get3A_2961 = tpu.vector_load %arg11[%get3A_2959, %get3A_2960] {strides = array<i32>} : memref<128x128xf32, #tpu.memory_space<vmem>>, vector<16xf32>,
        %mul3A_2962 = arith.mulf %get3A_2961, %add3A_2956 : vector<16xf32>
        %add3A_2963 = arith.constant 10 : i32
        %add3A_2964 = arith.addi %mul3A_58, %add3A_2963 : i32
        %swap3A_2965 = arith.index_cast %add3A_2964 : i32 to index
        %swap3A_2966 = arith.constant 0 : index
        %swap3A_2967 = tpu.vector_load %arg12[%swap3A_2965, %swap3A_2966] {strides = array<i32>} : memref<128x128xf32, #tpu.memory_space<vmem>>, vector<16xf32>,
        tpu.vector_store %arg12[%swap3A_2965, %swap3A_2966], %mul3A_2962 {strides = array<i32>} : memref<128x128xf32, #tpu.memory_space<vmem>>, vector<16xf32>,
        %add3A_2968 = arith.constant 10 : i32
        %add3A_2969 = arith.addi %mul3A_58, %add3A_2968 : i32
        %get3A_2970 = arith.index_cast %add3A_2969 : i32 to index
        %get3A_2971 = arith.constant 16 : index
        %get3A_2972 = tpu.vector_load %arg11[%get3A_2970, %get3A_2971] {strides = array<i32>} : memref<128x128xf32, #tpu.memory_space<vmem>>, vector<16xf32>,
        %mul3A_2973 = arith.mulf %get3A_2972, %add3A_2956 : vector<16xf32>
        %add3A_2974 = arith.constant 10 : i32
        %add3A_2975 = arith.addi %mul3A_58, %add3A_2974 : i32
        %swap3A_2976 = arith.index_cast %add3A_2975 : i32 to index
        %swap3A_2977 = arith.constant 16 : index
        %swap3A_2978 = tpu.vector_load %arg12[%swap3A_2976, %swap3A_2977] {strides = array<i32>} : memref<128x128xf32, #tpu.memory_space<vmem>>, vector<16xf32>,
        tpu.vector_store %arg12[%swap3A_2976, %swap3A_2977], %mul3A_2973 {strides = array<i32>} : memref<128x128xf32, #tpu.memory_space<vmem>>, vector<16xf32>,
        %add3A_2979 = arith.constant 10 : i32
        %add3A_2980 = arith.addi %mul3A_58, %add3A_2979 : i32
        %get3A_2981 = arith.index_cast %add3A_2980 : i32 to index
        %get3A_2982 = arith.constant 32 : index
        %get3A_2983 = tpu.vector_load %arg11[%get3A_2981, %get3A_2982] {strides = array<i32>} : memref<128x128xf32, #tpu.memory_space<vmem>>, vector<16xf32>,
        %mul3A_2984 = arith.mulf %get3A_2983, %add3A_2956 : vector<16xf32>
        %add3A_2985 = arith.constant 10 : i32
        %add3A_2986 = arith.addi %mul3A_58, %add3A_2985 : i32
        %swap3A_2987 = arith.index_cast %add3A_2986 : i32 to index
        %swap3A_2988 = arith.constant 32 : index
        %swap3A_2989 = tpu.vector_load %arg12[%swap3A_2987, %swap3A_2988] {strides = array<i32>} : memref<128x128xf32, #tpu.memory_space<vmem>>, vector<16xf32>,
        tpu.vector_store %arg12[%swap3A_2987, %swap3A_2988], %mul3A_2984 {strides = array<i32>} : memref<128x128xf32, #tpu.memory_space<vmem>>, vector<16xf32>,
        %add3A_2990 = arith.constant 10 : i32
        %add3A_2991 = arith.addi %mul3A_58, %add3A_2990 : i32
        %get3A_2992 = arith.index_cast %add3A_2991 : i32 to index
        %get3A_2993 = arith.constant 48 : index
        %get3A_2994 = tpu.vector_load %arg11[%get3A_2992, %get3A_2993] {strides = array<i32>} : memref<128x128xf32, #tpu.memory_space<vmem>>, vector<16xf32>,
        %mul3A_2995 = arith.mulf %get3A_2994, %add3A_2956 : vector<16xf32>
        %add3A_2996 = arith.constant 10 : i32
        %add3A_2997 = arith.addi %mul3A_58, %add3A_2996 : i32
        %swap3A_2998 = arith.index_cast %add3A_2997 : i32 to index
        %swap3A_2999 = arith.constant 48 : index
        %swap3A_3000 = tpu.vector_load %arg12[%swap3A_2998, %swap3A_2999] {strides = array<i32>} : memref<128x128xf32, #tpu.memory_space<vmem>>, vector<16xf32>,
        tpu.vector_store %arg12[%swap3A_2998, %swap3A_2999], %mul3A_2995 {strides = array<i32>} : memref<128x128xf32, #tpu.memory_space<vmem>>, vector<16xf32>,
        %add3A_3001 = arith.constant 10 : i32
        %add3A_3002 = arith.addi %mul3A_58, %add3A_3001 : i32
        %get3A_3003 = arith.index_cast %add3A_3002 : i32 to index
        %get3A_3004 = arith.constant 64 : index
        %get3A_3005 = tpu.vector_load %arg11[%get3A_3003, %get3A_3004] {strides = array<i32>} : memref<128x128xf32, #tpu.memory_space<vmem>>, vector<16xf32>,
        %mul3A_3006 = arith.mulf %get3A_3005, %add3A_2956 : vector<16xf32>
        %add3A_3007 = arith.constant 10 : i32
        %add3A_3008 = arith.addi %mul3A_58, %add3A_3007 : i32
        %swap3A_3009 = arith.index_cast %add3A_3008 : i32 to index
        %swap3A_3010 = arith.constant 64 : index
        %swap3A_3011 = tpu.vector_load %arg12[%swap3A_3009, %swap3A_3010] {strides = array<i32>} : memref<128x128xf32, #tpu.memory_space<vmem>>, vector<16xf32>,
        tpu.vector_store %arg12[%swap3A_3009, %swap3A_3010], %mul3A_3006 {strides = array<i32>} : memref<128x128xf32, #tpu.memory_space<vmem>>, vector<16xf32>,
        %add3A_3012 = arith.constant 10 : i32
        %add3A_3013 = arith.addi %mul3A_58, %add3A_3012 : i32
        %get3A_3014 = arith.index_cast %add3A_3013 : i32 to index
        %get3A_3015 = arith.constant 80 : index
        %get3A_3016 = tpu.vector_load %arg11[%get3A_3014, %get3A_3015] {strides = array<i32>} : memref<128x128xf32, #tpu.memory_space<vmem>>, vector<16xf32>,
        %mul3A_3017 = arith.mulf %get3A_3016, %add3A_2956 : vector<16xf32>
        %add3A_3018 = arith.constant 10 : i32
        %add3A_3019 = arith.addi %mul3A_58, %add3A_3018 : i32
        %swap3A_3020 = arith.index_cast %add3A_3019 : i32 to index
        %swap3A_3021 = arith.constant 80 : index
        %swap3A_3022 = tpu.vector_load %arg12[%swap3A_3020, %swap3A_3021] {strides = array<i32>} : memref<128x128xf32, #tpu.memory_space<vmem>>, vector<16xf32>,
        tpu.vector_store %arg12[%swap3A_3020, %swap3A_3021], %mul3A_3017 {strides = array<i32>} : memref<128x128xf32, #tpu.memory_space<vmem>>, vector<16xf32>,
        %add3A_3023 = arith.constant 10 : i32
        %add3A_3024 = arith.addi %mul3A_58, %add3A_3023 : i32
        %get3A_3025 = arith.index_cast %add3A_3024 : i32 to index
        %get3A_3026 = arith.constant 96 : index
        %get3A_3027 = tpu.vector_load %arg11[%get3A_3025, %get3A_3026] {strides = array<i32>} : memref<128x128xf32, #tpu.memory_space<vmem>>, vector<16xf32>,
        %mul3A_3028 = arith.mulf %get3A_3027, %add3A_2956 : vector<16xf32>
        %add3A_3029 = arith.constant 10 : i32
        %add3A_3030 = arith.addi %mul3A_58, %add3A_3029 : i32
        %swap3A_3031 = arith.index_cast %add3A_3030 : i32 to index
        %swap3A_3032 = arith.constant 96 : index
        %swap3A_3033 = tpu.vector_load %arg12[%swap3A_3031, %swap3A_3032] {strides = array<i32>} : memref<128x128xf32, #tpu.memory_space<vmem>>, vector<16xf32>,
        tpu.vector_store %arg12[%swap3A_3031, %swap3A_3032], %mul3A_3028 {strides = array<i32>} : memref<128x128xf32, #tpu.memory_space<vmem>>, vector<16xf32>,
        %add3A_3034 = arith.constant 10 : i32
        %add3A_3035 = arith.addi %mul3A_58, %add3A_3034 : i32
        %get3A_3036 = arith.index_cast %add3A_3035 : i32 to index
        %get3A_3037 = arith.constant 112 : index
        %get3A_3038 = tpu.vector_load %arg11[%get3A_3036, %get3A_3037] {strides = array<i32>} : memref<128x128xf32, #tpu.memory_space<vmem>>, vector<16xf32>,
        %mul3A_3039 = arith.mulf %get3A_3038, %add3A_2956 : vector<16xf32>
        %add3A_3040 = arith.constant 10 : i32
        %add3A_3041 = arith.addi %mul3A_58, %add3A_3040 : i32
        %swap3A_3042 = arith.index_cast %add3A_3041 : i32 to index
        %swap3A_3043 = arith.constant 112 : index
        %swap3A_3044 = tpu.vector_load %arg12[%swap3A_3042, %swap3A_3043] {strides = array<i32>} : memref<128x128xf32, #tpu.memory_space<vmem>>, vector<16xf32>,
        tpu.vector_store %arg12[%swap3A_3042, %swap3A_3043], %mul3A_3039 {strides = array<i32>} : memref<128x128xf32, #tpu.memory_space<vmem>>, vector<16xf32>,
        %eq3A_3045 = arith.constant 11 : i32
        %eq3A_3046 = vector.broadcast %eq3A_3045 : i32 to vector<16xi32>
        %eq3A_3047 = arith.cmpi eq, %iota3A, %eq3A_3046 : vector<16xi32>
        %jit3A_3048 = arith.constant 0.000000e+00 : f32
        %broadcast_in_dim3A_3049 = vector.broadcast %jit3A_3048 : f32 to vector<16xf32>
        %select_n3A_3050 = arith.select %eq3A_3047, %mul3A_1923, %broadcast_in_dim3A_3049 : vector<16xi1>, vector<16xf32>
        %reduce_sum3A_3051 = arith.constant true
        %reduce_sum3A_3052 = vector.broadcast %reduce_sum3A_3051 : i1 to vector<16xi1>
        %reduce_sum3A_3053 = tpu.scan <sum>, %select_n3A_3050 masked %reduce_sum3A_3052 : vector<16xf32>, vector<16xi1> -> vector<16xf32>
        %reduce_sum3A_3054 = vector.extract %reduce_sum3A_3053[15] : f32 from vector<16xf32>
        %broadcast_in_dim3A_3055 = arith.constant 0.000000e+00 : f32
        %broadcast_in_dim3A_3056 = vector.broadcast %broadcast_in_dim3A_3055 : f32 to vector<16xf32>
        %add3A_3057 = vector.broadcast %reduce_sum3A_3054 : f32 to vector<16xf32>
        %add3A_3058 = arith.addf %broadcast_in_dim3A_3056, %add3A_3057 : vector<16xf32>
        %add3A_3059 = arith.constant 11 : i32
        %add3A_3060 = arith.addi %mul3A_58, %add3A_3059 : i32
        %get3A_3061 = arith.index_cast %add3A_3060 : i32 to index
        %get3A_3062 = arith.constant 0 : index
        %get3A_3063 = tpu.vector_load %arg11[%get3A_3061, %get3A_3062] {strides = array<i32>} : memref<128x128xf32, #tpu.memory_space<vmem>>, vector<16xf32>,
        %mul3A_3064 = arith.mulf %get3A_3063, %add3A_3058 : vector<16xf32>
        %add3A_3065 = arith.constant 11 : i32
        %add3A_3066 = arith.addi %mul3A_58, %add3A_3065 : i32
        %swap3A_3067 = arith.index_cast %add3A_3066 : i32 to index
        %swap3A_3068 = arith.constant 0 : index
        %swap3A_3069 = tpu.vector_load %arg12[%swap3A_3067, %swap3A_3068] {strides = array<i32>} : memref<128x128xf32, #tpu.memory_space<vmem>>, vector<16xf32>,
        tpu.vector_store %arg12[%swap3A_3067, %swap3A_3068], %mul3A_3064 {strides = array<i32>} : memref<128x128xf32, #tpu.memory_space<vmem>>, vector<16xf32>,
        %add3A_3070 = arith.constant 11 : i32
        %add3A_3071 = arith.addi %mul3A_58, %add3A_3070 : i32
        %get3A_3072 = arith.index_cast %add3A_3071 : i32 to index
        %get3A_3073 = arith.constant 16 : index
        %get3A_3074 = tpu.vector_load %arg11[%get3A_3072, %get3A_3073] {strides = array<i32>} : memref<128x128xf32, #tpu.memory_space<vmem>>, vector<16xf32>,
        %mul3A_3075 = arith.mulf %get3A_3074, %add3A_3058 : vector<16xf32>
        %add3A_3076 = arith.constant 11 : i32
        %add3A_3077 = arith.addi %mul3A_58, %add3A_3076 : i32
        %swap3A_3078 = arith.index_cast %add3A_3077 : i32 to index
        %swap3A_3079 = arith.constant 16 : index
        %swap3A_3080 = tpu.vector_load %arg12[%swap3A_3078, %swap3A_3079] {strides = array<i32>} : memref<128x128xf32, #tpu.memory_space<vmem>>, vector<16xf32>,
        tpu.vector_store %arg12[%swap3A_3078, %swap3A_3079], %mul3A_3075 {strides = array<i32>} : memref<128x128xf32, #tpu.memory_space<vmem>>, vector<16xf32>,
        %add3A_3081 = arith.constant 11 : i32
        %add3A_3082 = arith.addi %mul3A_58, %add3A_3081 : i32
        %get3A_3083 = arith.index_cast %add3A_3082 : i32 to index
        %get3A_3084 = arith.constant 32 : index
        %get3A_3085 = tpu.vector_load %arg11[%get3A_3083, %get3A_3084] {strides = array<i32>} : memref<128x128xf32, #tpu.memory_space<vmem>>, vector<16xf32>,
        %mul3A_3086 = arith.mulf %get3A_3085, %add3A_3058 : vector<16xf32>
        %add3A_3087 = arith.constant 11 : i32
        %add3A_3088 = arith.addi %mul3A_58, %add3A_3087 : i32
        %swap3A_3089 = arith.index_cast %add3A_3088 : i32 to index
        %swap3A_3090 = arith.constant 32 : index
        %swap3A_3091 = tpu.vector_load %arg12[%swap3A_3089, %swap3A_3090] {strides = array<i32>} : memref<128x128xf32, #tpu.memory_space<vmem>>, vector<16xf32>,
        tpu.vector_store %arg12[%swap3A_3089, %swap3A_3090], %mul3A_3086 {strides = array<i32>} : memref<128x128xf32, #tpu.memory_space<vmem>>, vector<16xf32>,
        %add3A_3092 = arith.constant 11 : i32
        %add3A_3093 = arith.addi %mul3A_58, %add3A_3092 : i32
        %get3A_3094 = arith.index_cast %add3A_3093 : i32 to index
        %get3A_3095 = arith.constant 48 : index
        %get3A_3096 = tpu.vector_load %arg11[%get3A_3094, %get3A_3095] {strides = array<i32>} : memref<128x128xf32, #tpu.memory_space<vmem>>, vector<16xf32>,
        %mul3A_3097 = arith.mulf %get3A_3096, %add3A_3058 : vector<16xf32>
        %add3A_3098 = arith.constant 11 : i32
        %add3A_3099 = arith.addi %mul3A_58, %add3A_3098 : i32
        %swap3A_3100 = arith.index_cast %add3A_3099 : i32 to index
        %swap3A_3101 = arith.constant 48 : index
        %swap3A_3102 = tpu.vector_load %arg12[%swap3A_3100, %swap3A_3101] {strides = array<i32>} : memref<128x128xf32, #tpu.memory_space<vmem>>, vector<16xf32>,
        tpu.vector_store %arg12[%swap3A_3100, %swap3A_3101], %mul3A_3097 {strides = array<i32>} : memref<128x128xf32, #tpu.memory_space<vmem>>, vector<16xf32>,
        %add3A_3103 = arith.constant 11 : i32
        %add3A_3104 = arith.addi %mul3A_58, %add3A_3103 : i32
        %get3A_3105 = arith.index_cast %add3A_3104 : i32 to index
        %get3A_3106 = arith.constant 64 : index
        %get3A_3107 = tpu.vector_load %arg11[%get3A_3105, %get3A_3106] {strides = array<i32>} : memref<128x128xf32, #tpu.memory_space<vmem>>, vector<16xf32>,
        %mul3A_3108 = arith.mulf %get3A_3107, %add3A_3058 : vector<16xf32>
        %add3A_3109 = arith.constant 11 : i32
        %add3A_3110 = arith.addi %mul3A_58, %add3A_3109 : i32
        %swap3A_3111 = arith.index_cast %add3A_3110 : i32 to index
        %swap3A_3112 = arith.constant 64 : index
        %swap3A_3113 = tpu.vector_load %arg12[%swap3A_3111, %swap3A_3112] {strides = array<i32>} : memref<128x128xf32, #tpu.memory_space<vmem>>, vector<16xf32>,
        tpu.vector_store %arg12[%swap3A_3111, %swap3A_3112], %mul3A_3108 {strides = array<i32>} : memref<128x128xf32, #tpu.memory_space<vmem>>, vector<16xf32>,
        %add3A_3114 = arith.constant 11 : i32
        %add3A_3115 = arith.addi %mul3A_58, %add3A_3114 : i32
        %get3A_3116 = arith.index_cast %add3A_3115 : i32 to index
        %get3A_3117 = arith.constant 80 : index
        %get3A_3118 = tpu.vector_load %arg11[%get3A_3116, %get3A_3117] {strides = array<i32>} : memref<128x128xf32, #tpu.memory_space<vmem>>, vector<16xf32>,
        %mul3A_3119 = arith.mulf %get3A_3118, %add3A_3058 : vector<16xf32>
        %add3A_3120 = arith.constant 11 : i32
        %add3A_3121 = arith.addi %mul3A_58, %add3A_3120 : i32
        %swap3A_3122 = arith.index_cast %add3A_3121 : i32 to index
        %swap3A_3123 = arith.constant 80 : index
        %swap3A_3124 = tpu.vector_load %arg12[%swap3A_3122, %swap3A_3123] {strides = array<i32>} : memref<128x128xf32, #tpu.memory_space<vmem>>, vector<16xf32>,
        tpu.vector_store %arg12[%swap3A_3122, %swap3A_3123], %mul3A_3119 {strides = array<i32>} : memref<128x128xf32, #tpu.memory_space<vmem>>, vector<16xf32>,
        %add3A_3125 = arith.constant 11 : i32
        %add3A_3126 = arith.addi %mul3A_58, %add3A_3125 : i32
        %get3A_3127 = arith.index_cast %add3A_3126 : i32 to index
        %get3A_3128 = arith.constant 96 : index
        %get3A_3129 = tpu.vector_load %arg11[%get3A_3127, %get3A_3128] {strides = array<i32>} : memref<128x128xf32, #tpu.memory_space<vmem>>, vector<16xf32>,
        %mul3A_3130 = arith.mulf %get3A_3129, %add3A_3058 : vector<16xf32>
        %add3A_3131 = arith.constant 11 : i32
        %add3A_3132 = arith.addi %mul3A_58, %add3A_3131 : i32
        %swap3A_3133 = arith.index_cast %add3A_3132 : i32 to index
        %swap3A_3134 = arith.constant 96 : index
        %swap3A_3135 = tpu.vector_load %arg12[%swap3A_3133, %swap3A_3134] {strides = array<i32>} : memref<128x128xf32, #tpu.memory_space<vmem>>, vector<16xf32>,
        tpu.vector_store %arg12[%swap3A_3133, %swap3A_3134], %mul3A_3130 {strides = array<i32>} : memref<128x128xf32, #tpu.memory_space<vmem>>, vector<16xf32>,
        %add3A_3136 = arith.constant 11 : i32
        %add3A_3137 = arith.addi %mul3A_58, %add3A_3136 : i32
        %get3A_3138 = arith.index_cast %add3A_3137 : i32 to index
        %get3A_3139 = arith.constant 112 : index
        %get3A_3140 = tpu.vector_load %arg11[%get3A_3138, %get3A_3139] {strides = array<i32>} : memref<128x128xf32, #tpu.memory_space<vmem>>, vector<16xf32>,
        %mul3A_3141 = arith.mulf %get3A_3140, %add3A_3058 : vector<16xf32>
        %add3A_3142 = arith.constant 11 : i32
        %add3A_3143 = arith.addi %mul3A_58, %add3A_3142 : i32
        %swap3A_3144 = arith.index_cast %add3A_3143 : i32 to index
        %swap3A_3145 = arith.constant 112 : index
        %swap3A_3146 = tpu.vector_load %arg12[%swap3A_3144, %swap3A_3145] {strides = array<i32>} : memref<128x128xf32, #tpu.memory_space<vmem>>, vector<16xf32>,
        tpu.vector_store %arg12[%swap3A_3144, %swap3A_3145], %mul3A_3141 {strides = array<i32>} : memref<128x128xf32, #tpu.memory_space<vmem>>, vector<16xf32>,
        %eq3A_3147 = arith.constant 12 : i32
        %eq3A_3148 = vector.broadcast %eq3A_3147 : i32 to vector<16xi32>
        %eq3A_3149 = arith.cmpi eq, %iota3A, %eq3A_3148 : vector<16xi32>
        %jit3A_3150 = arith.constant 0.000000e+00 : f32
        %broadcast_in_dim3A_3151 = vector.broadcast %jit3A_3150 : f32 to vector<16xf32>
        %select_n3A_3152 = arith.select %eq3A_3149, %mul3A_1923, %broadcast_in_dim3A_3151 : vector<16xi1>, vector<16xf32>
        %reduce_sum3A_3153 = arith.constant true
        %reduce_sum3A_3154 = vector.broadcast %reduce_sum3A_3153 : i1 to vector<16xi1>
        %reduce_sum3A_3155 = tpu.scan <sum>, %select_n3A_3152 masked %reduce_sum3A_3154 : vector<16xf32>, vector<16xi1> -> vector<16xf32>
        %reduce_sum3A_3156 = vector.extract %reduce_sum3A_3155[15] : f32 from vector<16xf32>
        %broadcast_in_dim3A_3157 = arith.constant 0.000000e+00 : f32
        %broadcast_in_dim3A_3158 = vector.broadcast %broadcast_in_dim3A_3157 : f32 to vector<16xf32>
        %add3A_3159 = vector.broadcast %reduce_sum3A_3156 : f32 to vector<16xf32>
        %add3A_3160 = arith.addf %broadcast_in_dim3A_3158, %add3A_3159 : vector<16xf32>
        %add3A_3161 = arith.constant 12 : i32
        %add3A_3162 = arith.addi %mul3A_58, %add3A_3161 : i32
        %get3A_3163 = arith.index_cast %add3A_3162 : i32 to index
        %get3A_3164 = arith.constant 0 : index
        %get3A_3165 = tpu.vector_load %arg11[%get3A_3163, %get3A_3164] {strides = array<i32>} : memref<128x128xf32, #tpu.memory_space<vmem>>, vector<16xf32>,
        %mul3A_3166 = arith.mulf %get3A_3165, %add3A_3160 : vector<16xf32>
        %add3A_3167 = arith.constant 12 : i32
        %add3A_3168 = arith.addi %mul3A_58, %add3A_3167 : i32
        %swap3A_3169 = arith.index_cast %add3A_3168 : i32 to index
        %swap3A_3170 = arith.constant 0 : index
        %swap3A_3171 = tpu.vector_load %arg12[%swap3A_3169, %swap3A_3170] {strides = array<i32>} : memref<128x128xf32, #tpu.memory_space<vmem>>, vector<16xf32>,
        tpu.vector_store %arg12[%swap3A_3169, %swap3A_3170], %mul3A_3166 {strides = array<i32>} : memref<128x128xf32, #tpu.memory_space<vmem>>, vector<16xf32>,
        %add3A_3172 = arith.constant 12 : i32
        %add3A_3173 = arith.addi %mul3A_58, %add3A_3172 : i32
        %get3A_3174 = arith.index_cast %add3A_3173 : i32 to index
        %get3A_3175 = arith.constant 16 : index
        %get3A_3176 = tpu.vector_load %arg11[%get3A_3174, %get3A_3175] {strides = array<i32>} : memref<128x128xf32, #tpu.memory_space<vmem>>, vector<16xf32>,
        %mul3A_3177 = arith.mulf %get3A_3176, %add3A_3160 : vector<16xf32>
        %add3A_3178 = arith.constant 12 : i32
        %add3A_3179 = arith.addi %mul3A_58, %add3A_3178 : i32
        %swap3A_3180 = arith.index_cast %add3A_3179 : i32 to index
        %swap3A_3181 = arith.constant 16 : index
        %swap3A_3182 = tpu.vector_load %arg12[%swap3A_3180, %swap3A_3181] {strides = array<i32>} : memref<128x128xf32, #tpu.memory_space<vmem>>, vector<16xf32>,
        tpu.vector_store %arg12[%swap3A_3180, %swap3A_3181], %mul3A_3177 {strides = array<i32>} : memref<128x128xf32, #tpu.memory_space<vmem>>, vector<16xf32>,
        %add3A_3183 = arith.constant 12 : i32
        %add3A_3184 = arith.addi %mul3A_58, %add3A_3183 : i32
        %get3A_3185 = arith.index_cast %add3A_3184 : i32 to index
        %get3A_3186 = arith.constant 32 : index
        %get3A_3187 = tpu.vector_load %arg11[%get3A_3185, %get3A_3186] {strides = array<i32>} : memref<128x128xf32, #tpu.memory_space<vmem>>, vector<16xf32>,
        %mul3A_3188 = arith.mulf %get3A_3187, %add3A_3160 : vector<16xf32>
        %add3A_3189 = arith.constant 12 : i32
        %add3A_3190 = arith.addi %mul3A_58, %add3A_3189 : i32
        %swap3A_3191 = arith.index_cast %add3A_3190 : i32 to index
        %swap3A_3192 = arith.constant 32 : index
        %swap3A_3193 = tpu.vector_load %arg12[%swap3A_3191, %swap3A_3192] {strides = array<i32>} : memref<128x128xf32, #tpu.memory_space<vmem>>, vector<16xf32>,
        tpu.vector_store %arg12[%swap3A_3191, %swap3A_3192], %mul3A_3188 {strides = array<i32>} : memref<128x128xf32, #tpu.memory_space<vmem>>, vector<16xf32>,
        %add3A_3194 = arith.constant 12 : i32
        %add3A_3195 = arith.addi %mul3A_58, %add3A_3194 : i32
        %get3A_3196 = arith.index_cast %add3A_3195 : i32 to index
        %get3A_3197 = arith.constant 48 : index
        %get3A_3198 = tpu.vector_load %arg11[%get3A_3196, %get3A_3197] {strides = array<i32>} : memref<128x128xf32, #tpu.memory_space<vmem>>, vector<16xf32>,
        %mul3A_3199 = arith.mulf %get3A_3198, %add3A_3160 : vector<16xf32>
        %add3A_3200 = arith.constant 12 : i32
        %add3A_3201 = arith.addi %mul3A_58, %add3A_3200 : i32
        %swap3A_3202 = arith.index_cast %add3A_3201 : i32 to index
        %swap3A_3203 = arith.constant 48 : index
        %swap3A_3204 = tpu.vector_load %arg12[%swap3A_3202, %swap3A_3203] {strides = array<i32>} : memref<128x128xf32, #tpu.memory_space<vmem>>, vector<16xf32>,
        tpu.vector_store %arg12[%swap3A_3202, %swap3A_3203], %mul3A_3199 {strides = array<i32>} : memref<128x128xf32, #tpu.memory_space<vmem>>, vector<16xf32>,
        %add3A_3205 = arith.constant 12 : i32
        %add3A_3206 = arith.addi %mul3A_58, %add3A_3205 : i32
        %get3A_3207 = arith.index_cast %add3A_3206 : i32 to index
        %get3A_3208 = arith.constant 64 : index
        %get3A_3209 = tpu.vector_load %arg11[%get3A_3207, %get3A_3208] {strides = array<i32>} : memref<128x128xf32, #tpu.memory_space<vmem>>, vector<16xf32>,
        %mul3A_3210 = arith.mulf %get3A_3209, %add3A_3160 : vector<16xf32>
        %add3A_3211 = arith.constant 12 : i32
        %add3A_3212 = arith.addi %mul3A_58, %add3A_3211 : i32
        %swap3A_3213 = arith.index_cast %add3A_3212 : i32 to index
        %swap3A_3214 = arith.constant 64 : index
        %swap3A_3215 = tpu.vector_load %arg12[%swap3A_3213, %swap3A_3214] {strides = array<i32>} : memref<128x128xf32, #tpu.memory_space<vmem>>, vector<16xf32>,
        tpu.vector_store %arg12[%swap3A_3213, %swap3A_3214], %mul3A_3210 {strides = array<i32>} : memref<128x128xf32, #tpu.memory_space<vmem>>, vector<16xf32>,
        %add3A_3216 = arith.constant 12 : i32
        %add3A_3217 = arith.addi %mul3A_58, %add3A_3216 : i32
        %get3A_3218 = arith.index_cast %add3A_3217 : i32 to index
        %get3A_3219 = arith.constant 80 : index
        %get3A_3220 = tpu.vector_load %arg11[%get3A_3218, %get3A_3219] {strides = array<i32>} : memref<128x128xf32, #tpu.memory_space<vmem>>, vector<16xf32>,
        %mul3A_3221 = arith.mulf %get3A_3220, %add3A_3160 : vector<16xf32>
        %add3A_3222 = arith.constant 12 : i32
        %add3A_3223 = arith.addi %mul3A_58, %add3A_3222 : i32
        %swap3A_3224 = arith.index_cast %add3A_3223 : i32 to index
        %swap3A_3225 = arith.constant 80 : index
        %swap3A_3226 = tpu.vector_load %arg12[%swap3A_3224, %swap3A_3225] {strides = array<i32>} : memref<128x128xf32, #tpu.memory_space<vmem>>, vector<16xf32>,
        tpu.vector_store %arg12[%swap3A_3224, %swap3A_3225], %mul3A_3221 {strides = array<i32>} : memref<128x128xf32, #tpu.memory_space<vmem>>, vector<16xf32>,
        %add3A_3227 = arith.constant 12 : i32
        %add3A_3228 = arith.addi %mul3A_58, %add3A_3227 : i32
        %get3A_3229 = arith.index_cast %add3A_3228 : i32 to index
        %get3A_3230 = arith.constant 96 : index
        %get3A_3231 = tpu.vector_load %arg11[%get3A_3229, %get3A_3230] {strides = array<i32>} : memref<128x128xf32, #tpu.memory_space<vmem>>, vector<16xf32>,
        %mul3A_3232 = arith.mulf %get3A_3231, %add3A_3160 : vector<16xf32>
        %add3A_3233 = arith.constant 12 : i32
        %add3A_3234 = arith.addi %mul3A_58, %add3A_3233 : i32
        %swap3A_3235 = arith.index_cast %add3A_3234 : i32 to index
        %swap3A_3236 = arith.constant 96 : index
        %swap3A_3237 = tpu.vector_load %arg12[%swap3A_3235, %swap3A_3236] {strides = array<i32>} : memref<128x128xf32, #tpu.memory_space<vmem>>, vector<16xf32>,
        tpu.vector_store %arg12[%swap3A_3235, %swap3A_3236], %mul3A_3232 {strides = array<i32>} : memref<128x128xf32, #tpu.memory_space<vmem>>, vector<16xf32>,
        %add3A_3238 = arith.constant 12 : i32
        %add3A_3239 = arith.addi %mul3A_58, %add3A_3238 : i32
        %get3A_3240 = arith.index_cast %add3A_3239 : i32 to index
        %get3A_3241 = arith.constant 112 : index
        %get3A_3242 = tpu.vector_load %arg11[%get3A_3240, %get3A_3241] {strides = array<i32>} : memref<128x128xf32, #tpu.memory_space<vmem>>, vector<16xf32>,
        %mul3A_3243 = arith.mulf %get3A_3242, %add3A_3160 : vector<16xf32>
        %add3A_3244 = arith.constant 12 : i32
        %add3A_3245 = arith.addi %mul3A_58, %add3A_3244 : i32
        %swap3A_3246 = arith.index_cast %add3A_3245 : i32 to index
        %swap3A_3247 = arith.constant 112 : index
        %swap3A_3248 = tpu.vector_load %arg12[%swap3A_3246, %swap3A_3247] {strides = array<i32>} : memref<128x128xf32, #tpu.memory_space<vmem>>, vector<16xf32>,
        tpu.vector_store %arg12[%swap3A_3246, %swap3A_3247], %mul3A_3243 {strides = array<i32>} : memref<128x128xf32, #tpu.memory_space<vmem>>, vector<16xf32>,
        %eq3A_3249 = arith.constant 13 : i32
        %eq3A_3250 = vector.broadcast %eq3A_3249 : i32 to vector<16xi32>
        %eq3A_3251 = arith.cmpi eq, %iota3A, %eq3A_3250 : vector<16xi32>
        %jit3A_3252 = arith.constant 0.000000e+00 : f32
        %broadcast_in_dim3A_3253 = vector.broadcast %jit3A_3252 : f32 to vector<16xf32>
        %select_n3A_3254 = arith.select %eq3A_3251, %mul3A_1923, %broadcast_in_dim3A_3253 : vector<16xi1>, vector<16xf32>
        %reduce_sum3A_3255 = arith.constant true
        %reduce_sum3A_3256 = vector.broadcast %reduce_sum3A_3255 : i1 to vector<16xi1>
        %reduce_sum3A_3257 = tpu.scan <sum>, %select_n3A_3254 masked %reduce_sum3A_3256 : vector<16xf32>, vector<16xi1> -> vector<16xf32>
        %reduce_sum3A_3258 = vector.extract %reduce_sum3A_3257[15] : f32 from vector<16xf32>
        %broadcast_in_dim3A_3259 = arith.constant 0.000000e+00 : f32
        %broadcast_in_dim3A_3260 = vector.broadcast %broadcast_in_dim3A_3259 : f32 to vector<16xf32>
        %add3A_3261 = vector.broadcast %reduce_sum3A_3258 : f32 to vector<16xf32>
        %add3A_3262 = arith.addf %broadcast_in_dim3A_3260, %add3A_3261 : vector<16xf32>
        %add3A_3263 = arith.constant 13 : i32
        %add3A_3264 = arith.addi %mul3A_58, %add3A_3263 : i32
        %get3A_3265 = arith.index_cast %add3A_3264 : i32 to index
        %get3A_3266 = arith.constant 0 : index
        %get3A_3267 = tpu.vector_load %arg11[%get3A_3265, %get3A_3266] {strides = array<i32>} : memref<128x128xf32, #tpu.memory_space<vmem>>, vector<16xf32>,
        %mul3A_3268 = arith.mulf %get3A_3267, %add3A_3262 : vector<16xf32>
        %add3A_3269 = arith.constant 13 : i32
        %add3A_3270 = arith.addi %mul3A_58, %add3A_3269 : i32
        %swap3A_3271 = arith.index_cast %add3A_3270 : i32 to index
        %swap3A_3272 = arith.constant 0 : index
        %swap3A_3273 = tpu.vector_load %arg12[%swap3A_3271, %swap3A_3272] {strides = array<i32>} : memref<128x128xf32, #tpu.memory_space<vmem>>, vector<16xf32>,
        tpu.vector_store %arg12[%swap3A_3271, %swap3A_3272], %mul3A_3268 {strides = array<i32>} : memref<128x128xf32, #tpu.memory_space<vmem>>, vector<16xf32>,
        %add3A_3274 = arith.constant 13 : i32
        %add3A_3275 = arith.addi %mul3A_58, %add3A_3274 : i32
        %get3A_3276 = arith.index_cast %add3A_3275 : i32 to index
        %get3A_3277 = arith.constant 16 : index
        %get3A_3278 = tpu.vector_load %arg11[%get3A_3276, %get3A_3277] {strides = array<i32>} : memref<128x128xf32, #tpu.memory_space<vmem>>, vector<16xf32>,
        %mul3A_3279 = arith.mulf %get3A_3278, %add3A_3262 : vector<16xf32>
        %add3A_3280 = arith.constant 13 : i32
        %add3A_3281 = arith.addi %mul3A_58, %add3A_3280 : i32
        %swap3A_3282 = arith.index_cast %add3A_3281 : i32 to index
        %swap3A_3283 = arith.constant 16 : index
        %swap3A_3284 = tpu.vector_load %arg12[%swap3A_3282, %swap3A_3283] {strides = array<i32>} : memref<128x128xf32, #tpu.memory_space<vmem>>, vector<16xf32>,
        tpu.vector_store %arg12[%swap3A_3282, %swap3A_3283], %mul3A_3279 {strides = array<i32>} : memref<128x128xf32, #tpu.memory_space<vmem>>, vector<16xf32>,
        %add3A_3285 = arith.constant 13 : i32
        %add3A_3286 = arith.addi %mul3A_58, %add3A_3285 : i32
        %get3A_3287 = arith.index_cast %add3A_3286 : i32 to index
        %get3A_3288 = arith.constant 32 : index
        %get3A_3289 = tpu.vector_load %arg11[%get3A_3287, %get3A_3288] {strides = array<i32>} : memref<128x128xf32, #tpu.memory_space<vmem>>, vector<16xf32>,
        %mul3A_3290 = arith.mulf %get3A_3289, %add3A_3262 : vector<16xf32>
        %add3A_3291 = arith.constant 13 : i32
        %add3A_3292 = arith.addi %mul3A_58, %add3A_3291 : i32
        %swap3A_3293 = arith.index_cast %add3A_3292 : i32 to index
        %swap3A_3294 = arith.constant 32 : index
        %swap3A_3295 = tpu.vector_load %arg12[%swap3A_3293, %swap3A_3294] {strides = array<i32>} : memref<128x128xf32, #tpu.memory_space<vmem>>, vector<16xf32>,
        tpu.vector_store %arg12[%swap3A_3293, %swap3A_3294], %mul3A_3290 {strides = array<i32>} : memref<128x128xf32, #tpu.memory_space<vmem>>, vector<16xf32>,
        %add3A_3296 = arith.constant 13 : i32
        %add3A_3297 = arith.addi %mul3A_58, %add3A_3296 : i32
        %get3A_3298 = arith.index_cast %add3A_3297 : i32 to index
        %get3A_3299 = arith.constant 48 : index
        %get3A_3300 = tpu.vector_load %arg11[%get3A_3298, %get3A_3299] {strides = array<i32>} : memref<128x128xf32, #tpu.memory_space<vmem>>, vector<16xf32>,
        %mul3A_3301 = arith.mulf %get3A_3300, %add3A_3262 : vector<16xf32>
        %add3A_3302 = arith.constant 13 : i32
        %add3A_3303 = arith.addi %mul3A_58, %add3A_3302 : i32
        %swap3A_3304 = arith.index_cast %add3A_3303 : i32 to index
        %swap3A_3305 = arith.constant 48 : index
        %swap3A_3306 = tpu.vector_load %arg12[%swap3A_3304, %swap3A_3305] {strides = array<i32>} : memref<128x128xf32, #tpu.memory_space<vmem>>, vector<16xf32>,
        tpu.vector_store %arg12[%swap3A_3304, %swap3A_3305], %mul3A_3301 {strides = array<i32>} : memref<128x128xf32, #tpu.memory_space<vmem>>, vector<16xf32>,
        %add3A_3307 = arith.constant 13 : i32
        %add3A_3308 = arith.addi %mul3A_58, %add3A_3307 : i32
        %get3A_3309 = arith.index_cast %add3A_3308 : i32 to index
        %get3A_3310 = arith.constant 64 : index
        %get3A_3311 = tpu.vector_load %arg11[%get3A_3309, %get3A_3310] {strides = array<i32>} : memref<128x128xf32, #tpu.memory_space<vmem>>, vector<16xf32>,
        %mul3A_3312 = arith.mulf %get3A_3311, %add3A_3262 : vector<16xf32>
        %add3A_3313 = arith.constant 13 : i32
        %add3A_3314 = arith.addi %mul3A_58, %add3A_3313 : i32
        %swap3A_3315 = arith.index_cast %add3A_3314 : i32 to index
        %swap3A_3316 = arith.constant 64 : index
        %swap3A_3317 = tpu.vector_load %arg12[%swap3A_3315, %swap3A_3316] {strides = array<i32>} : memref<128x128xf32, #tpu.memory_space<vmem>>, vector<16xf32>,
        tpu.vector_store %arg12[%swap3A_3315, %swap3A_3316], %mul3A_3312 {strides = array<i32>} : memref<128x128xf32, #tpu.memory_space<vmem>>, vector<16xf32>,
        %add3A_3318 = arith.constant 13 : i32
        %add3A_3319 = arith.addi %mul3A_58, %add3A_3318 : i32
        %get3A_3320 = arith.index_cast %add3A_3319 : i32 to index
        %get3A_3321 = arith.constant 80 : index
        %get3A_3322 = tpu.vector_load %arg11[%get3A_3320, %get3A_3321] {strides = array<i32>} : memref<128x128xf32, #tpu.memory_space<vmem>>, vector<16xf32>,
        %mul3A_3323 = arith.mulf %get3A_3322, %add3A_3262 : vector<16xf32>
        %add3A_3324 = arith.constant 13 : i32
        %add3A_3325 = arith.addi %mul3A_58, %add3A_3324 : i32
        %swap3A_3326 = arith.index_cast %add3A_3325 : i32 to index
        %swap3A_3327 = arith.constant 80 : index
        %swap3A_3328 = tpu.vector_load %arg12[%swap3A_3326, %swap3A_3327] {strides = array<i32>} : memref<128x128xf32, #tpu.memory_space<vmem>>, vector<16xf32>,
        tpu.vector_store %arg12[%swap3A_3326, %swap3A_3327], %mul3A_3323 {strides = array<i32>} : memref<128x128xf32, #tpu.memory_space<vmem>>, vector<16xf32>,
        %add3A_3329 = arith.constant 13 : i32
        %add3A_3330 = arith.addi %mul3A_58, %add3A_3329 : i32
        %get3A_3331 = arith.index_cast %add3A_3330 : i32 to index
        %get3A_3332 = arith.constant 96 : index
        %get3A_3333 = tpu.vector_load %arg11[%get3A_3331, %get3A_3332] {strides = array<i32>} : memref<128x128xf32, #tpu.memory_space<vmem>>, vector<16xf32>,
        %mul3A_3334 = arith.mulf %get3A_3333, %add3A_3262 : vector<16xf32>
        %add3A_3335 = arith.constant 13 : i32
        %add3A_3336 = arith.addi %mul3A_58, %add3A_3335 : i32
        %swap3A_3337 = arith.index_cast %add3A_3336 : i32 to index
        %swap3A_3338 = arith.constant 96 : index
        %swap3A_3339 = tpu.vector_load %arg12[%swap3A_3337, %swap3A_3338] {strides = array<i32>} : memref<128x128xf32, #tpu.memory_space<vmem>>, vector<16xf32>,
        tpu.vector_store %arg12[%swap3A_3337, %swap3A_3338], %mul3A_3334 {strides = array<i32>} : memref<128x128xf32, #tpu.memory_space<vmem>>, vector<16xf32>,
        %add3A_3340 = arith.constant 13 : i32
        %add3A_3341 = arith.addi %mul3A_58, %add3A_3340 : i32
        %get3A_3342 = arith.index_cast %add3A_3341 : i32 to index
        %get3A_3343 = arith.constant 112 : index
        %get3A_3344 = tpu.vector_load %arg11[%get3A_3342, %get3A_3343] {strides = array<i32>} : memref<128x128xf32, #tpu.memory_space<vmem>>, vector<16xf32>,
        %mul3A_3345 = arith.mulf %get3A_3344, %add3A_3262 : vector<16xf32>
        %add3A_3346 = arith.constant 13 : i32
        %add3A_3347 = arith.addi %mul3A_58, %add3A_3346 : i32
        %swap3A_3348 = arith.index_cast %add3A_3347 : i32 to index
        %swap3A_3349 = arith.constant 112 : index
        %swap3A_3350 = tpu.vector_load %arg12[%swap3A_3348, %swap3A_3349] {strides = array<i32>} : memref<128x128xf32, #tpu.memory_space<vmem>>, vector<16xf32>,
        tpu.vector_store %arg12[%swap3A_3348, %swap3A_3349], %mul3A_3345 {strides = array<i32>} : memref<128x128xf32, #tpu.memory_space<vmem>>, vector<16xf32>,
        %eq3A_3351 = arith.constant 14 : i32
        %eq3A_3352 = vector.broadcast %eq3A_3351 : i32 to vector<16xi32>
        %eq3A_3353 = arith.cmpi eq, %iota3A, %eq3A_3352 : vector<16xi32>
        %jit3A_3354 = arith.constant 0.000000e+00 : f32
        %broadcast_in_dim3A_3355 = vector.broadcast %jit3A_3354 : f32 to vector<16xf32>
        %select_n3A_3356 = arith.select %eq3A_3353, %mul3A_1923, %broadcast_in_dim3A_3355 : vector<16xi1>, vector<16xf32>
        %reduce_sum3A_3357 = arith.constant true
        %reduce_sum3A_3358 = vector.broadcast %reduce_sum3A_3357 : i1 to vector<16xi1>
        %reduce_sum3A_3359 = tpu.scan <sum>, %select_n3A_3356 masked %reduce_sum3A_3358 : vector<16xf32>, vector<16xi1> -> vector<16xf32>
        %reduce_sum3A_3360 = vector.extract %reduce_sum3A_3359[15] : f32 from vector<16xf32>
        %broadcast_in_dim3A_3361 = arith.constant 0.000000e+00 : f32
        %broadcast_in_dim3A_3362 = vector.broadcast %broadcast_in_dim3A_3361 : f32 to vector<16xf32>
        %add3A_3363 = vector.broadcast %reduce_sum3A_3360 : f32 to vector<16xf32>
        %add3A_3364 = arith.addf %broadcast_in_dim3A_3362, %add3A_3363 : vector<16xf32>
        %add3A_3365 = arith.constant 14 : i32
        %add3A_3366 = arith.addi %mul3A_58, %add3A_3365 : i32
        %get3A_3367 = arith.index_cast %add3A_3366 : i32 to index
        %get3A_3368 = arith.constant 0 : index
        %get3A_3369 = tpu.vector_load %arg11[%get3A_3367, %get3A_3368] {strides = array<i32>} : memref<128x128xf32, #tpu.memory_space<vmem>>, vector<16xf32>,
        %mul3A_3370 = arith.mulf %get3A_3369, %add3A_3364 : vector<16xf32>
        %add3A_3371 = arith.constant 14 : i32
        %add3A_3372 = arith.addi %mul3A_58, %add3A_3371 : i32
        %swap3A_3373 = arith.index_cast %add3A_3372 : i32 to index
        %swap3A_3374 = arith.constant 0 : index
        %swap3A_3375 = tpu.vector_load %arg12[%swap3A_3373, %swap3A_3374] {strides = array<i32>} : memref<128x128xf32, #tpu.memory_space<vmem>>, vector<16xf32>,
        tpu.vector_store %arg12[%swap3A_3373, %swap3A_3374], %mul3A_3370 {strides = array<i32>} : memref<128x128xf32, #tpu.memory_space<vmem>>, vector<16xf32>,
        %add3A_3376 = arith.constant 14 : i32
        %add3A_3377 = arith.addi %mul3A_58, %add3A_3376 : i32
        %get3A_3378 = arith.index_cast %add3A_3377 : i32 to index
        %get3A_3379 = arith.constant 16 : index
        %get3A_3380 = tpu.vector_load %arg11[%get3A_3378, %get3A_3379] {strides = array<i32>} : memref<128x128xf32, #tpu.memory_space<vmem>>, vector<16xf32>,
        %mul3A_3381 = arith.mulf %get3A_3380, %add3A_3364 : vector<16xf32>
        %add3A_3382 = arith.constant 14 : i32
        %add3A_3383 = arith.addi %mul3A_58, %add3A_3382 : i32
        %swap3A_3384 = arith.index_cast %add3A_3383 : i32 to index
        %swap3A_3385 = arith.constant 16 : index
        %swap3A_3386 = tpu.vector_load %arg12[%swap3A_3384, %swap3A_3385] {strides = array<i32>} : memref<128x128xf32, #tpu.memory_space<vmem>>, vector<16xf32>,
        tpu.vector_store %arg12[%swap3A_3384, %swap3A_3385], %mul3A_3381 {strides = array<i32>} : memref<128x128xf32, #tpu.memory_space<vmem>>, vector<16xf32>,
        %add3A_3387 = arith.constant 14 : i32
        %add3A_3388 = arith.addi %mul3A_58, %add3A_3387 : i32
        %get3A_3389 = arith.index_cast %add3A_3388 : i32 to index
        %get3A_3390 = arith.constant 32 : index
        %get3A_3391 = tpu.vector_load %arg11[%get3A_3389, %get3A_3390] {strides = array<i32>} : memref<128x128xf32, #tpu.memory_space<vmem>>, vector<16xf32>,
        %mul3A_3392 = arith.mulf %get3A_3391, %add3A_3364 : vector<16xf32>
        %add3A_3393 = arith.constant 14 : i32
        %add3A_3394 = arith.addi %mul3A_58, %add3A_3393 : i32
        %swap3A_3395 = arith.index_cast %add3A_3394 : i32 to index
        %swap3A_3396 = arith.constant 32 : index
        %swap3A_3397 = tpu.vector_load %arg12[%swap3A_3395, %swap3A_3396] {strides = array<i32>} : memref<128x128xf32, #tpu.memory_space<vmem>>, vector<16xf32>,
        tpu.vector_store %arg12[%swap3A_3395, %swap3A_3396], %mul3A_3392 {strides = array<i32>} : memref<128x128xf32, #tpu.memory_space<vmem>>, vector<16xf32>,
        %add3A_3398 = arith.constant 14 : i32
        %add3A_3399 = arith.addi %mul3A_58, %add3A_3398 : i32
        %get3A_3400 = arith.index_cast %add3A_3399 : i32 to index
        %get3A_3401 = arith.constant 48 : index
        %get3A_3402 = tpu.vector_load %arg11[%get3A_3400, %get3A_3401] {strides = array<i32>} : memref<128x128xf32, #tpu.memory_space<vmem>>, vector<16xf32>,
        %mul3A_3403 = arith.mulf %get3A_3402, %add3A_3364 : vector<16xf32>
        %add3A_3404 = arith.constant 14 : i32
        %add3A_3405 = arith.addi %mul3A_58, %add3A_3404 : i32
        %swap3A_3406 = arith.index_cast %add3A_3405 : i32 to index
        %swap3A_3407 = arith.constant 48 : index
        %swap3A_3408 = tpu.vector_load %arg12[%swap3A_3406, %swap3A_3407] {strides = array<i32>} : memref<128x128xf32, #tpu.memory_space<vmem>>, vector<16xf32>,
        tpu.vector_store %arg12[%swap3A_3406, %swap3A_3407], %mul3A_3403 {strides = array<i32>} : memref<128x128xf32, #tpu.memory_space<vmem>>, vector<16xf32>,
        %add3A_3409 = arith.constant 14 : i32
        %add3A_3410 = arith.addi %mul3A_58, %add3A_3409 : i32
        %get3A_3411 = arith.index_cast %add3A_3410 : i32 to index
        %get3A_3412 = arith.constant 64 : index
        %get3A_3413 = tpu.vector_load %arg11[%get3A_3411, %get3A_3412] {strides = array<i32>} : memref<128x128xf32, #tpu.memory_space<vmem>>, vector<16xf32>,
        %mul3A_3414 = arith.mulf %get3A_3413, %add3A_3364 : vector<16xf32>
        %add3A_3415 = arith.constant 14 : i32
        %add3A_3416 = arith.addi %mul3A_58, %add3A_3415 : i32
        %swap3A_3417 = arith.index_cast %add3A_3416 : i32 to index
        %swap3A_3418 = arith.constant 64 : index
        %swap3A_3419 = tpu.vector_load %arg12[%swap3A_3417, %swap3A_3418] {strides = array<i32>} : memref<128x128xf32, #tpu.memory_space<vmem>>, vector<16xf32>,
        tpu.vector_store %arg12[%swap3A_3417, %swap3A_3418], %mul3A_3414 {strides = array<i32>} : memref<128x128xf32, #tpu.memory_space<vmem>>, vector<16xf32>,
        %add3A_3420 = arith.constant 14 : i32
        %add3A_3421 = arith.addi %mul3A_58, %add3A_3420 : i32
        %get3A_3422 = arith.index_cast %add3A_3421 : i32 to index
        %get3A_3423 = arith.constant 80 : index
        %get3A_3424 = tpu.vector_load %arg11[%get3A_3422, %get3A_3423] {strides = array<i32>} : memref<128x128xf32, #tpu.memory_space<vmem>>, vector<16xf32>,
        %mul3A_3425 = arith.mulf %get3A_3424, %add3A_3364 : vector<16xf32>
        %add3A_3426 = arith.constant 14 : i32
        %add3A_3427 = arith.addi %mul3A_58, %add3A_3426 : i32
        %swap3A_3428 = arith.index_cast %add3A_3427 : i32 to index
        %swap3A_3429 = arith.constant 80 : index
        %swap3A_3430 = tpu.vector_load %arg12[%swap3A_3428, %swap3A_3429] {strides = array<i32>} : memref<128x128xf32, #tpu.memory_space<vmem>>, vector<16xf32>,
        tpu.vector_store %arg12[%swap3A_3428, %swap3A_3429], %mul3A_3425 {strides = array<i32>} : memref<128x128xf32, #tpu.memory_space<vmem>>, vector<16xf32>,
        %add3A_3431 = arith.constant 14 : i32
        %add3A_3432 = arith.addi %mul3A_58, %add3A_3431 : i32
        %get3A_3433 = arith.index_cast %add3A_3432 : i32 to index
        %get3A_3434 = arith.constant 96 : index
        %get3A_3435 = tpu.vector_load %arg11[%get3A_3433, %get3A_3434] {strides = array<i32>} : memref<128x128xf32, #tpu.memory_space<vmem>>, vector<16xf32>,
        %mul3A_3436 = arith.mulf %get3A_3435, %add3A_3364 : vector<16xf32>
        %add3A_3437 = arith.constant 14 : i32
        %add3A_3438 = arith.addi %mul3A_58, %add3A_3437 : i32
        %swap3A_3439 = arith.index_cast %add3A_3438 : i32 to index
        %swap3A_3440 = arith.constant 96 : index
        %swap3A_3441 = tpu.vector_load %arg12[%swap3A_3439, %swap3A_3440] {strides = array<i32>} : memref<128x128xf32, #tpu.memory_space<vmem>>, vector<16xf32>,
        tpu.vector_store %arg12[%swap3A_3439, %swap3A_3440], %mul3A_3436 {strides = array<i32>} : memref<128x128xf32, #tpu.memory_space<vmem>>, vector<16xf32>,
        %add3A_3442 = arith.constant 14 : i32
        %add3A_3443 = arith.addi %mul3A_58, %add3A_3442 : i32
        %get3A_3444 = arith.index_cast %add3A_3443 : i32 to index
        %get3A_3445 = arith.constant 112 : index
        %get3A_3446 = tpu.vector_load %arg11[%get3A_3444, %get3A_3445] {strides = array<i32>} : memref<128x128xf32, #tpu.memory_space<vmem>>, vector<16xf32>,
        %mul3A_3447 = arith.mulf %get3A_3446, %add3A_3364 : vector<16xf32>
        %add3A_3448 = arith.constant 14 : i32
        %add3A_3449 = arith.addi %mul3A_58, %add3A_3448 : i32
        %swap3A_3450 = arith.index_cast %add3A_3449 : i32 to index
        %swap3A_3451 = arith.constant 112 : index
        %swap3A_3452 = tpu.vector_load %arg12[%swap3A_3450, %swap3A_3451] {strides = array<i32>} : memref<128x128xf32, #tpu.memory_space<vmem>>, vector<16xf32>,
        tpu.vector_store %arg12[%swap3A_3450, %swap3A_3451], %mul3A_3447 {strides = array<i32>} : memref<128x128xf32, #tpu.memory_space<vmem>>, vector<16xf32>,
        %eq3A_3453 = arith.constant 15 : i32
        %eq3A_3454 = vector.broadcast %eq3A_3453 : i32 to vector<16xi32>
        %eq3A_3455 = arith.cmpi eq, %iota3A, %eq3A_3454 : vector<16xi32>
        %jit3A_3456 = arith.constant 0.000000e+00 : f32
        %broadcast_in_dim3A_3457 = vector.broadcast %jit3A_3456 : f32 to vector<16xf32>
        %select_n3A_3458 = arith.select %eq3A_3455, %mul3A_1923, %broadcast_in_dim3A_3457 : vector<16xi1>, vector<16xf32>
        %reduce_sum3A_3459 = arith.constant true
        %reduce_sum3A_3460 = vector.broadcast %reduce_sum3A_3459 : i1 to vector<16xi1>
        %reduce_sum3A_3461 = tpu.scan <sum>, %select_n3A_3458 masked %reduce_sum3A_3460 : vector<16xf32>, vector<16xi1> -> vector<16xf32>
        %reduce_sum3A_3462 = vector.extract %reduce_sum3A_3461[15] : f32 from vector<16xf32>
        %broadcast_in_dim3A_3463 = arith.constant 0.000000e+00 : f32
        %broadcast_in_dim3A_3464 = vector.broadcast %broadcast_in_dim3A_3463 : f32 to vector<16xf32>
        %add3A_3465 = vector.broadcast %reduce_sum3A_3462 : f32 to vector<16xf32>
        %add3A_3466 = arith.addf %broadcast_in_dim3A_3464, %add3A_3465 : vector<16xf32>
        %add3A_3467 = arith.constant 15 : i32
        %add3A_3468 = arith.addi %mul3A_58, %add3A_3467 : i32
        %get3A_3469 = arith.index_cast %add3A_3468 : i32 to index
        %get3A_3470 = arith.constant 0 : index
        %get3A_3471 = tpu.vector_load %arg11[%get3A_3469, %get3A_3470] {strides = array<i32>} : memref<128x128xf32, #tpu.memory_space<vmem>>, vector<16xf32>,
        %mul3A_3472 = arith.mulf %get3A_3471, %add3A_3466 : vector<16xf32>
        %add3A_3473 = arith.constant 15 : i32
        %add3A_3474 = arith.addi %mul3A_58, %add3A_3473 : i32
        %swap3A_3475 = arith.index_cast %add3A_3474 : i32 to index
        %swap3A_3476 = arith.constant 0 : index
        %swap3A_3477 = tpu.vector_load %arg12[%swap3A_3475, %swap3A_3476] {strides = array<i32>} : memref<128x128xf32, #tpu.memory_space<vmem>>, vector<16xf32>,
        tpu.vector_store %arg12[%swap3A_3475, %swap3A_3476], %mul3A_3472 {strides = array<i32>} : memref<128x128xf32, #tpu.memory_space<vmem>>, vector<16xf32>,
        %add3A_3478 = arith.constant 15 : i32
        %add3A_3479 = arith.addi %mul3A_58, %add3A_3478 : i32
        %get3A_3480 = arith.index_cast %add3A_3479 : i32 to index
        %get3A_3481 = arith.constant 16 : index
        %get3A_3482 = tpu.vector_load %arg11[%get3A_3480, %get3A_3481] {strides = array<i32>} : memref<128x128xf32, #tpu.memory_space<vmem>>, vector<16xf32>,
        %mul3A_3483 = arith.mulf %get3A_3482, %add3A_3466 : vector<16xf32>
        %add3A_3484 = arith.constant 15 : i32
        %add3A_3485 = arith.addi %mul3A_58, %add3A_3484 : i32
        %swap3A_3486 = arith.index_cast %add3A_3485 : i32 to index
        %swap3A_3487 = arith.constant 16 : index
        %swap3A_3488 = tpu.vector_load %arg12[%swap3A_3486, %swap3A_3487] {strides = array<i32>} : memref<128x128xf32, #tpu.memory_space<vmem>>, vector<16xf32>,
        tpu.vector_store %arg12[%swap3A_3486, %swap3A_3487], %mul3A_3483 {strides = array<i32>} : memref<128x128xf32, #tpu.memory_space<vmem>>, vector<16xf32>,
        %add3A_3489 = arith.constant 15 : i32
        %add3A_3490 = arith.addi %mul3A_58, %add3A_3489 : i32
        %get3A_3491 = arith.index_cast %add3A_3490 : i32 to index
        %get3A_3492 = arith.constant 32 : index
        %get3A_3493 = tpu.vector_load %arg11[%get3A_3491, %get3A_3492] {strides = array<i32>} : memref<128x128xf32, #tpu.memory_space<vmem>>, vector<16xf32>,
        %mul3A_3494 = arith.mulf %get3A_3493, %add3A_3466 : vector<16xf32>
        %add3A_3495 = arith.constant 15 : i32
        %add3A_3496 = arith.addi %mul3A_58, %add3A_3495 : i32
        %swap3A_3497 = arith.index_cast %add3A_3496 : i32 to index
        %swap3A_3498 = arith.constant 32 : index
        %swap3A_3499 = tpu.vector_load %arg12[%swap3A_3497, %swap3A_3498] {strides = array<i32>} : memref<128x128xf32, #tpu.memory_space<vmem>>, vector<16xf32>,
        tpu.vector_store %arg12[%swap3A_3497, %swap3A_3498], %mul3A_3494 {strides = array<i32>} : memref<128x128xf32, #tpu.memory_space<vmem>>, vector<16xf32>,
        %add3A_3500 = arith.constant 15 : i32
        %add3A_3501 = arith.addi %mul3A_58, %add3A_3500 : i32
        %get3A_3502 = arith.index_cast %add3A_3501 : i32 to index
        %get3A_3503 = arith.constant 48 : index
        %get3A_3504 = tpu.vector_load %arg11[%get3A_3502, %get3A_3503] {strides = array<i32>} : memref<128x128xf32, #tpu.memory_space<vmem>>, vector<16xf32>,
        %mul3A_3505 = arith.mulf %get3A_3504, %add3A_3466 : vector<16xf32>
        %add3A_3506 = arith.constant 15 : i32
        %add3A_3507 = arith.addi %mul3A_58, %add3A_3506 : i32
        %swap3A_3508 = arith.index_cast %add3A_3507 : i32 to index
        %swap3A_3509 = arith.constant 48 : index
        %swap3A_3510 = tpu.vector_load %arg12[%swap3A_3508, %swap3A_3509] {strides = array<i32>} : memref<128x128xf32, #tpu.memory_space<vmem>>, vector<16xf32>,
        tpu.vector_store %arg12[%swap3A_3508, %swap3A_3509], %mul3A_3505 {strides = array<i32>} : memref<128x128xf32, #tpu.memory_space<vmem>>, vector<16xf32>,
        %add3A_3511 = arith.constant 15 : i32
        %add3A_3512 = arith.addi %mul3A_58, %add3A_3511 : i32
        %get3A_3513 = arith.index_cast %add3A_3512 : i32 to index
        %get3A_3514 = arith.constant 64 : index
        %get3A_3515 = tpu.vector_load %arg11[%get3A_3513, %get3A_3514] {strides = array<i32>} : memref<128x128xf32, #tpu.memory_space<vmem>>, vector<16xf32>,
        %mul3A_3516 = arith.mulf %get3A_3515, %add3A_3466 : vector<16xf32>
        %add3A_3517 = arith.constant 15 : i32
        %add3A_3518 = arith.addi %mul3A_58, %add3A_3517 : i32
        %swap3A_3519 = arith.index_cast %add3A_3518 : i32 to index
        %swap3A_3520 = arith.constant 64 : index
        %swap3A_3521 = tpu.vector_load %arg12[%swap3A_3519, %swap3A_3520] {strides = array<i32>} : memref<128x128xf32, #tpu.memory_space<vmem>>, vector<16xf32>,
        tpu.vector_store %arg12[%swap3A_3519, %swap3A_3520], %mul3A_3516 {strides = array<i32>} : memref<128x128xf32, #tpu.memory_space<vmem>>, vector<16xf32>,
        %add3A_3522 = arith.constant 15 : i32
        %add3A_3523 = arith.addi %mul3A_58, %add3A_3522 : i32
        %get3A_3524 = arith.index_cast %add3A_3523 : i32 to index
        %get3A_3525 = arith.constant 80 : index
        %get3A_3526 = tpu.vector_load %arg11[%get3A_3524, %get3A_3525] {strides = array<i32>} : memref<128x128xf32, #tpu.memory_space<vmem>>, vector<16xf32>,
        %mul3A_3527 = arith.mulf %get3A_3526, %add3A_3466 : vector<16xf32>
        %add3A_3528 = arith.constant 15 : i32
        %add3A_3529 = arith.addi %mul3A_58, %add3A_3528 : i32
        %swap3A_3530 = arith.index_cast %add3A_3529 : i32 to index
        %swap3A_3531 = arith.constant 80 : index
        %swap3A_3532 = tpu.vector_load %arg12[%swap3A_3530, %swap3A_3531] {strides = array<i32>} : memref<128x128xf32, #tpu.memory_space<vmem>>, vector<16xf32>,
        tpu.vector_store %arg12[%swap3A_3530, %swap3A_3531], %mul3A_3527 {strides = array<i32>} : memref<128x128xf32, #tpu.memory_space<vmem>>, vector<16xf32>,
        %add3A_3533 = arith.constant 15 : i32
        %add3A_3534 = arith.addi %mul3A_58, %add3A_3533 : i32
        %get3A_3535 = arith.index_cast %add3A_3534 : i32 to index
        %get3A_3536 = arith.constant 96 : index
        %get3A_3537 = tpu.vector_load %arg11[%get3A_3535, %get3A_3536] {strides = array<i32>} : memref<128x128xf32, #tpu.memory_space<vmem>>, vector<16xf32>,
        %mul3A_3538 = arith.mulf %get3A_3537, %add3A_3466 : vector<16xf32>
        %add3A_3539 = arith.constant 15 : i32
        %add3A_3540 = arith.addi %mul3A_58, %add3A_3539 : i32
        %swap3A_3541 = arith.index_cast %add3A_3540 : i32 to index
        %swap3A_3542 = arith.constant 96 : index
        %swap3A_3543 = tpu.vector_load %arg12[%swap3A_3541, %swap3A_3542] {strides = array<i32>} : memref<128x128xf32, #tpu.memory_space<vmem>>, vector<16xf32>,
        tpu.vector_store %arg12[%swap3A_3541, %swap3A_3542], %mul3A_3538 {strides = array<i32>} : memref<128x128xf32, #tpu.memory_space<vmem>>, vector<16xf32>,
        %add3A_3544 = arith.constant 15 : i32
        %add3A_3545 = arith.addi %mul3A_58, %add3A_3544 : i32
        %get3A_3546 = arith.index_cast %add3A_3545 : i32 to index
        %get3A_3547 = arith.constant 112 : index
        %get3A_3548 = tpu.vector_load %arg11[%get3A_3546, %get3A_3547] {strides = array<i32>} : memref<128x128xf32, #tpu.memory_space<vmem>>, vector<16xf32>,
        %mul3A_3549 = arith.mulf %get3A_3548, %add3A_3466 : vector<16xf32>
        %add3A_3550 = arith.constant 15 : i32
        %add3A_3551 = arith.addi %mul3A_58, %add3A_3550 : i32
        %swap3A_3552 = arith.index_cast %add3A_3551 : i32 to index
        %swap3A_3553 = arith.constant 112 : index
        %swap3A_3554 = tpu.vector_load %arg12[%swap3A_3552, %swap3A_3553] {strides = array<i32>} : memref<128x128xf32, #tpu.memory_space<vmem>>, vector<16xf32>,
        tpu.vector_store %arg12[%swap3A_3552, %swap3A_3553], %mul3A_3549 {strides = array<i32>} : memref<128x128xf32, #tpu.memory_space<vmem>>, vector<16xf32>,
      }
      %scan3A_55 = arith.constant 8 : i32
      "tpu.region"() ({
        %run_scoped3A = tpu.sem_alloc : memref<!tpu.dma_semaphore, #tpu.memory_space<semaphore_mem>>
        %dma_start3A_56 = arith.constant 0 : i32
        %dma_start3A_57 = arith.constant 0 : i32
        %dma_start3A_58 = tpu.memref_slice %arg13[%dma_start3A_56, %dma_start3A_57] : memref<10000x128xf32, #tpu.memory_space<vmem_shared>> -> memref<10000x128xf32, #tpu.memory_space<vmem_shared>>
        tpu.enqueue_indirect_dma source(%arg12 : memref<128x128xf32, #tpu.memory_space<vmem>>) target(%dma_start3A_58 : memref<10000x128xf32, #tpu.memory_space<vmem_shared>>) offsets(%arg7 : memref<128xi32, #tpu.memory_space<vmem>>) semaphore(%run_scoped3A : memref<!tpu.dma_semaphore, #tpu.memory_space<semaphore_mem>>) {add = true}
        %dma_wait3A_59 = arith.constant 0 : i32
        %dma_wait3A_60 = arith.constant 0 : i32
        %dma_wait3A_61 = tpu.memref_slice %arg13[%dma_wait3A_59, %dma_wait3A_60] : memref<10000x128xf32, #tpu.memory_space<vmem_shared>> -> memref<10000x128xf32, #tpu.memory_space<vmem_shared>>
        tpu.wait_indirect_dma semaphore(%run_scoped3A : memref<!tpu.dma_semaphore, #tpu.memory_space<semaphore_mem>>) src(%arg12 : memref<128x128xf32, #tpu.memory_space<vmem>>) dst(%dma_wait3A_61 : memref<10000x128xf32, #tpu.memory_space<vmem_shared>>)
        tpu.yield
      }) : () -> ()
    }
    %scan3A_27 = arith.constant 79 : i32
    %barrier3A_28 = arith.constant 0 : index
    tpu.barrier barrier_id(%barrier3A_28)
    "tpu.region"() ({
      %run_scoped3A = tpu.sem_alloc : memref<!tpu.dma_semaphore, #tpu.memory_space<semaphore_mem>>
      %dma_start3A = arith.constant 0 : i32
      %dma_start3A_34 = tpu.memref_slice %arg6[%arg0, %multiple_of3A, %dma_start3A] : memref<2x10000x128xf32, #tpu.memory_space<hbm>> -> memref<1x624x128xf32, #tpu.memory_space<hbm>>
      %dma_start3A_35 = tpu.memref_squeeze %dma_start3A_34 : memref<1x624x128xf32, #tpu.memory_space<hbm>> -> memref<624x128xf32, #tpu.memory_space<hbm>>
      %dma_start3A_36 = arith.constant 0 : i32
      %dma_start3A_37 = tpu.memref_slice %arg13[%multiple_of3A, %dma_start3A_36] : memref<10000x128xf32, #tpu.memory_space<vmem_shared>> -> memref<624x128xf32, #tpu.memory_space<vmem_shared>>
      tpu.enqueue_dma source(%dma_start3A_37 : memref<624x128xf32, #tpu.memory_space<vmem_shared>>) target(%dma_start3A_35 : memref<624x128xf32, #tpu.memory_space<hbm>>) target_semaphore(%run_scoped3A : memref<!tpu.dma_semaphore, #tpu.memory_space<semaphore_mem>>)
      %dma_wait3A = arith.constant 0 : i32
      %dma_wait3A_38 = tpu.memref_slice %arg6[%arg0, %multiple_of3A, %dma_wait3A] : memref<2x10000x128xf32, #tpu.memory_space<hbm>> -> memref<1x624x128xf32, #tpu.memory_space<hbm>>
      %dma_wait3A_39 = tpu.memref_squeeze %dma_wait3A_38 : memref<1x624x128xf32, #tpu.memory_space<hbm>> -> memref<624x128xf32, #tpu.memory_space<hbm>>
      %dma_wait3A_40 = arith.constant 0 : i32
      %dma_wait3A_41 = tpu.memref_slice %arg13[%multiple_of3A, %dma_wait3A_40] : memref<10000x128xf32, #tpu.memory_space<vmem_shared>> -> memref<624x128xf32, #tpu.memory_space<vmem_shared>>
      tpu.wait_dma2 semaphore(%run_scoped3A : memref<!tpu.dma_semaphore, #tpu.memory_space<semaphore_mem>>) src(%dma_wait3A_41 : memref<624x128xf32, #tpu.memory_space<vmem_shared>>) dst(%dma_wait3A_39 : memref<624x128xf32, #tpu.memory_space<hbm>>)
      tpu.yield
    }) : () -> ()
    %eq3A_29 = arith.constant 15 : i32
    %eq3A_30 = arith.cmpi eq, %arg1, %eq3A_29 : i32
    %convert_element_type3A_31 = arith.extui %eq3A_30 : i1 to i32
    %cond3A_32 = arith.constant 0 : i32
    %cond3A_33 = arith.cmpi ne, %convert_element_type3A_31, %cond3A_32 : i32
    scf.if %cond3A_33 {
      "tpu.region"() ({
        %run_scoped3A = tpu.sem_alloc : memref<!tpu.dma_semaphore, #tpu.memory_space<semaphore_mem>>
        %dma_start3A = arith.constant 9984 : i32
        %dma_start3A_34 = arith.constant 0 : i32
        %dma_start3A_35 = tpu.memref_slice %arg6[%arg0, %dma_start3A, %dma_start3A_34] : memref<2x10000x128xf32, #tpu.memory_space<hbm>> -> memref<1x16x128xf32, #tpu.memory_space<hbm>>
        %dma_start3A_36 = tpu.memref_squeeze %dma_start3A_35 : memref<1x16x128xf32, #tpu.memory_space<hbm>> -> memref<16x128xf32, #tpu.memory_space<hbm>>
        %dma_start3A_37 = arith.constant 9984 : i32
        %dma_start3A_38 = arith.constant 0 : i32
        %dma_start3A_39 = tpu.memref_slice %arg13[%dma_start3A_37, %dma_start3A_38] : memref<10000x128xf32, #tpu.memory_space<vmem_shared>> -> memref<16x128xf32, #tpu.memory_space<vmem_shared>>
        tpu.enqueue_dma source(%dma_start3A_39 : memref<16x128xf32, #tpu.memory_space<vmem_shared>>) target(%dma_start3A_36 : memref<16x128xf32, #tpu.memory_space<hbm>>) target_semaphore(%run_scoped3A : memref<!tpu.dma_semaphore, #tpu.memory_space<semaphore_mem>>)
        %dma_wait3A = arith.constant 9984 : i32
        %dma_wait3A_40 = arith.constant 0 : i32
        %dma_wait3A_41 = tpu.memref_slice %arg6[%arg0, %dma_wait3A, %dma_wait3A_40] : memref<2x10000x128xf32, #tpu.memory_space<hbm>> -> memref<1x16x128xf32, #tpu.memory_space<hbm>>
        %dma_wait3A_42 = tpu.memref_squeeze %dma_wait3A_41 : memref<1x16x128xf32, #tpu.memory_space<hbm>> -> memref<16x128xf32, #tpu.memory_space<hbm>>
        %dma_wait3A_43 = arith.constant 9984 : i32
        %dma_wait3A_44 = arith.constant 0 : i32
        %dma_wait3A_45 = tpu.memref_slice %arg13[%dma_wait3A_43, %dma_wait3A_44] : memref<10000x128xf32, #tpu.memory_space<vmem_shared>> -> memref<16x128xf32, #tpu.memory_space<vmem_shared>>
        tpu.wait_dma2 semaphore(%run_scoped3A : memref<!tpu.dma_semaphore, #tpu.memory_space<semaphore_mem>>) src(%dma_wait3A_45 : memref<16x128xf32, #tpu.memory_space<vmem_shared>>) dst(%dma_wait3A_42 : memref<16x128xf32, #tpu.memory_space<hbm>>)
        tpu.yield
      }) : () -> ()
    } else {
    }
    return
  }
}

module attributes {stable_mosaic.version = 14 : i64} {
  func.func @_k1_body(%arg0: memref<10000x128xf32, #tpu.memory_space<vmem>>, %arg1: memref<128x128xf32, #tpu.memory_space<vmem>>, %arg2: memref<1x128xf32, #tpu.memory_space<vmem>>, %arg3: memref<10000x1xf32, #tpu.memory_space<vmem>>) attributes {dimension_semantics = [], scalar_prefetch = 0 : i64, scratch_operands = 0 : i64, tpu.core_type = #tpu.core_type<tc>} {
    %get3A = arith.constant 0 : index
    %get3A_0 = arith.constant 0 : index
    %get3A_1 = vector.load %arg2[%get3A, %get3A_0] : memref<1x128xf32, #tpu.memory_space<vmem>>, vector<1x128xf32>
    %get3A_2 = arith.constant 0 : index
    %get3A_3 = arith.constant 0 : index
    %get3A_4 = vector.load %arg1[%get3A_2, %get3A_3] : memref<128x128xf32, #tpu.memory_space<vmem>>, vector<128x128xf32>
    %dot_general3A = arith.constant dense<0.000000e+00> : vector<1x128xf32>
    %dot_general3A_5 = tpu.matmul %get3A_1, %get3A_4, %dot_general3A {dimension_numbers = #tpu.dot_dimension_numbers<[1], [0], [0], [1], [0, 0, 1, 1], [], []>, transpose_lhs_hint = false} : vector<1x128xf32>, vector<128x128xf32>, vector<1x128xf32> -> vector<1x128xf32>
    %get3A_6 = arith.constant 0 : index
    %get3A_7 = arith.constant 0 : index
    %get3A_8 = vector.load %arg0[%get3A_6, %get3A_7] : memref<10000x128xf32, #tpu.memory_space<vmem>>, vector<10000x128xf32>
    %dot_general3A_9 = arith.constant dense<0.000000e+00> : vector<10000x1xf32>
    %dot_general3A_10 = tpu.matmul %get3A_8, %dot_general3A_5, %dot_general3A_9 {dimension_numbers = #tpu.dot_dimension_numbers<[1], [1], [0], [0], [0, 0, 1, 0], [], []>, transpose_lhs_hint = false} : vector<10000x128xf32>, vector<1x128xf32>, vector<10000x1xf32> -> vector<10000x1xf32>
    %swap3A = arith.constant 0 : index
    %swap3A_11 = arith.constant 0 : index
    %swap3A_12 = vector.load %arg3[%swap3A, %swap3A_11] : memref<10000x1xf32, #tpu.memory_space<vmem>>, vector<10000x1xf32>
    tpu.vector_store %arg3[%swap3A, %swap3A_11], %dot_general3A_10 {strides = array<i32>} : memref<10000x1xf32, #tpu.memory_space<vmem>>, vector<10000x1xf32>,
    return
  }
}

module attributes {stable_mosaic.version = 14 : i64} {
  func.func @_k3_body(%arg0: memref<2528x128xf32, #tpu.memory_space<vmem>>, %arg1: memref<2528x128xf32, #tpu.memory_space<vmem>>) attributes {dimension_semantics = [], scalar_prefetch = 0 : i64, scratch_operands = 0 : i64, tpu.core_type = #tpu.core_type<tc>} {
    %get3A = arith.constant 0 : index
    %get3A_0 = arith.constant 0 : index
    %get3A_1 = vector.load %arg0[%get3A, %get3A_0] : memref<2528x128xf32, #tpu.memory_space<vmem>>, vector<2528x128xf32>
    %iota3A = tpu.iota {dimensions = array<i32: 0>} : vector<2528x128xi32>
    %lt3A = arith.constant 2500 : i32
    %lt3A_2 = vector.broadcast %lt3A : i32 to vector<2528x128xi32>
    %lt3A_3 = arith.cmpi slt, %iota3A, %lt3A_2 : vector<2528x128xi32>
    %jit3A = arith.constant 0xFF800000 : f32
    %broadcast_in_dim3A = vector.broadcast %jit3A : f32 to vector<2528x128xf32>
    %select_n3A = arith.select %lt3A_3, %get3A_1, %broadcast_in_dim3A : vector<2528x128xi1>, vector<2528x128xf32>
    %reduce_max3A = vector.shape_cast %select_n3A : vector<2528x128xf32> to vector<1x2528x128xf32>
    %reduce_max3A_4 = arith.constant dense<0xFF800000> : vector<1xf32>
    %reduce_max3A_5 = vector.multi_reduction <maximumf>, %reduce_max3A, %reduce_max3A_4 [1, 2] : vector<1x2528x128xf32> to vector<1xf32>
    %reduce_max3A_6 = vector.shape_cast %reduce_max3A_5 : vector<1xf32> to vector<1x1x1xf32>
    %reduce_max3A_7 = vector.extract %reduce_max3A_6[0, 0, 0] : f32 from vector<1x1x1xf32>
    %sub3A = vector.broadcast %reduce_max3A_7 : f32 to vector<2528x128xf32>
    %sub3A_8 = arith.subf %get3A_1, %sub3A : vector<2528x128xf32>
    %exp3A = math.exp %sub3A_8 : vector<2528x128xf32>
    %jit3A_9 = arith.constant 0.000000e+00 : f32
    %broadcast_in_dim3A_10 = vector.broadcast %jit3A_9 : f32 to vector<2528x128xf32>
    %select_n3A_11 = arith.select %lt3A_3, %exp3A, %broadcast_in_dim3A_10 : vector<2528x128xi1>, vector<2528x128xf32>
    %reduce_sum3A = vector.shape_cast %select_n3A_11 : vector<2528x128xf32> to vector<1x2528x128xf32>
    %reduce_sum3A_12 = arith.constant dense<0.000000e+00> : vector<1xf32>
    %reduce_sum3A_13 = vector.multi_reduction <add>, %reduce_sum3A, %reduce_sum3A_12 [1, 2] : vector<1x2528x128xf32> to vector<1xf32>
    %reduce_sum3A_14 = vector.shape_cast %reduce_sum3A_13 : vector<1xf32> to vector<1x1x1xf32>
    %reduce_sum3A_15 = vector.extract %reduce_sum3A_14[0, 0, 0] : f32 from vector<1x1x1xf32>
    %div3A = vector.broadcast %reduce_sum3A_15 : f32 to vector<2528x128xf32>
    %div3A_16 = arith.divf %select_n3A_11, %div3A : vector<2528x128xf32>
    %swap3A = arith.constant 0 : index
    %swap3A_17 = arith.constant 0 : index
    %swap3A_18 = vector.load %arg1[%swap3A, %swap3A_17] : memref<2528x128xf32, #tpu.memory_space<vmem>>, vector<2528x128xf32>
    tpu.vector_store %arg1[%swap3A, %swap3A_17], %div3A_16 {strides = array<i32>} : memref<2528x128xf32, #tpu.memory_space<vmem>>, vector<2528x128xf32>,
    return
  }
}

module attributes {stable_mosaic.version = 14 : i64} {
  func.func @_k5_body(%arg0: memref<10000x128xf32, #tpu.memory_space<vmem>>, %arg1: memref<10000x128xf32, #tpu.memory_space<vmem>>, %arg2: memref<10000x128xf32, #tpu.memory_space<vmem>>) attributes {dimension_semantics = [], scalar_prefetch = 0 : i64, scratch_operands = 0 : i64, tpu.core_type = #tpu.core_type<tc>} {
    %get3A = arith.constant 0 : index
    %get3A_0 = arith.constant 0 : index
    %get3A_1 = vector.load %arg0[%get3A, %get3A_0] : memref<10000x128xf32, #tpu.memory_space<vmem>>, vector<10000x128xf32>
    %get3A_2 = arith.constant 0 : index
    %get3A_3 = arith.constant 0 : index
    %get3A_4 = vector.load %arg1[%get3A_2, %get3A_3] : memref<10000x128xf32, #tpu.memory_space<vmem>>, vector<10000x128xf32>
    %add3A = arith.addf %get3A_1, %get3A_4 : vector<10000x128xf32>
    %swap3A = arith.constant 0 : index
    %swap3A_5 = arith.constant 0 : index
    %swap3A_6 = vector.load %arg2[%swap3A, %swap3A_5] : memref<10000x128xf32, #tpu.memory_space<vmem>>, vector<10000x128xf32>
    tpu.vector_store %arg2[%swap3A, %swap3A_5], %add3A {strides = array<i32>} : memref<10000x128xf32, #tpu.memory_space<vmem>>, vector<10000x128xf32>,
    return
  }
}

</mosaic_0001>

<sc_bundles>
// kernel: kernel.10.cloned.1.call-start
scs
__scs_entry_jumppad:
0x0: {  	(pc) =	sbr.rel $0x88, $3  }
0x1: {  	(tag) =	ssettag $0x0;
	lr =	simm.s32 $0x1  }
0x2: {  	[smem:$0x3F9D] =	sst lr;
	_ =	strace $0xD0000000  }
0x3: {  	_ = 	snop  }
0x4: {  	_ = 	snop  }
0x5: {  	_ = 	snop  }
0x6: {  	_ = 	snop  }
0x7: {  	_ = 	snop  }
__scs_overlays_trampoline_lowered:
0x8: {  	[smem:$0x3FAC] =	sst s0  }
0x9: {  	[smem:$0x3FAD] =	sst s1  }
0xa: {  	[smem:$0x3FAE] =	sst s2  }
0xb: {  	[smem:$0x3FAF] =	sst s3  }
0xc: {  	[smem:$0x3FB0] =	sst s4  }
0xd: {  	[smem:$0x3FB1] =	sst s5  }
0xe: {  	[smem:$0x3FB2] =	sst s6  }
0xf: {  	[smem:$0x3FB3] =	sst s7  }
0x10: {  	[smem:$0x3FB4] =	sst s8  }
0x11: {  	[smem:$0x3FB5] =	sst s9;
	s0 =	simm.s32 @!p0 $0x0  }
0x12: {  	s1 =	sld [smem:$0x3F9B];
	s0 =	simm.s32 @p0 $0x1  }
0x13: {  	[smem:$0x3FB6] =	sst s0;
	s0 =	simm.s32 @!p1 $0x0  }
0x14: {  	s2 =	sld [smem:$0x3F9A];
	s0 =	simm.s32 @p1 $0x1  }
0x15: {  	[smem:$0x3FB7] =	sst s0;
	s0 =	simm.s32 @!p2 $0x0  }
0x16: {  	s3 =	sld [smem:$0x3FDB];
	s0 =	simm.s32 @p2 $0x1  }
0x17: {  	s4 =	simm.s32 $0x1BF5;
	[smem:$0x3FB9] =	sst s0  }
0x18: {  	s0 =	sld [smem:$0x3F9C];
	_ =	swait.ge [sflag:s4], $0x0  }
0x19: {  	s7 =	sld [smem:$0x3F9D]  }
0x1a: {  	s8 =	sadd.s32 $0xFFFFE003, lr  }
0x1b: {  	s9 =	sadd.s32 $0xFFFFFEF7, lr;
	s5 =	simm.s32 $0xFFFFFFFF;
	p2 =	slt.u32 s8, $0xFFFFF086  }
0x1c: {  	p1 =	slt.u32 s9, $0xF7A;
	s5 =	simm.s32 @!p2 $0x0  }
0x1d: {  	s5 =	simm.s32 @p1 $0x1;
	p0 =	seq.s32 s7, s2  }
0x1e: {  	s7 =	smul.u32 @!p0 $0xF7A, s2;
	p2 =	seq.s32 @!p0 s5, $0x0  }
0x1f: {  	s9 =	smul.u32 $0xF7A, s1;
	s8 =	simm.s32 @!p0 $0x1BF5;
	p2 =	por !p2, p0  }
0x20: {  	[sflag:s8] =	ssyncset.s32 @!p0 $0xFFFFF086;
	s6 =	sadd.s32 @!p0 s3, s7;
	s7 =	simm.s32 @!p0 $0x108  }
0x21: {  	s3 =	sadd.s32 s3, s9;
	s6 =	sadd.s32 @!p0 $0x88, s6;
	s7 =	simm.s32 @p2 $0x1082  }
0x22: {  	[simem:s7], [sflag:s8] =	dma.local @!p0 [hbm:s6], $0xF7A  }
0x23: {  	s9 =	sor.u32 $0xD0000000, s2;
	s6 =	simm.s32 $0x108;
	_ =	swait.ge @!p0 [sflag:s8], $0x0  }
0x24: {  	s3 =	sadd.s32 $0x88, s3;
	s6 =	simm.s32 @!p1 $0x1082;
	[sflag:s4] =	ssyncset.s32 $0xFFFFF086  }
0x25: {  	[simem:s6], [sflag:s4] =	dma.local [hbm:s3], $0xF7A  }
0x26: {  	[smem:$0x3F9D] =	sst s1;
	(tag) =	ssettag s2;
	_ =	strace s9  }
0x27: {  	s1 =	sld [smem:$0x3FAD]  }
0x28: {  	s2 =	sld [smem:$0x3FAE]  }
0x29: {  	s4 =	sld [smem:$0x3FB0]  }
0x2a: {  	p0 =	seq.s32 s5, $0x0;
	s5 =	sld [smem:$0x3FB1]  }
0x2b: {  	s6 =	sld [smem:$0x3FB2]  }
0x2c: {  	s7 =	sld [smem:$0x3FB3]  }
0x2d: {  	s3 =	simm.s32 $0x108;
	s8 =	sld [smem:$0x3FB4]  }
0x2e: {  	s3 =	simm.s32 @!p0 $0x1082;
	s9 =	sld [smem:$0x3FB5]  }
0x2f: {  	lr =	sadd.s32 s0, s3;
	s0 =	sld [smem:$0x3FAC]  }
0x30: {  	s3 =	sld [smem:$0x3FAF]  }
0x31: {  	[smem:$0x3FB8] =	sst s10  }
0x32: {  	s10 =	sld [smem:$0x3FB6];
	_ =	sdelay $0x3  }
0x33: {  	p0 =	seq.s32 s10, $0x1;
	s10 =	sld [smem:$0x3FB8];
	_ =	sdelay $0x3  }
0x34: {  	[smem:$0x3FB8] =	sst s10  }
0x35: {  	s10 =	sld [smem:$0x3FB7];
	_ =	sdelay $0x3  }
0x36: {  	p1 =	seq.s32 s10, $0x1;
	s10 =	sld [smem:$0x3FB8];
	_ =	sdelay $0x3  }
0x37: {  	[smem:$0x3FB8] =	sst s10  }
0x38: {  	s10 =	sld [smem:$0x3FB9]  }
0x39: {  	_ = 	snop;
	(pc) =	sbr.ind lr, $3  }
0x3a: {  	_ = 	snop  }
0x3b: {  	_ = 	snop  }
0x3c: {  	p2 =	seq.s32 s10, $0x1;
	s10 =	sld [smem:$0x3FB8]  }
0x3d: {  	_ =	shalt  }
0x3e: {  	_ =	shalt  }
0x3f: {  	_ =	shalt  }
0x40: {  	_ =	shalt  }
0x41: {  	_ =	shalt  }
0x42: {  	_ =	shalt  }
0x43: {  	_ =	shalt  }
0x44: {  	_ =	shalt  }
0x45: {  	_ =	shalt  }
0x46: {  	_ =	shalt  }
0x47: {  	_ =	shalt  }
0x48: {  	_ =	shalt  }
0x49: {  	_ =	shalt  }
0x4a: {  	_ =	shalt  }
0x4b: {  	_ =	shalt  }
0x4c: {  	_ =	shalt  }
0x4d: {  	_ =	shalt  }
0x4e: {  	_ =	shalt  }
0x4f: {  	_ =	shalt  }
0x50: {  	_ =	shalt  }
0x51: {  	_ =	shalt  }
0x52: {  	_ =	shalt  }
0x53: {  	_ =	shalt  }
0x54: {  	_ =	shalt  }
0x55: {  	_ =	shalt  }
0x56: {  	_ =	shalt  }
0x57: {  	_ =	shalt  }
0x58: {  	_ =	shalt  }
0x59: {  	_ =	shalt  }
0x5a: {  	_ =	shalt  }
0x5b: {  	_ =	shalt  }
0x5c: {  	_ =	shalt  }
0x5d: {  	_ =	shalt  }
0x5e: {  	_ =	shalt  }
0x5f: {  	_ =	shalt  }
0x60: {  	_ =	shalt  }
0x61: {  	_ =	shalt  }
0x62: {  	_ =	shalt  }
0x63: {  	_ =	shalt  }
0x64: {  	_ =	shalt  }
0x65: {  	_ =	shalt  }
0x66: {  	_ =	shalt  }
0x67: {  	_ =	shalt  }
0x68: {  	_ =	shalt  }
0x69: {  	_ =	shalt  }
0x6a: {  	_ =	shalt  }
0x6b: {  	_ =	shalt  }
0x6c: {  	_ =	shalt  }
0x6d: {  	_ =	shalt  }
0x6e: {  	_ =	shalt  }
0x6f: {  	_ =	shalt  }
0x70: {  	_ =	shalt  }
0x71: {  	_ =	shalt  }
0x72: {  	_ =	shalt  }
0x73: {  	_ =	shalt  }
0x74: {  	_ =	shalt  }
0x75: {  	_ =	shalt  }
0x76: {  	_ =	shalt  }
0x77: {  	_ =	shalt  }
0x78: {  	_ =	shalt  }
0x79: {  	_ =	shalt  }
0x7a: {  	_ =	shalt  }
0x7b: {  	_ =	shalt  }
0x7c: {  	_ =	shalt  }
0x7d: {  	_ =	shalt  }
0x7e: {  	_ =	shalt  }
0x7f: {  	_ =	shalt  }
0x80: {  	_ =	shalt  }
0x81: {  	_ =	shalt  }
0x82: {  	_ =	shalt  }
0x83: {  	_ =	shalt  }
0x84: {  	_ =	shalt  }
0x85: {  	_ =	shalt  }
0x86: {  	_ =	shalt  }
0x87: {  	_ =	shalt  }
.Lfunc_end0:
.L_simem_size_0:
called_computation.1_lowered:
.L_overlay_start_0:
0x88: {  	s2 =	sld [smem:$0x3FD9]  }
0x89: {  	s3 =	sld [smem:$0x3FFE];
	_ =	sdelay $0x1  }
0x8a: {  	s1 =	srdreg.scid  }
0x8b: {  	s0 =	sand.u32 $0x1, s1  }
0x8c: {  	s17 =	sshll.u32 s0, $0xA;
	s2 =	sadd.s32 s3, s2  }
0x8d: {  	s2 =	sadd.s32 s2, s17  }
0x8e: {  	[smem:$0x3FC4] =	sst s2  }
0x8f: {  	_ = 	snop  }
0x90: {  	s2 =	sld [smem:$0x3FC9]  }
0x91: {  	s18 =	sld [smem:$0x3FD0];
	(tm) =	ssettm $0x1  }
0x92: {  	s4 =	sld [smem:$0x3FFB];
	_ =	sdelay $0x3  }
0x93: {  	_ =	strace s4  }
0x94: {  	s4 =	sld [smem:$0x3FFC];
	_ =	sdelay $0x3  }
0x95: {  	_ =	strace s4  }
0x96: {  	s4 =	sld [smem:$0x3FFD];
	_ =	sdelay $0x3  }
0x97: {  	_ =	strace s4  }
0x98: {  	_ =	strace $0x8FFFFFFF  }
0x99: {  	s19 =	sld [smem:$0x3FDB];
	_ =	sdelay $0x1  }
0x9a: {  	s5 =	simm.s32 $_scs_section_size  }
0x9b: {  	s6 =	simm.s32 $_size__tile_overlayer_lowered;
	s7 =	simm.s32 $_tile_overlayer_lowered  }
0x9c: {  	s22 =	simm.s32 $0x1BFF;
	s21 =	sshll.u32 s7, $0x1;
	s4 =	sadd.s32 s5, s19  }
0x9d: {  	s8 =	simm.s32 $0x0;
	s20 =	sshll.u32 s6, $0x1;
	s6 =	sadd.s32 s21, s4  }
0x9e: {  	[timem:s8], [sflag:s22] =	dma.local [hbm:s6], s20  }
0x9f: {  	_ =	swait.ge [sflag:s22], s20  }
0xa0: {  	s5 =	ssub.s32 $0x0, s20;
	[sflag:s22] =	ssyncset.done $0x0  }
0xa1: {  	[sflag:s22] =	ssyncadd.s32 s5;
	_ =	sdelay $0x1  }
0xa2: {  	s23 =	simm.s32 $0x1B8B  }
0xa3: {  	_ =	swait.ge [sflag:s23], $0x1  }
0xa4: {  	[sflag:s23] =	ssyncset.done $0x0  }
0xa5: {  	s25 =	simm.s32 $0x1B8E;
	s24 =	sld [smem:$0x3FFE];
	[sflag:s23] =	ssyncadd.s32 $0xFFFFFFFF  }
0xa6: {  	s26 =	simm.s32 $execute0_lowered;
	[smem:$0x3FD2] =	sst s25  }
0xa7: {  	s6 =	sshll.u32 s26, $0x1;
	_ =	strace $0x80000049;
	[dreg:$0x1] =	wrdreg $0xFFFFFFFF  }
0xa8: {  	s28 =	simm.s32 $_size_execute0_lowered;
	s4 =	sadd.s32 s4, s6;
	[dreg:$0x0] =	wrdreg $0x0  }
0xa9: {  	s6 =	sshll.u32 s28, $0x1;
	[dreg:$0x2] =	wrdreg s4  }
0xaa: {  	[dreg:$0x3] =	wrdreg s6  }
0xab: {  	[dreg:$0x4] =	wrdreg $0xC0  }
0xac: {  	_ =	task [dreg:s8], $0x5FFFF  }
0xad: {  	[dreg:$0x1] =	wrdreg $0xFFFFFFFF  }
0xae: {  	[dreg:$0x0] =	wrdreg $0x60  }
0xaf: {  	[dreg:$0x2] =	wrdreg s18  }
0xb0: {  	[dreg:$0x3] =	wrdreg s24  }
0xb1: {  	[dreg:$0x4] =	wrdreg s2  }
0xb2: {  	[dreg:$0x5] =	wrdreg $0xC1800  }
0xb3: {  	[dreg:$0x6] =	wrdreg $0x9  }
0xb4: {  	_ =	task.clear_ibuf [dreg:s8], $0x7FFFF;
	_ =	strace $0x90000049  }
0xb5: {  	s29 =	simm.s32 $0x9;
	_ =	strace $0x8000004B  }
0xb6: {  	_ =	swait.ge [sflag:s29], $0x1  }
0xb7: {  	[sflag:s29] =	ssyncadd.s32 $0xFFFFFFFF  }
0xb8: {  	_ =	strace $0x9000004B  }
0xb9: {  	_ =	sfence  }
0xba: {  	s30 =	sld [smem:$0x0];
	_ =	sdelay $0x2  }
0xbb: {  	s31 =	sshll.u32 s1, $0xD;
	s1 =	sshrl.u32 s1, $0x2  }
0xbc: {  	s3 =	sand.u32 $0x4000, s31;
	s1 =	sadd.s32 s1, s30  }
0xbd: {  	s0 =	sor.u32 s3, s0;
	s1 =	sshll.u32 s1, $0x11  }
0xbe: {  	s0 =	sor.u32 s1, s0  }
0xbf: {  	s0 =	sadd.s32 $0x8F2B, s0  }
0xc0: {  	[sflag:s0] =	ssyncadd.remote.s32 $0x1  }
0xc1: {  	_ =	sfence.sel $0xFFFF  }
0xc2: {  	[dreg:$0x0] =	wrdreg $0xFFFFFFFF;
	(pc) =	sbr.abs _section_cstart, $3  }
0xc3: {  	[dreg:$0x1] =	wrdreg $0xFFFFFFFF  }
0xc4: {  	_ =	task.clear_ibuf [dreg:s8], $0x2FFFF;
	_ =	strace $0x9FFFFFFF  }
0xc5: {  	(tm) =	ssettm $0x7FFFFFFF  }
tec
execute0_lowered:
.L_overlay_start_1:
0x0: {  	(tag) =	ssettag $0x1  }
0x1: {  	s1 =	rddreg [dreg:$0x0]  }
0x2: {  	s0 =	rddreg [dreg:$0x1]  }
0x3: {  	s2 =	rddreg [dreg:$0x2]  }
0x4: {  	s3 =	rddreg [dreg:$0x3];
	s4 =	simm.s32 $0x0  }
0x5: {  	s5 =	srdreg.scid;
	s29 =	stileid.u32;
	s20 =	simm.s32 $0x3  }
0x6: {  	s21 =	simm.s32 $0x80;
	s22 =	simm.s32 $0x100;
	s23 =	simm.s32 $0x180  }
0x7: {  	s24 =	simm.s32 $0x4180;
	s25 =	simm.s32 $0x1;
	s26 =	simm.s32 $0x2  }
0x8: {  	s28 =	simm.s32 $0x0;
	[smem:$0x7FF] =	sst s4;
	s8 =	sand.u32 $0x1, s5  }
0x9: {  	s6 =	sadd.s32 $0x600, s0;
	s11 =	smul.u32 $0x4E000, s29;
	s7 =	sadd.s32 $0xA400, s0  }
0xa: {  	s0 =	sadd.s32 $0x14200, s0;
	s30 =	sshll.u32 s29, $0x1;
	s14 =	smul.u32 $0x13800, s29  }
0xb: {  	p0 =	sne.s32 s29, $0xF;
	_ =	strace $0x8000004A;
	s9 =	ssub.s32 $0x2, s8  }
0xc: {  	v0 =	vimm.f32 $0.0e+00;
	vm0 =	vmmov $0x1;
	vm1 =	vmmov $0x3;
	s15 =	smul.u32 $0x138800, s8;
	s10 =	sshrl.u32 s9, $0x1;
	s31 =	sshrl.u32 s11, $0x2  }
0xd: {  	v1 =	vimm.s32 $0x0;
	vm2 =	vmmov $0x7;
	vm3 =	vmmov $0xf;
	s16 =	sor.u32 s8, s30;
	s18 =	ssub.s32 s9, s10;
	s8 =	sadd.s32 s31, s3  }
0xe: {  	vm4 =	vmmov $0x1f;
	vm5 =	vmmov $0x3f;
	vm6 =	vmmov $0x7f;
	s17 =	sadd.s32 s14, s15;
	s14 =	sadd.s32 $0x138000, s3;
	s19 =	sshrl.u32 s15, $0x3  }
0xf: {  	vm7 =	vmmov $0xff;
	vm8 =	vmmov $0x1ff;
	v1 =	vsel vm1, $0xFFFFFFFF, v1;
	s15 =	smul.u32 $0x4F, s16;
	s9 =	sadd.s32 $0x3400, s8;
	s10 =	sadd.s32 $0x6800, s8  }
0x10: {  	vm9 =	vmmov $0x3ff;
	vm14 =	vmmov $0x7fff;
	[tilespmem:$0x1FFE0] =	vst v1;
	v1 =	vimm.s32 $0x0;
	s11 =	sadd.s32 $0x9C00, s8;
	s12 =	sadd.s32 $0xD000, s8;
	s17 =	sshrl.u32 s17, $0x3  }
0x11: {  	vm10 =	vmmov $0x7ff;
	vm11 =	vmmov $0xfff;
	v1 =	vsel vm14, $0xFFFFFFFF, v1;
	s13 =	sadd.s32 $0x10400, s8;
	s16 =	sadd.s32 s0, s17;
	s0 =	sadd.s32 s0, s19  }
0x12: {  	vm12 =	vmmov $0x1fff;
	vm13 =	vmmov $0x3fff;
	vm15 =	vcmask $0x308;
	[tilespmem:$0x1FFF0] =	vst v1;
	s18 =	smax.u32 s18, $0x1;
	s19 =	simm.s32 $0x8180;
	s17 =	sadd.s32 $0x27000, s0  }
.LBB2_1:
0x13: {  	s0 =	simm.s32 $0x0;
	s29 =	simm.s32 $0x200  }
.LBB2_2:
0x14: {  	p1 =	sne.s32 s29, $0xCE00;
	[tilespmem:s0+$0x81F0] =	vst v0  }
0x15: {  	[tilespmem:s0+$0x8180] =	vst v0  }
0x16: {  	[tilespmem:s0+$0x8190] =	vst v0  }
.Ltmp0:
0x17: {  	[tilespmem:s0+$0x81A0] =	vst v0;
	(pc) =	sbr.rel @p1 .LBB2_2-.Ltmp0, $4  }
0x18: {  	[tilespmem:s0+$0x81B0] =	vst v0  }
0x19: {  	[tilespmem:s0+$0x81C0] =	vst v0  }
0x1a: {  	[tilespmem:s0+$0x81D0] =	vst v0  }
0x1b: {  	[tilespmem:s0+$0x81E0] =	vst v0;
	s0 =	sshra.s32 s29, $0x2;
	s29 =	sadd.s32 $0x200, s29  }
0x1c: {  	[tilespmem:s0+$0x81F0] =	vst v0  }
0x1d: {  	[tilespmem:s0+$0x8180] =	vst v0  }
0x1e: {  	[tilespmem:s0+$0x8190] =	vst v0  }
0x1f: {  	[tilespmem:s0+$0x81A0] =	vst v0  }
0x20: {  	[tilespmem:s0+$0x81B0] =	vst v0  }
0x21: {  	[tilespmem:s0+$0x81C0] =	vst v0  }
0x22: {  	[tilespmem:s0+$0x81D0] =	vst v0  }
0x23: {  	[tilespmem:s0+$0x81E0] =	vst v0  }
0x24: {  	[spmem:s8] =	stream.linear.scatter [tilespmem:s19], [sflag:$0x3], $0x3400, $0x38;
	[tilespmem:$0x1FA00] =	vst v63  }
0x25: {  	_ =	swait.ge [sflag:s20], $0x3400  }
0x26: {  	[sflag:s20] =	ssyncset.done $0x0  }
0x27: {  	[sflag:s20] =	ssyncadd.s32 $0xFFFFCC00  }
0x28: {  	[spmem:s9] =	stream.linear.scatter [tilespmem:s19], [sflag:$0x3], $0x3400, $0x38;
	[tilespmem:$0x1FA00] =	vst v63  }
0x29: {  	_ =	swait.ge [sflag:s20], $0x3400  }
0x2a: {  	[sflag:s20] =	ssyncset.done $0x0  }
0x2b: {  	[sflag:s20] =	ssyncadd.s32 $0xFFFFCC00  }
0x2c: {  	[spmem:s10] =	stream.linear.scatter [tilespmem:s19], [sflag:$0x3], $0x3400, $0x38;
	[tilespmem:$0x1FA00] =	vst v63  }
0x2d: {  	_ =	swait.ge [sflag:s20], $0x3400  }
0x2e: {  	[sflag:s20] =	ssyncset.done $0x0  }
0x2f: {  	[sflag:s20] =	ssyncadd.s32 $0xFFFFCC00  }
0x30: {  	[spmem:s11] =	stream.linear.scatter [tilespmem:s19], [sflag:$0x3], $0x3400, $0x38;
	[tilespmem:$0x1FA00] =	vst v63  }
0x31: {  	_ =	swait.ge [sflag:s20], $0x3400  }
0x32: {  	[sflag:s20] =	ssyncset.done $0x0  }
0x33: {  	[sflag:s20] =	ssyncadd.s32 $0xFFFFCC00  }
0x34: {  	[spmem:s12] =	stream.linear.scatter [tilespmem:s19], [sflag:$0x3], $0x3400, $0x38;
	[tilespmem:$0x1FA00] =	vst v63  }
0x35: {  	_ =	swait.ge [sflag:s20], $0x3400  }
0x36: {  	[sflag:s20] =	ssyncset.done $0x0  }
0x37: {  	[sflag:s20] =	ssyncadd.s32 $0xFFFFCC00  }
0x38: {  	[spmem:s13] =	stream.linear.scatter [tilespmem:s19], [sflag:$0x3], $0x3400, $0x38;
	[tilespmem:$0x1FA00] =	vst v63  }
0x39: {  	_ =	swait.ge [sflag:s20], $0x3400  }
0x3a: {  	[sflag:s20] =	ssyncset.done $0x0  }
0x3b: {  	s0 =	simm.s32 @!p0 $0x8180;
	[sflag:s20] =	ssyncadd.s32 $0xFFFFCC00  }
0x3c: {  	[spmem:s14] =	stream.linear.scatter @!p0 [tilespmem:s0], [sflag:$0x3], $0x800, $0x38;
	[tilespmem:$0x1FA00] =	vst v63  }
0x3d: {  	s0 =	simm.s32 @!p0 $0x3  }
0x3e: {  	_ =	swait.ge @!p0 [sflag:s0], $0x800  }
0x3f: {  	[sflag:s0] =	ssyncset.done @!p0 $0x0  }
0x40: {  	[sflag:s0] =	ssyncadd.s32 @!p0 $0xFFFFF800  }
0x41: {  	s29 =	simm.s32 $0x0;
	s30 =	simm.s32 $0x0;
	[bflag:$0x0] =	sbarrier.arrive $0xFFFF  }
.LBB2_4:
0x42: {  	s0 =	sadd.s32 s15, s30  }
0x43: {  	s0 =	sshll.u32 s0, $0x4  }
0x44: {  	s31 =	sadd.s32 s1, s0  }
0x45: {  	[tilespmem:s29], [sflag:$0x3] =	stream.linear.gather [hbm4b:s31+s29], $0x80, $0x38;
	[tilespmem:$0x1FA00] =	vst v63  }
0x46: {  	_ =	swait.ge [sflag:s20], $0x80  }
0x47: {  	[sflag:s20] =	ssyncset.done $0x0  }
0x48: {  	s31 =	sadd.s32 s6, s0;
	[sflag:s20] =	ssyncadd.s32 $0xFFFFFF80  }
0x49: {  	[tilespmem:s21], [sflag:$0x3] =	stream.linear.gather [hbm4b:s31+s29], $0x80, $0x38;
	[tilespmem:$0x1FA00] =	vst v63  }
0x4a: {  	_ =	swait.ge [sflag:s20], $0x80  }
0x4b: {  	[sflag:s20] =	ssyncset.done $0x0  }
0x4c: {  	s0 =	sadd.s32 s7, s0;
	[sflag:s20] =	ssyncadd.s32 $0xFFFFFF80  }
0x4d: {  	[tilespmem:s22], [sflag:$0x3] =	stream.linear.gather [hbm4b:s0+s29], $0x80, $0x38;
	[tilespmem:$0x1FA00] =	vst v63  }
0x4e: {  	_ =	swait.ge [sflag:s20], $0x80  }
0x4f: {  	[sflag:s20] =	ssyncset.done $0x0  }
0x50: {  	[sflag:s20] =	ssyncadd.s32 $0xFFFFFF80  }
0x51: {  	[tilespmem:s23], [sflag:$0x1] =	stream.indirect.gather [hbm4b:s2+s21], $0x80, s29, s21, $0xb8;
	[tilespmem:$0x1FA00] =	vst v63  }
0x52: {  	_ = 	snop  }
0x53: {  	[tilespmem:s24], [sflag:$0x2] =	stream.indirect.gather [hbm4b:s2+s21], $0x80, s21, s21, $0xb8;
	[tilespmem:$0x1FA00] =	vst v63  }
0x54: {  	_ =	swait.ge [sflag:s25], $0x4000  }
0x55: {  	[sflag:s25] =	ssyncset.done $0x0  }
0x56: {  	[sflag:s25] =	ssyncadd.s32 $0xFFFFC000  }
0x57: {  	_ =	swait.ge [sflag:s26], $0x4000  }
0x58: {  	[sflag:s26] =	ssyncset.done $0x0  }
0x59: {  	s31 =	simm.s32 $0x0;
	[sflag:s26] =	ssyncadd.s32 $0xFFFFC000  }
.LBB2_5:
0x5a: {  	s0 =	sshll.u32 s31, $0xB  }
0x5b: {  	v0 =	vld [tilespmem:s0+$0x180]  }
0x5c: {  	v38 =	vld [tilespmem:s0+$0x4180]  }
0x5d: {  	v1 =	vld [tilespmem:s0+$0x190]  }
0x5e: {  	v2 =	vld [tilespmem:s0+$0x4190]  }
0x5f: {  	v3 =	vld [tilespmem:s0+$0x1A0]  }
0x60: {  	v4 =	vld [tilespmem:s0+$0x41A0]  }
0x61: {  	v5 =	vld [tilespmem:s0+$0x1B0]  }
0x62: {  	v6 =	vld [tilespmem:s0+$0x41B0]  }
0x63: {  	v7 =	vld [tilespmem:s0+$0x1C0]  }
0x64: {  	v8 =	vld [tilespmem:s0+$0x41C0]  }
0x65: {  	v9 =	vld [tilespmem:s0+$0x1D0]  }
0x66: {  	v10 =	vld [tilespmem:s0+$0x41D0]  }
0x67: {  	v11 =	vld [tilespmem:s0+$0x1E0]  }
0x68: {  	v12 =	vld [tilespmem:s0+$0x41E0]  }
0x69: {  	v13 =	vld [tilespmem:s0+$0x1F0]  }
0x6a: {  	v14 =	vld [tilespmem:s0+$0x41F0]  }
0x6b: {  	v15 =	vld [tilespmem:s0+$0x200]  }
0x6c: {  	v16 =	vld [tilespmem:s0+$0x4200]  }
0x6d: {  	v17 =	vld [tilespmem:s0+$0x210]  }
0x6e: {  	v18 =	vld [tilespmem:s0+$0x4210]  }
0x6f: {  	v19 =	vld [tilespmem:s0+$0x220]  }
0x70: {  	v20 =	vld [tilespmem:s0+$0x4220]  }
0x71: {  	v21 =	vld [tilespmem:s0+$0x230]  }
0x72: {  	v22 =	vld [tilespmem:s0+$0x4230]  }
0x73: {  	v23 =	vld [tilespmem:s0+$0x240]  }
0x74: {  	v24 =	vld [tilespmem:s0+$0x4240]  }
0x75: {  	v25 =	vld [tilespmem:s0+$0x250]  }
0x76: {  	v26 =	vld [tilespmem:s0+$0x4250]  }
0x77: {  	v27 =	vld [tilespmem:s0+$0x260]  }
0x78: {  	v28 =	vld [tilespmem:s0+$0x4260]  }
0x79: {  	v29 =	vld [tilespmem:s0+$0x270]  }
0x7a: {  	v30 =	vld [tilespmem:s0+$0x4270]  }
0x7b: {  	v31 =	vld [tilespmem:s0+$0x280]  }
0x7c: {  	v32 =	vld [tilespmem:s0+$0x4280]  }
0x7d: {  	v33 =	vld [tilespmem:s0+$0x290]  }
0x7e: {  	v34 =	vld [tilespmem:s0+$0x4290]  }
0x7f: {  	v35 =	vld [tilespmem:s0+$0x2A0]  }
0x80: {  	v36 =	vld [tilespmem:s0+$0x42A0]  }
0x81: {  	v37 =	vld [tilespmem:s0+$0x2B0]  }
0x82: {  	v40 =	vld [tilespmem:s0+$0x300]  }
0x83: {  	v43 =	vld [tilespmem:s0+$0x4300]  }
0x84: {  	v46 =	vld [tilespmem:s0+$0x310]  }
0x85: {  	v48 =	vld [tilespmem:s0+$0x4310]  }
0x86: {  	v50 =	vld [tilespmem:s0+$0x320]  }
0x87: {  	v52 =	vld [tilespmem:s0+$0x4320]  }
0x88: {  	v54 =	vld [tilespmem:s0+$0x330]  }
0x89: {  	v1 =	vsub.f32 v1, v2;
	v2 =	vld [tilespmem:s0+$0x42B0]  }
0x8a: {  	v56 =	vsub.f32 v17, v18;
	v17 =	vld [tilespmem:s0+$0x2C0]  }
0x8b: {  	v3 =	vsub.f32 v3, v4;
	v4 =	vld [tilespmem:s0+$0x42C0]  }
0x8c: {  	v57 =	vsub.f32 v19, v20;
	v19 =	vld [tilespmem:s0+$0x2D0]  }
0x8d: {  	v59 =	vsub.f32 v5, v6;
	v5 =	vld [tilespmem:s0+$0x42D0]  }
0x8e: {  	v18 =	vld [tilespmem:s0+$0x2E0]  }
0x8f: {  	v62 =	vsub.f32 v21, v22;
	v20 =	vsub.f32 v7, v8;
	v7 =	vld [tilespmem:s0+$0x42E0]  }
0x90: {  	v22 =	vsub.f32 v23, v24;
	v24 =	vsub.f32 v9, v10;
	v9 =	vld [tilespmem:s0+$0x42F0]  }
0x91: {  	v39 =	vsub.f32 v25, v26;
	v25 =	vld [tilespmem:s0+$0x4350]  }
0x92: {  	v45 =	vsub.f32 v27, v28;
	v27 =	vld [tilespmem:s0+$0x360]  }
0x93: {  	v28 =	vld [tilespmem:s0+$0x4360]  }
0x94: {  	v55 =	vsub.f32 v31, v32;
	v31 =	vld [tilespmem:s0+$0x370]  }
0x95: {  	v32 =	vld [tilespmem:s0+$0x4370]  }
0x96: {  	v51 =	vsub.f32 v13, v14;
	v13 =	vld [tilespmem:s0+$0x4450]  }
0x97: {  	v42 =	vsub.f32 v11, v12;
	v12 =	vld [tilespmem:s0+$0x480]  }
0x98: {  	v14 =	vld [tilespmem:s0+$0x44A0]  }
0x99: {  	v15 =	vsub.f32 v15, v16;
	v61 =	vmul.f32 v57, v57;
	v57 =	vld [tilespmem:s0+$0x4330]  }
0x9a: {  	v53 =	vsub.f32 v29, v30;
	v21 =	vmul.f32 v62, v62;
	v62 =	vld [tilespmem:s0+$0x4340]  }
0x9b: {  	v15 =	vmul.f32 v15, v15;
	v23 =	vmul.f32 v20, v20;
	v20 =	vld [tilespmem:s0+$0x4390]  }
0x9c: {  	v16 =	vmul.f32 v56, v56;
	v8 =	vmul.f32 v53, v53;
	v53 =	vld [tilespmem:s0+$0x470]  }
0x9d: {  	v0 =	vsub.f32 v0, v38;
	v63 =	vmul.f32 v59, v59;
	v59 =	vmul.f32 v55, v55;
	v55 =	vld [tilespmem:s0+$0x4F0]  }
0x9e: {  	[tilespmem:$0x1FFD0] =	vst v38;
	v38 =	vmul.f32 v22, v22;
	v22 =	vld [tilespmem:s0+$0x510]  }
0x9f: {  	v11 =	vsub.f32 v40, v43;
	v0 =	vmul.f32 v0, v0;
	v60 =	vadd.f32 v16, v15;
	v16 =	vld [tilespmem:s0+$0x2F0]  }
0xa0: {  	v1 =	vmul.f32 v1, v1;
	v47 =	vmul.f32 v42, v42;
	v42 =	vsub.f32 v31, v32;
	v32 =	vld [tilespmem:s0+$0x43B0]  }
0xa1: {  	v58 =	vmul.f32 v3, v3;
	v3 =	vsub.f32 v46, v48;
	v4 =	vsub.f32 v17, v4;
	v17 =	vld [tilespmem:s0+$0x4460]  }
0xa2: {  	v0 =	vadd.f32 v1, v0;
	v5 =	vsub.f32 v19, v5;
	v19 =	vld [tilespmem:s0+$0x4510]  }
0xa3: {  	v11 =	vmul.f32 v11, v11;
	v3 =	vmul.f32 v3, v3;
	v31 =	vld [tilespmem:s0+$0x520]  }
0xa4: {  	v56 =	vsub.f32 v33, v34;
	v0 =	vadd.f32 v58, v0;
	v58 =	vld [tilespmem:s0+$0x340]  }
0xa5: {  	v6 =	vadd.f32 v61, v60;
	v3 =	vadd.f32 v3, v11;
	v11 =	vld [tilespmem:s0+$0x390]  }
0xa6: {  	v61 =	vsub.f32 v35, v36;
	v36 =	vsub.f32 v18, v7;
	v18 =	vld [tilespmem:s0+$0x460]  }
0xa7: {  	v7 =	vld [tilespmem:s0+$0x4490]  }
0xa8: {  	v60 =	vmul.f32 v56, v56;
	v56 =	vld [tilespmem:s0+$0x44F0]  }
0xa9: {  	v46 =	vmul.f32 v42, v42;
	v42 =	vld [tilespmem:s0+$0x43D0]  }
0xaa: {  	v35 =	vmul.f32 v5, v5;
	v5 =	vld [tilespmem:s0+$0x4440]  }
0xab: {  	v26 =	vsub.f32 v54, v57;
	v54 =	vld [tilespmem:s0+$0x4470]  }
0xac: {  	[tilespmem:$0x1FD90] =	vst v55;
	v55 =	vld [tilespmem:s0+$0x530]  }
0xad: {  	v10 =	vsub.f32 v50, v52;
	v57 =	vld [tilespmem:s0+$0x4550]  }
0xae: {  	[tilespmem:$0x1FD70] =	vst v53;
	v53 =	vld [tilespmem:s0+$0x5C0]  }
0xaf: {  	v10 =	vmul.f32 v10, v10;
	v0 =	vadd.f32 v63, v0;
	v63 =	vld [tilespmem:s0+$0x350]  }
0xb0: {  	v41 =	vmul.f32 v24, v24;
	v24 =	vmul.f32 v61, v61;
	v61 =	vld [tilespmem:s0+$0x3F0]  }
0xb1: {  	v3 =	vadd.f32 v10, v3;
	v10 =	vld [tilespmem:s0+$0x4480]  }
0xb2: {  	v44 =	vmul.f32 v39, v39;
	v39 =	vmul.f32 v36, v36;
	v36 =	vld [tilespmem:s0+$0x4C0]  }
0xb3: {  	v15 =	vadd.f32 v60, v59;
	v59 =	vld [tilespmem:s0+$0x4E0]  }
0xb4: {  	v60 =	vld [tilespmem:s0+$0x44E0]  }
0xb5: {  	v6 =	vadd.f32 v21, v6;
	v21 =	vld [tilespmem:s0+$0x4500]  }
0xb6: {  	v40 =	vsub.f32 v16, v9;
	v9 =	vld [tilespmem:s0+$0x4380]  }
0xb7: {  	v29 =	vmul.f32 v26, v26;
	v26 =	vld [tilespmem:s0+$0x43A0]  }
0xb8: {  	v16 =	vld [tilespmem:s0+$0x450]  }
0xb9: {  	v0 =	vadd.f32 v23, v0;
	v23 =	vld [tilespmem:s0+$0x3A0]  }
0xba: {  	v6 =	vadd.f32 v38, v6;
	v38 =	vsub.f32 v27, v28;
	v28 =	vld [tilespmem:s0+$0x4420]  }
0xbb: {  	v27 =	vld [tilespmem:s0+$0x4B0]  }
0xbc: {  	v15 =	vadd.f32 v24, v15;
	v24 =	vld [tilespmem:s0+$0x44B0]  }
0xbd: {  	v3 =	vadd.f32 v29, v3;
	v29 =	vld [tilespmem:s0+$0x43F0]  }
0xbe: {  	v2 =	vsub.f32 v37, v2;
	v30 =	vsub.f32 v58, v62;
	v62 =	vld [tilespmem:s0+$0x540]  }
0xbf: {  	v58 =	vld [tilespmem:s0+$0x560]  }
0xc0: {  	v2 =	vmul.f32 v2, v2;
	[tilespmem:$0x1FDA0] =	vst v56;
	v56 =	vld [tilespmem:s0+$0x45C0]  }
0xc1: {  	v0 =	vadd.f32 v41, v0;
	v41 =	vmul.f32 v38, v38;
	v38 =	vld [tilespmem:s0+$0x43C0]  }
0xc2: {  	v2 =	vadd.f32 v2, v15;
	v15 =	vld [tilespmem:s0+$0x4A0]  }
0xc3: {  	v6 =	vadd.f32 v44, v6;
	v44 =	vmul.f32 v40, v40;
	v40 =	vld [tilespmem:s0+$0x550]  }
0xc4: {  	[tilespmem:$0x1FD80] =	vst v54;
	v54 =	vld [tilespmem:s0+$0x5A0]  }
0xc5: {  	[tilespmem:$0x1FDC0] =	vst v57;
	v57 =	vld [tilespmem:s0+$0x5B0]  }
0xc6: {  	v34 =	vsub.f32 v63, v25;
	v25 =	vld [tilespmem:s0+$0x500]  }
0xc7: {  	v4 =	vmul.f32 v4, v4;
	v33 =	vmul.f32 v30, v30;
	v30 =	vld [tilespmem:s0+$0x4520]  }
0xc8: {  	v63 =	vld [tilespmem:s0+$0x4540]  }
0xc9: {  	v49 =	vmul.f32 v45, v45;
	v2 =	vadd.f32 v4, v2;
	v4 =	vld [tilespmem:s0+$0x430]  }
0xca: {  	v1 =	vmul.f32 v51, v51;
	v0 =	vadd.f32 v47, v0;
	v37 =	vmul.f32 v34, v34;
	v34 =	vld [tilespmem:s0+$0x3B0]  }
0xcb: {  	v3 =	vadd.f32 v33, v3;
	v33 =	vld [tilespmem:s0+$0x44C0]  }
0xcc: {  	v6 =	vadd.f32 v49, v6;
	v0 =	vadd.f32 v1, v0;
	v1 =	vld [tilespmem:s0+$0x380]  }
0xcd: {  	v2 =	vadd.f32 v35, v2;
	v35 =	vld [tilespmem:s0+$0x4410]  }
0xce: {  	v45 =	vadd.f32 v8, v6;
	v6 =	vld [tilespmem:s0+$0x440];
	v3 =	vadd.f32 v37, v3  }
0xcf: {  	v8 =	vld [tilespmem:s0+$0x490];
	v43 =	vadd.f32 v39, v2  }
0xd0: {  	[tilespmem:$0x1FDD0] =	vst v58;
	v58 =	vld [tilespmem:s0+$0x45B0];
	v3 =	vadd.f32 v41, v3  }
0xd1: {  	v37 =	vld [tilespmem:s0+$0x44D0];
	(xrf2) =	vadd.scan.msk.f32 $0xffff, v0;
	v47 =	vadd.f32 v44, v43  }
0xd2: {  	[tilespmem:$0x1FDB0] =	vst v40;
	v40 =	vld [tilespmem:s0+$0x4590];
	(xrf2) =	vadd.scan.msk.f32 $0xffff, v45;
	v48 =	vadd.f32 v46, v3  }
0xd3: {  	v0 =	vld [tilespmem:s0+$0x410];
	(xrf2) =	vadd.scan.msk.f32 $0xffff, v47  }
0xd4: {  	v2 =	vld [tilespmem:s0+$0x420];
	(xrf2) =	vadd.scan.msk.f32 $0xffff, v48  }
0xd5: {  	v39 =	vld [tilespmem:s0+$0x4D0]  }
0xd6: {  	v41 =	vld [tilespmem:s0+$0x3D0]  }
0xd7: {  	v45 =	vld [tilespmem:s0+$0x3E0]  }
0xd8: {  	v44 =	vld [tilespmem:s0+$0x3C0]  }
0xd9: {  	v43 =	vld [tilespmem:s0+$0x4580]  }
0xda: {  	v3 =	vld [tilespmem:s0+$0x4430]  }
0xdb: {  	v46 =	vld [tilespmem:s0+$0x4560];
	v49, _, _ =	vpop (xrf2)  }
0xdc: {  	v47 =	vld [tilespmem:s0+$0x400];
	v50, _, _ =	vpop (xrf2)  }
0xdd: {  	[tilespmem:$0x1FDF0] =	vst v53;
	v48 =	vld [tilespmem:s0+$0x4400];
	v51, _, _ =	vpop (xrf2)  }
0xde: {  	[tilespmem:$0x1FFB0] =	vst v51;
	v52, _, _ =	vpop (xrf2);
	v51 =	vld [tilespmem:s0+$0x570]  }
0xdf: {  	[tilespmem:$0x1FFC0] =	vst v52;
	v52 =	vld [tilespmem:s0+$0x4570]  }
0xe0: {  	[tilespmem:$0x1FDE0] =	vst v46;
	v46 =	vld [tilespmem:s0+$0x590]  }
0xe1: {  	[tilespmem:$0x1FF90] =	vst v49;
	v49 =	vld [tilespmem:s0+$0x43E0]  }
0xe2: {  	[tilespmem:$0x1FFA0] =	vst v50;
	v50 =	vld [tilespmem:s0+$0x4530]  }
0xe3: {  	[tilespmem:$0x1FE00] =	vst v51;
	v51 =	vld [tilespmem:s0+$0x580]  }
0xe4: {  	[tilespmem:$0x1FE10] =	vst v52;
	v52 =	vld [tilespmem:s0+$0x45A0]  }
0xe5: {  	v53 =	vld [tilespmem:s0+$0x5D0];
	_ =	sdelay $0x4  }
0xe6: {  	[tilespmem:$0x1FE20] =	vst v53;
	v53 =	vld [tilespmem:s0+$0x45D0];
	_ =	sdelay $0x4  }
0xe7: {  	[tilespmem:$0x1FE30] =	vst v53;
	v53 =	vld [tilespmem:s0+$0x5E0];
	_ =	sdelay $0x4  }
0xe8: {  	[tilespmem:$0x1FE80] =	vst v53;
	v53 =	vld [tilespmem:s0+$0x45E0];
	_ =	sdelay $0x4  }
0xe9: {  	[tilespmem:$0x1FE90] =	vst v53;
	v53 =	vld [tilespmem:s0+$0x5F0];
	_ =	sdelay $0x4  }
0xea: {  	[tilespmem:$0x1FEE0] =	vst v53;
	v53 =	vld [tilespmem:s0+$0x45F0];
	_ =	sdelay $0x4  }
0xeb: {  	[tilespmem:$0x1FEF0] =	vst v53;
	v53 =	vld [tilespmem:s0+$0x600];
	_ =	sdelay $0x4  }
0xec: {  	[tilespmem:$0x1FE40] =	vst v53;
	v53 =	vld [tilespmem:s0+$0x4600];
	_ =	sdelay $0x4  }
0xed: {  	[tilespmem:$0x1FE50] =	vst v53;
	v53 =	vld [tilespmem:s0+$0x610];
	_ =	sdelay $0x4  }
0xee: {  	[tilespmem:$0x1FE60] =	vst v53;
	v53 =	vld [tilespmem:s0+$0x4610];
	_ =	sdelay $0x4  }
0xef: {  	[tilespmem:$0x1FE70] =	vst v53;
	v53 =	vld [tilespmem:s0+$0x620];
	_ =	sdelay $0x4  }
0xf0: {  	[tilespmem:$0x1FEA0] =	vst v53;
	v53 =	vld [tilespmem:s0+$0x4620];
	_ =	sdelay $0x4  }
0xf1: {  	[tilespmem:$0x1FEB0] =	vst v53;
	v53 =	vld [tilespmem:s0+$0x630];
	_ =	sdelay $0x4  }
0xf2: {  	[tilespmem:$0x1FEC0] =	vst v53;
	v53 =	vld [tilespmem:s0+$0x4630];
	_ =	sdelay $0x4  }
0xf3: {  	[tilespmem:$0x1FED0] =	vst v53;
	v53 =	vld [tilespmem:s0+$0x640]  }
0xf4: {  	v1 =	vsub.f32 v1, v9;
	v9 =	vsub.f32 v11, v20;
	v20 =	vld [tilespmem:s0+$0x4660]  }
0xf5: {  	v21 =	vsub.f32 v25, v21;
	v11 =	vsub.f32 v23, v26;
	v26 =	vld [tilespmem:s0+$0x4670]  }
0xf6: {  	v0 =	vsub.f32 v0, v35;
	v2 =	vsub.f32 v2, v28;
	v28 =	vld [tilespmem:s0+$0x6D0]  }
0xf7: {  	v3 =	vsub.f32 v4, v3;
	v4 =	vsub.f32 v61, v29;
	v35 =	vld [tilespmem:s0+$0x46D0]  }
0xf8: {  	v29 =	vsub.f32 v12, v10;
	v12 =	vsub.f32 v15, v14;
	[tilespmem:$0x1FF00] =	vst v53;
	v53 =	vld [tilespmem:s0+$0x4640]  }
0xf9: {  	v15 =	vsub.f32 v27, v24;
	v27 =	vsub.f32 v31, v30;
	v30 =	vld [tilespmem:$0x1FD80]  }
0xfa: {  	v25 =	vsub.f32 v39, v37;
	v37 =	vsub.f32 v55, v50;
	v55 =	vld [tilespmem:s0+$0x740]  }
0xfb: {  	v61 =	vsub.f32 v18, v17;
	v18 =	vmul.f32 v15, v15;
	v15 =	vld [tilespmem:s0+$0x4740]  }
0xfc: {  	v17 =	vsub.f32 v36, v33;
	v36 =	vsub.f32 v59, v60;
	v59 =	vld [tilespmem:s0+$0x750]  }
0xfd: {  	[tilespmem:$0x1FF10] =	vst v53;
	v53 =	vld [tilespmem:s0+$0x650]  }
0xfe: {  	v60 =	vld [tilespmem:s0+$0x760]  }
0xff: {  	v39 =	vsub.f32 v62, v63;
	v62 =	vld [tilespmem:s0+$0x4760]  }
0x100: {  	v24 =	vsub.f32 v22, v19;
	v22 =	vld [tilespmem:$0x1FDA0]  }
0x101: {  	v31 =	vmul.f32 v25, v25;
	v25 =	vld [tilespmem:$0x1FDC0]  }
0x102: {  	[tilespmem:$0x1FF20] =	vst v53;
	v53 =	vld [tilespmem:s0+$0x4650]  }
0x103: {  	v33 =	vmul.f32 v27, v27;
	v27 =	vld [tilespmem:$0x1FDD0]  }
0x104: {  	v10 =	vmul.f32 v39, v39;
	v39 =	vld [tilespmem:$0x1FE10]  }
0x105: {  	[tilespmem:$0x1FF50] =	vst v20;
	v20 =	vld [tilespmem:s0+$0x4680]  }
0x106: {  	[tilespmem:$0x1FF70] =	vst v26;
	v26 =	vsub.f32 v44, v38;
	v44 =	vld [tilespmem:s0+$0x690]  }
0x107: {  	v1 =	vmul.f32 v1, v1;
	v9 =	vmul.f32 v9, v9;
	[tilespmem:$0x1FF30] =	vst v53;
	v53 =	vld [tilespmem:s0+$0x660]  }
0x108: {  	v38 =	vsub.f32 v41, v42;
	v41 =	vld [tilespmem:s0+$0x6A0]  }
0x109: {  	v11 =	vmul.f32 v11, v11;
	v1 =	vadd.f32 v9, v1;
	v42 =	vld [tilespmem:s0+$0x6B0]  }
0x10a: {  	v50 =	vsub.f32 v51, v43;
	v51 =	vsub.f32 v46, v40;
	v40 =	vld [tilespmem:$0x1FE20]  }
0x10b: {  	v1 =	vadd.f32 v11, v1;
	v11 =	vmul.f32 v26, v26;
	v26 =	vld [tilespmem:s0+$0x6E0]  }
0x10c: {  	[tilespmem:$0x1FF40] =	vst v53;
	v53 =	vld [tilespmem:s0+$0x670]  }
0x10d: {  	v43 =	vld [tilespmem:$0x1FE30]  }
0x10e: {  	v46 =	vld [tilespmem:$0x1FE40]  }
0x10f: {  	v54 =	vsub.f32 v54, v52;
	v52 =	vld [tilespmem:$0x1FE60]  }
0x110: {  	v63 =	vld [tilespmem:$0x1FEB0]  }
0x111: {  	[tilespmem:$0x1FF60] =	vst v53;
	v53 =	vsub.f32 v34, v32;
	v34 =	vld [tilespmem:s0+$0x680]  }
0x112: {  	v32 =	vsub.f32 v47, v48;
	v47 =	vld [tilespmem:s0+$0x4690]  }
0x113: {  	v48 =	vld [tilespmem:s0+$0x46A0]  }
0x114: {  	v9 =	vmul.f32 v53, v53;
	v53 =	vsub.f32 v45, v49;
	v49 =	vld [tilespmem:s0+$0x46B0]  }
0x115: {  	v0 =	vmul.f32 v0, v0;
	v23 =	vmul.f32 v32, v32;
	v45 =	vld [tilespmem:s0+$0x46C0]  }
0x116: {  	v2 =	vmul.f32 v2, v2;
	v32 =	vld [tilespmem:s0+$0x46E0]  }
0x117: {  	v1 =	vadd.f32 v9, v1;
	v9 =	vmul.f32 v38, v38;
	v0 =	vadd.f32 v0, v23;
	v38 =	vld [tilespmem:s0+$0x6C0]  }
0x118: {  	v23 =	vsub.f32 v16, v13;
	v13 =	vmul.f32 v4, v4;
	v4 =	vmul.f32 v21, v21;
	v21 =	vld [tilespmem:$0x1FD90]  }
0x119: {  	v1 =	vadd.f32 v11, v1;
	v11 =	vsub.f32 v6, v5;
	v6 =	vld [tilespmem:s0+$0x6F0]  }
0x11a: {  	v3 =	vmul.f32 v3, v3;
	v0 =	vadd.f32 v2, v0;
	v5 =	vmul.f32 v29, v29;
	v29 =	vld [tilespmem:$0x1FD70]  }
0x11b: {  	v26 =	vsub.f32 v26, v32;
	v32 =	vld [tilespmem:s0+$0x850]  }
0x11c: {  	v0 =	vadd.f32 v3, v0;
	v2 =	vmul.f32 v11, v11;
	v3 =	vmul.f32 v23, v23;
	v23 =	vld [tilespmem:s0+$0x46F0]  }
0x11d: {  	v1 =	vadd.f32 v9, v1;
	v9 =	vmul.f32 v53, v53;
	v11 =	vld [tilespmem:s0+$0x4700]  }
0x11e: {  	v53 =	vsub.f32 v8, v7;
	v0 =	vadd.f32 v2, v0;
	v2 =	vmul.f32 v61, v61;
	v61 =	vld [tilespmem:s0+$0x700]  }
0x11f: {  	v1 =	vadd.f32 v9, v1;
	v9 =	vld [tilespmem:s0+$0x710]  }
0x120: {  	v8 =	vmul.f32 v53, v53;
	v53 =	vld [tilespmem:s0+$0x730]  }
0x121: {  	v0 =	vadd.f32 v3, v0;
	v3 =	vld [tilespmem:s0+$0x720]  }
0x122: {  	v14 =	vadd.f32 v8, v5;
	v5 =	vmul.f32 v24, v24;
	v24 =	vld [tilespmem:$0x1FDB0]  }
0x123: {  	v1 =	vadd.f32 v13, v1;
	v13 =	vmul.f32 v37, v37;
	v37 =	vld [tilespmem:$0x1FE00]  }
0x124: {  	v6 =	vsub.f32 v6, v23;
	v23 =	vld [tilespmem:s0+$0x870]  }
0x125: {  	[tilespmem:$0x1FF80] =	vst v1;
	v1 =	vld [tilespmem:s0+$0x4710]  }
0x126: {  	v8 =	vadd.f32 v2, v0;
	v0 =	vld [tilespmem:s0+$0x4720]  }
0x127: {  	v7 =	vmul.f32 v12, v12;
	v4 =	vadd.f32 v5, v4;
	v5 =	vld [tilespmem:s0+$0x4750]  }
0x128: {  	v2 =	vmul.f32 v17, v17;
	v17 =	vmul.f32 v51, v51;
	v51 =	vld [tilespmem:s0+$0x4770]  }
0x129: {  	v16 =	vadd.f32 v7, v14;
	v14 =	vsub.f32 v29, v30;
	v29 =	vld [tilespmem:$0x1FDE0]  }
0x12a: {  	v30 =	vsub.f32 v57, v58;
	v57 =	vld [tilespmem:$0x1FE90]  }
0x12b: {  	v58 =	vld [tilespmem:$0x1FEA0]  }
0x12c: {  	v7 =	vadd.f32 v18, v16;
	v18 =	vsub.f32 v21, v22;
	v21 =	vld [tilespmem:s0+$0x780]  }
0x12d: {  	v4 =	vadd.f32 v33, v4;
	v16 =	vmul.f32 v50, v50;
	v50 =	vld [tilespmem:$0x1FE50]  }
0x12e: {  	v14 =	vmul.f32 v14, v14;
	v7 =	vadd.f32 v2, v7;
	v2 =	vld [tilespmem:s0+$0x4730]  }
0x12f: {  	v4 =	vadd.f32 v13, v4;
	v13 =	vld [tilespmem:s0+$0x770]  }
0x130: {  	v8 =	vadd.f32 v14, v8;
	v14 =	vld [tilespmem:s0+$0x4790]  }
0x131: {  	v16 =	vadd.f32 v17, v16;
	v17 =	vsub.f32 v27, v29;
	v29 =	vld [tilespmem:s0+$0x47B0]  }
0x132: {  	v1 =	vsub.f32 v9, v1;
	v9 =	vld [tilespmem:s0+$0x4830]  }
0x133: {  	v0 =	vsub.f32 v3, v0;
	v3 =	vld [tilespmem:s0+$0x4840]  }
0x134: {  	v11 =	vsub.f32 v61, v11;
	v61 =	vsub.f32 v59, v5;
	v5 =	vld [tilespmem:s0+$0x4870]  }
0x135: {  	v7 =	vadd.f32 v31, v7;
	v31 =	vld [tilespmem:$0x1FDF0]  }
0x136: {  	v4 =	vadd.f32 v10, v4;
	v10 =	vsub.f32 v24, v25;
	v24 =	vld [tilespmem:s0+$0x790]  }
0x137: {  	v12 =	vmul.f32 v36, v36;
	v33 =	vmul.f32 v17, v17;
	v17 =	vsub.f32 v40, v43;
	v43 =	vld [tilespmem:$0x1FEC0]  }
0x138: {  	v11 =	vmul.f32 v11, v11;
	v25 =	vsub.f32 v46, v50;
	v46 =	vld [tilespmem:$0x1FED0];
	v1 =	vmul.f32 v1, v1  }
0x139: {  	v7 =	vadd.f32 v12, v7;
	v12 =	vmul.f32 v54, v54;
	v54 =	vld [tilespmem:$0x1FE70]  }
0x13a: {  	v1 =	vadd.f32 v1, v11;
	v11 =	vld [tilespmem:s0+$0x4850]  }
0x13b: {  	v18 =	vmul.f32 v18, v18;
	v13 =	vsub.f32 v13, v51;
	v51 =	vld [tilespmem:s0+$0x4930]  }
0x13c: {  	v10 =	vmul.f32 v10, v10;
	v12 =	vadd.f32 v12, v16;
	v16 =	vld [tilespmem:s0+$0x4780]  }
0x13d: {  	v7 =	vadd.f32 v18, v7;
	v18 =	vld [tilespmem:s0+$0x7A0]  }
0x13e: {  	v4 =	vadd.f32 v10, v4;
	v10 =	vsub.f32 v37, v39;
	v37 =	vld [tilespmem:s0+$0x7E0]  }
0x13f: {  	v22 =	vsub.f32 v31, v56;
	v56 =	vld [tilespmem:$0x1FE80]  }
0x140: {  	v19 =	vmul.f32 v30, v30;
	v31 =	vld [tilespmem:s0+$0x7C0]  }
0x141: {  	v14 =	vsub.f32 v24, v14;
	v24 =	vld [tilespmem:s0+$0x4880]  }
0x142: {  	v12 =	vadd.f32 v19, v12;
	v4 =	vadd.f32 v33, v4;
	v19 =	vld [tilespmem:s0+$0x47A0]  }
0x143: {  	v33 =	vsub.f32 v58, v63;
	v58 =	vsub.f32 v44, v47;
	v44 =	vld [tilespmem:s0+$0x800]  }
0x144: {  	v36 =	vmul.f32 v22, v22;
	v22 =	vld [tilespmem:s0+$0x7B0]  }
0x145: {  	v27 =	vsub.f32 v52, v54;
	v52 =	vld [tilespmem:$0x1FEE0]  }
0x146: {  	v41 =	vsub.f32 v41, v48;
	v54 =	vld [tilespmem:$0x1FEF0]  }
0x147: {  	v50 =	vmul.f32 v33, v33;
	v33 =	vld [tilespmem:s0+$0x47D0]  }
0x148: {  	v20 =	vsub.f32 v34, v20;
	v34 =	vmul.f32 v58, v58;
	v58 =	vmul.f32 v41, v41;
	v41 =	vld [tilespmem:s0+$0x820]  }
0x149: {  	v11 =	vsub.f32 v32, v11;
	v32 =	vld [tilespmem:s0+$0x4970]  }
0x14a: {  	v12 =	vadd.f32 v36, v12;
	v36 =	vld [tilespmem:s0+$0x47C0]  }
0x14b: {  	v16 =	vsub.f32 v21, v16;
	v21 =	vld [tilespmem:s0+$0x880]  }
0x14c: {  	v20 =	vmul.f32 v20, v20;
	v30 =	vsub.f32 v56, v57;
	v56 =	vld [tilespmem:$0x1FF00]  }
0x14d: {  	v17 =	vmul.f32 v17, v17;
	v57 =	vld [tilespmem:$0x1FF10]  }
0x14e: {  	v25 =	vmul.f32 v25, v25;
	v27 =	vmul.f32 v27, v27;
	v20 =	vadd.f32 v34, v20;
	v34 =	vld [tilespmem:s0+$0x840]  }
0x14f: {  	v39 =	vadd.f32 v17, v12;
	v17 =	vld [tilespmem:s0+$0x7D0]  }
0x150: {  	v25 =	vadd.f32 v27, v25;
	v27 =	vsub.f32 v43, v46;
	v43 =	vld [tilespmem:s0+$0x47F0]  }
0x151: {  	v46 =	vld [tilespmem:s0+$0x4800]  }
0x152: {  	v18 =	vsub.f32 v18, v19;
	v19 =	vld [tilespmem:s0+$0x890]  }
0x153: {  	v10 =	vmul.f32 v10, v10;
	v40 =	vmul.f32 v30, v30;
	v12 =	vsub.f32 v52, v54;
	v52 =	vld [tilespmem:$0x1FF30]  }
0x154: {  	v25 =	vadd.f32 v50, v25;
	v50 =	vld [tilespmem:$0x1FF20]  }
0x155: {  	v4 =	vadd.f32 v10, v4;
	v10 =	vadd.f32 v40, v39;
	v39 =	vld [tilespmem:s0+$0x47E0]  }
0x156: {  	v40 =	vld [tilespmem:s0+$0x7F0]  }
0x157: {  	v21 =	vsub.f32 v21, v24;
	v24 =	vld [tilespmem:s0+$0x4960]  }
0x158: {  	v30 =	vsub.f32 v56, v57;
	v56 =	vld [tilespmem:$0x1FF40]  }
0x159: {  	v57 =	vld [tilespmem:$0x1FF50]  }
0x15a: {  	v28 =	vsub.f32 v28, v35;
	v59 =	vsub.f32 v17, v33;
	v33 =	vld [tilespmem:s0+$0x8E0]  }
0x15b: {  	v0 =	vmul.f32 v0, v0;
	v2 =	vsub.f32 v53, v2;
	v53 =	vsub.f32 v44, v46;
	v44 =	vld [tilespmem:s0+$0x4910]  }
0x15c: {  	v38 =	vsub.f32 v38, v45;
	v14 =	vmul.f32 v14, v14;
	v27 =	vmul.f32 v27, v27;
	v46 =	vld [tilespmem:s0+$0x920]  }
0x15d: {  	v16 =	vmul.f32 v16, v16;
	v63 =	vmul.f32 v30, v30;
	v30 =	vsub.f32 v50, v52;
	v50 =	vld [tilespmem:$0x1FF60]  }
0x15e: {  	v5 =	vsub.f32 v23, v5;
	v25 =	vadd.f32 v27, v25;
	v52 =	vld [tilespmem:$0x1FF70]  }
0x15f: {  	v0 =	vadd.f32 v0, v1;
	v14 =	vadd.f32 v14, v16;
	v16 =	vmul.f32 v59, v59;
	v59 =	vld [tilespmem:s0+$0x4950]  }
0x160: {  	v45 =	vmul.f32 v18, v18;
	v25 =	vadd.f32 v63, v25;
	v63 =	vsub.f32 v42, v49;
	v42 =	vld [tilespmem:s0+$0x810]  }
0x161: {  	v54 =	vmul.f32 v30, v30;
	v30 =	vsub.f32 v56, v57;
	v57 =	vsub.f32 v55, v15;
	v15 =	vld [tilespmem:s0+$0x4860]  }
0x162: {  	v20 =	vadd.f32 v58, v20;
	v12 =	vmul.f32 v12, v12;
	v56 =	vmul.f32 v2, v2;
	v2 =	vld [tilespmem:s0+$0x4890]  }
0x163: {  	v14 =	vadd.f32 v45, v14;
	v3 =	vsub.f32 v34, v3;
	v55 =	vld [tilespmem:s0+$0x48B0]  }
0x164: {  	v12 =	vadd.f32 v12, v10;
	v48 =	vmul.f32 v63, v63;
	v63 =	vmul.f32 v61, v61;
	v61 =	vld [tilespmem:s0+$0x48D0]  }
0x165: {  	v25 =	vadd.f32 v54, v25;
	v47 =	vmul.f32 v30, v30;
	v30 =	vld [tilespmem:s0+$0x4810];
	v54 =	vmul.f32 v38, v38  }
0x166: {  	v38 =	vld [tilespmem:s0+$0x830];
	v0 =	vadd.f32 v56, v0;
	v58 =	vmul.f32 v57, v57;
	v27 =	vsub.f32 v50, v52  }
0x167: {  	v28 =	vmul.f32 v28, v28;
	v57 =	vld [tilespmem:s0+$0x8C0];
	v20 =	vadd.f32 v48, v20;
	v50 =	vsub.f32 v31, v36  }
0x168: {  	v26 =	vmul.f32 v26, v26;
	v48 =	vld [tilespmem:s0+$0x48A0];
	v49 =	vadd.f32 v47, v25;
	v0 =	vadd.f32 v58, v0  }
0x169: {  	v52 =	vld [tilespmem:s0+$0x8B0];
	v47 =	vsub.f32 v22, v29;
	v20 =	vadd.f32 v54, v20;
	v27 =	vmul.f32 v27, v27  }
0x16a: {  	v6 =	vmul.f32 v6, v6;
	v36 =	vld [tilespmem:s0+$0x8F0];
	v2 =	vsub.f32 v19, v2;
	v0 =	vadd.f32 v63, v0  }
0x16b: {  	v13 =	vmul.f32 v13, v13;
	v25 =	vld [tilespmem:s0+$0x4820];
	v10 =	vadd.f32 v27, v49;
	v20 =	vadd.f32 v28, v20  }
0x16c: {  	v22 =	vld [tilespmem:s0+$0x8A0];
	v56 =	vmul.f32 v50, v50;
	v28 =	vsub.f32 v60, v62;
	v54 =	vsub.f32 v42, v30  }
0x16d: {  	v58 =	vld [tilespmem:s0+$0x48C0];
	v49 =	vmul.f32 v47, v47;
	v9 =	vsub.f32 v38, v9;
	v62 =	vsub.f32 v37, v39  }
0x16e: {  	v27 =	vld [tilespmem:s0+$0x860];
	v39 =	vsub.f32 v40, v43;
	v47 =	vmul.f32 v21, v21;
	v2 =	vmul.f32 v2, v2  }
0x16f: {  	v60 =	vld [tilespmem:s0+$0x8D0];
	v50 =	vsub.f32 v52, v55;
	v20 =	vadd.f32 v26, v20;
	v35 =	vmul.f32 v28, v28  }
0x170: {  	v43 =	vld [tilespmem:s0+$0x910];
	v14 =	vadd.f32 v49, v14;
	v26 =	vmul.f32 v53, v53;
	v25 =	vsub.f32 v41, v25  }
0x171: {  	v38 =	vld [tilespmem:s0+$0x48F0];
	v28 =	vmul.f32 v54, v54;
	v1 =	vsub.f32 v22, v48;
	v2 =	vadd.f32 v2, v47  }
0x172: {  	v11 =	vmul.f32 v11, v11;
	v40 =	vld [tilespmem:s0+$0x900];
	v54 =	vsub.f32 v57, v58;
	v6 =	vadd.f32 v6, v20  }
0x173: {  	v52 =	vld [tilespmem:s0+$0x940];
	v0 =	vadd.f32 v35, v0;
	v26 =	vadd.f32 v28, v26;
	v25 =	vmul.f32 v25, v25  }
0x174: {  	v3 =	vmul.f32 v3, v3;
	v41 =	vld [tilespmem:s0+$0x4900];
	v14 =	vadd.f32 v56, v14;
	v15 =	vsub.f32 v27, v15  }
0x175: {  	v55 =	vld [tilespmem:s0+$0x4940];
	v9 =	vmul.f32 v9, v9;
	v19 =	vsub.f32 v43, v44;
	v25 =	vadd.f32 v25, v26  }
0x176: {  	v48 =	vld [tilespmem:s0+$0x4920];
	v1 =	vmul.f32 v1, v1;
	v58 =	vsub.f32 v60, v61;
	v31 =	vsub.f32 v36, v38  }
0x177: {  	v37 =	vmul.f32 v62, v62;
	v49 =	vld [tilespmem:s0+$0x930];
	v0 =	vadd.f32 v13, v0;
	v9 =	vadd.f32 v9, v25  }
0x178: {  	v42 =	vmul.f32 v39, v39;
	v56 =	vld [tilespmem:s0+$0x950];
	v63 =	vadd.f32 v16, v14;
	v1 =	vadd.f32 v1, v2  }
0x179: {  	v53 =	vmul.f32 v50, v50;
	v61 =	vld [tilespmem:$0x1FF80];
	v3 =	vadd.f32 v3, v9;
	v9 =	vsub.f32 v40, v41  }
0x17a: {  	v26 =	vld [tilespmem:s0+$0x48E0];
	v28 =	vsub.f32 v52, v55;
	v45 =	vmul.f32 v15, v15;
	v19 =	vmul.f32 v19, v19  }
0x17b: {  	v60 =	vld [tilespmem:s0+$0x960];
	v15 =	vsub.f32 v46, v48;
	v13 =	vadd.f32 v37, v63;
	v9 =	vmul.f32 v9, v9  }
0x17c: {  	v29 =	vld [tilespmem:s0+$0x970];
	v57 =	vmul.f32 v54, v54;
	v1 =	vadd.f32 v53, v1;
	v3 =	vadd.f32 v11, v3  }
0x17d: {  	v44 =	vld [tilespmem:$0x1FFB0];
	v15 =	vmul.f32 v15, v15;
	v11 =	vsub.f32 v49, v51;
	v9 =	vadd.f32 v19, v9  }
0x17e: {  	v36 =	vmul.f32 v5, v5;
	v34 =	vsub.f32 v56, v59;
	v13 =	vadd.f32 v42, v13;
	(xrf2) =	vadd.scan.msk.f32 $0xffff, v61  }
0x17f: {  	v42 =	vld [tilespmem:$0x1FF90];
	v63 =	vsub.f32 v33, v26;
	(xrf2) =	vadd.scan.msk.f32 $0xffff, v8;
	v27 =	vmul.f32 v11, v11;
	v26 =	vadd.f32 v15, v9  }
0x180: {  	v62 =	vmul.f32 v58, v58;
	v1 =	vadd.f32 v57, v1;
	v38 =	vsub.f32 v60, v24;
	(xrf2) =	vadd.scan.msk.f32 $0xffff, v7  }
0x181: {  	v43 =	vld [tilespmem:$0x1FFA0];
	v35 =	vmul.f32 v28, v28;
	v40 =	vsub.f32 v29, v32;
	(xrf2) =	vadd.scan.msk.f32 $0xffff, v4;
	v33 =	vadd.f32 v27, v26  }
0x182: {  	v53 =	vld [tilespmem:$0x1FFE0];
	v1 =	vadd.f32 v62, v1;
	v7 =	vadd.f32 $0.0e+00, v44;
	v30 =	vmul.f32 v63, v63;
	(xrf2) =	vadd.scan.msk.f32 $0xffff, v12  }
0x183: {  	v48 =	vld [tilespmem:$0x1FFC0];
	v8 =	vmul.f32 v34, v34;
	v3 =	vadd.f32 v45, v3;
	(xrf2) =	vadd.scan.msk.f32 $0xffff, v10;
	v4 =	vadd.f32 v35, v33  }
0x184: {  	v37 =	vmul.f32 v31, v31;
	v1 =	vadd.f32 v30, v1;
	v5 =	vadd.f32 $0.0e+00, v42;
	(xrf2) =	vadd.scan.msk.f32 $0xffff, v6  }
0x185: {  	v41 =	vmul.f32 v38, v38;
	v2 =	vadd.f32 v36, v3;
	(xrf2) =	vadd.scan.msk.f32 $0xffff, v0;
	v39 =	vadd.f32 v8, v4  }
0x186: {  	v6 =	vadd.f32 $0.0e+00, v43;
	v1 =	vadd.f32 v37, v1;
	(xrf2) =	vadd.scan.msk.f32 $0xffff, v13  }
0x187: {  	vm1 =	vnez.u8 v53;
	v45 =	vmul.f32 v40, v40;
	(xrf2) =	vadd.scan.msk.f32 $0xffff, v2;
	v0 =	vadd.f32 v41, v39  }
0x188: {  	v46 =	vbroadcast v5, $0xF;
	v5 =	vadd.f32 $0.0e+00, v48;
	v47 =	vbroadcast v6, $0xF;
	v49, _, _ =	vpop (xrf2);
	(xrf2) =	vadd.scan.msk.f32 $0xffff, v1  }
0x189: {  	v7 =	vbroadcast v7, $0xF;
	v50, _, _ =	vpop (xrf2);
	v6 =	vadd.f32 $0.0e+00, v49;
	v0 =	vadd.f32 v45, v0  }
0x18a: {  	v52 =	vbroadcast v5, $0xF;
	v3 =	vsel vm0, v46, v47;
	v51, _, _ =	vpop (xrf2);
	v1 =	vadd.f32 $0.0e+00, v50  }
0x18b: {  	v3 =	vsel vm1, v3, v7;
	v54 =	vbroadcast v6, $0xF;
	v2 =	vadd.f32 $0.0e+00, v51;
	v55, _, _ =	vpop (xrf2);
	(xrf2) =	vadd.scan.msk.f32 $0xffff, v0  }
0x18c: {  	v3 =	vsel vm2, v3, v52;
	v56, _, _ =	vpop (xrf2);
	v1 =	vbroadcast v1, $0xF;
	v57 =	vadd.f32 $0.0e+00, v55  }
0x18d: {  	v58, _, _ =	vpop (xrf2);
	v3 =	vsel vm3, v3, v54;
	v2 =	vbroadcast v2, $0xF;
	v0 =	vadd.f32 $0.0e+00, v56  }
0x18e: {  	v59, _, _ =	vpop (xrf2);
	v1 =	vsel vm4, v3, v1;
	v60 =	vbroadcast v57, $0xF;
	v61 =	vadd.f32 $0.0e+00, v58  }
0x18f: {  	v62, _, _ =	vpop (xrf2);
	v1 =	vsel vm5, v1, v2;
	v63 =	vadd.f32 $0.0e+00, v59;
	v0 =	vbroadcast v0, $0xF  }
0x190: {  	v9, _, _ =	vpop (xrf2);
	v1 =	vsel vm6, v1, v60;
	v10 =	vbroadcast v61, $0xF;
	v11 =	vadd.f32 $0.0e+00, v62  }
0x191: {  	v12, _, _ =	vpop (xrf2);
	v13 =	vbroadcast v63, $0xF;
	v14 =	vadd.f32 $0.0e+00, v9;
	v0 =	vsel vm7, v1, v0  }
0x192: {  	v15 =	vbroadcast v11, $0xF;
	v16 =	vadd.f32 $0.0e+00, v12;
	v17, _, _ =	vpop (xrf2);
	v0 =	vsel vm8, v0, v10  }
0x193: {  	v18 =	vbroadcast v14, $0xF;
	v19 =	vadd.f32 $0.0e+00, v17;
	v0 =	vsel vm9, v0, v13  }
0x194: {  	v20 =	vbroadcast v16, $0xF;
	v0 =	vsel vm10, v0, v15  }
0x195: {  	v21 =	vbroadcast v19, $0xF;
	v0 =	vsel vm11, v0, v18;
	v22, _, _ =	vpop (xrf2)  }
0x196: {  	v0 =	vsel vm12, v0, v20;
	v2 =	vadd.f32 $0.0e+00, v22  }
0x197: {  	v0 =	vsel vm13, v0, v21  }
0x198: {  	v0 =	vsel vm14, v0, v2  }
0x199: {  	v23 =	vshra.s32 v0, $0x1  }
0x19a: {  	v1 =	vadd.s32 $0x1FBD1DF5, v23  }
0x19b: {  	(erf) = vrcp.f32 v1;
	_ =	sdelay $0x8  }
0x19c: {  	v24 =	vpop (erf)  }
0x19d: {  	v2 =	vmul.f32 v24, v0;
	_ =	sdelay $0x1  }
0x19e: {  	v1 =	vadd.f32 v1, v2;
	_ =	sdelay $0x1  }
0x19f: {  	v1 =	vmul.f32 $5.000000000e-01, v1;
	_ =	sdelay $0x1  }
0x1a0: {  	(erf) = vrcp.f32 v1;
	_ =	sdelay $0x8  }
0x1a1: {  	v25 =	vpop (erf)  }
0x1a2: {  	v2 =	vmul.f32 v25, v0;
	_ =	sdelay $0x1  }
0x1a3: {  	v1 =	vadd.f32 v2, v1;
	_ =	sdelay $0x1  }
0x1a4: {  	v1 =	vmul.f32 $5.000000000e-01, v1;
	_ =	sdelay $0x1  }
0x1a5: {  	(erf) = vrcp.f32 v1;
	_ =	sdelay $0x8  }
0x1a6: {  	vm1 =	vmmov vm15;
	vm14 =	vmmov vm0;
	v26 =	vpop (erf)  }
0x1a7: {  	s5 =	sshll.u32 s31, $0x4;
	vm0 =	vmmov vm13;
	vm13 =	vmmov vm12;
	v2 =	vmul.f32 v26, v0  }
0x1a8: {  	s5 =	sand.u32 $0x3FFFFFF0, s5;
	vm12 =	vmmov vm11;
	vm11 =	vmmov vm10;
	vm10 =	vmmov vm9  }
0x1a9: {  	v27 =	vld [tilespmem:s5+$0x100];
	vm9 =	vmmov vm8;
	vm8 =	vmmov vm7;
	v1 =	vadd.f32 v2, v1  }
0x1aa: {  	vm7 =	vmmov vm6;
	vm6 =	vmmov vm5;
	vm5 =	vmmov vm4  }
0x1ab: {  	vm15 =	vgt.f32 v0, $0.0e+00;
	vm4 =	vmmov vm5;
	v1 =	vmul.f32 $5.000000000e-01, v1  }
0x1ac: {  	vm5 =	vmmov vm6;
	vm6 =	vmmov vm7;
	vm7 =	vmmov vm8  }
0x1ad: {  	vm8 =	vmmov vm9;
	vm9 =	vmmov vm10;
	v0 =	vnsel vm15, $0x0, v1  }
0x1ae: {  	vm10 =	vmmov vm11;
	vm11 =	vmmov vm12;
	v2 =	vmul.f32 v0, v27  }
0x1af: {  	vm12 =	vmmov vm13;
	vm13 =	vmmov vm0;
	vm0 =	vmmov vm14  }
0x1b0: {  	v0 =	vnsel vm0, $0x0, v2  }
0x1b1: {  	(xrf2) =	vadd.scan.msk.f32 $0xffff, v0;
	_ =	sdelay $0x6  }
0x1b2: {  	v29 =	vsel vm1, $0x0, v2  }
0x1b3: {  	(xrf2) =	vadd.scan.msk.f32 $0xffff, v29  }
0x1b4: {  	v28 =	vld [tilespmem:$0x1FFF0]  }
0x1b5: {  	v35 =	vld [tilespmem:$0x1FFD0];
	v30, _, _ =	vpop (xrf2)  }
0x1b6: {  	v31 =	vld [tilespmem:s0+$0x4190];
	v0 =	vadd.f32 $0.0e+00, v30  }
0x1b7: {  	v32 =	vld [tilespmem:s0+$0x41A0]  }
0x1b8: {  	v33 =	vld [tilespmem:s0+$0x41B0];
	v0 =	vbroadcast v0, $0xF  }
0x1b9: {  	v34 =	vld [tilespmem:s0+$0x41C0];
	vm15 =	vmmov vm1;
	vm1 =	vcmask $0x70C  }
0x1ba: {  	v36 =	vld [tilespmem:s0+$0x41D0];
	v37 =	vsel vm1, $0x0, v2;
	v6 =	vmul.f32 v0, v35  }
0x1bb: {  	v38 =	vld [tilespmem:s0+$0x41E0];
	(xrf2) =	vadd.scan.msk.f32 $0xffff, v37;
	v1 =	vmul.f32 v0, v31  }
0x1bc: {  	v39 =	vld [tilespmem:s0+$0x41F0];
	v3 =	vmul.f32 v0, v32;
	[tilespmem:s0+$0x8180] =	vst v6  }
0x1bd: {  	v42 =	vld [tilespmem:s0+$0x4200];
	v41, _, _ =	vpop (xrf2);
	v40 =	vmul.f32 v0, v33;
	[tilespmem:s0+$0x8190] =	vst v1  }
0x1be: {  	v44 =	vld [tilespmem:s0+$0x4210];
	v4 =	vadd.f32 $0.0e+00, v41;
	v43 =	vmul.f32 v0, v34;
	[tilespmem:s0+$0x81A0] =	vst v3  }
0x1bf: {  	v46 =	vld [tilespmem:s0+$0x4220];
	v45 =	vmul.f32 v0, v36;
	[tilespmem:s0+$0x81B0] =	vst v40  }
0x1c0: {  	v48 =	vld [tilespmem:s0+$0x4230];
	v4 =	vbroadcast v4, $0xF;
	v47 =	vmul.f32 v0, v38;
	[tilespmem:s0+$0x81C0] =	vst v43  }
0x1c1: {  	v51 =	vld [tilespmem:s0+$0x4250];
	vm1 =	vcmask $0xB10;
	v0 =	vmul.f32 v0, v39;
	[tilespmem:s0+$0x81D0] =	vst v45  }
0x1c2: {  	v54 =	vld [tilespmem:s0+$0x4260];
	v52 =	vsel vm1, $0x0, v2;
	v50 =	vmul.f32 v4, v42;
	[tilespmem:s0+$0x81E0] =	vst v47  }
0x1c3: {  	v56 =	vld [tilespmem:s0+$0x4270];
	(xrf2) =	vadd.scan.msk.f32 $0xffff, v52;
	v53 =	vmul.f32 v4, v44;
	[tilespmem:s0+$0x81F0] =	vst v0  }
0x1c4: {  	v49 =	vld [tilespmem:s0+$0x4240];
	v55 =	vmul.f32 v4, v46;
	[tilespmem:s0+$0x8200] =	vst v50  }
0x1c5: {  	v59 =	vld [tilespmem:s0+$0x4280];
	v57 =	vmul.f32 v4, v48;
	[tilespmem:s0+$0x8210] =	vst v53;
	v58, _, _ =	vpop (xrf2)  }
0x1c6: {  	v61 =	vld [tilespmem:s0+$0x4290];
	v62 =	vmul.f32 v4, v51;
	[tilespmem:s0+$0x8220] =	vst v55;
	v60 =	vadd.f32 $0.0e+00, v58  }
0x1c7: {  	v63 =	vld [tilespmem:s0+$0x42A0];
	v12 =	vmul.f32 v4, v54;
	[tilespmem:s0+$0x8230] =	vst v57  }
0x1c8: {  	v13 =	vld [tilespmem:s0+$0x42B0];
	v14 =	vmul.f32 v56, v4;
	[tilespmem:s0+$0x8250] =	vst v62;
	v3 =	vbroadcast v60, $0xF  }
0x1c9: {  	v15 =	vld [tilespmem:s0+$0x42C0];
	vm1 =	vcmask $0xF14;
	v1 =	vmul.f32 v4, v49;
	[tilespmem:s0+$0x8260] =	vst v12  }
0x1ca: {  	v17 =	vld [tilespmem:s0+$0x42D0];
	v18 =	vsel vm1, $0x0, v2;
	[tilespmem:s0+$0x8270] =	vst v14;
	v16 =	vmul.f32 v59, v3  }
0x1cb: {  	v20 =	vld [tilespmem:s0+$0x42E0];
	[tilespmem:s0+$0x8240] =	vst v1;
	(xrf2) =	vadd.scan.msk.f32 $0xffff, v18;
	v19 =	vmul.f32 v61, v3  }
0x1cc: {  	v22 =	vld [tilespmem:s0+$0x42F0];
	v21 =	vmul.f32 v63, v3;
	[tilespmem:s0+$0x8280] =	vst v16  }
0x1cd: {  	v25 =	vld [tilespmem:s0+$0x4300];
	v24, _, _ =	vpop (xrf2);
	v23 =	vmul.f32 v13, v3;
	[tilespmem:s0+$0x8290] =	vst v19  }
0x1ce: {  	vm14 =	vnez.u8 v28;
	v28 =	vld [tilespmem:s0+$0x4310];
	v27 =	vadd.f32 $0.0e+00, v24;
	v26 =	vmul.f32 v15, v3;
	[tilespmem:s0+$0x82A0] =	vst v21  }
0x1cf: {  	v30 =	vld [tilespmem:s0+$0x4320];
	v29 =	vmul.f32 v17, v3;
	[tilespmem:s0+$0x82B0] =	vst v23  }
0x1d0: {  	v32 =	vld [tilespmem:s0+$0x4330];
	v4 =	vbroadcast v27, $0xF;
	v31 =	vmul.f32 v20, v3;
	[tilespmem:s0+$0x82C0] =	vst v26  }
0x1d1: {  	vm1 =	vcmask $0x1318;
	v34 =	vld [tilespmem:s0+$0x4340];
	v33 =	vmul.f32 v22, v3;
	[tilespmem:s0+$0x82D0] =	vst v29  }
0x1d2: {  	v37 =	vsel vm1, $0x0, v2;
	v36 =	vld [tilespmem:s0+$0x4350];
	v35 =	vmul.f32 v25, v4;
	[tilespmem:s0+$0x82E0] =	vst v31  }
0x1d3: {  	v39 =	vld [tilespmem:s0+$0x4360];
	(xrf2) =	vadd.scan.msk.f32 $0xffff, v37;
	v38 =	vmul.f32 v28, v4;
	[tilespmem:s0+$0x82F0] =	vst v33  }
0x1d4: {  	v41 =	vld [tilespmem:s0+$0x4370];
	v40 =	vmul.f32 v30, v4;
	[tilespmem:s0+$0x8300] =	vst v35  }
0x1d5: {  	v44 =	vld [tilespmem:s0+$0x4380];
	v42 =	vmul.f32 v32, v4;
	[tilespmem:s0+$0x8310] =	vst v38;
	v43, _, _ =	vpop (xrf2)  }
0x1d6: {  	v47 =	vld [tilespmem:s0+$0x4390];
	v45 =	vmul.f32 v34, v4;
	[tilespmem:s0+$0x8320] =	vst v40;
	v46 =	vadd.f32 $0.0e+00, v43  }
0x1d7: {  	v49 =	vld [tilespmem:s0+$0x43A0];
	v48 =	vmul.f32 v36, v4;
	[tilespmem:s0+$0x8330] =	vst v42  }
0x1d8: {  	v51 =	vld [tilespmem:s0+$0x43B0];
	v50 =	vmul.f32 v39, v4;
	[tilespmem:s0+$0x8340] =	vst v45;
	v3 =	vbroadcast v46, $0xF  }
0x1d9: {  	vm1 =	vcmask $0x171C;
	v53 =	vld [tilespmem:s0+$0x43C0];
	v52 =	vmul.f32 v41, v4;
	[tilespmem:s0+$0x8350] =	vst v48  }
0x1da: {  	v56 =	vsel vm1, $0x0, v2;
	v55 =	vld [tilespmem:s0+$0x43D0];
	[tilespmem:s0+$0x8360] =	vst v50;
	v54 =	vmul.f32 v44, v3  }
0x1db: {  	v58 =	vld [tilespmem:s0+$0x43E0];
	[tilespmem:s0+$0x8370] =	vst v52;
	(xrf2) =	vadd.scan.msk.f32 $0xffff, v56;
	v57 =	vmul.f32 v47, v3  }
0x1dc: {  	v60 =	vld [tilespmem:s0+$0x43F0];
	v59 =	vmul.f32 v49, v3;
	[tilespmem:s0+$0x8380] =	vst v54  }
0x1dd: {  	v63 =	vld [tilespmem:s0+$0x4400];
	v62, _, _ =	vpop (xrf2);
	v61 =	vmul.f32 v51, v3;
	[tilespmem:s0+$0x8390] =	vst v57  }
0x1de: {  	v14 =	vld [tilespmem:s0+$0x4410];
	v13 =	vadd.f32 $0.0e+00, v62;
	v12 =	vmul.f32 v53, v3;
	[tilespmem:s0+$0x83A0] =	vst v59  }
0x1df: {  	v16 =	vld [tilespmem:s0+$0x4420];
	v15 =	vmul.f32 v55, v3;
	[tilespmem:s0+$0x83B0] =	vst v61  }
0x1e0: {  	v18 =	vld [tilespmem:s0+$0x4430];
	v4 =	vbroadcast v13, $0xF;
	v17 =	vmul.f32 v58, v3;
	[tilespmem:s0+$0x83C0] =	vst v12  }
0x1e1: {  	vm1 =	vcmask $0x1B20;
	v20 =	vld [tilespmem:s0+$0x4440];
	v19 =	vmul.f32 v60, v3;
	[tilespmem:s0+$0x83D0] =	vst v15  }
0x1e2: {  	v22 =	vld [tilespmem:s0+$0x4450];
	v23 =	vsel vm1, $0x0, v2;
	v21 =	vmul.f32 v63, v4;
	[tilespmem:s0+$0x83E0] =	vst v17  }
0x1e3: {  	v25 =	vld [tilespmem:s0+$0x4460];
	(xrf2) =	vadd.scan.msk.f32 $0xffff, v23;
	v24 =	vmul.f32 v14, v4;
	[tilespmem:s0+$0x83F0] =	vst v19  }
0x1e4: {  	v27 =	vld [tilespmem:s0+$0x4470];
	v26 =	vmul.f32 v16, v4;
	[tilespmem:s0+$0x8400] =	vst v21  }
0x1e5: {  	v30 =	vld [tilespmem:s0+$0x4480];
	v28 =	vmul.f32 v18, v4;
	[tilespmem:s0+$0x8410] =	vst v24;
	v29, _, _ =	vpop (xrf2)  }
0x1e6: {  	v33 =	vld [tilespmem:s0+$0x4490];
	v31 =	vmul.f32 v20, v4;
	[tilespmem:s0+$0x8420] =	vst v26;
	v32 =	vadd.f32 $0.0e+00, v29  }
0x1e7: {  	v35 =	vld [tilespmem:s0+$0x44A0];
	v34 =	vmul.f32 v22, v4;
	[tilespmem:s0+$0x8430] =	vst v28  }
0x1e8: {  	v37 =	vld [tilespmem:s0+$0x44B0];
	v36 =	vmul.f32 v25, v4;
	[tilespmem:s0+$0x8440] =	vst v31;
	v3 =	vbroadcast v32, $0xF  }
0x1e9: {  	v39 =	vld [tilespmem:s0+$0x44C0];
	vm1 =	vcmask $0x1F24;
	v38 =	vmul.f32 v27, v4;
	[tilespmem:s0+$0x8450] =	vst v34  }
0x1ea: {  	v41 =	vld [tilespmem:s0+$0x44D0];
	v42 =	vsel vm1, $0x0, v2;
	[tilespmem:s0+$0x8460] =	vst v36;
	v40 =	vmul.f32 v30, v3  }
0x1eb: {  	v44 =	vld [tilespmem:s0+$0x44E0];
	[tilespmem:s0+$0x8470] =	vst v38;
	(xrf2) =	vadd.scan.msk.f32 $0xffff, v42;
	v43 =	vmul.f32 v33, v3  }
0x1ec: {  	v46 =	vld [tilespmem:s0+$0x44F0];
	v45 =	vmul.f32 v35, v3;
	[tilespmem:s0+$0x8480] =	vst v40  }
0x1ed: {  	v49 =	vld [tilespmem:s0+$0x4500];
	v48, _, _ =	vpop (xrf2);
	v47 =	vmul.f32 v37, v3;
	[tilespmem:s0+$0x8490] =	vst v43  }
0x1ee: {  	v52 =	vld [tilespmem:s0+$0x4510];
	v51 =	vadd.f32 $0.0e+00, v48;
	v50 =	vmul.f32 v39, v3;
	[tilespmem:s0+$0x84A0] =	vst v45  }
0x1ef: {  	v54 =	vld [tilespmem:s0+$0x4520];
	v53 =	vmul.f32 v41, v3;
	[tilespmem:s0+$0x84B0] =	vst v47  }
0x1f0: {  	v56 =	vld [tilespmem:s0+$0x4530];
	v4 =	vbroadcast v51, $0xF;
	v55 =	vmul.f32 v44, v3;
	[tilespmem:s0+$0x84C0] =	vst v50  }
0x1f1: {  	vm1 =	vcmask $0x2328;
	v58 =	vld [tilespmem:s0+$0x4540];
	v57 =	vmul.f32 v46, v3;
	[tilespmem:s0+$0x84D0] =	vst v53  }
0x1f2: {  	v60 =	vld [tilespmem:s0+$0x4550];
	v61 =	vsel vm1, $0x0, v2;
	v59 =	vmul.f32 v49, v4;
	[tilespmem:s0+$0x84E0] =	vst v55  }
0x1f3: {  	v63 =	vld [tilespmem:s0+$0x4560];
	(xrf2) =	vadd.scan.msk.f32 $0xffff, v61;
	v62 =	vmul.f32 v52, v4;
	[tilespmem:s0+$0x84F0] =	vst v57  }
0x1f4: {  	v13 =	vld [tilespmem:s0+$0x4570];
	v12 =	vmul.f32 v54, v4;
	[tilespmem:s0+$0x8500] =	vst v59  }
0x1f5: {  	v16 =	vld [tilespmem:s0+$0x4580];
	v14 =	vmul.f32 v56, v4;
	[tilespmem:s0+$0x8510] =	vst v62;
	v15, _, _ =	vpop (xrf2)  }
0x1f6: {  	v19 =	vld [tilespmem:s0+$0x4590];
	v17 =	vmul.f32 v58, v4;
	[tilespmem:s0+$0x8520] =	vst v12;
	v18 =	vadd.f32 $0.0e+00, v15  }
0x1f7: {  	v21 =	vld [tilespmem:s0+$0x45A0];
	v20 =	vmul.f32 v60, v4;
	[tilespmem:s0+$0x8530] =	vst v14  }
0x1f8: {  	v23 =	vld [tilespmem:s0+$0x45B0];
	v22 =	vmul.f32 v63, v4;
	[tilespmem:s0+$0x8540] =	vst v17;
	v3 =	vbroadcast v18, $0xF  }
0x1f9: {  	v25 =	vld [tilespmem:s0+$0x45C0];
	vm1 =	vcmask $0x272C;
	v24 =	vmul.f32 v13, v4;
	[tilespmem:s0+$0x8550] =	vst v20  }
0x1fa: {  	v27 =	vld [tilespmem:s0+$0x45D0];
	v28 =	vsel vm1, $0x0, v2;
	[tilespmem:s0+$0x8560] =	vst v22;
	v26 =	vmul.f32 v16, v3  }
0x1fb: {  	v30 =	vld [tilespmem:s0+$0x45E0];
	[tilespmem:s0+$0x8570] =	vst v24;
	(xrf2) =	vadd.scan.msk.f32 $0xffff, v28;
	v29 =	vmul.f32 v19, v3  }
0x1fc: {  	v32 =	vld [tilespmem:s0+$0x45F0];
	v31 =	vmul.f32 v21, v3;
	[tilespmem:s0+$0x8580] =	vst v26  }
0x1fd: {  	v35 =	vld [tilespmem:s0+$0x4600];
	v34, _, _ =	vpop (xrf2);
	v33 =	vmul.f32 v23, v3;
	[tilespmem:s0+$0x8590] =	vst v29  }
0x1fe: {  	v38 =	vld [tilespmem:s0+$0x4610];
	v37 =	vadd.f32 $0.0e+00, v34;
	v36 =	vmul.f32 v25, v3;
	[tilespmem:s0+$0x85A0] =	vst v31  }
0x1ff: {  	v40 =	vld [tilespmem:s0+$0x4620];
	v39 =	vmul.f32 v27, v3;
	[tilespmem:s0+$0x85B0] =	vst v33  }
0x200: {  	v42 =	vld [tilespmem:s0+$0x4630];
	v4 =	vbroadcast v37, $0xF;
	v41 =	vmul.f32 v30, v3;
	[tilespmem:s0+$0x85C0] =	vst v36  }
0x201: {  	vm1 =	vcmask $0x2B30;
	v44 =	vld [tilespmem:s0+$0x4640];
	v43 =	vmul.f32 v32, v3;
	[tilespmem:s0+$0x85D0] =	vst v39  }
0x202: {  	v46 =	vld [tilespmem:s0+$0x4650];
	v47 =	vsel vm1, $0x0, v2;
	v45 =	vmul.f32 v35, v4;
	[tilespmem:s0+$0x85E0] =	vst v41  }
0x203: {  	v49 =	vld [tilespmem:s0+$0x4660];
	(xrf2) =	vadd.scan.msk.f32 $0xffff, v47;
	v48 =	vmul.f32 v38, v4;
	[tilespmem:s0+$0x85F0] =	vst v43  }
0x204: {  	v51 =	vld [tilespmem:s0+$0x4670];
	v50 =	vmul.f32 v40, v4;
	[tilespmem:s0+$0x8600] =	vst v45  }
0x205: {  	v54 =	vld [tilespmem:s0+$0x4680];
	v52 =	vmul.f32 v42, v4;
	[tilespmem:s0+$0x8610] =	vst v48;
	v53, _, _ =	vpop (xrf2)  }
0x206: {  	v57 =	vld [tilespmem:s0+$0x4690];
	v55 =	vmul.f32 v44, v4;
	[tilespmem:s0+$0x8620] =	vst v50;
	v56 =	vadd.f32 $0.0e+00, v53  }
0x207: {  	v59 =	vld [tilespmem:s0+$0x46A0];
	v58 =	vmul.f32 v46, v4;
	[tilespmem:s0+$0x8630] =	vst v52  }
0x208: {  	v61 =	vld [tilespmem:s0+$0x46B0];
	v60 =	vmul.f32 v49, v4;
	[tilespmem:s0+$0x8640] =	vst v55;
	v3 =	vbroadcast v56, $0xF  }
0x209: {  	v63 =	vld [tilespmem:s0+$0x46C0];
	vm1 =	vcmask $0x2F34;
	v62 =	vmul.f32 v51, v4;
	[tilespmem:s0+$0x8650] =	vst v58  }
0x20a: {  	v13 =	vld [tilespmem:s0+$0x46D0];
	v14 =	vsel vm1, $0x0, v2;
	[tilespmem:s0+$0x8660] =	vst v60;
	v12 =	vmul.f32 v54, v3  }
0x20b: {  	v16 =	vld [tilespmem:s0+$0x46E0];
	[tilespmem:s0+$0x8670] =	vst v62;
	(xrf2) =	vadd.scan.msk.f32 $0xffff, v14;
	v15 =	vmul.f32 v57, v3  }
0x20c: {  	v18 =	vld [tilespmem:s0+$0x46F0];
	v17 =	vmul.f32 v59, v3;
	[tilespmem:s0+$0x8680] =	vst v12  }
0x20d: {  	v21 =	vld [tilespmem:s0+$0x4700];
	v20, _, _ =	vpop (xrf2);
	v19 =	vmul.f32 v61, v3;
	[tilespmem:s0+$0x8690] =	vst v15  }
0x20e: {  	v24 =	vld [tilespmem:s0+$0x4710];
	v23 =	vadd.f32 $0.0e+00, v20;
	v22 =	vmul.f32 v63, v3;
	[tilespmem:s0+$0x86A0] =	vst v17  }
0x20f: {  	v26 =	vld [tilespmem:s0+$0x4720];
	v25 =	vmul.f32 v13, v3;
	[tilespmem:s0+$0x86B0] =	vst v19  }
0x210: {  	v28 =	vld [tilespmem:s0+$0x4730];
	v4 =	vbroadcast v23, $0xF;
	v27 =	vmul.f32 v16, v3;
	[tilespmem:s0+$0x86C0] =	vst v22  }
0x211: {  	vm1 =	vcmask $0x3338;
	v30 =	vld [tilespmem:s0+$0x4740];
	v29 =	vmul.f32 v18, v3;
	[tilespmem:s0+$0x86D0] =	vst v25  }
0x212: {  	v32 =	vld [tilespmem:s0+$0x4750];
	v33 =	vsel vm1, $0x0, v2;
	v31 =	vmul.f32 v21, v4;
	[tilespmem:s0+$0x86E0] =	vst v27  }
0x213: {  	v35 =	vld [tilespmem:s0+$0x4760];
	(xrf2) =	vadd.scan.msk.f32 $0xffff, v33;
	v34 =	vmul.f32 v24, v4;
	[tilespmem:s0+$0x86F0] =	vst v29  }
0x214: {  	v37 =	vld [tilespmem:s0+$0x4770];
	v36 =	vmul.f32 v26, v4;
	[tilespmem:s0+$0x8700] =	vst v31  }
0x215: {  	v40 =	vld [tilespmem:s0+$0x4780];
	v38 =	vmul.f32 v28, v4;
	[tilespmem:s0+$0x8710] =	vst v34;
	v39, _, _ =	vpop (xrf2)  }
0x216: {  	v43 =	vld [tilespmem:s0+$0x4790];
	v41 =	vmul.f32 v30, v4;
	[tilespmem:s0+$0x8720] =	vst v36;
	v42 =	vadd.f32 $0.0e+00, v39  }
0x217: {  	v45 =	vld [tilespmem:s0+$0x47A0];
	v44 =	vmul.f32 v32, v4;
	[tilespmem:s0+$0x8730] =	vst v38  }
0x218: {  	v47 =	vld [tilespmem:s0+$0x47B0];
	v46 =	vmul.f32 v35, v4;
	[tilespmem:s0+$0x8740] =	vst v41;
	v3 =	vbroadcast v42, $0xF  }
0x219: {  	v49 =	vld [tilespmem:s0+$0x47C0];
	vm1 =	vcmask $0x373C;
	v48 =	vmul.f32 v37, v4;
	[tilespmem:s0+$0x8750] =	vst v44  }
0x21a: {  	v51 =	vld [tilespmem:s0+$0x47D0];
	v52 =	vsel vm1, $0x0, v2;
	[tilespmem:s0+$0x8760] =	vst v46;
	v50 =	vmul.f32 v40, v3  }
0x21b: {  	v54 =	vld [tilespmem:s0+$0x47E0];
	[tilespmem:s0+$0x8770] =	vst v48;
	(xrf2) =	vadd.scan.msk.f32 $0xffff, v52;
	v53 =	vmul.f32 v43, v3  }
0x21c: {  	v56 =	vld [tilespmem:s0+$0x47F0];
	v55 =	vmul.f32 v45, v3;
	[tilespmem:s0+$0x8780] =	vst v50  }
0x21d: {  	v59 =	vld [tilespmem:s0+$0x4800];
	v58, _, _ =	vpop (xrf2);
	v57 =	vmul.f32 v47, v3;
	[tilespmem:s0+$0x8790] =	vst v53  }
0x21e: {  	v62 =	vld [tilespmem:s0+$0x4810];
	v61 =	vadd.f32 $0.0e+00, v58;
	v60 =	vmul.f32 v49, v3;
	[tilespmem:s0+$0x87A0] =	vst v55  }
0x21f: {  	v12 =	vld [tilespmem:s0+$0x4820];
	v63 =	vmul.f32 v51, v3;
	[tilespmem:s0+$0x87B0] =	vst v57  }
0x220: {  	v14 =	vld [tilespmem:s0+$0x4830];
	v4 =	vbroadcast v61, $0xF;
	v13 =	vmul.f32 v54, v3;
	[tilespmem:s0+$0x87C0] =	vst v60  }
0x221: {  	v16 =	vld [tilespmem:s0+$0x4840];
	v15 =	vmul.f32 v56, v3;
	[tilespmem:s0+$0x87D0] =	vst v63  }
0x222: {  	v2 =	vsel vm14, $0x0, v2;
	v18 =	vld [tilespmem:s0+$0x4850];
	v17 =	vmul.f32 v59, v4;
	[tilespmem:s0+$0x87E0] =	vst v13  }
0x223: {  	v20 =	vld [tilespmem:s0+$0x4860];
	(xrf2) =	vadd.scan.msk.f32 $0xffff, v2;
	v19 =	vmul.f32 v62, v4;
	[tilespmem:s0+$0x87F0] =	vst v15  }
0x224: {  	v22 =	vld [tilespmem:s0+$0x4870];
	v21 =	vmul.f32 v12, v4;
	[tilespmem:s0+$0x8800] =	vst v17  }
0x225: {  	v25 =	vld [tilespmem:s0+$0x4880];
	v24 =	vmul.f32 v14, v4;
	[tilespmem:s0+$0x8810] =	vst v19;
	v23, _, _ =	vpop (xrf2)  }
0x226: {  	v28 =	vld [tilespmem:s0+$0x4890];
	v26 =	vmul.f32 v16, v4;
	[tilespmem:s0+$0x8820] =	vst v21;
	v27 =	vadd.f32 $0.0e+00, v23  }
0x227: {  	v30 =	vld [tilespmem:s0+$0x48A0];
	v29 =	vmul.f32 v18, v4;
	[tilespmem:s0+$0x8830] =	vst v24  }
0x228: {  	v32 =	vld [tilespmem:s0+$0x48B0];
	v31 =	vmul.f32 v20, v4;
	[tilespmem:s0+$0x8840] =	vst v26;
	v3 =	vbroadcast v27, $0xF  }
0x229: {  	v34 =	vld [tilespmem:s0+$0x48C0];
	v33 =	vmul.f32 v22, v4;
	[tilespmem:s0+$0x8850] =	vst v29  }
0x22a: {  	v36 =	vld [tilespmem:s0+$0x48D0];
	[tilespmem:s0+$0x8860] =	vst v31;
	v35 =	vmul.f32 v25, v3  }
0x22b: {  	v38 =	vld [tilespmem:s0+$0x48E0];
	[tilespmem:s0+$0x8870] =	vst v33;
	v37 =	vmul.f32 v28, v3  }
0x22c: {  	v40 =	vld [tilespmem:s0+$0x48F0];
	v39 =	vmul.f32 v30, v3;
	[tilespmem:s0+$0x8880] =	vst v35  }
0x22d: {  	v43 =	vld [tilespmem:s0+$0x4900];
	v42, _, _ =	vpop (xrf2);
	v41 =	vmul.f32 v32, v3;
	[tilespmem:s0+$0x8890] =	vst v37  }
0x22e: {  	v46 =	vld [tilespmem:s0+$0x4910];
	v45 =	vadd.f32 $0.0e+00, v42;
	v44 =	vmul.f32 v34, v3;
	[tilespmem:s0+$0x88A0] =	vst v39  }
0x22f: {  	v48 =	vld [tilespmem:s0+$0x4920];
	v47 =	vmul.f32 v36, v3;
	[tilespmem:s0+$0x88B0] =	vst v41  }
0x230: {  	v50 =	vld [tilespmem:s0+$0x4930];
	v2 =	vbroadcast v45, $0xF;
	v49 =	vmul.f32 v38, v3;
	[tilespmem:s0+$0x88C0] =	vst v44  }
0x231: {  	v52 =	vld [tilespmem:s0+$0x4940];
	v51 =	vmul.f32 v40, v3;
	[tilespmem:s0+$0x88D0] =	vst v47  }
0x232: {  	v54 =	vld [tilespmem:s0+$0x4950];
	v53 =	vmul.f32 v43, v2;
	[tilespmem:s0+$0x88E0] =	vst v49  }
0x233: {  	v56 =	vld [tilespmem:s0+$0x4960];
	v55 =	vmul.f32 v46, v2;
	[tilespmem:s0+$0x88F0] =	vst v51  }
0x234: {  	v58 =	vld [tilespmem:s0+$0x4970];
	v57 =	vmul.f32 v48, v2;
	[tilespmem:s0+$0x8900] =	vst v53  }
0x235: {  	v59 =	vmul.f32 v50, v2;
	[tilespmem:s0+$0x8910] =	vst v55  }
0x236: {  	p1 =	sne.s32 s31, $0x7;
	v60 =	vmul.f32 v52, v2;
	[tilespmem:s0+$0x8920] =	vst v57  }
.Ltmp1:
0x237: {  	v61 =	vmul.f32 v54, v2;
	[tilespmem:s0+$0x8930] =	vst v59;
	(pc) =	sbr.rel @p1 .LBB2_5-.Ltmp1, $4  }
0x238: {  	v62 =	vmul.f32 v56, v2;
	[tilespmem:s0+$0x8940] =	vst v60  }
0x239: {  	v63 =	vmul.f32 v58, v2;
	[tilespmem:s0+$0x8950] =	vst v61  }
0x23a: {  	[tilespmem:s0+$0x8960] =	vst v62  }
0x23b: {  	s31 =	sadd.s32 $0x1, s31;
	[tilespmem:s0+$0x8970] =	vst v63  }
0x23c: {  	s30 =	sadd.s32 $0x1, s30  }
0x23d: {  	p1 =	sne.s32 s30, $0x4F  }
.Ltmp2:
0x23e: {  	_ = 	snop;
	(pc) =	sbr.rel @p1 .LBB2_4-.Ltmp2, $4  }
0x23f: {  	[spmem:s3] =	stream.indirect.scatter.add.f32 [tilespmem:s19], [sflag:$0x3], $0x80, s4, s21, $0xb8;
	[tilespmem:$0x1FA00] =	vst v63  }
0x240: {  	_ =	swait.ge [sflag:s20], $0x4000  }
0x241: {  	[sflag:s20] =	ssyncset.done $0x0  }
0x242: {  	[sflag:s20] =	ssyncadd.s32 $0xFFFFC000  }
0x243: {  	s0 =	stileid.u32  }
0x244: {  	s0 =	sshll.u32 s0, $0x6  }
0x245: {  	[bflag:$0x0] =	sbarrier.arrive $0xFFFF;
	s5 =	sshrl.u32 s8, $0x3;
	s0 =	sor.u32 $0x1C03, s0  }
0x246: {  	[hbm:s16], [sflag:s0] =	dma.local [spmem:s5], $0x2700  }
0x247: {  	_ =	swait.ge [sflag:s20], $0x2700  }
0x248: {  	s28 =	sadd.s32 $0x1, s28;
	[sflag:s20] =	ssyncset.done $0x0  }
0x249: {  	p1 =	sne.s32 s28, s18;
	s5 =	sshrl.u32 @!p0 s14, $0x3;
	[sflag:s20] =	ssyncadd.s32 $0xFFFFD900  }
0x24a: {  	[hbm:s17], [sflag:s0] =	dma.local @!p0 [spmem:s5], $0x100  }
.Ltmp3:
0x24b: {  	_ = 	snop;
	(pc) =	sbr.rel @p1 .LBB2_1-.Ltmp3, $4  }
0x24c: {  	s0 =	simm.s32 @!p0 $0x3  }
0x24d: {  	_ =	swait.ge @!p0 [sflag:s0], $0x100  }
0x24e: {  	[sflag:s0] =	ssyncset.done @!p0 $0x0  }
0x24f: {  	v0 =	vimm.f32 $0.0e+00;
	[sflag:s0] =	ssyncadd.s32 @!p0 $0xFFFFFF00  }
0x250: {  	_ =	sfence.sel $0x180000  }
0x251: {  	[bflag:$0x0] =	sbarrier.arrive $0xFFFF  }
0x252: {  	_ =	strace $0x9000004A  }
0x253: {  	s0 =	stileid.u32;
	[bflag:$0x2] =	sbarrier.arrive $0xFFFF  }
0x254: {  	p0 =	sne.s32 s0, $0x0;
	s0 =	rddreg [dreg:$0x4]  }
0x255: {  	s0 =	sadd.s32 @!p0 $0x100000, s0  }
0x256: {  	[sflag:s0] =	ssyncadd.tile.s32 @!p0 $0x1;
	_ =	shalt  }
.Lfunc_end2:
_tile_overlayer_lowered:
.L_overlay_start_2:
0x257: {  	(tag) =	ssettag $0x2  }
0x258: {  	s0 =	rddreg [dreg:$0x0];
	s2 =	stileid.u32  }
0x259: {  	s1 =	rddreg [dreg:$0x1];
	p0 =	sne.s32 s2, $0x0  }
0x25a: {  	s3 =	rddreg [dreg:$0x2];
	[bflag:$0x3] =	sbarrier.arrive $0xFFFF;
	s2 =	simm.s32 @!p0 $0x1C03  }
0x25b: {  	[timem:s3], [sflag:s2] =	dma.local @!p0 [hbm:s0], s1  }
0x25c: {  	s0 =	simm.s32 @!p0 $0x3  }
0x25d: {  	_ =	swait.ge @!p0 [sflag:s0], s1  }
0x25e: {  	s1 =	ssub.s32 @!p0 $0x0, s1;
	[sflag:s0] =	ssyncset.done @!p0 $0x0  }
0x25f: {  	[sflag:s0] =	ssyncadd.s32 @!p0 s1  }
0x260: {  	[bflag:$0x3] =	sbarrier.arrive $0xFFFF  }
0x261: {  	_ =	shalt  }

// kernel: kernel.7.cloned.1.call-start
scs
__scs_entry_jumppad:
0x0: {  	(pc) =	sbr.rel $0x88, $3  }
0x1: {  	(tag) =	ssettag $0x0;
	lr =	simm.s32 $0x1  }
0x2: {  	[smem:$0x3F9D] =	sst lr;
	_ =	strace $0xD0000000  }
0x3: {  	_ = 	snop  }
0x4: {  	_ = 	snop  }
0x5: {  	_ = 	snop  }
0x6: {  	_ = 	snop  }
0x7: {  	_ = 	snop  }
__scs_overlays_trampoline_lowered:
0x8: {  	[smem:$0x3FAC] =	sst s0  }
0x9: {  	[smem:$0x3FAD] =	sst s1  }
0xa: {  	[smem:$0x3FAE] =	sst s2  }
0xb: {  	[smem:$0x3FAF] =	sst s3  }
0xc: {  	[smem:$0x3FB0] =	sst s4  }
0xd: {  	[smem:$0x3FB1] =	sst s5  }
0xe: {  	[smem:$0x3FB2] =	sst s6  }
0xf: {  	[smem:$0x3FB3] =	sst s7  }
0x10: {  	[smem:$0x3FB4] =	sst s8  }
0x11: {  	[smem:$0x3FB5] =	sst s9;
	s0 =	simm.s32 @!p0 $0x0  }
0x12: {  	s1 =	sld [smem:$0x3F9B];
	s0 =	simm.s32 @p0 $0x1  }
0x13: {  	[smem:$0x3FB6] =	sst s0;
	s0 =	simm.s32 @!p1 $0x0  }
0x14: {  	s2 =	sld [smem:$0x3F9A];
	s0 =	simm.s32 @p1 $0x1  }
0x15: {  	[smem:$0x3FB7] =	sst s0;
	s0 =	simm.s32 @!p2 $0x0  }
0x16: {  	s3 =	sld [smem:$0x3FDB];
	s0 =	simm.s32 @p2 $0x1  }
0x17: {  	s4 =	simm.s32 $0x1BF5;
	[smem:$0x3FB9] =	sst s0  }
0x18: {  	s0 =	sld [smem:$0x3F9C];
	_ =	swait.ge [sflag:s4], $0x0  }
0x19: {  	s7 =	sld [smem:$0x3F9D]  }
0x1a: {  	s8 =	sadd.s32 $0xFFFFE003, lr  }
0x1b: {  	s9 =	sadd.s32 $0xFFFFFEF7, lr;
	s5 =	simm.s32 $0xFFFFFFFF;
	p2 =	slt.u32 s8, $0xFFFFF086  }
0x1c: {  	p1 =	slt.u32 s9, $0xF7A;
	s5 =	simm.s32 @!p2 $0x0  }
0x1d: {  	s5 =	simm.s32 @p1 $0x1;
	p0 =	seq.s32 s7, s2  }
0x1e: {  	s7 =	smul.u32 @!p0 $0xF7A, s2;
	p2 =	seq.s32 @!p0 s5, $0x0  }
0x1f: {  	s9 =	smul.u32 $0xF7A, s1;
	s8 =	simm.s32 @!p0 $0x1BF5;
	p2 =	por !p2, p0  }
0x20: {  	[sflag:s8] =	ssyncset.s32 @!p0 $0xFFFFF086;
	s6 =	sadd.s32 @!p0 s3, s7;
	s7 =	simm.s32 @!p0 $0x108  }
0x21: {  	s3 =	sadd.s32 s3, s9;
	s6 =	sadd.s32 @!p0 $0x88, s6;
	s7 =	simm.s32 @p2 $0x1082  }
0x22: {  	[simem:s7], [sflag:s8] =	dma.local @!p0 [hbm:s6], $0xF7A  }
0x23: {  	s9 =	sor.u32 $0xD0000000, s2;
	s6 =	simm.s32 $0x108;
	_ =	swait.ge @!p0 [sflag:s8], $0x0  }
0x24: {  	s3 =	sadd.s32 $0x88, s3;
	s6 =	simm.s32 @!p1 $0x1082;
	[sflag:s4] =	ssyncset.s32 $0xFFFFF086  }
0x25: {  	[simem:s6], [sflag:s4] =	dma.local [hbm:s3], $0xF7A  }
0x26: {  	[smem:$0x3F9D] =	sst s1;
	(tag) =	ssettag s2;
	_ =	strace s9  }
0x27: {  	s1 =	sld [smem:$0x3FAD]  }
0x28: {  	s2 =	sld [smem:$0x3FAE]  }
0x29: {  	s4 =	sld [smem:$0x3FB0]  }
0x2a: {  	p0 =	seq.s32 s5, $0x0;
	s5 =	sld [smem:$0x3FB1]  }
0x2b: {  	s6 =	sld [smem:$0x3FB2]  }
0x2c: {  	s7 =	sld [smem:$0x3FB3]  }
0x2d: {  	s3 =	simm.s32 $0x108;
	s8 =	sld [smem:$0x3FB4]  }
0x2e: {  	s3 =	simm.s32 @!p0 $0x1082;
	s9 =	sld [smem:$0x3FB5]  }
0x2f: {  	lr =	sadd.s32 s0, s3;
	s0 =	sld [smem:$0x3FAC]  }
0x30: {  	s3 =	sld [smem:$0x3FAF]  }
0x31: {  	[smem:$0x3FB8] =	sst s10  }
0x32: {  	s10 =	sld [smem:$0x3FB6];
	_ =	sdelay $0x3  }
0x33: {  	p0 =	seq.s32 s10, $0x1;
	s10 =	sld [smem:$0x3FB8];
	_ =	sdelay $0x3  }
0x34: {  	[smem:$0x3FB8] =	sst s10  }
0x35: {  	s10 =	sld [smem:$0x3FB7];
	_ =	sdelay $0x3  }
0x36: {  	p1 =	seq.s32 s10, $0x1;
	s10 =	sld [smem:$0x3FB8];
	_ =	sdelay $0x3  }
0x37: {  	[smem:$0x3FB8] =	sst s10  }
0x38: {  	s10 =	sld [smem:$0x3FB9]  }
0x39: {  	_ = 	snop;
	(pc) =	sbr.ind lr, $3  }
0x3a: {  	_ = 	snop  }
0x3b: {  	_ = 	snop  }
0x3c: {  	p2 =	seq.s32 s10, $0x1;
	s10 =	sld [smem:$0x3FB8]  }
0x3d: {  	_ =	shalt  }
0x3e: {  	_ =	shalt  }
0x3f: {  	_ =	shalt  }
0x40: {  	_ =	shalt  }
0x41: {  	_ =	shalt  }
0x42: {  	_ =	shalt  }
0x43: {  	_ =	shalt  }
0x44: {  	_ =	shalt  }
0x45: {  	_ =	shalt  }
0x46: {  	_ =	shalt  }
0x47: {  	_ =	shalt  }
0x48: {  	_ =	shalt  }
0x49: {  	_ =	shalt  }
0x4a: {  	_ =	shalt  }
0x4b: {  	_ =	shalt  }
0x4c: {  	_ =	shalt  }
0x4d: {  	_ =	shalt  }
0x4e: {  	_ =	shalt  }
0x4f: {  	_ =	shalt  }
0x50: {  	_ =	shalt  }
0x51: {  	_ =	shalt  }
0x52: {  	_ =	shalt  }
0x53: {  	_ =	shalt  }
0x54: {  	_ =	shalt  }
0x55: {  	_ =	shalt  }
0x56: {  	_ =	shalt  }
0x57: {  	_ =	shalt  }
0x58: {  	_ =	shalt  }
0x59: {  	_ =	shalt  }
0x5a: {  	_ =	shalt  }
0x5b: {  	_ =	shalt  }
0x5c: {  	_ =	shalt  }
0x5d: {  	_ =	shalt  }
0x5e: {  	_ =	shalt  }
0x5f: {  	_ =	shalt  }
0x60: {  	_ =	shalt  }
0x61: {  	_ =	shalt  }
0x62: {  	_ =	shalt  }
0x63: {  	_ =	shalt  }
0x64: {  	_ =	shalt  }
0x65: {  	_ =	shalt  }
0x66: {  	_ =	shalt  }
0x67: {  	_ =	shalt  }
0x68: {  	_ =	shalt  }
0x69: {  	_ =	shalt  }
0x6a: {  	_ =	shalt  }
0x6b: {  	_ =	shalt  }
0x6c: {  	_ =	shalt  }
0x6d: {  	_ =	shalt  }
0x6e: {  	_ =	shalt  }
0x6f: {  	_ =	shalt  }
0x70: {  	_ =	shalt  }
0x71: {  	_ =	shalt  }
0x72: {  	_ =	shalt  }
0x73: {  	_ =	shalt  }
0x74: {  	_ =	shalt  }
0x75: {  	_ =	shalt  }
0x76: {  	_ =	shalt  }
0x77: {  	_ =	shalt  }
0x78: {  	_ =	shalt  }
0x79: {  	_ =	shalt  }
0x7a: {  	_ =	shalt  }
0x7b: {  	_ =	shalt  }
0x7c: {  	_ =	shalt  }
0x7d: {  	_ =	shalt  }
0x7e: {  	_ =	shalt  }
0x7f: {  	_ =	shalt  }
0x80: {  	_ =	shalt  }
0x81: {  	_ =	shalt  }
0x82: {  	_ =	shalt  }
0x83: {  	_ =	shalt  }
0x84: {  	_ =	shalt  }
0x85: {  	_ =	shalt  }
0x86: {  	_ =	shalt  }
0x87: {  	_ =	shalt  }
.Lfunc_end0:
.L_simem_size_0:
called_computation_lowered:
.L_overlay_start_0:
0x88: {  	s2 =	sld [smem:$0x3FD9]  }
0x89: {  	s3 =	sld [smem:$0x3FFE];
	_ =	sdelay $0x1  }
0x8a: {  	s1 =	srdreg.scid  }
0x8b: {  	s0 =	sand.u32 $0x1, s1  }
0x8c: {  	s17 =	sshll.u32 s0, $0xA;
	s2 =	sadd.s32 s3, s2  }
0x8d: {  	s2 =	sadd.s32 s2, s17  }
0x8e: {  	[smem:$0x3FC4] =	sst s2  }
0x8f: {  	_ = 	snop  }
0x90: {  	s2 =	sld [smem:$0x3FD0];
	(tm) =	ssettm $0x1  }
0x91: {  	s18 =	sld [smem:$0x3FFB];
	_ =	sdelay $0x3  }
0x92: {  	_ =	strace s18  }
0x93: {  	s3 =	sld [smem:$0x3FFC];
	_ =	sdelay $0x3  }
0x94: {  	_ =	strace s3  }
0x95: {  	s3 =	sld [smem:$0x3FFD];
	_ =	sdelay $0x3  }
0x96: {  	_ =	strace s3  }
0x97: {  	_ =	strace $0x8FFFFFFF  }
0x98: {  	s19 =	sld [smem:$0x3FDB];
	_ =	sdelay $0x1  }
0x99: {  	s4 =	simm.s32 $_scs_section_size  }
0x9a: {  	s5 =	simm.s32 $_size__tile_overlayer_lowered;
	s6 =	simm.s32 $_tile_overlayer_lowered  }
0x9b: {  	s22 =	simm.s32 $0x1BFF;
	s21 =	sshll.u32 s6, $0x1;
	s3 =	sadd.s32 s4, s19  }
0x9c: {  	s7 =	simm.s32 $0x0;
	s20 =	sshll.u32 s5, $0x1;
	s5 =	sadd.s32 s21, s3  }
0x9d: {  	[timem:s7], [sflag:s22] =	dma.local [hbm:s5], s20  }
0x9e: {  	_ =	swait.ge [sflag:s22], s20  }
0x9f: {  	s4 =	ssub.s32 $0x0, s20;
	[sflag:s22] =	ssyncset.done $0x0  }
0xa0: {  	[sflag:s22] =	ssyncadd.s32 s4;
	_ =	sdelay $0x1  }
0xa1: {  	s23 =	simm.s32 $0x1B8B  }
0xa2: {  	_ =	swait.ge [sflag:s23], $0x1  }
0xa3: {  	[sflag:s23] =	ssyncset.done $0x0  }
0xa4: {  	s25 =	simm.s32 $0x1B8E;
	s24 =	sld [smem:$0x3FFE];
	[sflag:s23] =	ssyncadd.s32 $0xFFFFFFFF  }
0xa5: {  	s26 =	simm.s32 $execute0_lowered;
	[smem:$0x3FD2] =	sst s25  }
0xa6: {  	s5 =	sshll.u32 s26, $0x1;
	_ =	strace $0x80000046;
	[dreg:$0x1] =	wrdreg $0xFFFFFFFF  }
0xa7: {  	s28 =	simm.s32 $_size_execute0_lowered;
	s3 =	sadd.s32 s3, s5;
	[dreg:$0x0] =	wrdreg $0x0  }
0xa8: {  	s5 =	sshll.u32 s28, $0x1;
	[dreg:$0x2] =	wrdreg s3  }
0xa9: {  	[dreg:$0x3] =	wrdreg s5  }
0xaa: {  	[dreg:$0x4] =	wrdreg $0xC0  }
0xab: {  	_ =	task [dreg:s7], $0x5FFFF  }
0xac: {  	[dreg:$0x1] =	wrdreg $0xFFFFFFFF  }
0xad: {  	[dreg:$0x0] =	wrdreg $0x60  }
0xae: {  	[dreg:$0x2] =	wrdreg s2  }
0xaf: {  	[dreg:$0x3] =	wrdreg s24  }
0xb0: {  	[dreg:$0x4] =	wrdreg $0x9  }
0xb1: {  	_ =	task.clear_ibuf [dreg:s7], $0x5FFFF;
	_ =	strace $0x90000046  }
0xb2: {  	s29 =	simm.s32 $0x9;
	_ =	strace $0x80000048  }
0xb3: {  	_ =	swait.ge [sflag:s29], $0x1  }
0xb4: {  	[sflag:s29] =	ssyncadd.s32 $0xFFFFFFFF  }
0xb5: {  	_ =	strace $0x90000048  }
0xb6: {  	_ =	sfence  }
0xb7: {  	s30 =	sld [smem:$0x0];
	_ =	sdelay $0x2  }
0xb8: {  	s31 =	sshll.u32 s1, $0xD;
	s1 =	sshrl.u32 s1, $0x2  }
0xb9: {  	s3 =	sand.u32 $0x4000, s31;
	s1 =	sadd.s32 s1, s30  }
0xba: {  	s0 =	sor.u32 s3, s0;
	s1 =	sshll.u32 s1, $0x11  }
0xbb: {  	s0 =	sor.u32 s1, s0  }
0xbc: {  	s0 =	sadd.s32 $0x8F2B, s0  }
0xbd: {  	[sflag:s0] =	ssyncadd.remote.s32 $0x1  }
0xbe: {  	_ =	sfence.sel $0xFFFF  }
0xbf: {  	[dreg:$0x0] =	wrdreg $0xFFFFFFFF;
	(pc) =	sbr.abs _section_cstart, $3  }
0xc0: {  	[dreg:$0x1] =	wrdreg $0xFFFFFFFF  }
0xc1: {  	_ =	task.clear_ibuf [dreg:s7], $0x2FFFF;
	_ =	strace $0x9FFFFFFF  }
0xc2: {  	(tm) =	ssettm $0x7FFFFFFF  }
0xc3: {  	_ =	shalt  }
tec
execute0_lowered:
.L_overlay_start_1:
0x0: {  	(tag) =	ssettag $0x1  }
0x1: {  	s6 =	rddreg [dreg:$0x0]  }
0x2: {  	s3 =	rddreg [dreg:$0x1]  }
0x3: {  	s0 =	rddreg [dreg:$0x2]  }
0x4: {  	s1 =	stileid.u32;
	s4 =	srdreg.scid  }
0x5: {  	s2 =	simm.s32 $0x0;
	s10 =	simm.s32 $0x100;
	s11 =	simm.s32 $0x1  }
0x6: {  	s12 =	simm.s32 $0x180;
	s13 =	simm.s32 $0x200;
	s14 =	simm.s32 $0x0  }
0x7: {  	s7 =	smul.u32 $0x9E0, s1;
	s4 =	sand.u32 $0x1, s4;
	[smem:$0x7FF] =	sst s2  }
0x8: {  	s5 =	ssub.s32 $0x2, s4;
	s8 =	smul.u32 $0x4F0, s4;
	_ =	strace $0x80000047  }
0x9: {  	s30 =	sadd.s32 s7, s3;
	s9 =	sshrl.u32 s5, $0x1;
	s3 =	sadd.s32 $0xA400, s3  }
0xa: {  	s7 =	sadd.s32 s7, s6;
	s5 =	ssub.s32 s5, s9;
	s31 =	sadd.s32 s8, s30  }
0xb: {  	s7 =	sadd.s32 s8, s7;
	s8 =	simm.s32 $0x2;
	s9 =	simm.s32 $0x80  }
0xc: {  	s4 =	smax.u32 s5, $0x1;
	s5 =	sadd.s32 $0xAA00, s31;
	s6 =	sadd.s32 $0x600, s31  }
.LBB2_1:
0xd: {  	s15 =	sadd.s32 $0x0, s7  }
0xe: {  	[tilespmem:s2], [sflag:$0x2] =	stream.linear.gather [hbm4b:s15+s2], $0x80, $0x38;
	[tilespmem:$0x280] =	vst v63  }
0xf: {  	_ =	swait.ge [sflag:s8], $0x80  }
0x10: {  	[sflag:s8] =	ssyncset.done $0x0  }
0x11: {  	s31 =	sadd.s32 $0x0, s6;
	[sflag:s8] =	ssyncadd.s32 $0xFFFFFF80  }
0x12: {  	[tilespmem:s9], [sflag:$0x2] =	stream.linear.gather [hbm4b:s31+s2], $0x80, $0x38;
	[tilespmem:$0x280] =	vst v63  }
0x13: {  	_ =	swait.ge [sflag:s8], $0x80  }
0x14: {  	[sflag:s8] =	ssyncset.done $0x0  }
0x15: {  	[sflag:s8] =	ssyncadd.s32 $0xFFFFFF80  }
0x16: {  	[tilespmem:s10], [sflag:$0x1] =	stream.indirect.gather [hbm4b:s3+s9], $0x1, s2, s9, $0xb8;
	[tilespmem:$0x280] =	vst v63  }
0x17: {  	_ =	swait.ge [sflag:s11], $0x80  }
0x18: {  	[sflag:s11] =	ssyncset.done $0x0  }
0x19: {  	[sflag:s11] =	ssyncadd.s32 $0xFFFFFF80  }
0x1a: {  	[tilespmem:s12], [sflag:$0x1] =	stream.indirect.gather [hbm4b:s3+s9], $0x1, s9, s9, $0xb8;
	[tilespmem:$0x280] =	vst v63  }
0x1b: {  	_ =	swait.ge [sflag:s11], $0x80  }
0x1c: {  	[sflag:s11] =	ssyncset.done $0x0  }
0x1d: {  	[sflag:s11] =	ssyncadd.s32 $0xFFFFFF80  }
0x1e: {  	v0 =	vld [tilespmem:$0x1F0]  }
0x1f: {  	v1 =	vld [tilespmem:$0x1D0]  }
0x20: {  	v3 =	vld [tilespmem:$0x150]  }
0x21: {  	s16 =	simm.s32 $0x10;
	s15 =	simm.s32 $0x0;
	v2 =	vld [tilespmem:$0x1A0]  }
.LBB2_2:
0x22: {  	p0 =	sne.s32 s16, $0x4E0;
	v4 =	vld [tilespmem:$0x1B0];
	s17 =	smov.u32 s16;
	s16 =	sadd.s32 $0x10, s16  }
0x23: {  	v5 =	vld [tilespmem:$0x120]  }
0x24: {  	v6 =	vld [tilespmem:$0x140]  }
0x25: {  	v7 =	vld [tilespmem:$0x1E0]  }
0x26: {  	v8 =	vld [tilespmem:$0x100]  }
0x27: {  	v1 =	vadd.f32 v1, v3;
	v9 =	vld [tilespmem:$0x1C0]  }
0x28: {  	v3 =	vld [tilespmem:$0x130]  }
0x29: {  	v2 =	vadd.f32 v2, v5;
	v5 =	vmul.f32 $2.000000030e-01, v1;
	v10 =	vld [tilespmem:$0x180]  }
0x2a: {  	v11 =	vld [tilespmem:$0x170]  }
0x2b: {  	v1 =	vmax.f32 v1, v5;
	v5 =	vld [tilespmem:$0x160]  }
0x2c: {  	v13 =	vmul.f32 $2.000000030e-01, v2;
	v12 =	vld [tilespmem:$0x190];
	v6 =	vadd.f32 v9, v6  }
0x2d: {  	v9 =	vld [tilespmem:$0x110];
	v3 =	vadd.f32 v4, v3;
	[tilespmem:$0x250] =	vst v1  }
0x2e: {  	v1 =	vmax.f32 v2, v13;
	v2 =	vmul.f32 $2.000000030e-01, v6  }
0x2f: {  	v4 =	vadd.f32 v10, v8;
	[tilespmem:$0x220] =	vst v1;
	v1 =	vmul.f32 $2.000000030e-01, v3;
	v0 =	vadd.f32 v0, v11  }
0x30: {  	v2 =	vmax.f32 v6, v2;
	v5 =	vadd.f32 v7, v5  }
0x31: {  	v6 =	vmul.f32 $2.000000030e-01, v4;
	v1 =	vmax.f32 v3, v1;
	[tilespmem:$0x240] =	vst v2;
	v2 =	vmul.f32 $2.000000030e-01, v0  }
0x32: {  	v3 =	vadd.f32 v12, v9;
	[tilespmem:$0x230] =	vst v1;
	v1 =	vmul.f32 $2.000000030e-01, v5  }
0x33: {  	v4 =	vmax.f32 v4, v6;
	v0 =	vmax.f32 v0, v2  }
0x34: {  	[tilespmem:$0x200] =	vst v4;
	v2 =	vmul.f32 $2.000000030e-01, v3;
	v1 =	vmax.f32 v5, v1  }
0x35: {  	[tilespmem:$0x270] =	vst v0  }
0x36: {  	v0 =	vmax.f32 v3, v2;
	[tilespmem:$0x260] =	vst v1  }
0x37: {  	s18 =	sadd.s32 s15, s5;
	s15 =	smov.u32 s17;
	[tilespmem:$0x210] =	vst v0  }
0x38: {  	[hbm4b:s18+s2] =	stream.linear.scatter [tilespmem:s13], [sflag:$0x2], $0x80, $0x38;
	[tilespmem:$0x280] =	vst v63  }
0x39: {  	_ =	swait.ge [sflag:s8], $0x80  }
0x3a: {  	[sflag:s8] =	ssyncset.done $0x0  }
0x3b: {  	s17 =	sadd.s32 s15, s7;
	[sflag:s8] =	ssyncadd.s32 $0xFFFFFF80  }
0x3c: {  	[tilespmem:s2], [sflag:$0x2] =	stream.linear.gather [hbm4b:s17+s2], $0x80, $0x38;
	[tilespmem:$0x280] =	vst v63  }
0x3d: {  	_ =	swait.ge [sflag:s8], $0x80  }
0x3e: {  	[sflag:s8] =	ssyncset.done $0x0  }
0x3f: {  	s17 =	sadd.s32 s15, s6;
	[sflag:s8] =	ssyncadd.s32 $0xFFFFFF80  }
0x40: {  	[tilespmem:s9], [sflag:$0x2] =	stream.linear.gather [hbm4b:s17+s2], $0x80, $0x38;
	[tilespmem:$0x280] =	vst v63  }
0x41: {  	_ =	swait.ge [sflag:s8], $0x80  }
0x42: {  	[sflag:s8] =	ssyncset.done $0x0  }
0x43: {  	[sflag:s8] =	ssyncadd.s32 $0xFFFFFF80  }
0x44: {  	[tilespmem:s10], [sflag:$0x1] =	stream.indirect.gather [hbm4b:s3+s9], $0x1, s2, s9, $0xb8;
	[tilespmem:$0x280] =	vst v63  }
0x45: {  	_ =	swait.ge [sflag:s11], $0x80  }
0x46: {  	[sflag:s11] =	ssyncset.done $0x0  }
0x47: {  	[sflag:s11] =	ssyncadd.s32 $0xFFFFFF80  }
0x48: {  	[tilespmem:s12], [sflag:$0x1] =	stream.indirect.gather [hbm4b:s3+s9], $0x1, s9, s9, $0xb8;
	[tilespmem:$0x280] =	vst v63  }
0x49: {  	_ =	swait.ge [sflag:s11], $0x80  }
0x4a: {  	[sflag:s11] =	ssyncset.done $0x0  }
.Ltmp0:
0x4b: {  	[sflag:s11] =	ssyncadd.s32 $0xFFFFFF80;
	(pc) =	sbr.rel @p0 .LBB2_2-.Ltmp0, $4  }
0x4c: {  	v0 =	vld [tilespmem:$0x1F0]  }
0x4d: {  	v1 =	vld [tilespmem:$0x1D0]  }
0x4e: {  	v3 =	vld [tilespmem:$0x150]  }
0x4f: {  	v2 =	vld [tilespmem:$0x1A0]  }
0x50: {  	v4 =	vld [tilespmem:$0x1B0]  }
0x51: {  	v5 =	vld [tilespmem:$0x120]  }
0x52: {  	v6 =	vld [tilespmem:$0x140]  }
0x53: {  	v7 =	vld [tilespmem:$0x1E0]  }
0x54: {  	v8 =	vld [tilespmem:$0x100]  }
0x55: {  	v9 =	vld [tilespmem:$0x1C0]  }
0x56: {  	v10 =	vld [tilespmem:$0x130]  }
0x57: {  	v11 =	vld [tilespmem:$0x180]  }
0x58: {  	v12 =	vld [tilespmem:$0x170]  }
0x59: {  	v50 =	vld [tilespmem:$0x190];
	v1 =	vadd.f32 v1, v3  }
0x5a: {  	v51 =	vld [tilespmem:$0x110];
	v2 =	vadd.f32 v2, v5  }
0x5b: {  	v49 =	vld [tilespmem:$0x160];
	v13 =	vmul.f32 $2.000000030e-01, v1;
	v6 =	vadd.f32 v9, v6  }
0x5c: {  	v4 =	vadd.f32 v4, v10;
	v52 =	vmul.f32 $2.000000030e-01, v2  }
0x5d: {  	v8 =	vadd.f32 v11, v8;
	v1 =	vmax.f32 v1, v13;
	v53 =	vmul.f32 $2.000000030e-01, v6  }
0x5e: {  	v0 =	vadd.f32 v0, v12;
	v55 =	vmul.f32 $2.000000030e-01, v4;
	[tilespmem:$0x250] =	vst v1;
	v54 =	vmax.f32 v2, v52  }
0x5f: {  	v59 =	vadd.f32 v50, v51;
	v57 =	vmul.f32 $2.000000030e-01, v8;
	v56 =	vmax.f32 v6, v53;
	[tilespmem:$0x220] =	vst v54  }
0x60: {  	v3 =	vadd.f32 v7, v49;
	v58 =	vmul.f32 $2.000000030e-01, v0;
	v2 =	vmax.f32 v4, v55;
	[tilespmem:$0x240] =	vst v56  }
0x61: {  	v62 =	vmul.f32 $2.000000030e-01, v59;
	v61 =	vmax.f32 v8, v57;
	[tilespmem:$0x230] =	vst v2  }
0x62: {  	v60 =	vmul.f32 $2.000000030e-01, v3;
	v0 =	vmax.f32 v0, v58;
	[tilespmem:$0x200] =	vst v61  }
0x63: {  	s14 =	sadd.s32 $0x1, s14;
	v63 =	vmax.f32 v59, v62;
	[tilespmem:$0x270] =	vst v0  }
0x64: {  	p0 =	sne.s32 s14, s4;
	v2 =	vmax.f32 v3, v60;
	[tilespmem:$0x210] =	vst v63  }
.Ltmp1:
0x65: {  	s15 =	sadd.s32 s15, s5;
	[tilespmem:$0x260] =	vst v2;
	(pc) =	sbr.rel @p0 .LBB2_1-.Ltmp1, $4  }
0x66: {  	[hbm4b:s15+s2] =	stream.linear.scatter [tilespmem:s13], [sflag:$0x2], $0x80, $0x38;
	[tilespmem:$0x280] =	vst v63  }
0x67: {  	_ =	swait.ge [sflag:s8], $0x80  }
0x68: {  	[sflag:s8] =	ssyncset.done $0x0  }
0x69: {  	[sflag:s8] =	ssyncadd.s32 $0xFFFFFF80  }
0x6a: {  	_ =	sfence.sel $0x180000  }
0x6b: {  	[bflag:$0x0] =	sbarrier.arrive $0xFFFF  }
0x6c: {  	p0 =	sne.s32 s1, $0x0;
	_ =	strace $0x90000047  }
0x6d: {  	s0 =	sadd.s32 @!p0 $0x100000, s0;
	[bflag:$0x2] =	sbarrier.arrive $0xFFFF  }
0x6e: {  	[sflag:s0] =	ssyncadd.tile.s32 @!p0 $0x1;
	_ =	shalt  }
.Lfunc_end2:
_tile_overlayer_lowered:
.L_overlay_start_2:
0x6f: {  	(tag) =	ssettag $0x2  }
0x70: {  	s0 =	rddreg [dreg:$0x0];
	s2 =	stileid.u32  }
0x71: {  	s1 =	rddreg [dreg:$0x1];
	p0 =	sne.s32 s2, $0x0  }
0x72: {  	s3 =	rddreg [dreg:$0x2];
	[bflag:$0x3] =	sbarrier.arrive $0xFFFF;
	s2 =	simm.s32 @!p0 $0x1C02  }
0x73: {  	[timem:s3], [sflag:s2] =	dma.local @!p0 [hbm:s0], s1  }
0x74: {  	s0 =	simm.s32 @!p0 $0x2  }
0x75: {  	_ =	swait.ge @!p0 [sflag:s0], s1  }
0x76: {  	s1 =	ssub.s32 @!p0 $0x0, s1;
	[sflag:s0] =	ssyncset.done @!p0 $0x0  }
0x77: {  	[sflag:s0] =	ssyncadd.s32 @!p0 s1  }
0x78: {  	[bflag:$0x3] =	sbarrier.arrive $0xFFFF  }
0x79: {  	_ =	shalt  }

</sc_bundles>
